<compile_context>
chip_gen: v7x
topology: tpu7x:2x2x1
jax: 0.10.2.dev20260603
libtpu: 0.0.44.dev20260713+nightly
codegen_flags: <defaults>
</compile_context>

<pallas_src>
import functools

import jax
import jax.numpy as jnp
from jax import lax
from jax.experimental import pallas as pl
from jax.experimental.pallas import tpu as pltpu
from jax.experimental.pallas import tpu_sc as plsc

N_NODES = 10000
N_EDGES = 320000
D = 128

NC = 2
NS = 16
NW = NC * NS
EPW = N_EDGES // NW
CH = 104
NFULL = 96
REM = EPW - NFULL * CH
RPT = 624
RTAIL = N_NODES - NS * RPT
BT = 2000
LANES = 16
NRB = 3
NIB = 6
assert NFULL % NIB == 0 and NIB % NRB == 0

_SC_PARAMS = pltpu.CompilerParams(needs_layout_passes=False)


DZ = 640
DN = NS * DZ


@functools.cache
def _mk_sc_agg(with_deg: bool):
    mesh = plsc.VectorSubcoreMesh(core_axis_name="c", subcore_axis_name="s")
    out_type = [jax.ShapeDtypeStruct((NC, N_NODES, D), jnp.float32)]
    scratch = [
        pltpu.VMEM((NRB, CH, D), jnp.float32),
        pltpu.VMEM((NIB, CH), jnp.int32),
        pltpu.VMEM((NIB, CH), jnp.int32),
        pltpu.VMEM((1, REM), jnp.int32),
        pltpu.VMEM((1, REM), jnp.int32),
        pltpu.VMEM_SHARED((N_NODES, D), jnp.float32),
    ]
    nsem = 2 * NRB + 2 * NIB
    if with_deg:
        out_type.append(jax.ShapeDtypeStruct((NC, 1, DN), jnp.float32))
        scratch += [
            pltpu.VMEM((112,), jnp.float32),
            pltpu.VMEM((DZ,), jnp.float32),
            pltpu.VMEM_SHARED((DN,), jnp.float32),
        ]
        nsem += NRB
    scratch += [pltpu.SemaphoreType.DMA] * nsem

    def body(p_hbm, src_hbm, dst_hbm, *rest):
        if with_deg:
            (s_out, deg_out, rows_v, srci_v, dsti_v, dstr_v, srcr_v, acc_sh,
             ones_v, zdeg_v, deg_sh, *sems) = rest
        else:
            (s_out, rows_v, srci_v, dsti_v, dstr_v, srcr_v, acc_sh,
             *sems) = rest
            deg_out = ones_v = zdeg_v = deg_sh = None
        gsem = sems[:NRB]
        ssem = sems[NRB:2 * NRB]
        isem = sems[2 * NRB:2 * NRB + NIB]
        dsem = sems[2 * NRB + NIB:2 * NRB + 2 * NIB]
        osem = sems[2 * NRB + 2 * NIB:]

        c = lax.axis_index("c")
        s = lax.axis_index("s")
        wid = s * NC + c
        base = wid * EPW

        pltpu.sync_copy(dst_hbm.at[pl.ds(base + NFULL * CH, REM)], dstr_v.at[0])
        pltpu.sync_copy(src_hbm.at[pl.ds(base + NFULL * CH, REM)], srcr_v.at[0])

        zeros16 = jnp.zeros((LANES,), jnp.float32)

        def zrow(i, _):
            for l in range(D // LANES):
                rows_v[0, i, pl.ds(l * LANES, LANES)] = zeros16
            return 0
        lax.fori_loop(0, CH, zrow, 0)

        row0 = s * RPT
        for k in range(RPT // CH):
            pltpu.sync_copy(rows_v.at[0], acc_sh.at[pl.ds(row0 + k * CH, CH)])
        if RPT % CH:
            pltpu.sync_copy(rows_v.at[0, pl.ds(0, RPT % CH)],
                            acc_sh.at[pl.ds(row0 + RPT - RPT % CH, RPT % CH)])

        @pl.when(s == NS - 1)
        def _():
            pltpu.sync_copy(rows_v.at[0, pl.ds(0, RTAIL)],
                            acc_sh.at[pl.ds(NS * RPT, RTAIL)])

        if with_deg:
            ones16 = jnp.ones((LANES,), jnp.float32)
            for k in range(112 // LANES):
                ones_v[pl.ds(k * LANES, LANES)] = ones16
            for k in range(DZ // LANES):
                zdeg_v[pl.ds(k * LANES, LANES)] = zeros16

            pltpu.sync_copy(zdeg_v, deg_sh.at[pl.ds(s * DZ, DZ)])
        plsc.subcore_barrier()

        for u in range(NIB - 1):
            pltpu.async_copy(src_hbm.at[pl.ds(base + u * CH, CH)],
                             srci_v.at[u], isem[u])
        for u in range(NIB):
            pltpu.async_copy(dst_hbm.at[pl.ds(base + u * CH, CH)],
                             dsti_v.at[u], dsem[u])

        def _wait_scat(b):
            pltpu.make_async_copy(rows_v.at[b], acc_sh.at[dsti_v.at[0]],
                                  ssem[b]).wait()
            if with_deg:
                pltpu.make_async_copy(ones_v.at[pl.ds(0, CH)],
                                      deg_sh.at[dsti_v.at[0]],
                                      osem[b]).wait()

        def _wait_gath(b):
            pltpu.make_async_copy(p_hbm.at[srci_v.at[0]], rows_v.at[b],
                                  gsem[b]).wait()

        def _wait_idx(u):
            pltpu.make_async_copy(src_hbm.at[pl.ds(base, CH)], srci_v.at[u],
                                  isem[u]).wait()

        def _wait_didx(u):
            pltpu.make_async_copy(dst_hbm.at[pl.ds(base, CH)], dsti_v.at[u],
                                  dsem[u]).wait()

        def step(t, u):
            j = t * NIB + u
            rb = u % NRB
            fd = (u + NRB) % NIB

            def scat_done():
                _wait_scat(rb)

                @pl.when(j + NRB < NFULL)
                def _():
                    doff = pl.multiple_of((j + NRB) * CH, 8)
                    pltpu.async_copy(dst_hbm.at[pl.ds(base + doff, CH)],
                                     dsti_v.at[fd], dsem[fd])
            if u >= NRB:
                scat_done()
            else:
                @pl.when(t > 0)
                def _():
                    scat_done()
            _wait_idx(u)
            pltpu.async_copy(p_hbm.at[srci_v.at[u]], rows_v.at[rb], gsem[rb])
            pb = (u + NRB - 1) % NRB
            pu = (u + NIB - 1) % NIB

            def fire_scat():
                _wait_gath(pb)
                _wait_didx(pu)
                pltpu.async_copy(rows_v.at[pb], acc_sh.at[dsti_v.at[pu]],
                                 ssem[pb], add=True)
                if with_deg:
                    pltpu.async_copy(ones_v.at[pl.ds(0, CH)],
                                     deg_sh.at[dsti_v.at[pu]],
                                     osem[pb], add=True)
            if u >= 1:
                fire_scat()
            else:
                @pl.when(t > 0)
                def _():
                    fire_scat()
            @pl.when(j + NIB - 1 < NFULL)
            def _():
                off = pl.multiple_of((j + NIB - 1) * CH, 8)
                pltpu.async_copy(src_hbm.at[pl.ds(base + off, CH)],
                                 srci_v.at[pu], isem[pu])

        def group(t, _):
            for u in range(NIB):
                step(t, u)
            return 0
        lax.fori_loop(0, NFULL // NIB, group, 0)

        lastb = (NFULL - 1) % NRB
        lastu = (NFULL - 1) % NIB
        _wait_gath(lastb)
        _wait_didx(lastu)
        pltpu.async_copy(rows_v.at[lastb], acc_sh.at[dsti_v.at[lastu]],
                         ssem[lastb], add=True)
        if with_deg:
            pltpu.async_copy(ones_v.at[pl.ds(0, CH)],
                             deg_sh.at[dsti_v.at[lastu]], osem[lastb],
                             add=True)
        for b in range(NRB):
            _wait_scat(b)

        pltpu.async_copy(p_hbm.at[srcr_v.at[0]],
                         rows_v.at[0, pl.ds(0, REM)], gsem[0])
        pltpu.make_async_copy(p_hbm.at[srcr_v.at[0]],
                              rows_v.at[0, pl.ds(0, REM)], gsem[0]).wait()
        pltpu.sync_copy(rows_v.at[0, pl.ds(0, REM)],
                        acc_sh.at[dstr_v.at[0]], add=True)
        if with_deg:
            pltpu.sync_copy(ones_v.at[pl.ds(0, REM)],
                            deg_sh.at[dstr_v.at[0]], add=True)

        plsc.subcore_barrier()
        pltpu.sync_copy(acc_sh.at[pl.ds(row0, RPT)],
                        s_out.at[c, pl.ds(row0, RPT)])

        @pl.when(s == NS - 1)
        def _():
            pltpu.sync_copy(acc_sh.at[pl.ds(NS * RPT, RTAIL)],
                            s_out.at[c, pl.ds(NS * RPT, RTAIL)])

        if with_deg:
            pltpu.sync_copy(deg_sh.at[pl.ds(s * DZ, DZ)],
                            deg_out.at[c, 0, pl.ds(s * DZ, DZ)])

    return pl.kernel(body, mesh=mesh, out_type=out_type,
                     scratch_types=scratch, compiler_params=_SC_PARAMS)


@functools.cache
def _mk_sc_deg():
    mesh = plsc.VectorSubcoreMesh(core_axis_name="c", subcore_axis_name="s")
    out_type = jax.ShapeDtypeStruct((NW, 1, N_NODES), jnp.float32)
    scratch = [
        pltpu.VMEM((EPW,), jnp.int32),
        pltpu.VMEM((N_NODES,), jnp.float32),
    ]

    def body(dst_hbm, deg_out, dstf_v, deg_v):
        c = lax.axis_index("c")
        s = lax.axis_index("s")
        wid = s * NC + c
        pltpu.sync_copy(dst_hbm.at[pl.ds(wid * EPW, EPW)], dstf_v)

        zeros16 = jnp.zeros((LANES,), jnp.float32)

        def zdeg(i, _):
            deg_v[pl.ds(pl.multiple_of(i * LANES, 8), LANES)] = zeros16
            return 0
        lax.fori_loop(0, N_NODES // LANES, zdeg, 0)

        ones16 = jnp.ones((LANES,), jnp.float32)

        def dchunk(i, _):
            idx16 = dstf_v[pl.ds(pl.multiple_of(i * LANES, 8), LANES)]
            plsc.addupdate_scatter(deg_v, [idx16], ones16)
            return 0
        lax.fori_loop(0, EPW // LANES, dchunk, 0)
        pltpu.sync_copy(deg_v, deg_out.at[wid, 0])

    return pl.kernel(body, mesh=mesh, out_type=out_type,
                     scratch_types=scratch, compiler_params=_SC_PARAMS)


_DOT = functools.partial(jnp.dot, preferred_element_type=jnp.float32)


def _tc0_body(ei_ref, src_ref, dst_ref):
    src_ref[...] = ei_ref[0]
    dst_ref[...] = ei_ref[1]


def _tc0(ei):
    return pl.pallas_call(
        _tc0_body,
        out_shape=[jax.ShapeDtypeStruct((N_EDGES,), jnp.int32)] * 2,
    )(ei)


def _tc1_body(x_ref, wt_ref, wb_ref, b_ref, a_ref, p_ref):
    xb = x_ref[...]
    a_ref[...] = _DOT(xb, wt_ref[...]) + b_ref[...]
    p_ref[...] = _DOT(xb, wb_ref[...])


def _tc2_body(a1_ref, s_ref, deg_ref, wt_ref, wb_ref, b_ref, a2_ref, p2_ref):
    ssum = s_ref[0] + s_ref[1]
    deg = jnp.maximum(jnp.sum(deg_ref[...], axis=1, keepdims=True), 1.0)
    h = jnp.maximum(a1_ref[...] + ssum / deg, 0.0)
    a2_ref[...] = _DOT(h, wt_ref[...]) + b_ref[...]
    p2_ref[...] = _DOT(h, wb_ref[...])


def _tc3_body(a2_ref, s_ref, deg_ref, o_ref):
    ssum = s_ref[0] + s_ref[1]
    deg = jnp.maximum(jnp.sum(deg_ref[...], axis=1, keepdims=True), 1.0)
    o_ref[...] = jnp.maximum(a2_ref[...] + ssum / deg, 0.0)


_ROWS = pl.BlockSpec((BT, D), lambda i: (i, 0))
_WMAT = pl.BlockSpec((D, D), lambda i: (0, 0))
_BIAS = pl.BlockSpec((1, D), lambda i: (0, 0))
_SPART = pl.BlockSpec((NC, BT, D), lambda i: (0, i, 0))
_DEGP = pl.BlockSpec((BT, NW), lambda i: (i, 0))
_GRID = (N_NODES // BT,)
_ND = jax.ShapeDtypeStruct((N_NODES, D), jnp.float32)


def _tc1(x, wt, wb, b):
    return pl.pallas_call(
        _tc1_body, grid=_GRID,
        in_specs=[_ROWS, _WMAT, _WMAT, _BIAS],
        out_specs=[_ROWS, _ROWS], out_shape=[_ND, _ND],
    )(x, wt, wb, b)


def _tc2(a1, s_parts, deg_parts, wt, wb, b):
    return pl.pallas_call(
        _tc2_body, grid=_GRID,
        in_specs=[_ROWS, _SPART, _DEGP, _WMAT, _WMAT, _BIAS],
        out_specs=[_ROWS, _ROWS], out_shape=[_ND, _ND],
    )(a1, s_parts, deg_parts, wt, wb, b)


def _tc3(a2, s_parts, deg_parts):
    return pl.pallas_call(
        _tc3_body, grid=_GRID,
        in_specs=[_ROWS, _SPART, _DEGP],
        out_specs=_ROWS, out_shape=_ND,
    )(a2, s_parts, deg_parts)


def kernel(x, edge_index, W1, b1, W2, b2):
    ei = edge_index.astype(jnp.int32)
    b1r = b1.reshape(1, D)
    b2r = b2.reshape(1, D)

    src, dst = _tc0(ei)
    degp = _mk_sc_deg()(dst).reshape(NW, N_NODES).T
    a1, p1 = _tc1(x, W1[:D], W1[D:], b1r)
    (s1,) = _mk_sc_agg(False)(p1, src, dst)
    a2, p2 = _tc2(a1, s1, degp, W2[:D], W2[D:], b2r)
    (s2,) = _mk_sc_agg(False)(p2, src, dst)
    return _tc3(a2, s2, degp)

# --- scband reference (transcript-rebuilt; emitter-appended) ---
"""Pipeline reference for scband-custom-two-layer-gnn-34333968564342 (READ-ONLY COPY).

The authoritative reference and input builder live on the scoring server;
editing this copy changes nothing except your own understanding.
"""

import jax, jax.numpy as jnp
import numpy as np

N_NODES = 10000
N_EDGES = 320000
D_IN = 128
D_HID = 128
D_OUT = 128


def setup_inputs(seed: int = 0) -> dict:
    key = jax.random.key(seed)
    k1, k2, k3, k4, k5, k6 = jax.random.split(key, 6)
    x = jax.random.normal(k1, (N_NODES, D_IN), dtype=jnp.float32)
    edge_index = jax.random.randint(k2, (2, N_EDGES), 0, N_NODES, dtype=jnp.int64)
    # Linear layers: W maps concat([h_dst, h_neigh]) of width 2*in -> out
    W1 = jax.random.normal(k3, (2 * D_IN, D_HID), dtype=jnp.float32) * (1.0 / np.sqrt(2 * D_IN))
    b1 = jax.random.normal(k4, (D_HID,), dtype=jnp.float32) * 0.01
    W2 = jax.random.normal(k5, (2 * D_HID, D_OUT), dtype=jnp.float32) * (1.0 / np.sqrt(2 * D_HID))
    b2 = jax.random.normal(k6, (D_OUT,), dtype=jnp.float32) * 0.01
    return {"x": x, "edge_index": edge_index, "W1": W1, "b1": b1, "W2": W2, "b2": b2}


def _graph_conv(h, src, dst, W, b):
    # message: copy_u -> gather source features
    msgs = jnp.take(h, src, axis=0)
    # reduce: mean over incoming edges per dst node
    agg = jax.ops.segment_sum(msgs, dst, num_segments=N_NODES)
    deg = jax.ops.segment_sum(jnp.ones((msgs.shape[0],), dtype=h.dtype), dst, num_segments=N_NODES)
    h_neigh = agg / jnp.maximum(deg, 1.0)[:, None]
    # self.W(torch.cat([h_dst, h_neigh], 1))
    return jnp.concatenate([h, h_neigh], axis=1) @ W + b


def reference(x, edge_index, W1, b1, W2, b2):
    src = edge_index[0]
    dst = edge_index[1]
    h = jax.nn.relu(_graph_conv(x, src, dst, W1, b1))
    h = jax.nn.relu(_graph_conv(h, src, dst, W2, b2))
    return h

if __name__ == "__main__":
    import jax
    _d = setup_inputs()
    print(jax.jit(kernel)(*tuple(_d.values())))

</pallas_src>

<mosaic_0001>
#map = affine_map<(d0, d1) -> (0, 0)>
#map1 = affine_map<(d0, d1) -> (0)>
#map2 = affine_map<(d0, d1) -> (0, 0, 0)>
module attributes {stable_mosaic.version = 14 : i64} {
  func.func @body(%arg0: i32, %arg1: i32, %arg2: memref<10000x128xf32, #tpu.memory_space<hbm>>, %arg3: memref<320000xi32, #tpu.memory_space<hbm>>, %arg4: memref<320000xi32, #tpu.memory_space<hbm>>, %arg5: memref<2x10000x128xf32, #tpu.memory_space<hbm>>, %arg6: memref<3x104x128xf32, #tpu.memory_space<vmem>>, %arg7: memref<6x104xi32, #tpu.memory_space<vmem>>, %arg8: memref<6x104xi32, #tpu.memory_space<vmem>>, %arg9: memref<1x16xi32, #tpu.memory_space<vmem>>, %arg10: memref<1x16xi32, #tpu.memory_space<vmem>>, %arg11: memref<10000x128xf32, #tpu.memory_space<vmem_shared>>, %arg12: memref<!tpu.dma_semaphore, #tpu.memory_space<semaphore_mem>>, %arg13: memref<!tpu.dma_semaphore, #tpu.memory_space<semaphore_mem>>, %arg14: memref<!tpu.dma_semaphore, #tpu.memory_space<semaphore_mem>>, %arg15: memref<!tpu.dma_semaphore, #tpu.memory_space<semaphore_mem>>, %arg16: memref<!tpu.dma_semaphore, #tpu.memory_space<semaphore_mem>>, %arg17: memref<!tpu.dma_semaphore, #tpu.memory_space<semaphore_mem>>, %arg18: memref<!tpu.dma_semaphore, #tpu.memory_space<semaphore_mem>>, %arg19: memref<!tpu.dma_semaphore, #tpu.memory_space<semaphore_mem>>, %arg20: memref<!tpu.dma_semaphore, #tpu.memory_space<semaphore_mem>>, %arg21: memref<!tpu.dma_semaphore, #tpu.memory_space<semaphore_mem>>, %arg22: memref<!tpu.dma_semaphore, #tpu.memory_space<semaphore_mem>>, %arg23: memref<!tpu.dma_semaphore, #tpu.memory_space<semaphore_mem>>, %arg24: memref<!tpu.dma_semaphore, #tpu.memory_space<semaphore_mem>>, %arg25: memref<!tpu.dma_semaphore, #tpu.memory_space<semaphore_mem>>, %arg26: memref<!tpu.dma_semaphore, #tpu.memory_space<semaphore_mem>>, %arg27: memref<!tpu.dma_semaphore, #tpu.memory_space<semaphore_mem>>, %arg28: memref<!tpu.dma_semaphore, #tpu.memory_space<semaphore_mem>>, %arg29: memref<!tpu.dma_semaphore, #tpu.memory_space<semaphore_mem>>) attributes {dimension_semantics = [#tpu.dimension_semantics<core_parallel>, #tpu.dimension_semantics<subcore_parallel>], iteration_bounds = array<i64: 2, 16>, scalar_prefetch = 0 : i64, scratch_operands = 24 : i64, tpu.core_type = #tpu.core_type<sc_vector_subcore>, window_params = [{transform_indices = #map}, {transform_indices = #map1}, {transform_indices = #map1}, {transform_indices = #map2}]} {
    %mul3A = arith.constant 2 : i32
    %mul3A_0 = arith.muli %arg1, %mul3A : i32
    %add3A = arith.addi %mul3A_0, %arg0 : i32
    %mul3A_1 = arith.constant 10000 : i32
    %mul3A_2 = arith.muli %add3A, %mul3A_1 : i32
    %add3A_3 = arith.constant 9984 : i32
    %add3A_4 = arith.addi %mul3A_2, %add3A_3 : i32
    %run_scoped3A = arith.constant 0 : i32
    "tpu.region"() ({
      %run_scoped3A_264 = tpu.sem_alloc : memref<!tpu.dma_semaphore, #tpu.memory_space<semaphore_mem>>
      %dma_start3A_265 = arith.constant 0 : i32
      %dma_start3A_266 = tpu.memref_slice %arg9[%run_scoped3A, %dma_start3A_265] : memref<1x16xi32, #tpu.memory_space<vmem>> -> memref<1x16xi32, #tpu.memory_space<vmem>>
      %dma_start3A_267 = tpu.memref_squeeze %dma_start3A_266 : memref<1x16xi32, #tpu.memory_space<vmem>> -> memref<16xi32, #tpu.memory_space<vmem>>
      %dma_start3A_268 = tpu.memref_slice %arg4[%add3A_4] : memref<320000xi32, #tpu.memory_space<hbm>> -> memref<16xi32, #tpu.memory_space<hbm>>
      %dma_start3A_269 = arith.constant 0 : i32
      %dma_start3A_270 = tpu.memref_slice %arg9[%run_scoped3A, %dma_start3A_269] : memref<1x16xi32, #tpu.memory_space<vmem>> -> memref<1x16xi32, #tpu.memory_space<vmem>>
      %dma_start3A_271 = tpu.memref_squeeze %dma_start3A_270 : memref<1x16xi32, #tpu.memory_space<vmem>> -> memref<16xi32, #tpu.memory_space<vmem>>
      %dma_start3A_272 = tpu.memref_slice %arg4[%add3A_4] : memref<320000xi32, #tpu.memory_space<hbm>> -> memref<16xi32, #tpu.memory_space<hbm>>
      tpu.enqueue_dma source(%dma_start3A_272 : memref<16xi32, #tpu.memory_space<hbm>>) target(%dma_start3A_271 : memref<16xi32, #tpu.memory_space<vmem>>) target_semaphore(%run_scoped3A_264 : memref<!tpu.dma_semaphore, #tpu.memory_space<semaphore_mem>>)
      %dma_wait3A_273 = arith.constant 0 : i32
      %dma_wait3A_274 = tpu.memref_slice %arg9[%run_scoped3A, %dma_wait3A_273] : memref<1x16xi32, #tpu.memory_space<vmem>> -> memref<1x16xi32, #tpu.memory_space<vmem>>
      %dma_wait3A_275 = tpu.memref_squeeze %dma_wait3A_274 : memref<1x16xi32, #tpu.memory_space<vmem>> -> memref<16xi32, #tpu.memory_space<vmem>>
      %dma_wait3A_276 = tpu.memref_slice %arg4[%add3A_4] : memref<320000xi32, #tpu.memory_space<hbm>> -> memref<16xi32, #tpu.memory_space<hbm>>
      %dma_wait3A_277 = arith.constant 0 : i32
      %dma_wait3A_278 = tpu.memref_slice %arg9[%run_scoped3A, %dma_wait3A_277] : memref<1x16xi32, #tpu.memory_space<vmem>> -> memref<1x16xi32, #tpu.memory_space<vmem>>
      %dma_wait3A_279 = tpu.memref_squeeze %dma_wait3A_278 : memref<1x16xi32, #tpu.memory_space<vmem>> -> memref<16xi32, #tpu.memory_space<vmem>>
      %dma_wait3A_280 = tpu.memref_slice %arg4[%add3A_4] : memref<320000xi32, #tpu.memory_space<hbm>> -> memref<16xi32, #tpu.memory_space<hbm>>
      tpu.wait_dma2 semaphore(%run_scoped3A_264 : memref<!tpu.dma_semaphore, #tpu.memory_space<semaphore_mem>>) src(%dma_wait3A_280 : memref<16xi32, #tpu.memory_space<hbm>>) dst(%dma_wait3A_279 : memref<16xi32, #tpu.memory_space<vmem>>)
      tpu.yield
    }) : () -> ()
    %add3A_5 = arith.constant 9984 : i32
    %add3A_6 = arith.addi %mul3A_2, %add3A_5 : i32
    %run_scoped3A_7 = arith.constant 0 : i32
    "tpu.region"() ({
      %run_scoped3A_264 = tpu.sem_alloc : memref<!tpu.dma_semaphore, #tpu.memory_space<semaphore_mem>>
      %dma_start3A_265 = arith.constant 0 : i32
      %dma_start3A_266 = tpu.memref_slice %arg10[%run_scoped3A_7, %dma_start3A_265] : memref<1x16xi32, #tpu.memory_space<vmem>> -> memref<1x16xi32, #tpu.memory_space<vmem>>
      %dma_start3A_267 = tpu.memref_squeeze %dma_start3A_266 : memref<1x16xi32, #tpu.memory_space<vmem>> -> memref<16xi32, #tpu.memory_space<vmem>>
      %dma_start3A_268 = tpu.memref_slice %arg3[%add3A_6] : memref<320000xi32, #tpu.memory_space<hbm>> -> memref<16xi32, #tpu.memory_space<hbm>>
      %dma_start3A_269 = arith.constant 0 : i32
      %dma_start3A_270 = tpu.memref_slice %arg10[%run_scoped3A_7, %dma_start3A_269] : memref<1x16xi32, #tpu.memory_space<vmem>> -> memref<1x16xi32, #tpu.memory_space<vmem>>
      %dma_start3A_271 = tpu.memref_squeeze %dma_start3A_270 : memref<1x16xi32, #tpu.memory_space<vmem>> -> memref<16xi32, #tpu.memory_space<vmem>>
      %dma_start3A_272 = tpu.memref_slice %arg3[%add3A_6] : memref<320000xi32, #tpu.memory_space<hbm>> -> memref<16xi32, #tpu.memory_space<hbm>>
      tpu.enqueue_dma source(%dma_start3A_272 : memref<16xi32, #tpu.memory_space<hbm>>) target(%dma_start3A_271 : memref<16xi32, #tpu.memory_space<vmem>>) target_semaphore(%run_scoped3A_264 : memref<!tpu.dma_semaphore, #tpu.memory_space<semaphore_mem>>)
      %dma_wait3A_273 = arith.constant 0 : i32
      %dma_wait3A_274 = tpu.memref_slice %arg10[%run_scoped3A_7, %dma_wait3A_273] : memref<1x16xi32, #tpu.memory_space<vmem>> -> memref<1x16xi32, #tpu.memory_space<vmem>>
      %dma_wait3A_275 = tpu.memref_squeeze %dma_wait3A_274 : memref<1x16xi32, #tpu.memory_space<vmem>> -> memref<16xi32, #tpu.memory_space<vmem>>
      %dma_wait3A_276 = tpu.memref_slice %arg3[%add3A_6] : memref<320000xi32, #tpu.memory_space<hbm>> -> memref<16xi32, #tpu.memory_space<hbm>>
      %dma_wait3A_277 = arith.constant 0 : i32
      %dma_wait3A_278 = tpu.memref_slice %arg10[%run_scoped3A_7, %dma_wait3A_277] : memref<1x16xi32, #tpu.memory_space<vmem>> -> memref<1x16xi32, #tpu.memory_space<vmem>>
      %dma_wait3A_279 = tpu.memref_squeeze %dma_wait3A_278 : memref<1x16xi32, #tpu.memory_space<vmem>> -> memref<16xi32, #tpu.memory_space<vmem>>
      %dma_wait3A_280 = tpu.memref_slice %arg3[%add3A_6] : memref<320000xi32, #tpu.memory_space<hbm>> -> memref<16xi32, #tpu.memory_space<hbm>>
      tpu.wait_dma2 semaphore(%run_scoped3A_264 : memref<!tpu.dma_semaphore, #tpu.memory_space<semaphore_mem>>) src(%dma_wait3A_280 : memref<16xi32, #tpu.memory_space<hbm>>) dst(%dma_wait3A_279 : memref<16xi32, #tpu.memory_space<vmem>>)
      tpu.yield
    }) : () -> ()
    %broadcast_in_dim3A = arith.constant 0.000000e+00 : f32
    %broadcast_in_dim3A_8 = vector.broadcast %broadcast_in_dim3A : f32 to vector<16xf32>
    %scan3A = arith.constant 0 : i32
    %scan3A_9 = arith.constant 0 : i32
    %scan3A_10 = arith.constant 104 : i32
    %scan3A_11 = arith.addi %scan3A_9, %scan3A_10 : i32
    %scan3A_12 = arith.constant 1 : i32
    %scan3A_13 = scf.for %scan3A_264 = %scan3A_9 to %scan3A_11 step %scan3A_12 iter_args(%scan3A_265 = %scan3A) -> (i32)  : i32 {
      %swap3A = arith.constant 0 : i32
      %swap3A_266 = arith.index_cast %swap3A : i32 to index
      %swap3A_267 = arith.index_cast %scan3A_264 : i32 to index
      %swap3A_268 = arith.constant 0 : index
      %swap3A_269 = tpu.vector_load %arg6[%swap3A_266, %swap3A_267, %swap3A_268] {strides = array<i32>} : memref<3x104x128xf32, #tpu.memory_space<vmem>>, vector<16xf32>,
      tpu.vector_store %arg6[%swap3A_266, %swap3A_267, %swap3A_268], %broadcast_in_dim3A_8 {strides = array<i32>} : memref<3x104x128xf32, #tpu.memory_space<vmem>>, vector<16xf32>,
      %swap3A_270 = arith.constant 0 : i32
      %swap3A_271 = arith.index_cast %swap3A_270 : i32 to index
      %swap3A_272 = arith.index_cast %scan3A_264 : i32 to index
      %swap3A_273 = arith.constant 16 : index
      %swap3A_274 = tpu.vector_load %arg6[%swap3A_271, %swap3A_272, %swap3A_273] {strides = array<i32>} : memref<3x104x128xf32, #tpu.memory_space<vmem>>, vector<16xf32>,
      tpu.vector_store %arg6[%swap3A_271, %swap3A_272, %swap3A_273], %broadcast_in_dim3A_8 {strides = array<i32>} : memref<3x104x128xf32, #tpu.memory_space<vmem>>, vector<16xf32>,
      %swap3A_275 = arith.constant 0 : i32
      %swap3A_276 = arith.index_cast %swap3A_275 : i32 to index
      %swap3A_277 = arith.index_cast %scan3A_264 : i32 to index
      %swap3A_278 = arith.constant 32 : index
      %swap3A_279 = tpu.vector_load %arg6[%swap3A_276, %swap3A_277, %swap3A_278] {strides = array<i32>} : memref<3x104x128xf32, #tpu.memory_space<vmem>>, vector<16xf32>,
      tpu.vector_store %arg6[%swap3A_276, %swap3A_277, %swap3A_278], %broadcast_in_dim3A_8 {strides = array<i32>} : memref<3x104x128xf32, #tpu.memory_space<vmem>>, vector<16xf32>,
      %swap3A_280 = arith.constant 0 : i32
      %swap3A_281 = arith.index_cast %swap3A_280 : i32 to index
      %swap3A_282 = arith.index_cast %scan3A_264 : i32 to index
      %swap3A_283 = arith.constant 48 : index
      %swap3A_284 = tpu.vector_load %arg6[%swap3A_281, %swap3A_282, %swap3A_283] {strides = array<i32>} : memref<3x104x128xf32, #tpu.memory_space<vmem>>, vector<16xf32>,
      tpu.vector_store %arg6[%swap3A_281, %swap3A_282, %swap3A_283], %broadcast_in_dim3A_8 {strides = array<i32>} : memref<3x104x128xf32, #tpu.memory_space<vmem>>, vector<16xf32>,
      %swap3A_285 = arith.constant 0 : i32
      %swap3A_286 = arith.index_cast %swap3A_285 : i32 to index
      %swap3A_287 = arith.index_cast %scan3A_264 : i32 to index
      %swap3A_288 = arith.constant 64 : index
      %swap3A_289 = tpu.vector_load %arg6[%swap3A_286, %swap3A_287, %swap3A_288] {strides = array<i32>} : memref<3x104x128xf32, #tpu.memory_space<vmem>>, vector<16xf32>,
      tpu.vector_store %arg6[%swap3A_286, %swap3A_287, %swap3A_288], %broadcast_in_dim3A_8 {strides = array<i32>} : memref<3x104x128xf32, #tpu.memory_space<vmem>>, vector<16xf32>,
      %swap3A_290 = arith.constant 0 : i32
      %swap3A_291 = arith.index_cast %swap3A_290 : i32 to index
      %swap3A_292 = arith.index_cast %scan3A_264 : i32 to index
      %swap3A_293 = arith.constant 80 : index
      %swap3A_294 = tpu.vector_load %arg6[%swap3A_291, %swap3A_292, %swap3A_293] {strides = array<i32>} : memref<3x104x128xf32, #tpu.memory_space<vmem>>, vector<16xf32>,
      tpu.vector_store %arg6[%swap3A_291, %swap3A_292, %swap3A_293], %broadcast_in_dim3A_8 {strides = array<i32>} : memref<3x104x128xf32, #tpu.memory_space<vmem>>, vector<16xf32>,
      %swap3A_295 = arith.constant 0 : i32
      %swap3A_296 = arith.index_cast %swap3A_295 : i32 to index
      %swap3A_297 = arith.index_cast %scan3A_264 : i32 to index
      %swap3A_298 = arith.constant 96 : index
      %swap3A_299 = tpu.vector_load %arg6[%swap3A_296, %swap3A_297, %swap3A_298] {strides = array<i32>} : memref<3x104x128xf32, #tpu.memory_space<vmem>>, vector<16xf32>,
      tpu.vector_store %arg6[%swap3A_296, %swap3A_297, %swap3A_298], %broadcast_in_dim3A_8 {strides = array<i32>} : memref<3x104x128xf32, #tpu.memory_space<vmem>>, vector<16xf32>,
      %swap3A_300 = arith.constant 0 : i32
      %swap3A_301 = arith.index_cast %swap3A_300 : i32 to index
      %swap3A_302 = arith.index_cast %scan3A_264 : i32 to index
      %swap3A_303 = arith.constant 112 : index
      %swap3A_304 = tpu.vector_load %arg6[%swap3A_301, %swap3A_302, %swap3A_303] {strides = array<i32>} : memref<3x104x128xf32, #tpu.memory_space<vmem>>, vector<16xf32>,
      tpu.vector_store %arg6[%swap3A_301, %swap3A_302, %swap3A_303], %broadcast_in_dim3A_8 {strides = array<i32>} : memref<3x104x128xf32, #tpu.memory_space<vmem>>, vector<16xf32>,
      %scan3A_305 = arith.constant 0 : i32
      scf.yield %scan3A_305 : i32
    }
    %scan3A_14 = arith.constant 104 : i32
    %mul3A_15 = arith.constant 624 : i32
    %mul3A_16 = arith.muli %arg1, %mul3A_15 : i32
    %add3A_17 = arith.constant 0 : i32
    %add3A_18 = arith.addi %mul3A_16, %add3A_17 : i32
    %run_scoped3A_19 = arith.constant 0 : i32
    "tpu.region"() ({
      %run_scoped3A_264 = tpu.sem_alloc : memref<!tpu.dma_semaphore, #tpu.memory_space<semaphore_mem>>
      %dma_start3A_265 = arith.constant 0 : i32
      %dma_start3A_266 = arith.constant 0 : i32
      %dma_start3A_267 = tpu.memref_slice %arg6[%run_scoped3A_19, %dma_start3A_265, %dma_start3A_266] : memref<3x104x128xf32, #tpu.memory_space<vmem>> -> memref<1x104x128xf32, #tpu.memory_space<vmem>>
      %dma_start3A_268 = tpu.memref_squeeze %dma_start3A_267 : memref<1x104x128xf32, #tpu.memory_space<vmem>> -> memref<104x128xf32, #tpu.memory_space<vmem>>
      %dma_start3A_269 = arith.constant 0 : i32
      %dma_start3A_270 = tpu.memref_slice %arg11[%add3A_18, %dma_start3A_269] : memref<10000x128xf32, #tpu.memory_space<vmem_shared>> -> memref<104x128xf32, #tpu.memory_space<vmem_shared>>
      %dma_start3A_271 = arith.constant 0 : i32
      %dma_start3A_272 = tpu.memref_slice %arg11[%add3A_18, %dma_start3A_271] : memref<10000x128xf32, #tpu.memory_space<vmem_shared>> -> memref<104x128xf32, #tpu.memory_space<vmem_shared>>
      %dma_start3A_273 = arith.constant 0 : i32
      %dma_start3A_274 = arith.constant 0 : i32
      %dma_start3A_275 = tpu.memref_slice %arg6[%run_scoped3A_19, %dma_start3A_273, %dma_start3A_274] : memref<3x104x128xf32, #tpu.memory_space<vmem>> -> memref<1x104x128xf32, #tpu.memory_space<vmem>>
      %dma_start3A_276 = tpu.memref_squeeze %dma_start3A_275 : memref<1x104x128xf32, #tpu.memory_space<vmem>> -> memref<104x128xf32, #tpu.memory_space<vmem>>
      tpu.enqueue_dma source(%dma_start3A_276 : memref<104x128xf32, #tpu.memory_space<vmem>>) target(%dma_start3A_272 : memref<104x128xf32, #tpu.memory_space<vmem_shared>>) target_semaphore(%run_scoped3A_264 : memref<!tpu.dma_semaphore, #tpu.memory_space<semaphore_mem>>)
      %dma_wait3A_277 = arith.constant 0 : i32
      %dma_wait3A_278 = arith.constant 0 : i32
      %dma_wait3A_279 = tpu.memref_slice %arg6[%run_scoped3A_19, %dma_wait3A_277, %dma_wait3A_278] : memref<3x104x128xf32, #tpu.memory_space<vmem>> -> memref<1x104x128xf32, #tpu.memory_space<vmem>>
      %dma_wait3A_280 = tpu.memref_squeeze %dma_wait3A_279 : memref<1x104x128xf32, #tpu.memory_space<vmem>> -> memref<104x128xf32, #tpu.memory_space<vmem>>
      %dma_wait3A_281 = arith.constant 0 : i32
      %dma_wait3A_282 = tpu.memref_slice %arg11[%add3A_18, %dma_wait3A_281] : memref<10000x128xf32, #tpu.memory_space<vmem_shared>> -> memref<104x128xf32, #tpu.memory_space<vmem_shared>>
      %dma_wait3A_283 = arith.constant 0 : i32
      %dma_wait3A_284 = tpu.memref_slice %arg11[%add3A_18, %dma_wait3A_283] : memref<10000x128xf32, #tpu.memory_space<vmem_shared>> -> memref<104x128xf32, #tpu.memory_space<vmem_shared>>
      %dma_wait3A_285 = arith.constant 0 : i32
      %dma_wait3A_286 = arith.constant 0 : i32
      %dma_wait3A_287 = tpu.memref_slice %arg6[%run_scoped3A_19, %dma_wait3A_285, %dma_wait3A_286] : memref<3x104x128xf32, #tpu.memory_space<vmem>> -> memref<1x104x128xf32, #tpu.memory_space<vmem>>
      %dma_wait3A_288 = tpu.memref_squeeze %dma_wait3A_287 : memref<1x104x128xf32, #tpu.memory_space<vmem>> -> memref<104x128xf32, #tpu.memory_space<vmem>>
      tpu.wait_dma2 semaphore(%run_scoped3A_264 : memref<!tpu.dma_semaphore, #tpu.memory_space<semaphore_mem>>) src(%dma_wait3A_288 : memref<104x128xf32, #tpu.memory_space<vmem>>) dst(%dma_wait3A_284 : memref<104x128xf32, #tpu.memory_space<vmem_shared>>)
      tpu.yield
    }) : () -> ()
    %add3A_20 = arith.constant 104 : i32
    %add3A_21 = arith.addi %mul3A_16, %add3A_20 : i32
    %run_scoped3A_22 = arith.constant 0 : i32
    "tpu.region"() ({
      %run_scoped3A_264 = tpu.sem_alloc : memref<!tpu.dma_semaphore, #tpu.memory_space<semaphore_mem>>
      %dma_start3A_265 = arith.constant 0 : i32
      %dma_start3A_266 = arith.constant 0 : i32
      %dma_start3A_267 = tpu.memref_slice %arg6[%run_scoped3A_22, %dma_start3A_265, %dma_start3A_266] : memref<3x104x128xf32, #tpu.memory_space<vmem>> -> memref<1x104x128xf32, #tpu.memory_space<vmem>>
      %dma_start3A_268 = tpu.memref_squeeze %dma_start3A_267 : memref<1x104x128xf32, #tpu.memory_space<vmem>> -> memref<104x128xf32, #tpu.memory_space<vmem>>
      %dma_start3A_269 = arith.constant 0 : i32
      %dma_start3A_270 = tpu.memref_slice %arg11[%add3A_21, %dma_start3A_269] : memref<10000x128xf32, #tpu.memory_space<vmem_shared>> -> memref<104x128xf32, #tpu.memory_space<vmem_shared>>
      %dma_start3A_271 = arith.constant 0 : i32
      %dma_start3A_272 = tpu.memref_slice %arg11[%add3A_21, %dma_start3A_271] : memref<10000x128xf32, #tpu.memory_space<vmem_shared>> -> memref<104x128xf32, #tpu.memory_space<vmem_shared>>
      %dma_start3A_273 = arith.constant 0 : i32
      %dma_start3A_274 = arith.constant 0 : i32
      %dma_start3A_275 = tpu.memref_slice %arg6[%run_scoped3A_22, %dma_start3A_273, %dma_start3A_274] : memref<3x104x128xf32, #tpu.memory_space<vmem>> -> memref<1x104x128xf32, #tpu.memory_space<vmem>>
      %dma_start3A_276 = tpu.memref_squeeze %dma_start3A_275 : memref<1x104x128xf32, #tpu.memory_space<vmem>> -> memref<104x128xf32, #tpu.memory_space<vmem>>
      tpu.enqueue_dma source(%dma_start3A_276 : memref<104x128xf32, #tpu.memory_space<vmem>>) target(%dma_start3A_272 : memref<104x128xf32, #tpu.memory_space<vmem_shared>>) target_semaphore(%run_scoped3A_264 : memref<!tpu.dma_semaphore, #tpu.memory_space<semaphore_mem>>)
      %dma_wait3A_277 = arith.constant 0 : i32
      %dma_wait3A_278 = arith.constant 0 : i32
      %dma_wait3A_279 = tpu.memref_slice %arg6[%run_scoped3A_22, %dma_wait3A_277, %dma_wait3A_278] : memref<3x104x128xf32, #tpu.memory_space<vmem>> -> memref<1x104x128xf32, #tpu.memory_space<vmem>>
      %dma_wait3A_280 = tpu.memref_squeeze %dma_wait3A_279 : memref<1x104x128xf32, #tpu.memory_space<vmem>> -> memref<104x128xf32, #tpu.memory_space<vmem>>
      %dma_wait3A_281 = arith.constant 0 : i32
      %dma_wait3A_282 = tpu.memref_slice %arg11[%add3A_21, %dma_wait3A_281] : memref<10000x128xf32, #tpu.memory_space<vmem_shared>> -> memref<104x128xf32, #tpu.memory_space<vmem_shared>>
      %dma_wait3A_283 = arith.constant 0 : i32
      %dma_wait3A_284 = tpu.memref_slice %arg11[%add3A_21, %dma_wait3A_283] : memref<10000x128xf32, #tpu.memory_space<vmem_shared>> -> memref<104x128xf32, #tpu.memory_space<vmem_shared>>
      %dma_wait3A_285 = arith.constant 0 : i32
      %dma_wait3A_286 = arith.constant 0 : i32
      %dma_wait3A_287 = tpu.memref_slice %arg6[%run_scoped3A_22, %dma_wait3A_285, %dma_wait3A_286] : memref<3x104x128xf32, #tpu.memory_space<vmem>> -> memref<1x104x128xf32, #tpu.memory_space<vmem>>
      %dma_wait3A_288 = tpu.memref_squeeze %dma_wait3A_287 : memref<1x104x128xf32, #tpu.memory_space<vmem>> -> memref<104x128xf32, #tpu.memory_space<vmem>>
      tpu.wait_dma2 semaphore(%run_scoped3A_264 : memref<!tpu.dma_semaphore, #tpu.memory_space<semaphore_mem>>) src(%dma_wait3A_288 : memref<104x128xf32, #tpu.memory_space<vmem>>) dst(%dma_wait3A_284 : memref<104x128xf32, #tpu.memory_space<vmem_shared>>)
      tpu.yield
    }) : () -> ()
    %add3A_23 = arith.constant 208 : i32
    %add3A_24 = arith.addi %mul3A_16, %add3A_23 : i32
    %run_scoped3A_25 = arith.constant 0 : i32
    "tpu.region"() ({
      %run_scoped3A_264 = tpu.sem_alloc : memref<!tpu.dma_semaphore, #tpu.memory_space<semaphore_mem>>
      %dma_start3A_265 = arith.constant 0 : i32
      %dma_start3A_266 = arith.constant 0 : i32
      %dma_start3A_267 = tpu.memref_slice %arg6[%run_scoped3A_25, %dma_start3A_265, %dma_start3A_266] : memref<3x104x128xf32, #tpu.memory_space<vmem>> -> memref<1x104x128xf32, #tpu.memory_space<vmem>>
      %dma_start3A_268 = tpu.memref_squeeze %dma_start3A_267 : memref<1x104x128xf32, #tpu.memory_space<vmem>> -> memref<104x128xf32, #tpu.memory_space<vmem>>
      %dma_start3A_269 = arith.constant 0 : i32
      %dma_start3A_270 = tpu.memref_slice %arg11[%add3A_24, %dma_start3A_269] : memref<10000x128xf32, #tpu.memory_space<vmem_shared>> -> memref<104x128xf32, #tpu.memory_space<vmem_shared>>
      %dma_start3A_271 = arith.constant 0 : i32
      %dma_start3A_272 = tpu.memref_slice %arg11[%add3A_24, %dma_start3A_271] : memref<10000x128xf32, #tpu.memory_space<vmem_shared>> -> memref<104x128xf32, #tpu.memory_space<vmem_shared>>
      %dma_start3A_273 = arith.constant 0 : i32
      %dma_start3A_274 = arith.constant 0 : i32
      %dma_start3A_275 = tpu.memref_slice %arg6[%run_scoped3A_25, %dma_start3A_273, %dma_start3A_274] : memref<3x104x128xf32, #tpu.memory_space<vmem>> -> memref<1x104x128xf32, #tpu.memory_space<vmem>>
      %dma_start3A_276 = tpu.memref_squeeze %dma_start3A_275 : memref<1x104x128xf32, #tpu.memory_space<vmem>> -> memref<104x128xf32, #tpu.memory_space<vmem>>
      tpu.enqueue_dma source(%dma_start3A_276 : memref<104x128xf32, #tpu.memory_space<vmem>>) target(%dma_start3A_272 : memref<104x128xf32, #tpu.memory_space<vmem_shared>>) target_semaphore(%run_scoped3A_264 : memref<!tpu.dma_semaphore, #tpu.memory_space<semaphore_mem>>)
      %dma_wait3A_277 = arith.constant 0 : i32
      %dma_wait3A_278 = arith.constant 0 : i32
      %dma_wait3A_279 = tpu.memref_slice %arg6[%run_scoped3A_25, %dma_wait3A_277, %dma_wait3A_278] : memref<3x104x128xf32, #tpu.memory_space<vmem>> -> memref<1x104x128xf32, #tpu.memory_space<vmem>>
      %dma_wait3A_280 = tpu.memref_squeeze %dma_wait3A_279 : memref<1x104x128xf32, #tpu.memory_space<vmem>> -> memref<104x128xf32, #tpu.memory_space<vmem>>
      %dma_wait3A_281 = arith.constant 0 : i32
      %dma_wait3A_282 = tpu.memref_slice %arg11[%add3A_24, %dma_wait3A_281] : memref<10000x128xf32, #tpu.memory_space<vmem_shared>> -> memref<104x128xf32, #tpu.memory_space<vmem_shared>>
      %dma_wait3A_283 = arith.constant 0 : i32
      %dma_wait3A_284 = tpu.memref_slice %arg11[%add3A_24, %dma_wait3A_283] : memref<10000x128xf32, #tpu.memory_space<vmem_shared>> -> memref<104x128xf32, #tpu.memory_space<vmem_shared>>
      %dma_wait3A_285 = arith.constant 0 : i32
      %dma_wait3A_286 = arith.constant 0 : i32
      %dma_wait3A_287 = tpu.memref_slice %arg6[%run_scoped3A_25, %dma_wait3A_285, %dma_wait3A_286] : memref<3x104x128xf32, #tpu.memory_space<vmem>> -> memref<1x104x128xf32, #tpu.memory_space<vmem>>
      %dma_wait3A_288 = tpu.memref_squeeze %dma_wait3A_287 : memref<1x104x128xf32, #tpu.memory_space<vmem>> -> memref<104x128xf32, #tpu.memory_space<vmem>>
      tpu.wait_dma2 semaphore(%run_scoped3A_264 : memref<!tpu.dma_semaphore, #tpu.memory_space<semaphore_mem>>) src(%dma_wait3A_288 : memref<104x128xf32, #tpu.memory_space<vmem>>) dst(%dma_wait3A_284 : memref<104x128xf32, #tpu.memory_space<vmem_shared>>)
      tpu.yield
    }) : () -> ()
    %add3A_26 = arith.constant 312 : i32
    %add3A_27 = arith.addi %mul3A_16, %add3A_26 : i32
    %run_scoped3A_28 = arith.constant 0 : i32
    "tpu.region"() ({
      %run_scoped3A_264 = tpu.sem_alloc : memref<!tpu.dma_semaphore, #tpu.memory_space<semaphore_mem>>
      %dma_start3A_265 = arith.constant 0 : i32
      %dma_start3A_266 = arith.constant 0 : i32
      %dma_start3A_267 = tpu.memref_slice %arg6[%run_scoped3A_28, %dma_start3A_265, %dma_start3A_266] : memref<3x104x128xf32, #tpu.memory_space<vmem>> -> memref<1x104x128xf32, #tpu.memory_space<vmem>>
      %dma_start3A_268 = tpu.memref_squeeze %dma_start3A_267 : memref<1x104x128xf32, #tpu.memory_space<vmem>> -> memref<104x128xf32, #tpu.memory_space<vmem>>
      %dma_start3A_269 = arith.constant 0 : i32
      %dma_start3A_270 = tpu.memref_slice %arg11[%add3A_27, %dma_start3A_269] : memref<10000x128xf32, #tpu.memory_space<vmem_shared>> -> memref<104x128xf32, #tpu.memory_space<vmem_shared>>
      %dma_start3A_271 = arith.constant 0 : i32
      %dma_start3A_272 = tpu.memref_slice %arg11[%add3A_27, %dma_start3A_271] : memref<10000x128xf32, #tpu.memory_space<vmem_shared>> -> memref<104x128xf32, #tpu.memory_space<vmem_shared>>
      %dma_start3A_273 = arith.constant 0 : i32
      %dma_start3A_274 = arith.constant 0 : i32
      %dma_start3A_275 = tpu.memref_slice %arg6[%run_scoped3A_28, %dma_start3A_273, %dma_start3A_274] : memref<3x104x128xf32, #tpu.memory_space<vmem>> -> memref<1x104x128xf32, #tpu.memory_space<vmem>>
      %dma_start3A_276 = tpu.memref_squeeze %dma_start3A_275 : memref<1x104x128xf32, #tpu.memory_space<vmem>> -> memref<104x128xf32, #tpu.memory_space<vmem>>
      tpu.enqueue_dma source(%dma_start3A_276 : memref<104x128xf32, #tpu.memory_space<vmem>>) target(%dma_start3A_272 : memref<104x128xf32, #tpu.memory_space<vmem_shared>>) target_semaphore(%run_scoped3A_264 : memref<!tpu.dma_semaphore, #tpu.memory_space<semaphore_mem>>)
      %dma_wait3A_277 = arith.constant 0 : i32
      %dma_wait3A_278 = arith.constant 0 : i32
      %dma_wait3A_279 = tpu.memref_slice %arg6[%run_scoped3A_28, %dma_wait3A_277, %dma_wait3A_278] : memref<3x104x128xf32, #tpu.memory_space<vmem>> -> memref<1x104x128xf32, #tpu.memory_space<vmem>>
      %dma_wait3A_280 = tpu.memref_squeeze %dma_wait3A_279 : memref<1x104x128xf32, #tpu.memory_space<vmem>> -> memref<104x128xf32, #tpu.memory_space<vmem>>
      %dma_wait3A_281 = arith.constant 0 : i32
      %dma_wait3A_282 = tpu.memref_slice %arg11[%add3A_27, %dma_wait3A_281] : memref<10000x128xf32, #tpu.memory_space<vmem_shared>> -> memref<104x128xf32, #tpu.memory_space<vmem_shared>>
      %dma_wait3A_283 = arith.constant 0 : i32
      %dma_wait3A_284 = tpu.memref_slice %arg11[%add3A_27, %dma_wait3A_283] : memref<10000x128xf32, #tpu.memory_space<vmem_shared>> -> memref<104x128xf32, #tpu.memory_space<vmem_shared>>
      %dma_wait3A_285 = arith.constant 0 : i32
      %dma_wait3A_286 = arith.constant 0 : i32
      %dma_wait3A_287 = tpu.memref_slice %arg6[%run_scoped3A_28, %dma_wait3A_285, %dma_wait3A_286] : memref<3x104x128xf32, #tpu.memory_space<vmem>> -> memref<1x104x128xf32, #tpu.memory_space<vmem>>
      %dma_wait3A_288 = tpu.memref_squeeze %dma_wait3A_287 : memref<1x104x128xf32, #tpu.memory_space<vmem>> -> memref<104x128xf32, #tpu.memory_space<vmem>>
      tpu.wait_dma2 semaphore(%run_scoped3A_264 : memref<!tpu.dma_semaphore, #tpu.memory_space<semaphore_mem>>) src(%dma_wait3A_288 : memref<104x128xf32, #tpu.memory_space<vmem>>) dst(%dma_wait3A_284 : memref<104x128xf32, #tpu.memory_space<vmem_shared>>)
      tpu.yield
    }) : () -> ()
    %add3A_29 = arith.constant 416 : i32
    %add3A_30 = arith.addi %mul3A_16, %add3A_29 : i32
    %run_scoped3A_31 = arith.constant 0 : i32
    "tpu.region"() ({
      %run_scoped3A_264 = tpu.sem_alloc : memref<!tpu.dma_semaphore, #tpu.memory_space<semaphore_mem>>
      %dma_start3A_265 = arith.constant 0 : i32
      %dma_start3A_266 = arith.constant 0 : i32
      %dma_start3A_267 = tpu.memref_slice %arg6[%run_scoped3A_31, %dma_start3A_265, %dma_start3A_266] : memref<3x104x128xf32, #tpu.memory_space<vmem>> -> memref<1x104x128xf32, #tpu.memory_space<vmem>>
      %dma_start3A_268 = tpu.memref_squeeze %dma_start3A_267 : memref<1x104x128xf32, #tpu.memory_space<vmem>> -> memref<104x128xf32, #tpu.memory_space<vmem>>
      %dma_start3A_269 = arith.constant 0 : i32
      %dma_start3A_270 = tpu.memref_slice %arg11[%add3A_30, %dma_start3A_269] : memref<10000x128xf32, #tpu.memory_space<vmem_shared>> -> memref<104x128xf32, #tpu.memory_space<vmem_shared>>
      %dma_start3A_271 = arith.constant 0 : i32
      %dma_start3A_272 = tpu.memref_slice %arg11[%add3A_30, %dma_start3A_271] : memref<10000x128xf32, #tpu.memory_space<vmem_shared>> -> memref<104x128xf32, #tpu.memory_space<vmem_shared>>
      %dma_start3A_273 = arith.constant 0 : i32
      %dma_start3A_274 = arith.constant 0 : i32
      %dma_start3A_275 = tpu.memref_slice %arg6[%run_scoped3A_31, %dma_start3A_273, %dma_start3A_274] : memref<3x104x128xf32, #tpu.memory_space<vmem>> -> memref<1x104x128xf32, #tpu.memory_space<vmem>>
      %dma_start3A_276 = tpu.memref_squeeze %dma_start3A_275 : memref<1x104x128xf32, #tpu.memory_space<vmem>> -> memref<104x128xf32, #tpu.memory_space<vmem>>
      tpu.enqueue_dma source(%dma_start3A_276 : memref<104x128xf32, #tpu.memory_space<vmem>>) target(%dma_start3A_272 : memref<104x128xf32, #tpu.memory_space<vmem_shared>>) target_semaphore(%run_scoped3A_264 : memref<!tpu.dma_semaphore, #tpu.memory_space<semaphore_mem>>)
      %dma_wait3A_277 = arith.constant 0 : i32
      %dma_wait3A_278 = arith.constant 0 : i32
      %dma_wait3A_279 = tpu.memref_slice %arg6[%run_scoped3A_31, %dma_wait3A_277, %dma_wait3A_278] : memref<3x104x128xf32, #tpu.memory_space<vmem>> -> memref<1x104x128xf32, #tpu.memory_space<vmem>>
      %dma_wait3A_280 = tpu.memref_squeeze %dma_wait3A_279 : memref<1x104x128xf32, #tpu.memory_space<vmem>> -> memref<104x128xf32, #tpu.memory_space<vmem>>
      %dma_wait3A_281 = arith.constant 0 : i32
      %dma_wait3A_282 = tpu.memref_slice %arg11[%add3A_30, %dma_wait3A_281] : memref<10000x128xf32, #tpu.memory_space<vmem_shared>> -> memref<104x128xf32, #tpu.memory_space<vmem_shared>>
      %dma_wait3A_283 = arith.constant 0 : i32
      %dma_wait3A_284 = tpu.memref_slice %arg11[%add3A_30, %dma_wait3A_283] : memref<10000x128xf32, #tpu.memory_space<vmem_shared>> -> memref<104x128xf32, #tpu.memory_space<vmem_shared>>
      %dma_wait3A_285 = arith.constant 0 : i32
      %dma_wait3A_286 = arith.constant 0 : i32
      %dma_wait3A_287 = tpu.memref_slice %arg6[%run_scoped3A_31, %dma_wait3A_285, %dma_wait3A_286] : memref<3x104x128xf32, #tpu.memory_space<vmem>> -> memref<1x104x128xf32, #tpu.memory_space<vmem>>
      %dma_wait3A_288 = tpu.memref_squeeze %dma_wait3A_287 : memref<1x104x128xf32, #tpu.memory_space<vmem>> -> memref<104x128xf32, #tpu.memory_space<vmem>>
      tpu.wait_dma2 semaphore(%run_scoped3A_264 : memref<!tpu.dma_semaphore, #tpu.memory_space<semaphore_mem>>) src(%dma_wait3A_288 : memref<104x128xf32, #tpu.memory_space<vmem>>) dst(%dma_wait3A_284 : memref<104x128xf32, #tpu.memory_space<vmem_shared>>)
      tpu.yield
    }) : () -> ()
    %add3A_32 = arith.constant 520 : i32
    %add3A_33 = arith.addi %mul3A_16, %add3A_32 : i32
    %run_scoped3A_34 = arith.constant 0 : i32
    "tpu.region"() ({
      %run_scoped3A_264 = tpu.sem_alloc : memref<!tpu.dma_semaphore, #tpu.memory_space<semaphore_mem>>
      %dma_start3A_265 = arith.constant 0 : i32
      %dma_start3A_266 = arith.constant 0 : i32
      %dma_start3A_267 = tpu.memref_slice %arg6[%run_scoped3A_34, %dma_start3A_265, %dma_start3A_266] : memref<3x104x128xf32, #tpu.memory_space<vmem>> -> memref<1x104x128xf32, #tpu.memory_space<vmem>>
      %dma_start3A_268 = tpu.memref_squeeze %dma_start3A_267 : memref<1x104x128xf32, #tpu.memory_space<vmem>> -> memref<104x128xf32, #tpu.memory_space<vmem>>
      %dma_start3A_269 = arith.constant 0 : i32
      %dma_start3A_270 = tpu.memref_slice %arg11[%add3A_33, %dma_start3A_269] : memref<10000x128xf32, #tpu.memory_space<vmem_shared>> -> memref<104x128xf32, #tpu.memory_space<vmem_shared>>
      %dma_start3A_271 = arith.constant 0 : i32
      %dma_start3A_272 = tpu.memref_slice %arg11[%add3A_33, %dma_start3A_271] : memref<10000x128xf32, #tpu.memory_space<vmem_shared>> -> memref<104x128xf32, #tpu.memory_space<vmem_shared>>
      %dma_start3A_273 = arith.constant 0 : i32
      %dma_start3A_274 = arith.constant 0 : i32
      %dma_start3A_275 = tpu.memref_slice %arg6[%run_scoped3A_34, %dma_start3A_273, %dma_start3A_274] : memref<3x104x128xf32, #tpu.memory_space<vmem>> -> memref<1x104x128xf32, #tpu.memory_space<vmem>>
      %dma_start3A_276 = tpu.memref_squeeze %dma_start3A_275 : memref<1x104x128xf32, #tpu.memory_space<vmem>> -> memref<104x128xf32, #tpu.memory_space<vmem>>
      tpu.enqueue_dma source(%dma_start3A_276 : memref<104x128xf32, #tpu.memory_space<vmem>>) target(%dma_start3A_272 : memref<104x128xf32, #tpu.memory_space<vmem_shared>>) target_semaphore(%run_scoped3A_264 : memref<!tpu.dma_semaphore, #tpu.memory_space<semaphore_mem>>)
      %dma_wait3A_277 = arith.constant 0 : i32
      %dma_wait3A_278 = arith.constant 0 : i32
      %dma_wait3A_279 = tpu.memref_slice %arg6[%run_scoped3A_34, %dma_wait3A_277, %dma_wait3A_278] : memref<3x104x128xf32, #tpu.memory_space<vmem>> -> memref<1x104x128xf32, #tpu.memory_space<vmem>>
      %dma_wait3A_280 = tpu.memref_squeeze %dma_wait3A_279 : memref<1x104x128xf32, #tpu.memory_space<vmem>> -> memref<104x128xf32, #tpu.memory_space<vmem>>
      %dma_wait3A_281 = arith.constant 0 : i32
      %dma_wait3A_282 = tpu.memref_slice %arg11[%add3A_33, %dma_wait3A_281] : memref<10000x128xf32, #tpu.memory_space<vmem_shared>> -> memref<104x128xf32, #tpu.memory_space<vmem_shared>>
      %dma_wait3A_283 = arith.constant 0 : i32
      %dma_wait3A_284 = tpu.memref_slice %arg11[%add3A_33, %dma_wait3A_283] : memref<10000x128xf32, #tpu.memory_space<vmem_shared>> -> memref<104x128xf32, #tpu.memory_space<vmem_shared>>
      %dma_wait3A_285 = arith.constant 0 : i32
      %dma_wait3A_286 = arith.constant 0 : i32
      %dma_wait3A_287 = tpu.memref_slice %arg6[%run_scoped3A_34, %dma_wait3A_285, %dma_wait3A_286] : memref<3x104x128xf32, #tpu.memory_space<vmem>> -> memref<1x104x128xf32, #tpu.memory_space<vmem>>
      %dma_wait3A_288 = tpu.memref_squeeze %dma_wait3A_287 : memref<1x104x128xf32, #tpu.memory_space<vmem>> -> memref<104x128xf32, #tpu.memory_space<vmem>>
      tpu.wait_dma2 semaphore(%run_scoped3A_264 : memref<!tpu.dma_semaphore, #tpu.memory_space<semaphore_mem>>) src(%dma_wait3A_288 : memref<104x128xf32, #tpu.memory_space<vmem>>) dst(%dma_wait3A_284 : memref<104x128xf32, #tpu.memory_space<vmem_shared>>)
      tpu.yield
    }) : () -> ()
    %eq3A = arith.constant 15 : i32
    %eq3A_35 = arith.cmpi eq, %arg1, %eq3A : i32
    %convert_element_type3A = arith.extui %eq3A_35 : i1 to i32
    %cond3A = arith.constant 0 : i32
    %cond3A_36 = arith.cmpi ne, %convert_element_type3A, %cond3A : i32
    scf.if %cond3A_36 {
      %run_scoped3A_264 = arith.constant 0 : i32
      "tpu.region"() ({
        %run_scoped3A_265 = tpu.sem_alloc : memref<!tpu.dma_semaphore, #tpu.memory_space<semaphore_mem>>
        %dma_start3A_266 = arith.constant 0 : i32
        %dma_start3A_267 = arith.constant 0 : i32
        %dma_start3A_268 = tpu.memref_slice %arg6[%run_scoped3A_264, %dma_start3A_266, %dma_start3A_267] : memref<3x104x128xf32, #tpu.memory_space<vmem>> -> memref<1x16x128xf32, #tpu.memory_space<vmem>>
        %dma_start3A_269 = tpu.memref_squeeze %dma_start3A_268 : memref<1x16x128xf32, #tpu.memory_space<vmem>> -> memref<16x128xf32, #tpu.memory_space<vmem>>
        %dma_start3A_270 = arith.constant 9984 : i32
        %dma_start3A_271 = arith.constant 0 : i32
        %dma_start3A_272 = tpu.memref_slice %arg11[%dma_start3A_270, %dma_start3A_271] : memref<10000x128xf32, #tpu.memory_space<vmem_shared>> -> memref<16x128xf32, #tpu.memory_space<vmem_shared>>
        %dma_start3A_273 = arith.constant 9984 : i32
        %dma_start3A_274 = arith.constant 0 : i32
        %dma_start3A_275 = tpu.memref_slice %arg11[%dma_start3A_273, %dma_start3A_274] : memref<10000x128xf32, #tpu.memory_space<vmem_shared>> -> memref<16x128xf32, #tpu.memory_space<vmem_shared>>
        %dma_start3A_276 = arith.constant 0 : i32
        %dma_start3A_277 = arith.constant 0 : i32
        %dma_start3A_278 = tpu.memref_slice %arg6[%run_scoped3A_264, %dma_start3A_276, %dma_start3A_277] : memref<3x104x128xf32, #tpu.memory_space<vmem>> -> memref<1x16x128xf32, #tpu.memory_space<vmem>>
        %dma_start3A_279 = tpu.memref_squeeze %dma_start3A_278 : memref<1x16x128xf32, #tpu.memory_space<vmem>> -> memref<16x128xf32, #tpu.memory_space<vmem>>
        tpu.enqueue_dma source(%dma_start3A_279 : memref<16x128xf32, #tpu.memory_space<vmem>>) target(%dma_start3A_275 : memref<16x128xf32, #tpu.memory_space<vmem_shared>>) target_semaphore(%run_scoped3A_265 : memref<!tpu.dma_semaphore, #tpu.memory_space<semaphore_mem>>)
        %dma_wait3A_280 = arith.constant 0 : i32
        %dma_wait3A_281 = arith.constant 0 : i32
        %dma_wait3A_282 = tpu.memref_slice %arg6[%run_scoped3A_264, %dma_wait3A_280, %dma_wait3A_281] : memref<3x104x128xf32, #tpu.memory_space<vmem>> -> memref<1x16x128xf32, #tpu.memory_space<vmem>>
        %dma_wait3A_283 = tpu.memref_squeeze %dma_wait3A_282 : memref<1x16x128xf32, #tpu.memory_space<vmem>> -> memref<16x128xf32, #tpu.memory_space<vmem>>
        %dma_wait3A_284 = arith.constant 9984 : i32
        %dma_wait3A_285 = arith.constant 0 : i32
        %dma_wait3A_286 = tpu.memref_slice %arg11[%dma_wait3A_284, %dma_wait3A_285] : memref<10000x128xf32, #tpu.memory_space<vmem_shared>> -> memref<16x128xf32, #tpu.memory_space<vmem_shared>>
        %dma_wait3A_287 = arith.constant 9984 : i32
        %dma_wait3A_288 = arith.constant 0 : i32
        %dma_wait3A_289 = tpu.memref_slice %arg11[%dma_wait3A_287, %dma_wait3A_288] : memref<10000x128xf32, #tpu.memory_space<vmem_shared>> -> memref<16x128xf32, #tpu.memory_space<vmem_shared>>
        %dma_wait3A_290 = arith.constant 0 : i32
        %dma_wait3A_291 = arith.constant 0 : i32
        %dma_wait3A_292 = tpu.memref_slice %arg6[%run_scoped3A_264, %dma_wait3A_290, %dma_wait3A_291] : memref<3x104x128xf32, #tpu.memory_space<vmem>> -> memref<1x16x128xf32, #tpu.memory_space<vmem>>
        %dma_wait3A_293 = tpu.memref_squeeze %dma_wait3A_292 : memref<1x16x128xf32, #tpu.memory_space<vmem>> -> memref<16x128xf32, #tpu.memory_space<vmem>>
        tpu.wait_dma2 semaphore(%run_scoped3A_265 : memref<!tpu.dma_semaphore, #tpu.memory_space<semaphore_mem>>) src(%dma_wait3A_293 : memref<16x128xf32, #tpu.memory_space<vmem>>) dst(%dma_wait3A_289 : memref<16x128xf32, #tpu.memory_space<vmem_shared>>)
        tpu.yield
      }) : () -> ()
    } else {
    }
    %barrier3A = arith.constant 0 : index
    tpu.barrier barrier_id(%barrier3A)
    %add3A_37 = arith.constant 0 : i32
    %add3A_38 = arith.addi %mul3A_2, %add3A_37 : i32
    %dma_start3A = arith.constant 0 : i32
    %dma_start3A_39 = arith.constant 0 : i32
    %dma_start3A_40 = tpu.memref_slice %arg7[%dma_start3A, %dma_start3A_39] : memref<6x104xi32, #tpu.memory_space<vmem>> -> memref<1x104xi32, #tpu.memory_space<vmem>>
    %dma_start3A_41 = tpu.memref_squeeze %dma_start3A_40 : memref<1x104xi32, #tpu.memory_space<vmem>> -> memref<104xi32, #tpu.memory_space<vmem>>
    %dma_start3A_42 = tpu.memref_slice %arg3[%add3A_38] : memref<320000xi32, #tpu.memory_space<hbm>> -> memref<104xi32, #tpu.memory_space<hbm>>
    %dma_start3A_43 = arith.constant 0 : i32
    %dma_start3A_44 = tpu.memref_slice %arg7[%dma_start3A, %dma_start3A_43] : memref<6x104xi32, #tpu.memory_space<vmem>> -> memref<1x104xi32, #tpu.memory_space<vmem>>
    %dma_start3A_45 = tpu.memref_squeeze %dma_start3A_44 : memref<1x104xi32, #tpu.memory_space<vmem>> -> memref<104xi32, #tpu.memory_space<vmem>>
    %dma_start3A_46 = tpu.memref_slice %arg3[%add3A_38] : memref<320000xi32, #tpu.memory_space<hbm>> -> memref<104xi32, #tpu.memory_space<hbm>>
    tpu.enqueue_dma source(%dma_start3A_46 : memref<104xi32, #tpu.memory_space<hbm>>) target(%dma_start3A_45 : memref<104xi32, #tpu.memory_space<vmem>>) target_semaphore(%arg18 : memref<!tpu.dma_semaphore, #tpu.memory_space<semaphore_mem>>)
    %add3A_47 = arith.constant 104 : i32
    %add3A_48 = arith.addi %mul3A_2, %add3A_47 : i32
    %dma_start3A_49 = arith.constant 1 : i32
    %dma_start3A_50 = arith.constant 0 : i32
    %dma_start3A_51 = tpu.memref_slice %arg7[%dma_start3A_49, %dma_start3A_50] : memref<6x104xi32, #tpu.memory_space<vmem>> -> memref<1x104xi32, #tpu.memory_space<vmem>>
    %dma_start3A_52 = tpu.memref_squeeze %dma_start3A_51 : memref<1x104xi32, #tpu.memory_space<vmem>> -> memref<104xi32, #tpu.memory_space<vmem>>
    %dma_start3A_53 = tpu.memref_slice %arg3[%add3A_48] : memref<320000xi32, #tpu.memory_space<hbm>> -> memref<104xi32, #tpu.memory_space<hbm>>
    %dma_start3A_54 = arith.constant 0 : i32
    %dma_start3A_55 = tpu.memref_slice %arg7[%dma_start3A_49, %dma_start3A_54] : memref<6x104xi32, #tpu.memory_space<vmem>> -> memref<1x104xi32, #tpu.memory_space<vmem>>
    %dma_start3A_56 = tpu.memref_squeeze %dma_start3A_55 : memref<1x104xi32, #tpu.memory_space<vmem>> -> memref<104xi32, #tpu.memory_space<vmem>>
    %dma_start3A_57 = tpu.memref_slice %arg3[%add3A_48] : memref<320000xi32, #tpu.memory_space<hbm>> -> memref<104xi32, #tpu.memory_space<hbm>>
    tpu.enqueue_dma source(%dma_start3A_57 : memref<104xi32, #tpu.memory_space<hbm>>) target(%dma_start3A_56 : memref<104xi32, #tpu.memory_space<vmem>>) target_semaphore(%arg19 : memref<!tpu.dma_semaphore, #tpu.memory_space<semaphore_mem>>)
    %add3A_58 = arith.constant 208 : i32
    %add3A_59 = arith.addi %mul3A_2, %add3A_58 : i32
    %dma_start3A_60 = arith.constant 2 : i32
    %dma_start3A_61 = arith.constant 0 : i32
    %dma_start3A_62 = tpu.memref_slice %arg7[%dma_start3A_60, %dma_start3A_61] : memref<6x104xi32, #tpu.memory_space<vmem>> -> memref<1x104xi32, #tpu.memory_space<vmem>>
    %dma_start3A_63 = tpu.memref_squeeze %dma_start3A_62 : memref<1x104xi32, #tpu.memory_space<vmem>> -> memref<104xi32, #tpu.memory_space<vmem>>
    %dma_start3A_64 = tpu.memref_slice %arg3[%add3A_59] : memref<320000xi32, #tpu.memory_space<hbm>> -> memref<104xi32, #tpu.memory_space<hbm>>
    %dma_start3A_65 = arith.constant 0 : i32
    %dma_start3A_66 = tpu.memref_slice %arg7[%dma_start3A_60, %dma_start3A_65] : memref<6x104xi32, #tpu.memory_space<vmem>> -> memref<1x104xi32, #tpu.memory_space<vmem>>
    %dma_start3A_67 = tpu.memref_squeeze %dma_start3A_66 : memref<1x104xi32, #tpu.memory_space<vmem>> -> memref<104xi32, #tpu.memory_space<vmem>>
    %dma_start3A_68 = tpu.memref_slice %arg3[%add3A_59] : memref<320000xi32, #tpu.memory_space<hbm>> -> memref<104xi32, #tpu.memory_space<hbm>>
    tpu.enqueue_dma source(%dma_start3A_68 : memref<104xi32, #tpu.memory_space<hbm>>) target(%dma_start3A_67 : memref<104xi32, #tpu.memory_space<vmem>>) target_semaphore(%arg20 : memref<!tpu.dma_semaphore, #tpu.memory_space<semaphore_mem>>)
    %add3A_69 = arith.constant 312 : i32
    %add3A_70 = arith.addi %mul3A_2, %add3A_69 : i32
    %dma_start3A_71 = arith.constant 3 : i32
    %dma_start3A_72 = arith.constant 0 : i32
    %dma_start3A_73 = tpu.memref_slice %arg7[%dma_start3A_71, %dma_start3A_72] : memref<6x104xi32, #tpu.memory_space<vmem>> -> memref<1x104xi32, #tpu.memory_space<vmem>>
    %dma_start3A_74 = tpu.memref_squeeze %dma_start3A_73 : memref<1x104xi32, #tpu.memory_space<vmem>> -> memref<104xi32, #tpu.memory_space<vmem>>
    %dma_start3A_75 = tpu.memref_slice %arg3[%add3A_70] : memref<320000xi32, #tpu.memory_space<hbm>> -> memref<104xi32, #tpu.memory_space<hbm>>
    %dma_start3A_76 = arith.constant 0 : i32
    %dma_start3A_77 = tpu.memref_slice %arg7[%dma_start3A_71, %dma_start3A_76] : memref<6x104xi32, #tpu.memory_space<vmem>> -> memref<1x104xi32, #tpu.memory_space<vmem>>
    %dma_start3A_78 = tpu.memref_squeeze %dma_start3A_77 : memref<1x104xi32, #tpu.memory_space<vmem>> -> memref<104xi32, #tpu.memory_space<vmem>>
    %dma_start3A_79 = tpu.memref_slice %arg3[%add3A_70] : memref<320000xi32, #tpu.memory_space<hbm>> -> memref<104xi32, #tpu.memory_space<hbm>>
    tpu.enqueue_dma source(%dma_start3A_79 : memref<104xi32, #tpu.memory_space<hbm>>) target(%dma_start3A_78 : memref<104xi32, #tpu.memory_space<vmem>>) target_semaphore(%arg21 : memref<!tpu.dma_semaphore, #tpu.memory_space<semaphore_mem>>)
    %add3A_80 = arith.constant 416 : i32
    %add3A_81 = arith.addi %mul3A_2, %add3A_80 : i32
    %dma_start3A_82 = arith.constant 4 : i32
    %dma_start3A_83 = arith.constant 0 : i32
    %dma_start3A_84 = tpu.memref_slice %arg7[%dma_start3A_82, %dma_start3A_83] : memref<6x104xi32, #tpu.memory_space<vmem>> -> memref<1x104xi32, #tpu.memory_space<vmem>>
    %dma_start3A_85 = tpu.memref_squeeze %dma_start3A_84 : memref<1x104xi32, #tpu.memory_space<vmem>> -> memref<104xi32, #tpu.memory_space<vmem>>
    %dma_start3A_86 = tpu.memref_slice %arg3[%add3A_81] : memref<320000xi32, #tpu.memory_space<hbm>> -> memref<104xi32, #tpu.memory_space<hbm>>
    %dma_start3A_87 = arith.constant 0 : i32
    %dma_start3A_88 = tpu.memref_slice %arg7[%dma_start3A_82, %dma_start3A_87] : memref<6x104xi32, #tpu.memory_space<vmem>> -> memref<1x104xi32, #tpu.memory_space<vmem>>
    %dma_start3A_89 = tpu.memref_squeeze %dma_start3A_88 : memref<1x104xi32, #tpu.memory_space<vmem>> -> memref<104xi32, #tpu.memory_space<vmem>>
    %dma_start3A_90 = tpu.memref_slice %arg3[%add3A_81] : memref<320000xi32, #tpu.memory_space<hbm>> -> memref<104xi32, #tpu.memory_space<hbm>>
    tpu.enqueue_dma source(%dma_start3A_90 : memref<104xi32, #tpu.memory_space<hbm>>) target(%dma_start3A_89 : memref<104xi32, #tpu.memory_space<vmem>>) target_semaphore(%arg22 : memref<!tpu.dma_semaphore, #tpu.memory_space<semaphore_mem>>)
    %add3A_91 = arith.constant 0 : i32
    %add3A_92 = arith.addi %mul3A_2, %add3A_91 : i32
    %dma_start3A_93 = arith.constant 0 : i32
    %dma_start3A_94 = arith.constant 0 : i32
    %dma_start3A_95 = tpu.memref_slice %arg8[%dma_start3A_93, %dma_start3A_94] : memref<6x104xi32, #tpu.memory_space<vmem>> -> memref<1x104xi32, #tpu.memory_space<vmem>>
    %dma_start3A_96 = tpu.memref_squeeze %dma_start3A_95 : memref<1x104xi32, #tpu.memory_space<vmem>> -> memref<104xi32, #tpu.memory_space<vmem>>
    %dma_start3A_97 = tpu.memref_slice %arg4[%add3A_92] : memref<320000xi32, #tpu.memory_space<hbm>> -> memref<104xi32, #tpu.memory_space<hbm>>
    %dma_start3A_98 = arith.constant 0 : i32
    %dma_start3A_99 = tpu.memref_slice %arg8[%dma_start3A_93, %dma_start3A_98] : memref<6x104xi32, #tpu.memory_space<vmem>> -> memref<1x104xi32, #tpu.memory_space<vmem>>
    %dma_start3A_100 = tpu.memref_squeeze %dma_start3A_99 : memref<1x104xi32, #tpu.memory_space<vmem>> -> memref<104xi32, #tpu.memory_space<vmem>>
    %dma_start3A_101 = tpu.memref_slice %arg4[%add3A_92] : memref<320000xi32, #tpu.memory_space<hbm>> -> memref<104xi32, #tpu.memory_space<hbm>>
    tpu.enqueue_dma source(%dma_start3A_101 : memref<104xi32, #tpu.memory_space<hbm>>) target(%dma_start3A_100 : memref<104xi32, #tpu.memory_space<vmem>>) target_semaphore(%arg24 : memref<!tpu.dma_semaphore, #tpu.memory_space<semaphore_mem>>)
    %add3A_102 = arith.constant 104 : i32
    %add3A_103 = arith.addi %mul3A_2, %add3A_102 : i32
    %dma_start3A_104 = arith.constant 1 : i32
    %dma_start3A_105 = arith.constant 0 : i32
    %dma_start3A_106 = tpu.memref_slice %arg8[%dma_start3A_104, %dma_start3A_105] : memref<6x104xi32, #tpu.memory_space<vmem>> -> memref<1x104xi32, #tpu.memory_space<vmem>>
    %dma_start3A_107 = tpu.memref_squeeze %dma_start3A_106 : memref<1x104xi32, #tpu.memory_space<vmem>> -> memref<104xi32, #tpu.memory_space<vmem>>
    %dma_start3A_108 = tpu.memref_slice %arg4[%add3A_103] : memref<320000xi32, #tpu.memory_space<hbm>> -> memref<104xi32, #tpu.memory_space<hbm>>
    %dma_start3A_109 = arith.constant 0 : i32
    %dma_start3A_110 = tpu.memref_slice %arg8[%dma_start3A_104, %dma_start3A_109] : memref<6x104xi32, #tpu.memory_space<vmem>> -> memref<1x104xi32, #tpu.memory_space<vmem>>
    %dma_start3A_111 = tpu.memref_squeeze %dma_start3A_110 : memref<1x104xi32, #tpu.memory_space<vmem>> -> memref<104xi32, #tpu.memory_space<vmem>>
    %dma_start3A_112 = tpu.memref_slice %arg4[%add3A_103] : memref<320000xi32, #tpu.memory_space<hbm>> -> memref<104xi32, #tpu.memory_space<hbm>>
    tpu.enqueue_dma source(%dma_start3A_112 : memref<104xi32, #tpu.memory_space<hbm>>) target(%dma_start3A_111 : memref<104xi32, #tpu.memory_space<vmem>>) target_semaphore(%arg25 : memref<!tpu.dma_semaphore, #tpu.memory_space<semaphore_mem>>)
    %add3A_113 = arith.constant 208 : i32
    %add3A_114 = arith.addi %mul3A_2, %add3A_113 : i32
    %dma_start3A_115 = arith.constant 2 : i32
    %dma_start3A_116 = arith.constant 0 : i32
    %dma_start3A_117 = tpu.memref_slice %arg8[%dma_start3A_115, %dma_start3A_116] : memref<6x104xi32, #tpu.memory_space<vmem>> -> memref<1x104xi32, #tpu.memory_space<vmem>>
    %dma_start3A_118 = tpu.memref_squeeze %dma_start3A_117 : memref<1x104xi32, #tpu.memory_space<vmem>> -> memref<104xi32, #tpu.memory_space<vmem>>
    %dma_start3A_119 = tpu.memref_slice %arg4[%add3A_114] : memref<320000xi32, #tpu.memory_space<hbm>> -> memref<104xi32, #tpu.memory_space<hbm>>
    %dma_start3A_120 = arith.constant 0 : i32
    %dma_start3A_121 = tpu.memref_slice %arg8[%dma_start3A_115, %dma_start3A_120] : memref<6x104xi32, #tpu.memory_space<vmem>> -> memref<1x104xi32, #tpu.memory_space<vmem>>
    %dma_start3A_122 = tpu.memref_squeeze %dma_start3A_121 : memref<1x104xi32, #tpu.memory_space<vmem>> -> memref<104xi32, #tpu.memory_space<vmem>>
    %dma_start3A_123 = tpu.memref_slice %arg4[%add3A_114] : memref<320000xi32, #tpu.memory_space<hbm>> -> memref<104xi32, #tpu.memory_space<hbm>>
    tpu.enqueue_dma source(%dma_start3A_123 : memref<104xi32, #tpu.memory_space<hbm>>) target(%dma_start3A_122 : memref<104xi32, #tpu.memory_space<vmem>>) target_semaphore(%arg26 : memref<!tpu.dma_semaphore, #tpu.memory_space<semaphore_mem>>)
    %add3A_124 = arith.constant 312 : i32
    %add3A_125 = arith.addi %mul3A_2, %add3A_124 : i32
    %dma_start3A_126 = arith.constant 3 : i32
    %dma_start3A_127 = arith.constant 0 : i32
    %dma_start3A_128 = tpu.memref_slice %arg8[%dma_start3A_126, %dma_start3A_127] : memref<6x104xi32, #tpu.memory_space<vmem>> -> memref<1x104xi32, #tpu.memory_space<vmem>>
    %dma_start3A_129 = tpu.memref_squeeze %dma_start3A_128 : memref<1x104xi32, #tpu.memory_space<vmem>> -> memref<104xi32, #tpu.memory_space<vmem>>
    %dma_start3A_130 = tpu.memref_slice %arg4[%add3A_125] : memref<320000xi32, #tpu.memory_space<hbm>> -> memref<104xi32, #tpu.memory_space<hbm>>
    %dma_start3A_131 = arith.constant 0 : i32
    %dma_start3A_132 = tpu.memref_slice %arg8[%dma_start3A_126, %dma_start3A_131] : memref<6x104xi32, #tpu.memory_space<vmem>> -> memref<1x104xi32, #tpu.memory_space<vmem>>
    %dma_start3A_133 = tpu.memref_squeeze %dma_start3A_132 : memref<1x104xi32, #tpu.memory_space<vmem>> -> memref<104xi32, #tpu.memory_space<vmem>>
    %dma_start3A_134 = tpu.memref_slice %arg4[%add3A_125] : memref<320000xi32, #tpu.memory_space<hbm>> -> memref<104xi32, #tpu.memory_space<hbm>>
    tpu.enqueue_dma source(%dma_start3A_134 : memref<104xi32, #tpu.memory_space<hbm>>) target(%dma_start3A_133 : memref<104xi32, #tpu.memory_space<vmem>>) target_semaphore(%arg27 : memref<!tpu.dma_semaphore, #tpu.memory_space<semaphore_mem>>)
    %add3A_135 = arith.constant 416 : i32
    %add3A_136 = arith.addi %mul3A_2, %add3A_135 : i32
    %dma_start3A_137 = arith.constant 4 : i32
    %dma_start3A_138 = arith.constant 0 : i32
    %dma_start3A_139 = tpu.memref_slice %arg8[%dma_start3A_137, %dma_start3A_138] : memref<6x104xi32, #tpu.memory_space<vmem>> -> memref<1x104xi32, #tpu.memory_space<vmem>>
    %dma_start3A_140 = tpu.memref_squeeze %dma_start3A_139 : memref<1x104xi32, #tpu.memory_space<vmem>> -> memref<104xi32, #tpu.memory_space<vmem>>
    %dma_start3A_141 = tpu.memref_slice %arg4[%add3A_136] : memref<320000xi32, #tpu.memory_space<hbm>> -> memref<104xi32, #tpu.memory_space<hbm>>
    %dma_start3A_142 = arith.constant 0 : i32
    %dma_start3A_143 = tpu.memref_slice %arg8[%dma_start3A_137, %dma_start3A_142] : memref<6x104xi32, #tpu.memory_space<vmem>> -> memref<1x104xi32, #tpu.memory_space<vmem>>
    %dma_start3A_144 = tpu.memref_squeeze %dma_start3A_143 : memref<1x104xi32, #tpu.memory_space<vmem>> -> memref<104xi32, #tpu.memory_space<vmem>>
    %dma_start3A_145 = tpu.memref_slice %arg4[%add3A_136] : memref<320000xi32, #tpu.memory_space<hbm>> -> memref<104xi32, #tpu.memory_space<hbm>>
    tpu.enqueue_dma source(%dma_start3A_145 : memref<104xi32, #tpu.memory_space<hbm>>) target(%dma_start3A_144 : memref<104xi32, #tpu.memory_space<vmem>>) target_semaphore(%arg28 : memref<!tpu.dma_semaphore, #tpu.memory_space<semaphore_mem>>)
    %add3A_146 = arith.constant 520 : i32
    %add3A_147 = arith.addi %mul3A_2, %add3A_146 : i32
    %dma_start3A_148 = arith.constant 5 : i32
    %dma_start3A_149 = arith.constant 0 : i32
    %dma_start3A_150 = tpu.memref_slice %arg8[%dma_start3A_148, %dma_start3A_149] : memref<6x104xi32, #tpu.memory_space<vmem>> -> memref<1x104xi32, #tpu.memory_space<vmem>>
    %dma_start3A_151 = tpu.memref_squeeze %dma_start3A_150 : memref<1x104xi32, #tpu.memory_space<vmem>> -> memref<104xi32, #tpu.memory_space<vmem>>
    %dma_start3A_152 = tpu.memref_slice %arg4[%add3A_147] : memref<320000xi32, #tpu.memory_space<hbm>> -> memref<104xi32, #tpu.memory_space<hbm>>
    %dma_start3A_153 = arith.constant 0 : i32
    %dma_start3A_154 = tpu.memref_slice %arg8[%dma_start3A_148, %dma_start3A_153] : memref<6x104xi32, #tpu.memory_space<vmem>> -> memref<1x104xi32, #tpu.memory_space<vmem>>
    %dma_start3A_155 = tpu.memref_squeeze %dma_start3A_154 : memref<1x104xi32, #tpu.memory_space<vmem>> -> memref<104xi32, #tpu.memory_space<vmem>>
    %dma_start3A_156 = tpu.memref_slice %arg4[%add3A_147] : memref<320000xi32, #tpu.memory_space<hbm>> -> memref<104xi32, #tpu.memory_space<hbm>>
    tpu.enqueue_dma source(%dma_start3A_156 : memref<104xi32, #tpu.memory_space<hbm>>) target(%dma_start3A_155 : memref<104xi32, #tpu.memory_space<vmem>>) target_semaphore(%arg29 : memref<!tpu.dma_semaphore, #tpu.memory_space<semaphore_mem>>)
    %scan3A_157 = arith.constant 0 : i32
    %scan3A_158 = arith.constant 0 : i32
    %scan3A_159 = arith.constant 16 : i32
    %scan3A_160 = arith.addi %scan3A_158, %scan3A_159 : i32
    %scan3A_161 = arith.constant 1 : i32
    %scan3A_162 = scf.for %scan3A_264 = %scan3A_158 to %scan3A_160 step %scan3A_161 iter_args(%scan3A_265 = %scan3A_157) -> (i32)  : i32 {
      %mul3A_266 = arith.constant 6 : i32
      %mul3A_267 = arith.muli %scan3A_264, %mul3A_266 : i32
      %add3A_268 = arith.constant 0 : i32
      %add3A_269 = arith.addi %mul3A_267, %add3A_268 : i32
      %gt3A = arith.constant 0 : i32
      %gt3A_270 = arith.cmpi sgt, %scan3A_264, %gt3A : i32
      %convert_element_type3A_271 = arith.extui %gt3A_270 : i1 to i32
      %cond3A_272 = arith.constant 0 : i32
      %cond3A_273 = arith.cmpi ne, %convert_element_type3A_271, %cond3A_272 : i32
      scf.if %cond3A_273 {
        %dma_wait3A_710 = arith.constant 0 : i32
        %dma_wait3A_711 = arith.constant 0 : i32
        %dma_wait3A_712 = arith.constant 0 : i32
        %dma_wait3A_713 = arith.constant 0 : i32
        %dma_wait3A_714 = tpu.memref_slice %arg6[%dma_wait3A_710, %dma_wait3A_712, %dma_wait3A_713] : memref<3x104x128xf32, #tpu.memory_space<vmem>> -> memref<1x104x128xf32, #tpu.memory_space<vmem>>
        %dma_wait3A_715 = tpu.memref_squeeze %dma_wait3A_714 : memref<1x104x128xf32, #tpu.memory_space<vmem>> -> memref<104x128xf32, #tpu.memory_space<vmem>>
        %dma_wait3A_716 = arith.constant 0 : i32
        %dma_wait3A_717 = tpu.memref_slice %arg8[%dma_wait3A_711, %dma_wait3A_716] : memref<6x104xi32, #tpu.memory_space<vmem>> -> memref<1x104xi32, #tpu.memory_space<vmem>>
        %dma_wait3A_718 = tpu.memref_squeeze %dma_wait3A_717 : memref<1x104xi32, #tpu.memory_space<vmem>> -> memref<104xi32, #tpu.memory_space<vmem>>
        %dma_wait3A_719 = arith.constant 0 : i32
        %dma_wait3A_720 = arith.constant 0 : i32
        %dma_wait3A_721 = tpu.memref_slice %arg11[%dma_wait3A_719, %dma_wait3A_720] : memref<10000x128xf32, #tpu.memory_space<vmem_shared>> -> memref<10000x128xf32, #tpu.memory_space<vmem_shared>>
        tpu.wait_indirect_dma semaphore(%arg15 : memref<!tpu.dma_semaphore, #tpu.memory_space<semaphore_mem>>) src(%dma_wait3A_715 : memref<104x128xf32, #tpu.memory_space<vmem>>) dst(%dma_wait3A_721 : memref<10000x128xf32, #tpu.memory_space<vmem_shared>>)
        %add3A_722 = arith.constant 3 : i32
        %add3A_723 = arith.addi %add3A_269, %add3A_722 : i32
        %lt3A_724 = arith.constant 96 : i32
        %lt3A_725 = arith.cmpi slt, %add3A_723, %lt3A_724 : i32
        %convert_element_type3A_726 = arith.extui %lt3A_725 : i1 to i32
        %cond3A_727 = arith.constant 0 : i32
        %cond3A_728 = arith.cmpi ne, %convert_element_type3A_726, %cond3A_727 : i32
        scf.if %cond3A_728 {
          %add3A_729 = arith.constant 3 : i32
          %add3A_730 = arith.addi %add3A_269, %add3A_729 : i32
          %mul3A_731 = arith.constant 104 : i32
          %mul3A_732 = arith.muli %add3A_730, %mul3A_731 : i32
          %multiple_of3A = tpu.assume_multiple %mul3A_732, 8 : i32
          %add3A_733 = arith.addi %mul3A_2, %multiple_of3A : i32
          %dma_start3A_734 = arith.constant 3 : i32
          %dma_start3A_735 = arith.constant 0 : i32
          %dma_start3A_736 = tpu.memref_slice %arg8[%dma_start3A_734, %dma_start3A_735] : memref<6x104xi32, #tpu.memory_space<vmem>> -> memref<1x104xi32, #tpu.memory_space<vmem>>
          %dma_start3A_737 = tpu.memref_squeeze %dma_start3A_736 : memref<1x104xi32, #tpu.memory_space<vmem>> -> memref<104xi32, #tpu.memory_space<vmem>>
          %dma_start3A_738 = tpu.memref_slice %arg4[%add3A_733] : memref<320000xi32, #tpu.memory_space<hbm>> -> memref<104xi32, #tpu.memory_space<hbm>>
          %dma_start3A_739 = arith.constant 0 : i32
          %dma_start3A_740 = tpu.memref_slice %arg8[%dma_start3A_734, %dma_start3A_739] : memref<6x104xi32, #tpu.memory_space<vmem>> -> memref<1x104xi32, #tpu.memory_space<vmem>>
          %dma_start3A_741 = tpu.memref_squeeze %dma_start3A_740 : memref<1x104xi32, #tpu.memory_space<vmem>> -> memref<104xi32, #tpu.memory_space<vmem>>
          %dma_start3A_742 = tpu.memref_slice %arg4[%add3A_733] : memref<320000xi32, #tpu.memory_space<hbm>> -> memref<104xi32, #tpu.memory_space<hbm>>
          tpu.enqueue_dma source(%dma_start3A_742 : memref<104xi32, #tpu.memory_space<hbm>>) target(%dma_start3A_741 : memref<104xi32, #tpu.memory_space<vmem>>) target_semaphore(%arg27 : memref<!tpu.dma_semaphore, #tpu.memory_space<semaphore_mem>>)
        } else {
        }
      } else {
      }
      %dma_wait3A_274 = arith.constant 0 : i32
      %dma_wait3A_275 = arith.constant 0 : i32
      %dma_wait3A_276 = tpu.memref_slice %arg7[%dma_wait3A_274, %dma_wait3A_275] : memref<6x104xi32, #tpu.memory_space<vmem>> -> memref<1x104xi32, #tpu.memory_space<vmem>>
      %dma_wait3A_277 = tpu.memref_squeeze %dma_wait3A_276 : memref<1x104xi32, #tpu.memory_space<vmem>> -> memref<104xi32, #tpu.memory_space<vmem>>
      %dma_wait3A_278 = tpu.memref_slice %arg3[%mul3A_2] : memref<320000xi32, #tpu.memory_space<hbm>> -> memref<104xi32, #tpu.memory_space<hbm>>
      %dma_wait3A_279 = arith.constant 0 : i32
      %dma_wait3A_280 = tpu.memref_slice %arg7[%dma_wait3A_274, %dma_wait3A_279] : memref<6x104xi32, #tpu.memory_space<vmem>> -> memref<1x104xi32, #tpu.memory_space<vmem>>
      %dma_wait3A_281 = tpu.memref_squeeze %dma_wait3A_280 : memref<1x104xi32, #tpu.memory_space<vmem>> -> memref<104xi32, #tpu.memory_space<vmem>>
      %dma_wait3A_282 = tpu.memref_slice %arg3[%mul3A_2] : memref<320000xi32, #tpu.memory_space<hbm>> -> memref<104xi32, #tpu.memory_space<hbm>>
      tpu.wait_dma2 semaphore(%arg18 : memref<!tpu.dma_semaphore, #tpu.memory_space<semaphore_mem>>) src(%dma_wait3A_282 : memref<104xi32, #tpu.memory_space<hbm>>) dst(%dma_wait3A_281 : memref<104xi32, #tpu.memory_space<vmem>>)
      %dma_start3A_283 = arith.constant 0 : i32
      %dma_start3A_284 = arith.constant 0 : i32
      %dma_start3A_285 = arith.constant 0 : i32
      %dma_start3A_286 = arith.constant 0 : i32
      %dma_start3A_287 = tpu.memref_slice %arg6[%dma_start3A_284, %dma_start3A_285, %dma_start3A_286] : memref<3x104x128xf32, #tpu.memory_space<vmem>> -> memref<1x104x128xf32, #tpu.memory_space<vmem>>
      %dma_start3A_288 = tpu.memref_squeeze %dma_start3A_287 : memref<1x104x128xf32, #tpu.memory_space<vmem>> -> memref<104x128xf32, #tpu.memory_space<vmem>>
      %dma_start3A_289 = arith.constant 0 : i32
      %dma_start3A_290 = tpu.memref_slice %arg7[%dma_start3A_283, %dma_start3A_289] : memref<6x104xi32, #tpu.memory_space<vmem>> -> memref<1x104xi32, #tpu.memory_space<vmem>>
      %dma_start3A_291 = tpu.memref_squeeze %dma_start3A_290 : memref<1x104xi32, #tpu.memory_space<vmem>> -> memref<104xi32, #tpu.memory_space<vmem>>
      %dma_start3A_292 = arith.constant 0 : i32
      %dma_start3A_293 = arith.constant 0 : i32
      %dma_start3A_294 = tpu.memref_slice %arg2[%dma_start3A_292, %dma_start3A_293] : memref<10000x128xf32, #tpu.memory_space<hbm>> -> memref<10000x128xf32, #tpu.memory_space<hbm>>
      tpu.enqueue_indirect_dma source(%dma_start3A_294 : memref<10000x128xf32, #tpu.memory_space<hbm>>) target(%dma_start3A_288 : memref<104x128xf32, #tpu.memory_space<vmem>>) offsets(%dma_start3A_291 : memref<104xi32, #tpu.memory_space<vmem>>) semaphore(%arg12 : memref<!tpu.dma_semaphore, #tpu.memory_space<semaphore_mem>>)
      %gt3A_295 = arith.constant 0 : i32
      %gt3A_296 = arith.cmpi sgt, %scan3A_264, %gt3A_295 : i32
      %convert_element_type3A_297 = arith.extui %gt3A_296 : i1 to i32
      %cond3A_298 = arith.constant 0 : i32
      %cond3A_299 = arith.cmpi ne, %convert_element_type3A_297, %cond3A_298 : i32
      scf.if %cond3A_299 {
        %dma_wait3A_710 = arith.constant 0 : i32
        %dma_wait3A_711 = arith.constant 2 : i32
        %dma_wait3A_712 = arith.constant 0 : i32
        %dma_wait3A_713 = arith.constant 0 : i32
        %dma_wait3A_714 = tpu.memref_slice %arg6[%dma_wait3A_711, %dma_wait3A_712, %dma_wait3A_713] : memref<3x104x128xf32, #tpu.memory_space<vmem>> -> memref<1x104x128xf32, #tpu.memory_space<vmem>>
        %dma_wait3A_715 = tpu.memref_squeeze %dma_wait3A_714 : memref<1x104x128xf32, #tpu.memory_space<vmem>> -> memref<104x128xf32, #tpu.memory_space<vmem>>
        %dma_wait3A_716 = arith.constant 0 : i32
        %dma_wait3A_717 = tpu.memref_slice %arg7[%dma_wait3A_710, %dma_wait3A_716] : memref<6x104xi32, #tpu.memory_space<vmem>> -> memref<1x104xi32, #tpu.memory_space<vmem>>
        %dma_wait3A_718 = tpu.memref_squeeze %dma_wait3A_717 : memref<1x104xi32, #tpu.memory_space<vmem>> -> memref<104xi32, #tpu.memory_space<vmem>>
        %dma_wait3A_719 = arith.constant 0 : i32
        %dma_wait3A_720 = arith.constant 0 : i32
        %dma_wait3A_721 = tpu.memref_slice %arg2[%dma_wait3A_719, %dma_wait3A_720] : memref<10000x128xf32, #tpu.memory_space<hbm>> -> memref<10000x128xf32, #tpu.memory_space<hbm>>
        tpu.wait_indirect_dma semaphore(%arg14 : memref<!tpu.dma_semaphore, #tpu.memory_space<semaphore_mem>>) src(%dma_wait3A_721 : memref<10000x128xf32, #tpu.memory_space<hbm>>) dst(%dma_wait3A_715 : memref<104x128xf32, #tpu.memory_space<vmem>>)
        %dma_wait3A_722 = arith.constant 5 : i32
        %dma_wait3A_723 = arith.constant 0 : i32
        %dma_wait3A_724 = tpu.memref_slice %arg8[%dma_wait3A_722, %dma_wait3A_723] : memref<6x104xi32, #tpu.memory_space<vmem>> -> memref<1x104xi32, #tpu.memory_space<vmem>>
        %dma_wait3A_725 = tpu.memref_squeeze %dma_wait3A_724 : memref<1x104xi32, #tpu.memory_space<vmem>> -> memref<104xi32, #tpu.memory_space<vmem>>
        %dma_wait3A_726 = tpu.memref_slice %arg4[%mul3A_2] : memref<320000xi32, #tpu.memory_space<hbm>> -> memref<104xi32, #tpu.memory_space<hbm>>
        %dma_wait3A_727 = arith.constant 0 : i32
        %dma_wait3A_728 = tpu.memref_slice %arg8[%dma_wait3A_722, %dma_wait3A_727] : memref<6x104xi32, #tpu.memory_space<vmem>> -> memref<1x104xi32, #tpu.memory_space<vmem>>
        %dma_wait3A_729 = tpu.memref_squeeze %dma_wait3A_728 : memref<1x104xi32, #tpu.memory_space<vmem>> -> memref<104xi32, #tpu.memory_space<vmem>>
        %dma_wait3A_730 = tpu.memref_slice %arg4[%mul3A_2] : memref<320000xi32, #tpu.memory_space<hbm>> -> memref<104xi32, #tpu.memory_space<hbm>>
        tpu.wait_dma2 semaphore(%arg29 : memref<!tpu.dma_semaphore, #tpu.memory_space<semaphore_mem>>) src(%dma_wait3A_730 : memref<104xi32, #tpu.memory_space<hbm>>) dst(%dma_wait3A_729 : memref<104xi32, #tpu.memory_space<vmem>>)
        %dma_start3A_731 = arith.constant 2 : i32
        %dma_start3A_732 = arith.constant 5 : i32
        %dma_start3A_733 = arith.constant 0 : i32
        %dma_start3A_734 = arith.constant 0 : i32
        %dma_start3A_735 = tpu.memref_slice %arg6[%dma_start3A_731, %dma_start3A_733, %dma_start3A_734] : memref<3x104x128xf32, #tpu.memory_space<vmem>> -> memref<1x104x128xf32, #tpu.memory_space<vmem>>
        %dma_start3A_736 = tpu.memref_squeeze %dma_start3A_735 : memref<1x104x128xf32, #tpu.memory_space<vmem>> -> memref<104x128xf32, #tpu.memory_space<vmem>>
        %dma_start3A_737 = arith.constant 0 : i32
        %dma_start3A_738 = tpu.memref_slice %arg8[%dma_start3A_732, %dma_start3A_737] : memref<6x104xi32, #tpu.memory_space<vmem>> -> memref<1x104xi32, #tpu.memory_space<vmem>>
        %dma_start3A_739 = tpu.memref_squeeze %dma_start3A_738 : memref<1x104xi32, #tpu.memory_space<vmem>> -> memref<104xi32, #tpu.memory_space<vmem>>
        %dma_start3A_740 = arith.constant 0 : i32
        %dma_start3A_741 = arith.constant 0 : i32
        %dma_start3A_742 = tpu.memref_slice %arg11[%dma_start3A_740, %dma_start3A_741] : memref<10000x128xf32, #tpu.memory_space<vmem_shared>> -> memref<10000x128xf32, #tpu.memory_space<vmem_shared>>
        tpu.enqueue_indirect_dma source(%dma_start3A_736 : memref<104x128xf32, #tpu.memory_space<vmem>>) target(%dma_start3A_742 : memref<10000x128xf32, #tpu.memory_space<vmem_shared>>) offsets(%dma_start3A_739 : memref<104xi32, #tpu.memory_space<vmem>>) semaphore(%arg17 : memref<!tpu.dma_semaphore, #tpu.memory_space<semaphore_mem>>) {add = true}
      } else {
      }
      %add3A_300 = arith.constant 6 : i32
      %add3A_301 = arith.addi %add3A_269, %add3A_300 : i32
      %sub3A = arith.constant 1 : i32
      %sub3A_302 = arith.subi %add3A_301, %sub3A : i32
      %lt3A = arith.constant 96 : i32
      %lt3A_303 = arith.cmpi slt, %sub3A_302, %lt3A : i32
      %convert_element_type3A_304 = arith.extui %lt3A_303 : i1 to i32
      %cond3A_305 = arith.constant 0 : i32
      %cond3A_306 = arith.cmpi ne, %convert_element_type3A_304, %cond3A_305 : i32
      scf.if %cond3A_306 {
        %add3A_710 = arith.constant 6 : i32
        %add3A_711 = arith.addi %add3A_269, %add3A_710 : i32
        %sub3A_712 = arith.constant 1 : i32
        %sub3A_713 = arith.subi %add3A_711, %sub3A_712 : i32
        %mul3A_714 = arith.constant 104 : i32
        %mul3A_715 = arith.muli %sub3A_713, %mul3A_714 : i32
        %multiple_of3A = tpu.assume_multiple %mul3A_715, 8 : i32
        %add3A_716 = arith.addi %mul3A_2, %multiple_of3A : i32
        %dma_start3A_717 = arith.constant 5 : i32
        %dma_start3A_718 = arith.constant 0 : i32
        %dma_start3A_719 = tpu.memref_slice %arg7[%dma_start3A_717, %dma_start3A_718] : memref<6x104xi32, #tpu.memory_space<vmem>> -> memref<1x104xi32, #tpu.memory_space<vmem>>
        %dma_start3A_720 = tpu.memref_squeeze %dma_start3A_719 : memref<1x104xi32, #tpu.memory_space<vmem>> -> memref<104xi32, #tpu.memory_space<vmem>>
        %dma_start3A_721 = tpu.memref_slice %arg3[%add3A_716] : memref<320000xi32, #tpu.memory_space<hbm>> -> memref<104xi32, #tpu.memory_space<hbm>>
        %dma_start3A_722 = arith.constant 0 : i32
        %dma_start3A_723 = tpu.memref_slice %arg7[%dma_start3A_717, %dma_start3A_722] : memref<6x104xi32, #tpu.memory_space<vmem>> -> memref<1x104xi32, #tpu.memory_space<vmem>>
        %dma_start3A_724 = tpu.memref_squeeze %dma_start3A_723 : memref<1x104xi32, #tpu.memory_space<vmem>> -> memref<104xi32, #tpu.memory_space<vmem>>
        %dma_start3A_725 = tpu.memref_slice %arg3[%add3A_716] : memref<320000xi32, #tpu.memory_space<hbm>> -> memref<104xi32, #tpu.memory_space<hbm>>
        tpu.enqueue_dma source(%dma_start3A_725 : memref<104xi32, #tpu.memory_space<hbm>>) target(%dma_start3A_724 : memref<104xi32, #tpu.memory_space<vmem>>) target_semaphore(%arg23 : memref<!tpu.dma_semaphore, #tpu.memory_space<semaphore_mem>>)
      } else {
      }
      %mul3A_307 = arith.constant 6 : i32
      %mul3A_308 = arith.muli %scan3A_264, %mul3A_307 : i32
      %add3A_309 = arith.constant 1 : i32
      %add3A_310 = arith.addi %mul3A_308, %add3A_309 : i32
      %gt3A_311 = arith.constant 0 : i32
      %gt3A_312 = arith.cmpi sgt, %scan3A_264, %gt3A_311 : i32
      %convert_element_type3A_313 = arith.extui %gt3A_312 : i1 to i32
      %cond3A_314 = arith.constant 0 : i32
      %cond3A_315 = arith.cmpi ne, %convert_element_type3A_313, %cond3A_314 : i32
      scf.if %cond3A_315 {
        %dma_wait3A_710 = arith.constant 1 : i32
        %dma_wait3A_711 = arith.constant 0 : i32
        %dma_wait3A_712 = arith.constant 0 : i32
        %dma_wait3A_713 = arith.constant 0 : i32
        %dma_wait3A_714 = tpu.memref_slice %arg6[%dma_wait3A_710, %dma_wait3A_712, %dma_wait3A_713] : memref<3x104x128xf32, #tpu.memory_space<vmem>> -> memref<1x104x128xf32, #tpu.memory_space<vmem>>
        %dma_wait3A_715 = tpu.memref_squeeze %dma_wait3A_714 : memref<1x104x128xf32, #tpu.memory_space<vmem>> -> memref<104x128xf32, #tpu.memory_space<vmem>>
        %dma_wait3A_716 = arith.constant 0 : i32
        %dma_wait3A_717 = tpu.memref_slice %arg8[%dma_wait3A_711, %dma_wait3A_716] : memref<6x104xi32, #tpu.memory_space<vmem>> -> memref<1x104xi32, #tpu.memory_space<vmem>>
        %dma_wait3A_718 = tpu.memref_squeeze %dma_wait3A_717 : memref<1x104xi32, #tpu.memory_space<vmem>> -> memref<104xi32, #tpu.memory_space<vmem>>
        %dma_wait3A_719 = arith.constant 0 : i32
        %dma_wait3A_720 = arith.constant 0 : i32
        %dma_wait3A_721 = tpu.memref_slice %arg11[%dma_wait3A_719, %dma_wait3A_720] : memref<10000x128xf32, #tpu.memory_space<vmem_shared>> -> memref<10000x128xf32, #tpu.memory_space<vmem_shared>>
        tpu.wait_indirect_dma semaphore(%arg16 : memref<!tpu.dma_semaphore, #tpu.memory_space<semaphore_mem>>) src(%dma_wait3A_715 : memref<104x128xf32, #tpu.memory_space<vmem>>) dst(%dma_wait3A_721 : memref<10000x128xf32, #tpu.memory_space<vmem_shared>>)
        %add3A_722 = arith.constant 3 : i32
        %add3A_723 = arith.addi %add3A_310, %add3A_722 : i32
        %lt3A_724 = arith.constant 96 : i32
        %lt3A_725 = arith.cmpi slt, %add3A_723, %lt3A_724 : i32
        %convert_element_type3A_726 = arith.extui %lt3A_725 : i1 to i32
        %cond3A_727 = arith.constant 0 : i32
        %cond3A_728 = arith.cmpi ne, %convert_element_type3A_726, %cond3A_727 : i32
        scf.if %cond3A_728 {
          %add3A_729 = arith.constant 3 : i32
          %add3A_730 = arith.addi %add3A_310, %add3A_729 : i32
          %mul3A_731 = arith.constant 104 : i32
          %mul3A_732 = arith.muli %add3A_730, %mul3A_731 : i32
          %multiple_of3A = tpu.assume_multiple %mul3A_732, 8 : i32
          %add3A_733 = arith.addi %mul3A_2, %multiple_of3A : i32
          %dma_start3A_734 = arith.constant 4 : i32
          %dma_start3A_735 = arith.constant 0 : i32
          %dma_start3A_736 = tpu.memref_slice %arg8[%dma_start3A_734, %dma_start3A_735] : memref<6x104xi32, #tpu.memory_space<vmem>> -> memref<1x104xi32, #tpu.memory_space<vmem>>
          %dma_start3A_737 = tpu.memref_squeeze %dma_start3A_736 : memref<1x104xi32, #tpu.memory_space<vmem>> -> memref<104xi32, #tpu.memory_space<vmem>>
          %dma_start3A_738 = tpu.memref_slice %arg4[%add3A_733] : memref<320000xi32, #tpu.memory_space<hbm>> -> memref<104xi32, #tpu.memory_space<hbm>>
          %dma_start3A_739 = arith.constant 0 : i32
          %dma_start3A_740 = tpu.memref_slice %arg8[%dma_start3A_734, %dma_start3A_739] : memref<6x104xi32, #tpu.memory_space<vmem>> -> memref<1x104xi32, #tpu.memory_space<vmem>>
          %dma_start3A_741 = tpu.memref_squeeze %dma_start3A_740 : memref<1x104xi32, #tpu.memory_space<vmem>> -> memref<104xi32, #tpu.memory_space<vmem>>
          %dma_start3A_742 = tpu.memref_slice %arg4[%add3A_733] : memref<320000xi32, #tpu.memory_space<hbm>> -> memref<104xi32, #tpu.memory_space<hbm>>
          tpu.enqueue_dma source(%dma_start3A_742 : memref<104xi32, #tpu.memory_space<hbm>>) target(%dma_start3A_741 : memref<104xi32, #tpu.memory_space<vmem>>) target_semaphore(%arg28 : memref<!tpu.dma_semaphore, #tpu.memory_space<semaphore_mem>>)
        } else {
        }
      } else {
      }
      %dma_wait3A_316 = arith.constant 1 : i32
      %dma_wait3A_317 = arith.constant 0 : i32
      %dma_wait3A_318 = tpu.memref_slice %arg7[%dma_wait3A_316, %dma_wait3A_317] : memref<6x104xi32, #tpu.memory_space<vmem>> -> memref<1x104xi32, #tpu.memory_space<vmem>>
      %dma_wait3A_319 = tpu.memref_squeeze %dma_wait3A_318 : memref<1x104xi32, #tpu.memory_space<vmem>> -> memref<104xi32, #tpu.memory_space<vmem>>
      %dma_wait3A_320 = tpu.memref_slice %arg3[%mul3A_2] : memref<320000xi32, #tpu.memory_space<hbm>> -> memref<104xi32, #tpu.memory_space<hbm>>
      %dma_wait3A_321 = arith.constant 0 : i32
      %dma_wait3A_322 = tpu.memref_slice %arg7[%dma_wait3A_316, %dma_wait3A_321] : memref<6x104xi32, #tpu.memory_space<vmem>> -> memref<1x104xi32, #tpu.memory_space<vmem>>
      %dma_wait3A_323 = tpu.memref_squeeze %dma_wait3A_322 : memref<1x104xi32, #tpu.memory_space<vmem>> -> memref<104xi32, #tpu.memory_space<vmem>>
      %dma_wait3A_324 = tpu.memref_slice %arg3[%mul3A_2] : memref<320000xi32, #tpu.memory_space<hbm>> -> memref<104xi32, #tpu.memory_space<hbm>>
      tpu.wait_dma2 semaphore(%arg19 : memref<!tpu.dma_semaphore, #tpu.memory_space<semaphore_mem>>) src(%dma_wait3A_324 : memref<104xi32, #tpu.memory_space<hbm>>) dst(%dma_wait3A_323 : memref<104xi32, #tpu.memory_space<vmem>>)
      %dma_start3A_325 = arith.constant 1 : i32
      %dma_start3A_326 = arith.constant 1 : i32
      %dma_start3A_327 = arith.constant 0 : i32
      %dma_start3A_328 = arith.constant 0 : i32
      %dma_start3A_329 = tpu.memref_slice %arg6[%dma_start3A_326, %dma_start3A_327, %dma_start3A_328] : memref<3x104x128xf32, #tpu.memory_space<vmem>> -> memref<1x104x128xf32, #tpu.memory_space<vmem>>
      %dma_start3A_330 = tpu.memref_squeeze %dma_start3A_329 : memref<1x104x128xf32, #tpu.memory_space<vmem>> -> memref<104x128xf32, #tpu.memory_space<vmem>>
      %dma_start3A_331 = arith.constant 0 : i32
      %dma_start3A_332 = tpu.memref_slice %arg7[%dma_start3A_325, %dma_start3A_331] : memref<6x104xi32, #tpu.memory_space<vmem>> -> memref<1x104xi32, #tpu.memory_space<vmem>>
      %dma_start3A_333 = tpu.memref_squeeze %dma_start3A_332 : memref<1x104xi32, #tpu.memory_space<vmem>> -> memref<104xi32, #tpu.memory_space<vmem>>
      %dma_start3A_334 = arith.constant 0 : i32
      %dma_start3A_335 = arith.constant 0 : i32
      %dma_start3A_336 = tpu.memref_slice %arg2[%dma_start3A_334, %dma_start3A_335] : memref<10000x128xf32, #tpu.memory_space<hbm>> -> memref<10000x128xf32, #tpu.memory_space<hbm>>
      tpu.enqueue_indirect_dma source(%dma_start3A_336 : memref<10000x128xf32, #tpu.memory_space<hbm>>) target(%dma_start3A_330 : memref<104x128xf32, #tpu.memory_space<vmem>>) offsets(%dma_start3A_333 : memref<104xi32, #tpu.memory_space<vmem>>) semaphore(%arg13 : memref<!tpu.dma_semaphore, #tpu.memory_space<semaphore_mem>>)
      %dma_wait3A_337 = arith.constant 0 : i32
      %dma_wait3A_338 = arith.constant 0 : i32
      %dma_wait3A_339 = arith.constant 0 : i32
      %dma_wait3A_340 = arith.constant 0 : i32
      %dma_wait3A_341 = tpu.memref_slice %arg6[%dma_wait3A_338, %dma_wait3A_339, %dma_wait3A_340] : memref<3x104x128xf32, #tpu.memory_space<vmem>> -> memref<1x104x128xf32, #tpu.memory_space<vmem>>
      %dma_wait3A_342 = tpu.memref_squeeze %dma_wait3A_341 : memref<1x104x128xf32, #tpu.memory_space<vmem>> -> memref<104x128xf32, #tpu.memory_space<vmem>>
      %dma_wait3A_343 = arith.constant 0 : i32
      %dma_wait3A_344 = tpu.memref_slice %arg7[%dma_wait3A_337, %dma_wait3A_343] : memref<6x104xi32, #tpu.memory_space<vmem>> -> memref<1x104xi32, #tpu.memory_space<vmem>>
      %dma_wait3A_345 = tpu.memref_squeeze %dma_wait3A_344 : memref<1x104xi32, #tpu.memory_space<vmem>> -> memref<104xi32, #tpu.memory_space<vmem>>
      %dma_wait3A_346 = arith.constant 0 : i32
      %dma_wait3A_347 = arith.constant 0 : i32
      %dma_wait3A_348 = tpu.memref_slice %arg2[%dma_wait3A_346, %dma_wait3A_347] : memref<10000x128xf32, #tpu.memory_space<hbm>> -> memref<10000x128xf32, #tpu.memory_space<hbm>>
      tpu.wait_indirect_dma semaphore(%arg12 : memref<!tpu.dma_semaphore, #tpu.memory_space<semaphore_mem>>) src(%dma_wait3A_348 : memref<10000x128xf32, #tpu.memory_space<hbm>>) dst(%dma_wait3A_342 : memref<104x128xf32, #tpu.memory_space<vmem>>)
      %dma_wait3A_349 = arith.constant 0 : i32
      %dma_wait3A_350 = arith.constant 0 : i32
      %dma_wait3A_351 = tpu.memref_slice %arg8[%dma_wait3A_349, %dma_wait3A_350] : memref<6x104xi32, #tpu.memory_space<vmem>> -> memref<1x104xi32, #tpu.memory_space<vmem>>
      %dma_wait3A_352 = tpu.memref_squeeze %dma_wait3A_351 : memref<1x104xi32, #tpu.memory_space<vmem>> -> memref<104xi32, #tpu.memory_space<vmem>>
      %dma_wait3A_353 = tpu.memref_slice %arg4[%mul3A_2] : memref<320000xi32, #tpu.memory_space<hbm>> -> memref<104xi32, #tpu.memory_space<hbm>>
      %dma_wait3A_354 = arith.constant 0 : i32
      %dma_wait3A_355 = tpu.memref_slice %arg8[%dma_wait3A_349, %dma_wait3A_354] : memref<6x104xi32, #tpu.memory_space<vmem>> -> memref<1x104xi32, #tpu.memory_space<vmem>>
      %dma_wait3A_356 = tpu.memref_squeeze %dma_wait3A_355 : memref<1x104xi32, #tpu.memory_space<vmem>> -> memref<104xi32, #tpu.memory_space<vmem>>
      %dma_wait3A_357 = tpu.memref_slice %arg4[%mul3A_2] : memref<320000xi32, #tpu.memory_space<hbm>> -> memref<104xi32, #tpu.memory_space<hbm>>
      tpu.wait_dma2 semaphore(%arg24 : memref<!tpu.dma_semaphore, #tpu.memory_space<semaphore_mem>>) src(%dma_wait3A_357 : memref<104xi32, #tpu.memory_space<hbm>>) dst(%dma_wait3A_356 : memref<104xi32, #tpu.memory_space<vmem>>)
      %dma_start3A_358 = arith.constant 0 : i32
      %dma_start3A_359 = arith.constant 0 : i32
      %dma_start3A_360 = arith.constant 0 : i32
      %dma_start3A_361 = arith.constant 0 : i32
      %dma_start3A_362 = tpu.memref_slice %arg6[%dma_start3A_358, %dma_start3A_360, %dma_start3A_361] : memref<3x104x128xf32, #tpu.memory_space<vmem>> -> memref<1x104x128xf32, #tpu.memory_space<vmem>>
      %dma_start3A_363 = tpu.memref_squeeze %dma_start3A_362 : memref<1x104x128xf32, #tpu.memory_space<vmem>> -> memref<104x128xf32, #tpu.memory_space<vmem>>
      %dma_start3A_364 = arith.constant 0 : i32
      %dma_start3A_365 = tpu.memref_slice %arg8[%dma_start3A_359, %dma_start3A_364] : memref<6x104xi32, #tpu.memory_space<vmem>> -> memref<1x104xi32, #tpu.memory_space<vmem>>
      %dma_start3A_366 = tpu.memref_squeeze %dma_start3A_365 : memref<1x104xi32, #tpu.memory_space<vmem>> -> memref<104xi32, #tpu.memory_space<vmem>>
      %dma_start3A_367 = arith.constant 0 : i32
      %dma_start3A_368 = arith.constant 0 : i32
      %dma_start3A_369 = tpu.memref_slice %arg11[%dma_start3A_367, %dma_start3A_368] : memref<10000x128xf32, #tpu.memory_space<vmem_shared>> -> memref<10000x128xf32, #tpu.memory_space<vmem_shared>>
      tpu.enqueue_indirect_dma source(%dma_start3A_363 : memref<104x128xf32, #tpu.memory_space<vmem>>) target(%dma_start3A_369 : memref<10000x128xf32, #tpu.memory_space<vmem_shared>>) offsets(%dma_start3A_366 : memref<104xi32, #tpu.memory_space<vmem>>) semaphore(%arg15 : memref<!tpu.dma_semaphore, #tpu.memory_space<semaphore_mem>>) {add = true}
      %add3A_370 = arith.constant 6 : i32
      %add3A_371 = arith.addi %add3A_310, %add3A_370 : i32
      %sub3A_372 = arith.constant 1 : i32
      %sub3A_373 = arith.subi %add3A_371, %sub3A_372 : i32
      %lt3A_374 = arith.constant 96 : i32
      %lt3A_375 = arith.cmpi slt, %sub3A_373, %lt3A_374 : i32
      %convert_element_type3A_376 = arith.extui %lt3A_375 : i1 to i32
      %cond3A_377 = arith.constant 0 : i32
      %cond3A_378 = arith.cmpi ne, %convert_element_type3A_376, %cond3A_377 : i32
      scf.if %cond3A_378 {
        %add3A_710 = arith.constant 6 : i32
        %add3A_711 = arith.addi %add3A_310, %add3A_710 : i32
        %sub3A_712 = arith.constant 1 : i32
        %sub3A_713 = arith.subi %add3A_711, %sub3A_712 : i32
        %mul3A_714 = arith.constant 104 : i32
        %mul3A_715 = arith.muli %sub3A_713, %mul3A_714 : i32
        %multiple_of3A = tpu.assume_multiple %mul3A_715, 8 : i32
        %add3A_716 = arith.addi %mul3A_2, %multiple_of3A : i32
        %dma_start3A_717 = arith.constant 0 : i32
        %dma_start3A_718 = arith.constant 0 : i32
        %dma_start3A_719 = tpu.memref_slice %arg7[%dma_start3A_717, %dma_start3A_718] : memref<6x104xi32, #tpu.memory_space<vmem>> -> memref<1x104xi32, #tpu.memory_space<vmem>>
        %dma_start3A_720 = tpu.memref_squeeze %dma_start3A_719 : memref<1x104xi32, #tpu.memory_space<vmem>> -> memref<104xi32, #tpu.memory_space<vmem>>
        %dma_start3A_721 = tpu.memref_slice %arg3[%add3A_716] : memref<320000xi32, #tpu.memory_space<hbm>> -> memref<104xi32, #tpu.memory_space<hbm>>
        %dma_start3A_722 = arith.constant 0 : i32
        %dma_start3A_723 = tpu.memref_slice %arg7[%dma_start3A_717, %dma_start3A_722] : memref<6x104xi32, #tpu.memory_space<vmem>> -> memref<1x104xi32, #tpu.memory_space<vmem>>
        %dma_start3A_724 = tpu.memref_squeeze %dma_start3A_723 : memref<1x104xi32, #tpu.memory_space<vmem>> -> memref<104xi32, #tpu.memory_space<vmem>>
        %dma_start3A_725 = tpu.memref_slice %arg3[%add3A_716] : memref<320000xi32, #tpu.memory_space<hbm>> -> memref<104xi32, #tpu.memory_space<hbm>>
        tpu.enqueue_dma source(%dma_start3A_725 : memref<104xi32, #tpu.memory_space<hbm>>) target(%dma_start3A_724 : memref<104xi32, #tpu.memory_space<vmem>>) target_semaphore(%arg18 : memref<!tpu.dma_semaphore, #tpu.memory_space<semaphore_mem>>)
      } else {
      }
      %mul3A_379 = arith.constant 6 : i32
      %mul3A_380 = arith.muli %scan3A_264, %mul3A_379 : i32
      %add3A_381 = arith.constant 2 : i32
      %add3A_382 = arith.addi %mul3A_380, %add3A_381 : i32
      %gt3A_383 = arith.constant 0 : i32
      %gt3A_384 = arith.cmpi sgt, %scan3A_264, %gt3A_383 : i32
      %convert_element_type3A_385 = arith.extui %gt3A_384 : i1 to i32
      %cond3A_386 = arith.constant 0 : i32
      %cond3A_387 = arith.cmpi ne, %convert_element_type3A_385, %cond3A_386 : i32
      scf.if %cond3A_387 {
        %dma_wait3A_710 = arith.constant 2 : i32
        %dma_wait3A_711 = arith.constant 0 : i32
        %dma_wait3A_712 = arith.constant 0 : i32
        %dma_wait3A_713 = arith.constant 0 : i32
        %dma_wait3A_714 = tpu.memref_slice %arg6[%dma_wait3A_710, %dma_wait3A_712, %dma_wait3A_713] : memref<3x104x128xf32, #tpu.memory_space<vmem>> -> memref<1x104x128xf32, #tpu.memory_space<vmem>>
        %dma_wait3A_715 = tpu.memref_squeeze %dma_wait3A_714 : memref<1x104x128xf32, #tpu.memory_space<vmem>> -> memref<104x128xf32, #tpu.memory_space<vmem>>
        %dma_wait3A_716 = arith.constant 0 : i32
        %dma_wait3A_717 = tpu.memref_slice %arg8[%dma_wait3A_711, %dma_wait3A_716] : memref<6x104xi32, #tpu.memory_space<vmem>> -> memref<1x104xi32, #tpu.memory_space<vmem>>
        %dma_wait3A_718 = tpu.memref_squeeze %dma_wait3A_717 : memref<1x104xi32, #tpu.memory_space<vmem>> -> memref<104xi32, #tpu.memory_space<vmem>>
        %dma_wait3A_719 = arith.constant 0 : i32
        %dma_wait3A_720 = arith.constant 0 : i32
        %dma_wait3A_721 = tpu.memref_slice %arg11[%dma_wait3A_719, %dma_wait3A_720] : memref<10000x128xf32, #tpu.memory_space<vmem_shared>> -> memref<10000x128xf32, #tpu.memory_space<vmem_shared>>
        tpu.wait_indirect_dma semaphore(%arg17 : memref<!tpu.dma_semaphore, #tpu.memory_space<semaphore_mem>>) src(%dma_wait3A_715 : memref<104x128xf32, #tpu.memory_space<vmem>>) dst(%dma_wait3A_721 : memref<10000x128xf32, #tpu.memory_space<vmem_shared>>)
        %add3A_722 = arith.constant 3 : i32
        %add3A_723 = arith.addi %add3A_382, %add3A_722 : i32
        %lt3A_724 = arith.constant 96 : i32
        %lt3A_725 = arith.cmpi slt, %add3A_723, %lt3A_724 : i32
        %convert_element_type3A_726 = arith.extui %lt3A_725 : i1 to i32
        %cond3A_727 = arith.constant 0 : i32
        %cond3A_728 = arith.cmpi ne, %convert_element_type3A_726, %cond3A_727 : i32
        scf.if %cond3A_728 {
          %add3A_729 = arith.constant 3 : i32
          %add3A_730 = arith.addi %add3A_382, %add3A_729 : i32
          %mul3A_731 = arith.constant 104 : i32
          %mul3A_732 = arith.muli %add3A_730, %mul3A_731 : i32
          %multiple_of3A = tpu.assume_multiple %mul3A_732, 8 : i32
          %add3A_733 = arith.addi %mul3A_2, %multiple_of3A : i32
          %dma_start3A_734 = arith.constant 5 : i32
          %dma_start3A_735 = arith.constant 0 : i32
          %dma_start3A_736 = tpu.memref_slice %arg8[%dma_start3A_734, %dma_start3A_735] : memref<6x104xi32, #tpu.memory_space<vmem>> -> memref<1x104xi32, #tpu.memory_space<vmem>>
          %dma_start3A_737 = tpu.memref_squeeze %dma_start3A_736 : memref<1x104xi32, #tpu.memory_space<vmem>> -> memref<104xi32, #tpu.memory_space<vmem>>
          %dma_start3A_738 = tpu.memref_slice %arg4[%add3A_733] : memref<320000xi32, #tpu.memory_space<hbm>> -> memref<104xi32, #tpu.memory_space<hbm>>
          %dma_start3A_739 = arith.constant 0 : i32
          %dma_start3A_740 = tpu.memref_slice %arg8[%dma_start3A_734, %dma_start3A_739] : memref<6x104xi32, #tpu.memory_space<vmem>> -> memref<1x104xi32, #tpu.memory_space<vmem>>
          %dma_start3A_741 = tpu.memref_squeeze %dma_start3A_740 : memref<1x104xi32, #tpu.memory_space<vmem>> -> memref<104xi32, #tpu.memory_space<vmem>>
          %dma_start3A_742 = tpu.memref_slice %arg4[%add3A_733] : memref<320000xi32, #tpu.memory_space<hbm>> -> memref<104xi32, #tpu.memory_space<hbm>>
          tpu.enqueue_dma source(%dma_start3A_742 : memref<104xi32, #tpu.memory_space<hbm>>) target(%dma_start3A_741 : memref<104xi32, #tpu.memory_space<vmem>>) target_semaphore(%arg29 : memref<!tpu.dma_semaphore, #tpu.memory_space<semaphore_mem>>)
        } else {
        }
      } else {
      }
      %dma_wait3A_388 = arith.constant 2 : i32
      %dma_wait3A_389 = arith.constant 0 : i32
      %dma_wait3A_390 = tpu.memref_slice %arg7[%dma_wait3A_388, %dma_wait3A_389] : memref<6x104xi32, #tpu.memory_space<vmem>> -> memref<1x104xi32, #tpu.memory_space<vmem>>
      %dma_wait3A_391 = tpu.memref_squeeze %dma_wait3A_390 : memref<1x104xi32, #tpu.memory_space<vmem>> -> memref<104xi32, #tpu.memory_space<vmem>>
      %dma_wait3A_392 = tpu.memref_slice %arg3[%mul3A_2] : memref<320000xi32, #tpu.memory_space<hbm>> -> memref<104xi32, #tpu.memory_space<hbm>>
      %dma_wait3A_393 = arith.constant 0 : i32
      %dma_wait3A_394 = tpu.memref_slice %arg7[%dma_wait3A_388, %dma_wait3A_393] : memref<6x104xi32, #tpu.memory_space<vmem>> -> memref<1x104xi32, #tpu.memory_space<vmem>>
      %dma_wait3A_395 = tpu.memref_squeeze %dma_wait3A_394 : memref<1x104xi32, #tpu.memory_space<vmem>> -> memref<104xi32, #tpu.memory_space<vmem>>
      %dma_wait3A_396 = tpu.memref_slice %arg3[%mul3A_2] : memref<320000xi32, #tpu.memory_space<hbm>> -> memref<104xi32, #tpu.memory_space<hbm>>
      tpu.wait_dma2 semaphore(%arg20 : memref<!tpu.dma_semaphore, #tpu.memory_space<semaphore_mem>>) src(%dma_wait3A_396 : memref<104xi32, #tpu.memory_space<hbm>>) dst(%dma_wait3A_395 : memref<104xi32, #tpu.memory_space<vmem>>)
      %dma_start3A_397 = arith.constant 2 : i32
      %dma_start3A_398 = arith.constant 2 : i32
      %dma_start3A_399 = arith.constant 0 : i32
      %dma_start3A_400 = arith.constant 0 : i32
      %dma_start3A_401 = tpu.memref_slice %arg6[%dma_start3A_398, %dma_start3A_399, %dma_start3A_400] : memref<3x104x128xf32, #tpu.memory_space<vmem>> -> memref<1x104x128xf32, #tpu.memory_space<vmem>>
      %dma_start3A_402 = tpu.memref_squeeze %dma_start3A_401 : memref<1x104x128xf32, #tpu.memory_space<vmem>> -> memref<104x128xf32, #tpu.memory_space<vmem>>
      %dma_start3A_403 = arith.constant 0 : i32
      %dma_start3A_404 = tpu.memref_slice %arg7[%dma_start3A_397, %dma_start3A_403] : memref<6x104xi32, #tpu.memory_space<vmem>> -> memref<1x104xi32, #tpu.memory_space<vmem>>
      %dma_start3A_405 = tpu.memref_squeeze %dma_start3A_404 : memref<1x104xi32, #tpu.memory_space<vmem>> -> memref<104xi32, #tpu.memory_space<vmem>>
      %dma_start3A_406 = arith.constant 0 : i32
      %dma_start3A_407 = arith.constant 0 : i32
      %dma_start3A_408 = tpu.memref_slice %arg2[%dma_start3A_406, %dma_start3A_407] : memref<10000x128xf32, #tpu.memory_space<hbm>> -> memref<10000x128xf32, #tpu.memory_space<hbm>>
      tpu.enqueue_indirect_dma source(%dma_start3A_408 : memref<10000x128xf32, #tpu.memory_space<hbm>>) target(%dma_start3A_402 : memref<104x128xf32, #tpu.memory_space<vmem>>) offsets(%dma_start3A_405 : memref<104xi32, #tpu.memory_space<vmem>>) semaphore(%arg14 : memref<!tpu.dma_semaphore, #tpu.memory_space<semaphore_mem>>)
      %dma_wait3A_409 = arith.constant 0 : i32
      %dma_wait3A_410 = arith.constant 1 : i32
      %dma_wait3A_411 = arith.constant 0 : i32
      %dma_wait3A_412 = arith.constant 0 : i32
      %dma_wait3A_413 = tpu.memref_slice %arg6[%dma_wait3A_410, %dma_wait3A_411, %dma_wait3A_412] : memref<3x104x128xf32, #tpu.memory_space<vmem>> -> memref<1x104x128xf32, #tpu.memory_space<vmem>>
      %dma_wait3A_414 = tpu.memref_squeeze %dma_wait3A_413 : memref<1x104x128xf32, #tpu.memory_space<vmem>> -> memref<104x128xf32, #tpu.memory_space<vmem>>
      %dma_wait3A_415 = arith.constant 0 : i32
      %dma_wait3A_416 = tpu.memref_slice %arg7[%dma_wait3A_409, %dma_wait3A_415] : memref<6x104xi32, #tpu.memory_space<vmem>> -> memref<1x104xi32, #tpu.memory_space<vmem>>
      %dma_wait3A_417 = tpu.memref_squeeze %dma_wait3A_416 : memref<1x104xi32, #tpu.memory_space<vmem>> -> memref<104xi32, #tpu.memory_space<vmem>>
      %dma_wait3A_418 = arith.constant 0 : i32
      %dma_wait3A_419 = arith.constant 0 : i32
      %dma_wait3A_420 = tpu.memref_slice %arg2[%dma_wait3A_418, %dma_wait3A_419] : memref<10000x128xf32, #tpu.memory_space<hbm>> -> memref<10000x128xf32, #tpu.memory_space<hbm>>
      tpu.wait_indirect_dma semaphore(%arg13 : memref<!tpu.dma_semaphore, #tpu.memory_space<semaphore_mem>>) src(%dma_wait3A_420 : memref<10000x128xf32, #tpu.memory_space<hbm>>) dst(%dma_wait3A_414 : memref<104x128xf32, #tpu.memory_space<vmem>>)
      %dma_wait3A_421 = arith.constant 1 : i32
      %dma_wait3A_422 = arith.constant 0 : i32
      %dma_wait3A_423 = tpu.memref_slice %arg8[%dma_wait3A_421, %dma_wait3A_422] : memref<6x104xi32, #tpu.memory_space<vmem>> -> memref<1x104xi32, #tpu.memory_space<vmem>>
      %dma_wait3A_424 = tpu.memref_squeeze %dma_wait3A_423 : memref<1x104xi32, #tpu.memory_space<vmem>> -> memref<104xi32, #tpu.memory_space<vmem>>
      %dma_wait3A_425 = tpu.memref_slice %arg4[%mul3A_2] : memref<320000xi32, #tpu.memory_space<hbm>> -> memref<104xi32, #tpu.memory_space<hbm>>
      %dma_wait3A_426 = arith.constant 0 : i32
      %dma_wait3A_427 = tpu.memref_slice %arg8[%dma_wait3A_421, %dma_wait3A_426] : memref<6x104xi32, #tpu.memory_space<vmem>> -> memref<1x104xi32, #tpu.memory_space<vmem>>
      %dma_wait3A_428 = tpu.memref_squeeze %dma_wait3A_427 : memref<1x104xi32, #tpu.memory_space<vmem>> -> memref<104xi32, #tpu.memory_space<vmem>>
      %dma_wait3A_429 = tpu.memref_slice %arg4[%mul3A_2] : memref<320000xi32, #tpu.memory_space<hbm>> -> memref<104xi32, #tpu.memory_space<hbm>>
      tpu.wait_dma2 semaphore(%arg25 : memref<!tpu.dma_semaphore, #tpu.memory_space<semaphore_mem>>) src(%dma_wait3A_429 : memref<104xi32, #tpu.memory_space<hbm>>) dst(%dma_wait3A_428 : memref<104xi32, #tpu.memory_space<vmem>>)
      %dma_start3A_430 = arith.constant 1 : i32
      %dma_start3A_431 = arith.constant 1 : i32
      %dma_start3A_432 = arith.constant 0 : i32
      %dma_start3A_433 = arith.constant 0 : i32
      %dma_start3A_434 = tpu.memref_slice %arg6[%dma_start3A_430, %dma_start3A_432, %dma_start3A_433] : memref<3x104x128xf32, #tpu.memory_space<vmem>> -> memref<1x104x128xf32, #tpu.memory_space<vmem>>
      %dma_start3A_435 = tpu.memref_squeeze %dma_start3A_434 : memref<1x104x128xf32, #tpu.memory_space<vmem>> -> memref<104x128xf32, #tpu.memory_space<vmem>>
      %dma_start3A_436 = arith.constant 0 : i32
      %dma_start3A_437 = tpu.memref_slice %arg8[%dma_start3A_431, %dma_start3A_436] : memref<6x104xi32, #tpu.memory_space<vmem>> -> memref<1x104xi32, #tpu.memory_space<vmem>>
      %dma_start3A_438 = tpu.memref_squeeze %dma_start3A_437 : memref<1x104xi32, #tpu.memory_space<vmem>> -> memref<104xi32, #tpu.memory_space<vmem>>
      %dma_start3A_439 = arith.constant 0 : i32
      %dma_start3A_440 = arith.constant 0 : i32
      %dma_start3A_441 = tpu.memref_slice %arg11[%dma_start3A_439, %dma_start3A_440] : memref<10000x128xf32, #tpu.memory_space<vmem_shared>> -> memref<10000x128xf32, #tpu.memory_space<vmem_shared>>
      tpu.enqueue_indirect_dma source(%dma_start3A_435 : memref<104x128xf32, #tpu.memory_space<vmem>>) target(%dma_start3A_441 : memref<10000x128xf32, #tpu.memory_space<vmem_shared>>) offsets(%dma_start3A_438 : memref<104xi32, #tpu.memory_space<vmem>>) semaphore(%arg16 : memref<!tpu.dma_semaphore, #tpu.memory_space<semaphore_mem>>) {add = true}
      %add3A_442 = arith.constant 6 : i32
      %add3A_443 = arith.addi %add3A_382, %add3A_442 : i32
      %sub3A_444 = arith.constant 1 : i32
      %sub3A_445 = arith.subi %add3A_443, %sub3A_444 : i32
      %lt3A_446 = arith.constant 96 : i32
      %lt3A_447 = arith.cmpi slt, %sub3A_445, %lt3A_446 : i32
      %convert_element_type3A_448 = arith.extui %lt3A_447 : i1 to i32
      %cond3A_449 = arith.constant 0 : i32
      %cond3A_450 = arith.cmpi ne, %convert_element_type3A_448, %cond3A_449 : i32
      scf.if %cond3A_450 {
        %add3A_710 = arith.constant 6 : i32
        %add3A_711 = arith.addi %add3A_382, %add3A_710 : i32
        %sub3A_712 = arith.constant 1 : i32
        %sub3A_713 = arith.subi %add3A_711, %sub3A_712 : i32
        %mul3A_714 = arith.constant 104 : i32
        %mul3A_715 = arith.muli %sub3A_713, %mul3A_714 : i32
        %multiple_of3A = tpu.assume_multiple %mul3A_715, 8 : i32
        %add3A_716 = arith.addi %mul3A_2, %multiple_of3A : i32
        %dma_start3A_717 = arith.constant 1 : i32
        %dma_start3A_718 = arith.constant 0 : i32
        %dma_start3A_719 = tpu.memref_slice %arg7[%dma_start3A_717, %dma_start3A_718] : memref<6x104xi32, #tpu.memory_space<vmem>> -> memref<1x104xi32, #tpu.memory_space<vmem>>
        %dma_start3A_720 = tpu.memref_squeeze %dma_start3A_719 : memref<1x104xi32, #tpu.memory_space<vmem>> -> memref<104xi32, #tpu.memory_space<vmem>>
        %dma_start3A_721 = tpu.memref_slice %arg3[%add3A_716] : memref<320000xi32, #tpu.memory_space<hbm>> -> memref<104xi32, #tpu.memory_space<hbm>>
        %dma_start3A_722 = arith.constant 0 : i32
        %dma_start3A_723 = tpu.memref_slice %arg7[%dma_start3A_717, %dma_start3A_722] : memref<6x104xi32, #tpu.memory_space<vmem>> -> memref<1x104xi32, #tpu.memory_space<vmem>>
        %dma_start3A_724 = tpu.memref_squeeze %dma_start3A_723 : memref<1x104xi32, #tpu.memory_space<vmem>> -> memref<104xi32, #tpu.memory_space<vmem>>
        %dma_start3A_725 = tpu.memref_slice %arg3[%add3A_716] : memref<320000xi32, #tpu.memory_space<hbm>> -> memref<104xi32, #tpu.memory_space<hbm>>
        tpu.enqueue_dma source(%dma_start3A_725 : memref<104xi32, #tpu.memory_space<hbm>>) target(%dma_start3A_724 : memref<104xi32, #tpu.memory_space<vmem>>) target_semaphore(%arg19 : memref<!tpu.dma_semaphore, #tpu.memory_space<semaphore_mem>>)
      } else {
      }
      %mul3A_451 = arith.constant 6 : i32
      %mul3A_452 = arith.muli %scan3A_264, %mul3A_451 : i32
      %add3A_453 = arith.constant 3 : i32
      %add3A_454 = arith.addi %mul3A_452, %add3A_453 : i32
      %dma_wait3A_455 = arith.constant 0 : i32
      %dma_wait3A_456 = arith.constant 0 : i32
      %dma_wait3A_457 = arith.constant 0 : i32
      %dma_wait3A_458 = arith.constant 0 : i32
      %dma_wait3A_459 = tpu.memref_slice %arg6[%dma_wait3A_455, %dma_wait3A_457, %dma_wait3A_458] : memref<3x104x128xf32, #tpu.memory_space<vmem>> -> memref<1x104x128xf32, #tpu.memory_space<vmem>>
      %dma_wait3A_460 = tpu.memref_squeeze %dma_wait3A_459 : memref<1x104x128xf32, #tpu.memory_space<vmem>> -> memref<104x128xf32, #tpu.memory_space<vmem>>
      %dma_wait3A_461 = arith.constant 0 : i32
      %dma_wait3A_462 = tpu.memref_slice %arg8[%dma_wait3A_456, %dma_wait3A_461] : memref<6x104xi32, #tpu.memory_space<vmem>> -> memref<1x104xi32, #tpu.memory_space<vmem>>
      %dma_wait3A_463 = tpu.memref_squeeze %dma_wait3A_462 : memref<1x104xi32, #tpu.memory_space<vmem>> -> memref<104xi32, #tpu.memory_space<vmem>>
      %dma_wait3A_464 = arith.constant 0 : i32
      %dma_wait3A_465 = arith.constant 0 : i32
      %dma_wait3A_466 = tpu.memref_slice %arg11[%dma_wait3A_464, %dma_wait3A_465] : memref<10000x128xf32, #tpu.memory_space<vmem_shared>> -> memref<10000x128xf32, #tpu.memory_space<vmem_shared>>
      tpu.wait_indirect_dma semaphore(%arg15 : memref<!tpu.dma_semaphore, #tpu.memory_space<semaphore_mem>>) src(%dma_wait3A_460 : memref<104x128xf32, #tpu.memory_space<vmem>>) dst(%dma_wait3A_466 : memref<10000x128xf32, #tpu.memory_space<vmem_shared>>)
      %add3A_467 = arith.constant 3 : i32
      %add3A_468 = arith.addi %add3A_454, %add3A_467 : i32
      %lt3A_469 = arith.constant 96 : i32
      %lt3A_470 = arith.cmpi slt, %add3A_468, %lt3A_469 : i32
      %convert_element_type3A_471 = arith.extui %lt3A_470 : i1 to i32
      %cond3A_472 = arith.constant 0 : i32
      %cond3A_473 = arith.cmpi ne, %convert_element_type3A_471, %cond3A_472 : i32
      scf.if %cond3A_473 {
        %add3A_710 = arith.constant 3 : i32
        %add3A_711 = arith.addi %add3A_454, %add3A_710 : i32
        %mul3A_712 = arith.constant 104 : i32
        %mul3A_713 = arith.muli %add3A_711, %mul3A_712 : i32
        %multiple_of3A = tpu.assume_multiple %mul3A_713, 8 : i32
        %add3A_714 = arith.addi %mul3A_2, %multiple_of3A : i32
        %dma_start3A_715 = arith.constant 0 : i32
        %dma_start3A_716 = arith.constant 0 : i32
        %dma_start3A_717 = tpu.memref_slice %arg8[%dma_start3A_715, %dma_start3A_716] : memref<6x104xi32, #tpu.memory_space<vmem>> -> memref<1x104xi32, #tpu.memory_space<vmem>>
        %dma_start3A_718 = tpu.memref_squeeze %dma_start3A_717 : memref<1x104xi32, #tpu.memory_space<vmem>> -> memref<104xi32, #tpu.memory_space<vmem>>
        %dma_start3A_719 = tpu.memref_slice %arg4[%add3A_714] : memref<320000xi32, #tpu.memory_space<hbm>> -> memref<104xi32, #tpu.memory_space<hbm>>
        %dma_start3A_720 = arith.constant 0 : i32
        %dma_start3A_721 = tpu.memref_slice %arg8[%dma_start3A_715, %dma_start3A_720] : memref<6x104xi32, #tpu.memory_space<vmem>> -> memref<1x104xi32, #tpu.memory_space<vmem>>
        %dma_start3A_722 = tpu.memref_squeeze %dma_start3A_721 : memref<1x104xi32, #tpu.memory_space<vmem>> -> memref<104xi32, #tpu.memory_space<vmem>>
        %dma_start3A_723 = tpu.memref_slice %arg4[%add3A_714] : memref<320000xi32, #tpu.memory_space<hbm>> -> memref<104xi32, #tpu.memory_space<hbm>>
        tpu.enqueue_dma source(%dma_start3A_723 : memref<104xi32, #tpu.memory_space<hbm>>) target(%dma_start3A_722 : memref<104xi32, #tpu.memory_space<vmem>>) target_semaphore(%arg24 : memref<!tpu.dma_semaphore, #tpu.memory_space<semaphore_mem>>)
      } else {
      }
      %dma_wait3A_474 = arith.constant 3 : i32
      %dma_wait3A_475 = arith.constant 0 : i32
      %dma_wait3A_476 = tpu.memref_slice %arg7[%dma_wait3A_474, %dma_wait3A_475] : memref<6x104xi32, #tpu.memory_space<vmem>> -> memref<1x104xi32, #tpu.memory_space<vmem>>
      %dma_wait3A_477 = tpu.memref_squeeze %dma_wait3A_476 : memref<1x104xi32, #tpu.memory_space<vmem>> -> memref<104xi32, #tpu.memory_space<vmem>>
      %dma_wait3A_478 = tpu.memref_slice %arg3[%mul3A_2] : memref<320000xi32, #tpu.memory_space<hbm>> -> memref<104xi32, #tpu.memory_space<hbm>>
      %dma_wait3A_479 = arith.constant 0 : i32
      %dma_wait3A_480 = tpu.memref_slice %arg7[%dma_wait3A_474, %dma_wait3A_479] : memref<6x104xi32, #tpu.memory_space<vmem>> -> memref<1x104xi32, #tpu.memory_space<vmem>>
      %dma_wait3A_481 = tpu.memref_squeeze %dma_wait3A_480 : memref<1x104xi32, #tpu.memory_space<vmem>> -> memref<104xi32, #tpu.memory_space<vmem>>
      %dma_wait3A_482 = tpu.memref_slice %arg3[%mul3A_2] : memref<320000xi32, #tpu.memory_space<hbm>> -> memref<104xi32, #tpu.memory_space<hbm>>
      tpu.wait_dma2 semaphore(%arg21 : memref<!tpu.dma_semaphore, #tpu.memory_space<semaphore_mem>>) src(%dma_wait3A_482 : memref<104xi32, #tpu.memory_space<hbm>>) dst(%dma_wait3A_481 : memref<104xi32, #tpu.memory_space<vmem>>)
      %dma_start3A_483 = arith.constant 3 : i32
      %dma_start3A_484 = arith.constant 0 : i32
      %dma_start3A_485 = arith.constant 0 : i32
      %dma_start3A_486 = arith.constant 0 : i32
      %dma_start3A_487 = tpu.memref_slice %arg6[%dma_start3A_484, %dma_start3A_485, %dma_start3A_486] : memref<3x104x128xf32, #tpu.memory_space<vmem>> -> memref<1x104x128xf32, #tpu.memory_space<vmem>>
      %dma_start3A_488 = tpu.memref_squeeze %dma_start3A_487 : memref<1x104x128xf32, #tpu.memory_space<vmem>> -> memref<104x128xf32, #tpu.memory_space<vmem>>
      %dma_start3A_489 = arith.constant 0 : i32
      %dma_start3A_490 = tpu.memref_slice %arg7[%dma_start3A_483, %dma_start3A_489] : memref<6x104xi32, #tpu.memory_space<vmem>> -> memref<1x104xi32, #tpu.memory_space<vmem>>
      %dma_start3A_491 = tpu.memref_squeeze %dma_start3A_490 : memref<1x104xi32, #tpu.memory_space<vmem>> -> memref<104xi32, #tpu.memory_space<vmem>>
      %dma_start3A_492 = arith.constant 0 : i32
      %dma_start3A_493 = arith.constant 0 : i32
      %dma_start3A_494 = tpu.memref_slice %arg2[%dma_start3A_492, %dma_start3A_493] : memref<10000x128xf32, #tpu.memory_space<hbm>> -> memref<10000x128xf32, #tpu.memory_space<hbm>>
      tpu.enqueue_indirect_dma source(%dma_start3A_494 : memref<10000x128xf32, #tpu.memory_space<hbm>>) target(%dma_start3A_488 : memref<104x128xf32, #tpu.memory_space<vmem>>) offsets(%dma_start3A_491 : memref<104xi32, #tpu.memory_space<vmem>>) semaphore(%arg12 : memref<!tpu.dma_semaphore, #tpu.memory_space<semaphore_mem>>)
      %dma_wait3A_495 = arith.constant 0 : i32
      %dma_wait3A_496 = arith.constant 2 : i32
      %dma_wait3A_497 = arith.constant 0 : i32
      %dma_wait3A_498 = arith.constant 0 : i32
      %dma_wait3A_499 = tpu.memref_slice %arg6[%dma_wait3A_496, %dma_wait3A_497, %dma_wait3A_498] : memref<3x104x128xf32, #tpu.memory_space<vmem>> -> memref<1x104x128xf32, #tpu.memory_space<vmem>>
      %dma_wait3A_500 = tpu.memref_squeeze %dma_wait3A_499 : memref<1x104x128xf32, #tpu.memory_space<vmem>> -> memref<104x128xf32, #tpu.memory_space<vmem>>
      %dma_wait3A_501 = arith.constant 0 : i32
      %dma_wait3A_502 = tpu.memref_slice %arg7[%dma_wait3A_495, %dma_wait3A_501] : memref<6x104xi32, #tpu.memory_space<vmem>> -> memref<1x104xi32, #tpu.memory_space<vmem>>
      %dma_wait3A_503 = tpu.memref_squeeze %dma_wait3A_502 : memref<1x104xi32, #tpu.memory_space<vmem>> -> memref<104xi32, #tpu.memory_space<vmem>>
      %dma_wait3A_504 = arith.constant 0 : i32
      %dma_wait3A_505 = arith.constant 0 : i32
      %dma_wait3A_506 = tpu.memref_slice %arg2[%dma_wait3A_504, %dma_wait3A_505] : memref<10000x128xf32, #tpu.memory_space<hbm>> -> memref<10000x128xf32, #tpu.memory_space<hbm>>
      tpu.wait_indirect_dma semaphore(%arg14 : memref<!tpu.dma_semaphore, #tpu.memory_space<semaphore_mem>>) src(%dma_wait3A_506 : memref<10000x128xf32, #tpu.memory_space<hbm>>) dst(%dma_wait3A_500 : memref<104x128xf32, #tpu.memory_space<vmem>>)
      %dma_wait3A_507 = arith.constant 2 : i32
      %dma_wait3A_508 = arith.constant 0 : i32
      %dma_wait3A_509 = tpu.memref_slice %arg8[%dma_wait3A_507, %dma_wait3A_508] : memref<6x104xi32, #tpu.memory_space<vmem>> -> memref<1x104xi32, #tpu.memory_space<vmem>>
      %dma_wait3A_510 = tpu.memref_squeeze %dma_wait3A_509 : memref<1x104xi32, #tpu.memory_space<vmem>> -> memref<104xi32, #tpu.memory_space<vmem>>
      %dma_wait3A_511 = tpu.memref_slice %arg4[%mul3A_2] : memref<320000xi32, #tpu.memory_space<hbm>> -> memref<104xi32, #tpu.memory_space<hbm>>
      %dma_wait3A_512 = arith.constant 0 : i32
      %dma_wait3A_513 = tpu.memref_slice %arg8[%dma_wait3A_507, %dma_wait3A_512] : memref<6x104xi32, #tpu.memory_space<vmem>> -> memref<1x104xi32, #tpu.memory_space<vmem>>
      %dma_wait3A_514 = tpu.memref_squeeze %dma_wait3A_513 : memref<1x104xi32, #tpu.memory_space<vmem>> -> memref<104xi32, #tpu.memory_space<vmem>>
      %dma_wait3A_515 = tpu.memref_slice %arg4[%mul3A_2] : memref<320000xi32, #tpu.memory_space<hbm>> -> memref<104xi32, #tpu.memory_space<hbm>>
      tpu.wait_dma2 semaphore(%arg26 : memref<!tpu.dma_semaphore, #tpu.memory_space<semaphore_mem>>) src(%dma_wait3A_515 : memref<104xi32, #tpu.memory_space<hbm>>) dst(%dma_wait3A_514 : memref<104xi32, #tpu.memory_space<vmem>>)
      %dma_start3A_516 = arith.constant 2 : i32
      %dma_start3A_517 = arith.constant 2 : i32
      %dma_start3A_518 = arith.constant 0 : i32
      %dma_start3A_519 = arith.constant 0 : i32
      %dma_start3A_520 = tpu.memref_slice %arg6[%dma_start3A_516, %dma_start3A_518, %dma_start3A_519] : memref<3x104x128xf32, #tpu.memory_space<vmem>> -> memref<1x104x128xf32, #tpu.memory_space<vmem>>
      %dma_start3A_521 = tpu.memref_squeeze %dma_start3A_520 : memref<1x104x128xf32, #tpu.memory_space<vmem>> -> memref<104x128xf32, #tpu.memory_space<vmem>>
      %dma_start3A_522 = arith.constant 0 : i32
      %dma_start3A_523 = tpu.memref_slice %arg8[%dma_start3A_517, %dma_start3A_522] : memref<6x104xi32, #tpu.memory_space<vmem>> -> memref<1x104xi32, #tpu.memory_space<vmem>>
      %dma_start3A_524 = tpu.memref_squeeze %dma_start3A_523 : memref<1x104xi32, #tpu.memory_space<vmem>> -> memref<104xi32, #tpu.memory_space<vmem>>
      %dma_start3A_525 = arith.constant 0 : i32
      %dma_start3A_526 = arith.constant 0 : i32
      %dma_start3A_527 = tpu.memref_slice %arg11[%dma_start3A_525, %dma_start3A_526] : memref<10000x128xf32, #tpu.memory_space<vmem_shared>> -> memref<10000x128xf32, #tpu.memory_space<vmem_shared>>
      tpu.enqueue_indirect_dma source(%dma_start3A_521 : memref<104x128xf32, #tpu.memory_space<vmem>>) target(%dma_start3A_527 : memref<10000x128xf32, #tpu.memory_space<vmem_shared>>) offsets(%dma_start3A_524 : memref<104xi32, #tpu.memory_space<vmem>>) semaphore(%arg17 : memref<!tpu.dma_semaphore, #tpu.memory_space<semaphore_mem>>) {add = true}
      %add3A_528 = arith.constant 6 : i32
      %add3A_529 = arith.addi %add3A_454, %add3A_528 : i32
      %sub3A_530 = arith.constant 1 : i32
      %sub3A_531 = arith.subi %add3A_529, %sub3A_530 : i32
      %lt3A_532 = arith.constant 96 : i32
      %lt3A_533 = arith.cmpi slt, %sub3A_531, %lt3A_532 : i32
      %convert_element_type3A_534 = arith.extui %lt3A_533 : i1 to i32
      %cond3A_535 = arith.constant 0 : i32
      %cond3A_536 = arith.cmpi ne, %convert_element_type3A_534, %cond3A_535 : i32
      scf.if %cond3A_536 {
        %add3A_710 = arith.constant 6 : i32
        %add3A_711 = arith.addi %add3A_454, %add3A_710 : i32
        %sub3A_712 = arith.constant 1 : i32
        %sub3A_713 = arith.subi %add3A_711, %sub3A_712 : i32
        %mul3A_714 = arith.constant 104 : i32
        %mul3A_715 = arith.muli %sub3A_713, %mul3A_714 : i32
        %multiple_of3A = tpu.assume_multiple %mul3A_715, 8 : i32
        %add3A_716 = arith.addi %mul3A_2, %multiple_of3A : i32
        %dma_start3A_717 = arith.constant 2 : i32
        %dma_start3A_718 = arith.constant 0 : i32
        %dma_start3A_719 = tpu.memref_slice %arg7[%dma_start3A_717, %dma_start3A_718] : memref<6x104xi32, #tpu.memory_space<vmem>> -> memref<1x104xi32, #tpu.memory_space<vmem>>
        %dma_start3A_720 = tpu.memref_squeeze %dma_start3A_719 : memref<1x104xi32, #tpu.memory_space<vmem>> -> memref<104xi32, #tpu.memory_space<vmem>>
        %dma_start3A_721 = tpu.memref_slice %arg3[%add3A_716] : memref<320000xi32, #tpu.memory_space<hbm>> -> memref<104xi32, #tpu.memory_space<hbm>>
        %dma_start3A_722 = arith.constant 0 : i32
        %dma_start3A_723 = tpu.memref_slice %arg7[%dma_start3A_717, %dma_start3A_722] : memref<6x104xi32, #tpu.memory_space<vmem>> -> memref<1x104xi32, #tpu.memory_space<vmem>>
        %dma_start3A_724 = tpu.memref_squeeze %dma_start3A_723 : memref<1x104xi32, #tpu.memory_space<vmem>> -> memref<104xi32, #tpu.memory_space<vmem>>
        %dma_start3A_725 = tpu.memref_slice %arg3[%add3A_716] : memref<320000xi32, #tpu.memory_space<hbm>> -> memref<104xi32, #tpu.memory_space<hbm>>
        tpu.enqueue_dma source(%dma_start3A_725 : memref<104xi32, #tpu.memory_space<hbm>>) target(%dma_start3A_724 : memref<104xi32, #tpu.memory_space<vmem>>) target_semaphore(%arg20 : memref<!tpu.dma_semaphore, #tpu.memory_space<semaphore_mem>>)
      } else {
      }
      %mul3A_537 = arith.constant 6 : i32
      %mul3A_538 = arith.muli %scan3A_264, %mul3A_537 : i32
      %add3A_539 = arith.constant 4 : i32
      %add3A_540 = arith.addi %mul3A_538, %add3A_539 : i32
      %dma_wait3A_541 = arith.constant 1 : i32
      %dma_wait3A_542 = arith.constant 0 : i32
      %dma_wait3A_543 = arith.constant 0 : i32
      %dma_wait3A_544 = arith.constant 0 : i32
      %dma_wait3A_545 = tpu.memref_slice %arg6[%dma_wait3A_541, %dma_wait3A_543, %dma_wait3A_544] : memref<3x104x128xf32, #tpu.memory_space<vmem>> -> memref<1x104x128xf32, #tpu.memory_space<vmem>>
      %dma_wait3A_546 = tpu.memref_squeeze %dma_wait3A_545 : memref<1x104x128xf32, #tpu.memory_space<vmem>> -> memref<104x128xf32, #tpu.memory_space<vmem>>
      %dma_wait3A_547 = arith.constant 0 : i32
      %dma_wait3A_548 = tpu.memref_slice %arg8[%dma_wait3A_542, %dma_wait3A_547] : memref<6x104xi32, #tpu.memory_space<vmem>> -> memref<1x104xi32, #tpu.memory_space<vmem>>
      %dma_wait3A_549 = tpu.memref_squeeze %dma_wait3A_548 : memref<1x104xi32, #tpu.memory_space<vmem>> -> memref<104xi32, #tpu.memory_space<vmem>>
      %dma_wait3A_550 = arith.constant 0 : i32
      %dma_wait3A_551 = arith.constant 0 : i32
      %dma_wait3A_552 = tpu.memref_slice %arg11[%dma_wait3A_550, %dma_wait3A_551] : memref<10000x128xf32, #tpu.memory_space<vmem_shared>> -> memref<10000x128xf32, #tpu.memory_space<vmem_shared>>
      tpu.wait_indirect_dma semaphore(%arg16 : memref<!tpu.dma_semaphore, #tpu.memory_space<semaphore_mem>>) src(%dma_wait3A_546 : memref<104x128xf32, #tpu.memory_space<vmem>>) dst(%dma_wait3A_552 : memref<10000x128xf32, #tpu.memory_space<vmem_shared>>)
      %add3A_553 = arith.constant 3 : i32
      %add3A_554 = arith.addi %add3A_540, %add3A_553 : i32
      %lt3A_555 = arith.constant 96 : i32
      %lt3A_556 = arith.cmpi slt, %add3A_554, %lt3A_555 : i32
      %convert_element_type3A_557 = arith.extui %lt3A_556 : i1 to i32
      %cond3A_558 = arith.constant 0 : i32
      %cond3A_559 = arith.cmpi ne, %convert_element_type3A_557, %cond3A_558 : i32
      scf.if %cond3A_559 {
        %add3A_710 = arith.constant 3 : i32
        %add3A_711 = arith.addi %add3A_540, %add3A_710 : i32
        %mul3A_712 = arith.constant 104 : i32
        %mul3A_713 = arith.muli %add3A_711, %mul3A_712 : i32
        %multiple_of3A = tpu.assume_multiple %mul3A_713, 8 : i32
        %add3A_714 = arith.addi %mul3A_2, %multiple_of3A : i32
        %dma_start3A_715 = arith.constant 1 : i32
        %dma_start3A_716 = arith.constant 0 : i32
        %dma_start3A_717 = tpu.memref_slice %arg8[%dma_start3A_715, %dma_start3A_716] : memref<6x104xi32, #tpu.memory_space<vmem>> -> memref<1x104xi32, #tpu.memory_space<vmem>>
        %dma_start3A_718 = tpu.memref_squeeze %dma_start3A_717 : memref<1x104xi32, #tpu.memory_space<vmem>> -> memref<104xi32, #tpu.memory_space<vmem>>
        %dma_start3A_719 = tpu.memref_slice %arg4[%add3A_714] : memref<320000xi32, #tpu.memory_space<hbm>> -> memref<104xi32, #tpu.memory_space<hbm>>
        %dma_start3A_720 = arith.constant 0 : i32
        %dma_start3A_721 = tpu.memref_slice %arg8[%dma_start3A_715, %dma_start3A_720] : memref<6x104xi32, #tpu.memory_space<vmem>> -> memref<1x104xi32, #tpu.memory_space<vmem>>
        %dma_start3A_722 = tpu.memref_squeeze %dma_start3A_721 : memref<1x104xi32, #tpu.memory_space<vmem>> -> memref<104xi32, #tpu.memory_space<vmem>>
        %dma_start3A_723 = tpu.memref_slice %arg4[%add3A_714] : memref<320000xi32, #tpu.memory_space<hbm>> -> memref<104xi32, #tpu.memory_space<hbm>>
        tpu.enqueue_dma source(%dma_start3A_723 : memref<104xi32, #tpu.memory_space<hbm>>) target(%dma_start3A_722 : memref<104xi32, #tpu.memory_space<vmem>>) target_semaphore(%arg25 : memref<!tpu.dma_semaphore, #tpu.memory_space<semaphore_mem>>)
      } else {
      }
      %dma_wait3A_560 = arith.constant 4 : i32
      %dma_wait3A_561 = arith.constant 0 : i32
      %dma_wait3A_562 = tpu.memref_slice %arg7[%dma_wait3A_560, %dma_wait3A_561] : memref<6x104xi32, #tpu.memory_space<vmem>> -> memref<1x104xi32, #tpu.memory_space<vmem>>
      %dma_wait3A_563 = tpu.memref_squeeze %dma_wait3A_562 : memref<1x104xi32, #tpu.memory_space<vmem>> -> memref<104xi32, #tpu.memory_space<vmem>>
      %dma_wait3A_564 = tpu.memref_slice %arg3[%mul3A_2] : memref<320000xi32, #tpu.memory_space<hbm>> -> memref<104xi32, #tpu.memory_space<hbm>>
      %dma_wait3A_565 = arith.constant 0 : i32
      %dma_wait3A_566 = tpu.memref_slice %arg7[%dma_wait3A_560, %dma_wait3A_565] : memref<6x104xi32, #tpu.memory_space<vmem>> -> memref<1x104xi32, #tpu.memory_space<vmem>>
      %dma_wait3A_567 = tpu.memref_squeeze %dma_wait3A_566 : memref<1x104xi32, #tpu.memory_space<vmem>> -> memref<104xi32, #tpu.memory_space<vmem>>
      %dma_wait3A_568 = tpu.memref_slice %arg3[%mul3A_2] : memref<320000xi32, #tpu.memory_space<hbm>> -> memref<104xi32, #tpu.memory_space<hbm>>
      tpu.wait_dma2 semaphore(%arg22 : memref<!tpu.dma_semaphore, #tpu.memory_space<semaphore_mem>>) src(%dma_wait3A_568 : memref<104xi32, #tpu.memory_space<hbm>>) dst(%dma_wait3A_567 : memref<104xi32, #tpu.memory_space<vmem>>)
      %dma_start3A_569 = arith.constant 4 : i32
      %dma_start3A_570 = arith.constant 1 : i32
      %dma_start3A_571 = arith.constant 0 : i32
      %dma_start3A_572 = arith.constant 0 : i32
      %dma_start3A_573 = tpu.memref_slice %arg6[%dma_start3A_570, %dma_start3A_571, %dma_start3A_572] : memref<3x104x128xf32, #tpu.memory_space<vmem>> -> memref<1x104x128xf32, #tpu.memory_space<vmem>>
      %dma_start3A_574 = tpu.memref_squeeze %dma_start3A_573 : memref<1x104x128xf32, #tpu.memory_space<vmem>> -> memref<104x128xf32, #tpu.memory_space<vmem>>
      %dma_start3A_575 = arith.constant 0 : i32
      %dma_start3A_576 = tpu.memref_slice %arg7[%dma_start3A_569, %dma_start3A_575] : memref<6x104xi32, #tpu.memory_space<vmem>> -> memref<1x104xi32, #tpu.memory_space<vmem>>
      %dma_start3A_577 = tpu.memref_squeeze %dma_start3A_576 : memref<1x104xi32, #tpu.memory_space<vmem>> -> memref<104xi32, #tpu.memory_space<vmem>>
      %dma_start3A_578 = arith.constant 0 : i32
      %dma_start3A_579 = arith.constant 0 : i32
      %dma_start3A_580 = tpu.memref_slice %arg2[%dma_start3A_578, %dma_start3A_579] : memref<10000x128xf32, #tpu.memory_space<hbm>> -> memref<10000x128xf32, #tpu.memory_space<hbm>>
      tpu.enqueue_indirect_dma source(%dma_start3A_580 : memref<10000x128xf32, #tpu.memory_space<hbm>>) target(%dma_start3A_574 : memref<104x128xf32, #tpu.memory_space<vmem>>) offsets(%dma_start3A_577 : memref<104xi32, #tpu.memory_space<vmem>>) semaphore(%arg13 : memref<!tpu.dma_semaphore, #tpu.memory_space<semaphore_mem>>)
      %dma_wait3A_581 = arith.constant 0 : i32
      %dma_wait3A_582 = arith.constant 0 : i32
      %dma_wait3A_583 = arith.constant 0 : i32
      %dma_wait3A_584 = arith.constant 0 : i32
      %dma_wait3A_585 = tpu.memref_slice %arg6[%dma_wait3A_582, %dma_wait3A_583, %dma_wait3A_584] : memref<3x104x128xf32, #tpu.memory_space<vmem>> -> memref<1x104x128xf32, #tpu.memory_space<vmem>>
      %dma_wait3A_586 = tpu.memref_squeeze %dma_wait3A_585 : memref<1x104x128xf32, #tpu.memory_space<vmem>> -> memref<104x128xf32, #tpu.memory_space<vmem>>
      %dma_wait3A_587 = arith.constant 0 : i32
      %dma_wait3A_588 = tpu.memref_slice %arg7[%dma_wait3A_581, %dma_wait3A_587] : memref<6x104xi32, #tpu.memory_space<vmem>> -> memref<1x104xi32, #tpu.memory_space<vmem>>
      %dma_wait3A_589 = tpu.memref_squeeze %dma_wait3A_588 : memref<1x104xi32, #tpu.memory_space<vmem>> -> memref<104xi32, #tpu.memory_space<vmem>>
      %dma_wait3A_590 = arith.constant 0 : i32
      %dma_wait3A_591 = arith.constant 0 : i32
      %dma_wait3A_592 = tpu.memref_slice %arg2[%dma_wait3A_590, %dma_wait3A_591] : memref<10000x128xf32, #tpu.memory_space<hbm>> -> memref<10000x128xf32, #tpu.memory_space<hbm>>
      tpu.wait_indirect_dma semaphore(%arg12 : memref<!tpu.dma_semaphore, #tpu.memory_space<semaphore_mem>>) src(%dma_wait3A_592 : memref<10000x128xf32, #tpu.memory_space<hbm>>) dst(%dma_wait3A_586 : memref<104x128xf32, #tpu.memory_space<vmem>>)
      %dma_wait3A_593 = arith.constant 3 : i32
      %dma_wait3A_594 = arith.constant 0 : i32
      %dma_wait3A_595 = tpu.memref_slice %arg8[%dma_wait3A_593, %dma_wait3A_594] : memref<6x104xi32, #tpu.memory_space<vmem>> -> memref<1x104xi32, #tpu.memory_space<vmem>>
      %dma_wait3A_596 = tpu.memref_squeeze %dma_wait3A_595 : memref<1x104xi32, #tpu.memory_space<vmem>> -> memref<104xi32, #tpu.memory_space<vmem>>
      %dma_wait3A_597 = tpu.memref_slice %arg4[%mul3A_2] : memref<320000xi32, #tpu.memory_space<hbm>> -> memref<104xi32, #tpu.memory_space<hbm>>
      %dma_wait3A_598 = arith.constant 0 : i32
      %dma_wait3A_599 = tpu.memref_slice %arg8[%dma_wait3A_593, %dma_wait3A_598] : memref<6x104xi32, #tpu.memory_space<vmem>> -> memref<1x104xi32, #tpu.memory_space<vmem>>
      %dma_wait3A_600 = tpu.memref_squeeze %dma_wait3A_599 : memref<1x104xi32, #tpu.memory_space<vmem>> -> memref<104xi32, #tpu.memory_space<vmem>>
      %dma_wait3A_601 = tpu.memref_slice %arg4[%mul3A_2] : memref<320000xi32, #tpu.memory_space<hbm>> -> memref<104xi32, #tpu.memory_space<hbm>>
      tpu.wait_dma2 semaphore(%arg27 : memref<!tpu.dma_semaphore, #tpu.memory_space<semaphore_mem>>) src(%dma_wait3A_601 : memref<104xi32, #tpu.memory_space<hbm>>) dst(%dma_wait3A_600 : memref<104xi32, #tpu.memory_space<vmem>>)
      %dma_start3A_602 = arith.constant 0 : i32
      %dma_start3A_603 = arith.constant 3 : i32
      %dma_start3A_604 = arith.constant 0 : i32
      %dma_start3A_605 = arith.constant 0 : i32
      %dma_start3A_606 = tpu.memref_slice %arg6[%dma_start3A_602, %dma_start3A_604, %dma_start3A_605] : memref<3x104x128xf32, #tpu.memory_space<vmem>> -> memref<1x104x128xf32, #tpu.memory_space<vmem>>
      %dma_start3A_607 = tpu.memref_squeeze %dma_start3A_606 : memref<1x104x128xf32, #tpu.memory_space<vmem>> -> memref<104x128xf32, #tpu.memory_space<vmem>>
      %dma_start3A_608 = arith.constant 0 : i32
      %dma_start3A_609 = tpu.memref_slice %arg8[%dma_start3A_603, %dma_start3A_608] : memref<6x104xi32, #tpu.memory_space<vmem>> -> memref<1x104xi32, #tpu.memory_space<vmem>>
      %dma_start3A_610 = tpu.memref_squeeze %dma_start3A_609 : memref<1x104xi32, #tpu.memory_space<vmem>> -> memref<104xi32, #tpu.memory_space<vmem>>
      %dma_start3A_611 = arith.constant 0 : i32
      %dma_start3A_612 = arith.constant 0 : i32
      %dma_start3A_613 = tpu.memref_slice %arg11[%dma_start3A_611, %dma_start3A_612] : memref<10000x128xf32, #tpu.memory_space<vmem_shared>> -> memref<10000x128xf32, #tpu.memory_space<vmem_shared>>
      tpu.enqueue_indirect_dma source(%dma_start3A_607 : memref<104x128xf32, #tpu.memory_space<vmem>>) target(%dma_start3A_613 : memref<10000x128xf32, #tpu.memory_space<vmem_shared>>) offsets(%dma_start3A_610 : memref<104xi32, #tpu.memory_space<vmem>>) semaphore(%arg15 : memref<!tpu.dma_semaphore, #tpu.memory_space<semaphore_mem>>) {add = true}
      %add3A_614 = arith.constant 6 : i32
      %add3A_615 = arith.addi %add3A_540, %add3A_614 : i32
      %sub3A_616 = arith.constant 1 : i32
      %sub3A_617 = arith.subi %add3A_615, %sub3A_616 : i32
      %lt3A_618 = arith.constant 96 : i32
      %lt3A_619 = arith.cmpi slt, %sub3A_617, %lt3A_618 : i32
      %convert_element_type3A_620 = arith.extui %lt3A_619 : i1 to i32
      %cond3A_621 = arith.constant 0 : i32
      %cond3A_622 = arith.cmpi ne, %convert_element_type3A_620, %cond3A_621 : i32
      scf.if %cond3A_622 {
        %add3A_710 = arith.constant 6 : i32
        %add3A_711 = arith.addi %add3A_540, %add3A_710 : i32
        %sub3A_712 = arith.constant 1 : i32
        %sub3A_713 = arith.subi %add3A_711, %sub3A_712 : i32
        %mul3A_714 = arith.constant 104 : i32
        %mul3A_715 = arith.muli %sub3A_713, %mul3A_714 : i32
        %multiple_of3A = tpu.assume_multiple %mul3A_715, 8 : i32
        %add3A_716 = arith.addi %mul3A_2, %multiple_of3A : i32
        %dma_start3A_717 = arith.constant 3 : i32
        %dma_start3A_718 = arith.constant 0 : i32
        %dma_start3A_719 = tpu.memref_slice %arg7[%dma_start3A_717, %dma_start3A_718] : memref<6x104xi32, #tpu.memory_space<vmem>> -> memref<1x104xi32, #tpu.memory_space<vmem>>
        %dma_start3A_720 = tpu.memref_squeeze %dma_start3A_719 : memref<1x104xi32, #tpu.memory_space<vmem>> -> memref<104xi32, #tpu.memory_space<vmem>>
        %dma_start3A_721 = tpu.memref_slice %arg3[%add3A_716] : memref<320000xi32, #tpu.memory_space<hbm>> -> memref<104xi32, #tpu.memory_space<hbm>>
        %dma_start3A_722 = arith.constant 0 : i32
        %dma_start3A_723 = tpu.memref_slice %arg7[%dma_start3A_717, %dma_start3A_722] : memref<6x104xi32, #tpu.memory_space<vmem>> -> memref<1x104xi32, #tpu.memory_space<vmem>>
        %dma_start3A_724 = tpu.memref_squeeze %dma_start3A_723 : memref<1x104xi32, #tpu.memory_space<vmem>> -> memref<104xi32, #tpu.memory_space<vmem>>
        %dma_start3A_725 = tpu.memref_slice %arg3[%add3A_716] : memref<320000xi32, #tpu.memory_space<hbm>> -> memref<104xi32, #tpu.memory_space<hbm>>
        tpu.enqueue_dma source(%dma_start3A_725 : memref<104xi32, #tpu.memory_space<hbm>>) target(%dma_start3A_724 : memref<104xi32, #tpu.memory_space<vmem>>) target_semaphore(%arg21 : memref<!tpu.dma_semaphore, #tpu.memory_space<semaphore_mem>>)
      } else {
      }
      %mul3A_623 = arith.constant 6 : i32
      %mul3A_624 = arith.muli %scan3A_264, %mul3A_623 : i32
      %add3A_625 = arith.constant 5 : i32
      %add3A_626 = arith.addi %mul3A_624, %add3A_625 : i32
      %dma_wait3A_627 = arith.constant 2 : i32
      %dma_wait3A_628 = arith.constant 0 : i32
      %dma_wait3A_629 = arith.constant 0 : i32
      %dma_wait3A_630 = arith.constant 0 : i32
      %dma_wait3A_631 = tpu.memref_slice %arg6[%dma_wait3A_627, %dma_wait3A_629, %dma_wait3A_630] : memref<3x104x128xf32, #tpu.memory_space<vmem>> -> memref<1x104x128xf32, #tpu.memory_space<vmem>>
      %dma_wait3A_632 = tpu.memref_squeeze %dma_wait3A_631 : memref<1x104x128xf32, #tpu.memory_space<vmem>> -> memref<104x128xf32, #tpu.memory_space<vmem>>
      %dma_wait3A_633 = arith.constant 0 : i32
      %dma_wait3A_634 = tpu.memref_slice %arg8[%dma_wait3A_628, %dma_wait3A_633] : memref<6x104xi32, #tpu.memory_space<vmem>> -> memref<1x104xi32, #tpu.memory_space<vmem>>
      %dma_wait3A_635 = tpu.memref_squeeze %dma_wait3A_634 : memref<1x104xi32, #tpu.memory_space<vmem>> -> memref<104xi32, #tpu.memory_space<vmem>>
      %dma_wait3A_636 = arith.constant 0 : i32
      %dma_wait3A_637 = arith.constant 0 : i32
      %dma_wait3A_638 = tpu.memref_slice %arg11[%dma_wait3A_636, %dma_wait3A_637] : memref<10000x128xf32, #tpu.memory_space<vmem_shared>> -> memref<10000x128xf32, #tpu.memory_space<vmem_shared>>
      tpu.wait_indirect_dma semaphore(%arg17 : memref<!tpu.dma_semaphore, #tpu.memory_space<semaphore_mem>>) src(%dma_wait3A_632 : memref<104x128xf32, #tpu.memory_space<vmem>>) dst(%dma_wait3A_638 : memref<10000x128xf32, #tpu.memory_space<vmem_shared>>)
      %add3A_639 = arith.constant 3 : i32
      %add3A_640 = arith.addi %add3A_626, %add3A_639 : i32
      %lt3A_641 = arith.constant 96 : i32
      %lt3A_642 = arith.cmpi slt, %add3A_640, %lt3A_641 : i32
      %convert_element_type3A_643 = arith.extui %lt3A_642 : i1 to i32
      %cond3A_644 = arith.constant 0 : i32
      %cond3A_645 = arith.cmpi ne, %convert_element_type3A_643, %cond3A_644 : i32
      scf.if %cond3A_645 {
        %add3A_710 = arith.constant 3 : i32
        %add3A_711 = arith.addi %add3A_626, %add3A_710 : i32
        %mul3A_712 = arith.constant 104 : i32
        %mul3A_713 = arith.muli %add3A_711, %mul3A_712 : i32
        %multiple_of3A = tpu.assume_multiple %mul3A_713, 8 : i32
        %add3A_714 = arith.addi %mul3A_2, %multiple_of3A : i32
        %dma_start3A_715 = arith.constant 2 : i32
        %dma_start3A_716 = arith.constant 0 : i32
        %dma_start3A_717 = tpu.memref_slice %arg8[%dma_start3A_715, %dma_start3A_716] : memref<6x104xi32, #tpu.memory_space<vmem>> -> memref<1x104xi32, #tpu.memory_space<vmem>>
        %dma_start3A_718 = tpu.memref_squeeze %dma_start3A_717 : memref<1x104xi32, #tpu.memory_space<vmem>> -> memref<104xi32, #tpu.memory_space<vmem>>
        %dma_start3A_719 = tpu.memref_slice %arg4[%add3A_714] : memref<320000xi32, #tpu.memory_space<hbm>> -> memref<104xi32, #tpu.memory_space<hbm>>
        %dma_start3A_720 = arith.constant 0 : i32
        %dma_start3A_721 = tpu.memref_slice %arg8[%dma_start3A_715, %dma_start3A_720] : memref<6x104xi32, #tpu.memory_space<vmem>> -> memref<1x104xi32, #tpu.memory_space<vmem>>
        %dma_start3A_722 = tpu.memref_squeeze %dma_start3A_721 : memref<1x104xi32, #tpu.memory_space<vmem>> -> memref<104xi32, #tpu.memory_space<vmem>>
        %dma_start3A_723 = tpu.memref_slice %arg4[%add3A_714] : memref<320000xi32, #tpu.memory_space<hbm>> -> memref<104xi32, #tpu.memory_space<hbm>>
        tpu.enqueue_dma source(%dma_start3A_723 : memref<104xi32, #tpu.memory_space<hbm>>) target(%dma_start3A_722 : memref<104xi32, #tpu.memory_space<vmem>>) target_semaphore(%arg26 : memref<!tpu.dma_semaphore, #tpu.memory_space<semaphore_mem>>)
      } else {
      }
      %dma_wait3A_646 = arith.constant 5 : i32
      %dma_wait3A_647 = arith.constant 0 : i32
      %dma_wait3A_648 = tpu.memref_slice %arg7[%dma_wait3A_646, %dma_wait3A_647] : memref<6x104xi32, #tpu.memory_space<vmem>> -> memref<1x104xi32, #tpu.memory_space<vmem>>
      %dma_wait3A_649 = tpu.memref_squeeze %dma_wait3A_648 : memref<1x104xi32, #tpu.memory_space<vmem>> -> memref<104xi32, #tpu.memory_space<vmem>>
      %dma_wait3A_650 = tpu.memref_slice %arg3[%mul3A_2] : memref<320000xi32, #tpu.memory_space<hbm>> -> memref<104xi32, #tpu.memory_space<hbm>>
      %dma_wait3A_651 = arith.constant 0 : i32
      %dma_wait3A_652 = tpu.memref_slice %arg7[%dma_wait3A_646, %dma_wait3A_651] : memref<6x104xi32, #tpu.memory_space<vmem>> -> memref<1x104xi32, #tpu.memory_space<vmem>>
      %dma_wait3A_653 = tpu.memref_squeeze %dma_wait3A_652 : memref<1x104xi32, #tpu.memory_space<vmem>> -> memref<104xi32, #tpu.memory_space<vmem>>
      %dma_wait3A_654 = tpu.memref_slice %arg3[%mul3A_2] : memref<320000xi32, #tpu.memory_space<hbm>> -> memref<104xi32, #tpu.memory_space<hbm>>
      tpu.wait_dma2 semaphore(%arg23 : memref<!tpu.dma_semaphore, #tpu.memory_space<semaphore_mem>>) src(%dma_wait3A_654 : memref<104xi32, #tpu.memory_space<hbm>>) dst(%dma_wait3A_653 : memref<104xi32, #tpu.memory_space<vmem>>)
      %dma_start3A_655 = arith.constant 5 : i32
      %dma_start3A_656 = arith.constant 2 : i32
      %dma_start3A_657 = arith.constant 0 : i32
      %dma_start3A_658 = arith.constant 0 : i32
      %dma_start3A_659 = tpu.memref_slice %arg6[%dma_start3A_656, %dma_start3A_657, %dma_start3A_658] : memref<3x104x128xf32, #tpu.memory_space<vmem>> -> memref<1x104x128xf32, #tpu.memory_space<vmem>>
      %dma_start3A_660 = tpu.memref_squeeze %dma_start3A_659 : memref<1x104x128xf32, #tpu.memory_space<vmem>> -> memref<104x128xf32, #tpu.memory_space<vmem>>
      %dma_start3A_661 = arith.constant 0 : i32
      %dma_start3A_662 = tpu.memref_slice %arg7[%dma_start3A_655, %dma_start3A_661] : memref<6x104xi32, #tpu.memory_space<vmem>> -> memref<1x104xi32, #tpu.memory_space<vmem>>
      %dma_start3A_663 = tpu.memref_squeeze %dma_start3A_662 : memref<1x104xi32, #tpu.memory_space<vmem>> -> memref<104xi32, #tpu.memory_space<vmem>>
      %dma_start3A_664 = arith.constant 0 : i32
      %dma_start3A_665 = arith.constant 0 : i32
      %dma_start3A_666 = tpu.memref_slice %arg2[%dma_start3A_664, %dma_start3A_665] : memref<10000x128xf32, #tpu.memory_space<hbm>> -> memref<10000x128xf32, #tpu.memory_space<hbm>>
      tpu.enqueue_indirect_dma source(%dma_start3A_666 : memref<10000x128xf32, #tpu.memory_space<hbm>>) target(%dma_start3A_660 : memref<104x128xf32, #tpu.memory_space<vmem>>) offsets(%dma_start3A_663 : memref<104xi32, #tpu.memory_space<vmem>>) semaphore(%arg14 : memref<!tpu.dma_semaphore, #tpu.memory_space<semaphore_mem>>)
      %dma_wait3A_667 = arith.constant 0 : i32
      %dma_wait3A_668 = arith.constant 1 : i32
      %dma_wait3A_669 = arith.constant 0 : i32
      %dma_wait3A_670 = arith.constant 0 : i32
      %dma_wait3A_671 = tpu.memref_slice %arg6[%dma_wait3A_668, %dma_wait3A_669, %dma_wait3A_670] : memref<3x104x128xf32, #tpu.memory_space<vmem>> -> memref<1x104x128xf32, #tpu.memory_space<vmem>>
      %dma_wait3A_672 = tpu.memref_squeeze %dma_wait3A_671 : memref<1x104x128xf32, #tpu.memory_space<vmem>> -> memref<104x128xf32, #tpu.memory_space<vmem>>
      %dma_wait3A_673 = arith.constant 0 : i32
      %dma_wait3A_674 = tpu.memref_slice %arg7[%dma_wait3A_667, %dma_wait3A_673] : memref<6x104xi32, #tpu.memory_space<vmem>> -> memref<1x104xi32, #tpu.memory_space<vmem>>
      %dma_wait3A_675 = tpu.memref_squeeze %dma_wait3A_674 : memref<1x104xi32, #tpu.memory_space<vmem>> -> memref<104xi32, #tpu.memory_space<vmem>>
      %dma_wait3A_676 = arith.constant 0 : i32
      %dma_wait3A_677 = arith.constant 0 : i32
      %dma_wait3A_678 = tpu.memref_slice %arg2[%dma_wait3A_676, %dma_wait3A_677] : memref<10000x128xf32, #tpu.memory_space<hbm>> -> memref<10000x128xf32, #tpu.memory_space<hbm>>
      tpu.wait_indirect_dma semaphore(%arg13 : memref<!tpu.dma_semaphore, #tpu.memory_space<semaphore_mem>>) src(%dma_wait3A_678 : memref<10000x128xf32, #tpu.memory_space<hbm>>) dst(%dma_wait3A_672 : memref<104x128xf32, #tpu.memory_space<vmem>>)
      %dma_wait3A_679 = arith.constant 4 : i32
      %dma_wait3A_680 = arith.constant 0 : i32
      %dma_wait3A_681 = tpu.memref_slice %arg8[%dma_wait3A_679, %dma_wait3A_680] : memref<6x104xi32, #tpu.memory_space<vmem>> -> memref<1x104xi32, #tpu.memory_space<vmem>>
      %dma_wait3A_682 = tpu.memref_squeeze %dma_wait3A_681 : memref<1x104xi32, #tpu.memory_space<vmem>> -> memref<104xi32, #tpu.memory_space<vmem>>
      %dma_wait3A_683 = tpu.memref_slice %arg4[%mul3A_2] : memref<320000xi32, #tpu.memory_space<hbm>> -> memref<104xi32, #tpu.memory_space<hbm>>
      %dma_wait3A_684 = arith.constant 0 : i32
      %dma_wait3A_685 = tpu.memref_slice %arg8[%dma_wait3A_679, %dma_wait3A_684] : memref<6x104xi32, #tpu.memory_space<vmem>> -> memref<1x104xi32, #tpu.memory_space<vmem>>
      %dma_wait3A_686 = tpu.memref_squeeze %dma_wait3A_685 : memref<1x104xi32, #tpu.memory_space<vmem>> -> memref<104xi32, #tpu.memory_space<vmem>>
      %dma_wait3A_687 = tpu.memref_slice %arg4[%mul3A_2] : memref<320000xi32, #tpu.memory_space<hbm>> -> memref<104xi32, #tpu.memory_space<hbm>>
      tpu.wait_dma2 semaphore(%arg28 : memref<!tpu.dma_semaphore, #tpu.memory_space<semaphore_mem>>) src(%dma_wait3A_687 : memref<104xi32, #tpu.memory_space<hbm>>) dst(%dma_wait3A_686 : memref<104xi32, #tpu.memory_space<vmem>>)
      %dma_start3A_688 = arith.constant 1 : i32
      %dma_start3A_689 = arith.constant 4 : i32
      %dma_start3A_690 = arith.constant 0 : i32
      %dma_start3A_691 = arith.constant 0 : i32
      %dma_start3A_692 = tpu.memref_slice %arg6[%dma_start3A_688, %dma_start3A_690, %dma_start3A_691] : memref<3x104x128xf32, #tpu.memory_space<vmem>> -> memref<1x104x128xf32, #tpu.memory_space<vmem>>
      %dma_start3A_693 = tpu.memref_squeeze %dma_start3A_692 : memref<1x104x128xf32, #tpu.memory_space<vmem>> -> memref<104x128xf32, #tpu.memory_space<vmem>>
      %dma_start3A_694 = arith.constant 0 : i32
      %dma_start3A_695 = tpu.memref_slice %arg8[%dma_start3A_689, %dma_start3A_694] : memref<6x104xi32, #tpu.memory_space<vmem>> -> memref<1x104xi32, #tpu.memory_space<vmem>>
      %dma_start3A_696 = tpu.memref_squeeze %dma_start3A_695 : memref<1x104xi32, #tpu.memory_space<vmem>> -> memref<104xi32, #tpu.memory_space<vmem>>
      %dma_start3A_697 = arith.constant 0 : i32
      %dma_start3A_698 = arith.constant 0 : i32
      %dma_start3A_699 = tpu.memref_slice %arg11[%dma_start3A_697, %dma_start3A_698] : memref<10000x128xf32, #tpu.memory_space<vmem_shared>> -> memref<10000x128xf32, #tpu.memory_space<vmem_shared>>
      tpu.enqueue_indirect_dma source(%dma_start3A_693 : memref<104x128xf32, #tpu.memory_space<vmem>>) target(%dma_start3A_699 : memref<10000x128xf32, #tpu.memory_space<vmem_shared>>) offsets(%dma_start3A_696 : memref<104xi32, #tpu.memory_space<vmem>>) semaphore(%arg16 : memref<!tpu.dma_semaphore, #tpu.memory_space<semaphore_mem>>) {add = true}
      %add3A_700 = arith.constant 6 : i32
      %add3A_701 = arith.addi %add3A_626, %add3A_700 : i32
      %sub3A_702 = arith.constant 1 : i32
      %sub3A_703 = arith.subi %add3A_701, %sub3A_702 : i32
      %lt3A_704 = arith.constant 96 : i32
      %lt3A_705 = arith.cmpi slt, %sub3A_703, %lt3A_704 : i32
      %convert_element_type3A_706 = arith.extui %lt3A_705 : i1 to i32
      %cond3A_707 = arith.constant 0 : i32
      %cond3A_708 = arith.cmpi ne, %convert_element_type3A_706, %cond3A_707 : i32
      scf.if %cond3A_708 {
        %add3A_710 = arith.constant 6 : i32
        %add3A_711 = arith.addi %add3A_626, %add3A_710 : i32
        %sub3A_712 = arith.constant 1 : i32
        %sub3A_713 = arith.subi %add3A_711, %sub3A_712 : i32
        %mul3A_714 = arith.constant 104 : i32
        %mul3A_715 = arith.muli %sub3A_713, %mul3A_714 : i32
        %multiple_of3A = tpu.assume_multiple %mul3A_715, 8 : i32
        %add3A_716 = arith.addi %mul3A_2, %multiple_of3A : i32
        %dma_start3A_717 = arith.constant 4 : i32
        %dma_start3A_718 = arith.constant 0 : i32
        %dma_start3A_719 = tpu.memref_slice %arg7[%dma_start3A_717, %dma_start3A_718] : memref<6x104xi32, #tpu.memory_space<vmem>> -> memref<1x104xi32, #tpu.memory_space<vmem>>
        %dma_start3A_720 = tpu.memref_squeeze %dma_start3A_719 : memref<1x104xi32, #tpu.memory_space<vmem>> -> memref<104xi32, #tpu.memory_space<vmem>>
        %dma_start3A_721 = tpu.memref_slice %arg3[%add3A_716] : memref<320000xi32, #tpu.memory_space<hbm>> -> memref<104xi32, #tpu.memory_space<hbm>>
        %dma_start3A_722 = arith.constant 0 : i32
        %dma_start3A_723 = tpu.memref_slice %arg7[%dma_start3A_717, %dma_start3A_722] : memref<6x104xi32, #tpu.memory_space<vmem>> -> memref<1x104xi32, #tpu.memory_space<vmem>>
        %dma_start3A_724 = tpu.memref_squeeze %dma_start3A_723 : memref<1x104xi32, #tpu.memory_space<vmem>> -> memref<104xi32, #tpu.memory_space<vmem>>
        %dma_start3A_725 = tpu.memref_slice %arg3[%add3A_716] : memref<320000xi32, #tpu.memory_space<hbm>> -> memref<104xi32, #tpu.memory_space<hbm>>
        tpu.enqueue_dma source(%dma_start3A_725 : memref<104xi32, #tpu.memory_space<hbm>>) target(%dma_start3A_724 : memref<104xi32, #tpu.memory_space<vmem>>) target_semaphore(%arg22 : memref<!tpu.dma_semaphore, #tpu.memory_space<semaphore_mem>>)
      } else {
      }
      %scan3A_709 = arith.constant 0 : i32
      scf.yield %scan3A_709 : i32
    }
    %scan3A_163 = arith.constant 16 : i32
    %dma_wait3A = arith.constant 0 : i32
    %dma_wait3A_164 = arith.constant 2 : i32
    %dma_wait3A_165 = arith.constant 0 : i32
    %dma_wait3A_166 = arith.constant 0 : i32
    %dma_wait3A_167 = tpu.memref_slice %arg6[%dma_wait3A_164, %dma_wait3A_165, %dma_wait3A_166] : memref<3x104x128xf32, #tpu.memory_space<vmem>> -> memref<1x104x128xf32, #tpu.memory_space<vmem>>
    %dma_wait3A_168 = tpu.memref_squeeze %dma_wait3A_167 : memref<1x104x128xf32, #tpu.memory_space<vmem>> -> memref<104x128xf32, #tpu.memory_space<vmem>>
    %dma_wait3A_169 = arith.constant 0 : i32
    %dma_wait3A_170 = tpu.memref_slice %arg7[%dma_wait3A, %dma_wait3A_169] : memref<6x104xi32, #tpu.memory_space<vmem>> -> memref<1x104xi32, #tpu.memory_space<vmem>>
    %dma_wait3A_171 = tpu.memref_squeeze %dma_wait3A_170 : memref<1x104xi32, #tpu.memory_space<vmem>> -> memref<104xi32, #tpu.memory_space<vmem>>
    %dma_wait3A_172 = arith.constant 0 : i32
    %dma_wait3A_173 = arith.constant 0 : i32
    %dma_wait3A_174 = tpu.memref_slice %arg2[%dma_wait3A_172, %dma_wait3A_173] : memref<10000x128xf32, #tpu.memory_space<hbm>> -> memref<10000x128xf32, #tpu.memory_space<hbm>>
    tpu.wait_indirect_dma semaphore(%arg14 : memref<!tpu.dma_semaphore, #tpu.memory_space<semaphore_mem>>) src(%dma_wait3A_174 : memref<10000x128xf32, #tpu.memory_space<hbm>>) dst(%dma_wait3A_168 : memref<104x128xf32, #tpu.memory_space<vmem>>)
    %dma_wait3A_175 = arith.constant 5 : i32
    %dma_wait3A_176 = arith.constant 0 : i32
    %dma_wait3A_177 = tpu.memref_slice %arg8[%dma_wait3A_175, %dma_wait3A_176] : memref<6x104xi32, #tpu.memory_space<vmem>> -> memref<1x104xi32, #tpu.memory_space<vmem>>
    %dma_wait3A_178 = tpu.memref_squeeze %dma_wait3A_177 : memref<1x104xi32, #tpu.memory_space<vmem>> -> memref<104xi32, #tpu.memory_space<vmem>>
    %dma_wait3A_179 = tpu.memref_slice %arg4[%mul3A_2] : memref<320000xi32, #tpu.memory_space<hbm>> -> memref<104xi32, #tpu.memory_space<hbm>>
    %dma_wait3A_180 = arith.constant 0 : i32
    %dma_wait3A_181 = tpu.memref_slice %arg8[%dma_wait3A_175, %dma_wait3A_180] : memref<6x104xi32, #tpu.memory_space<vmem>> -> memref<1x104xi32, #tpu.memory_space<vmem>>
    %dma_wait3A_182 = tpu.memref_squeeze %dma_wait3A_181 : memref<1x104xi32, #tpu.memory_space<vmem>> -> memref<104xi32, #tpu.memory_space<vmem>>
    %dma_wait3A_183 = tpu.memref_slice %arg4[%mul3A_2] : memref<320000xi32, #tpu.memory_space<hbm>> -> memref<104xi32, #tpu.memory_space<hbm>>
    tpu.wait_dma2 semaphore(%arg29 : memref<!tpu.dma_semaphore, #tpu.memory_space<semaphore_mem>>) src(%dma_wait3A_183 : memref<104xi32, #tpu.memory_space<hbm>>) dst(%dma_wait3A_182 : memref<104xi32, #tpu.memory_space<vmem>>)
    %dma_start3A_184 = arith.constant 2 : i32
    %dma_start3A_185 = arith.constant 5 : i32
    %dma_start3A_186 = arith.constant 0 : i32
    %dma_start3A_187 = arith.constant 0 : i32
    %dma_start3A_188 = tpu.memref_slice %arg6[%dma_start3A_184, %dma_start3A_186, %dma_start3A_187] : memref<3x104x128xf32, #tpu.memory_space<vmem>> -> memref<1x104x128xf32, #tpu.memory_space<vmem>>
    %dma_start3A_189 = tpu.memref_squeeze %dma_start3A_188 : memref<1x104x128xf32, #tpu.memory_space<vmem>> -> memref<104x128xf32, #tpu.memory_space<vmem>>
    %dma_start3A_190 = arith.constant 0 : i32
    %dma_start3A_191 = tpu.memref_slice %arg8[%dma_start3A_185, %dma_start3A_190] : memref<6x104xi32, #tpu.memory_space<vmem>> -> memref<1x104xi32, #tpu.memory_space<vmem>>
    %dma_start3A_192 = tpu.memref_squeeze %dma_start3A_191 : memref<1x104xi32, #tpu.memory_space<vmem>> -> memref<104xi32, #tpu.memory_space<vmem>>
    %dma_start3A_193 = arith.constant 0 : i32
    %dma_start3A_194 = arith.constant 0 : i32
    %dma_start3A_195 = tpu.memref_slice %arg11[%dma_start3A_193, %dma_start3A_194] : memref<10000x128xf32, #tpu.memory_space<vmem_shared>> -> memref<10000x128xf32, #tpu.memory_space<vmem_shared>>
    tpu.enqueue_indirect_dma source(%dma_start3A_189 : memref<104x128xf32, #tpu.memory_space<vmem>>) target(%dma_start3A_195 : memref<10000x128xf32, #tpu.memory_space<vmem_shared>>) offsets(%dma_start3A_192 : memref<104xi32, #tpu.memory_space<vmem>>) semaphore(%arg17 : memref<!tpu.dma_semaphore, #tpu.memory_space<semaphore_mem>>) {add = true}
    %dma_wait3A_196 = arith.constant 0 : i32
    %dma_wait3A_197 = arith.constant 0 : i32
    %dma_wait3A_198 = arith.constant 0 : i32
    %dma_wait3A_199 = arith.constant 0 : i32
    %dma_wait3A_200 = tpu.memref_slice %arg6[%dma_wait3A_196, %dma_wait3A_198, %dma_wait3A_199] : memref<3x104x128xf32, #tpu.memory_space<vmem>> -> memref<1x104x128xf32, #tpu.memory_space<vmem>>
    %dma_wait3A_201 = tpu.memref_squeeze %dma_wait3A_200 : memref<1x104x128xf32, #tpu.memory_space<vmem>> -> memref<104x128xf32, #tpu.memory_space<vmem>>
    %dma_wait3A_202 = arith.constant 0 : i32
    %dma_wait3A_203 = tpu.memref_slice %arg8[%dma_wait3A_197, %dma_wait3A_202] : memref<6x104xi32, #tpu.memory_space<vmem>> -> memref<1x104xi32, #tpu.memory_space<vmem>>
    %dma_wait3A_204 = tpu.memref_squeeze %dma_wait3A_203 : memref<1x104xi32, #tpu.memory_space<vmem>> -> memref<104xi32, #tpu.memory_space<vmem>>
    %dma_wait3A_205 = arith.constant 0 : i32
    %dma_wait3A_206 = arith.constant 0 : i32
    %dma_wait3A_207 = tpu.memref_slice %arg11[%dma_wait3A_205, %dma_wait3A_206] : memref<10000x128xf32, #tpu.memory_space<vmem_shared>> -> memref<10000x128xf32, #tpu.memory_space<vmem_shared>>
    tpu.wait_indirect_dma semaphore(%arg15 : memref<!tpu.dma_semaphore, #tpu.memory_space<semaphore_mem>>) src(%dma_wait3A_201 : memref<104x128xf32, #tpu.memory_space<vmem>>) dst(%dma_wait3A_207 : memref<10000x128xf32, #tpu.memory_space<vmem_shared>>)
    %dma_wait3A_208 = arith.constant 1 : i32
    %dma_wait3A_209 = arith.constant 0 : i32
    %dma_wait3A_210 = arith.constant 0 : i32
    %dma_wait3A_211 = arith.constant 0 : i32
    %dma_wait3A_212 = tpu.memref_slice %arg6[%dma_wait3A_208, %dma_wait3A_210, %dma_wait3A_211] : memref<3x104x128xf32, #tpu.memory_space<vmem>> -> memref<1x104x128xf32, #tpu.memory_space<vmem>>
    %dma_wait3A_213 = tpu.memref_squeeze %dma_wait3A_212 : memref<1x104x128xf32, #tpu.memory_space<vmem>> -> memref<104x128xf32, #tpu.memory_space<vmem>>
    %dma_wait3A_214 = arith.constant 0 : i32
    %dma_wait3A_215 = tpu.memref_slice %arg8[%dma_wait3A_209, %dma_wait3A_214] : memref<6x104xi32, #tpu.memory_space<vmem>> -> memref<1x104xi32, #tpu.memory_space<vmem>>
    %dma_wait3A_216 = tpu.memref_squeeze %dma_wait3A_215 : memref<1x104xi32, #tpu.memory_space<vmem>> -> memref<104xi32, #tpu.memory_space<vmem>>
    %dma_wait3A_217 = arith.constant 0 : i32
    %dma_wait3A_218 = arith.constant 0 : i32
    %dma_wait3A_219 = tpu.memref_slice %arg11[%dma_wait3A_217, %dma_wait3A_218] : memref<10000x128xf32, #tpu.memory_space<vmem_shared>> -> memref<10000x128xf32, #tpu.memory_space<vmem_shared>>
    tpu.wait_indirect_dma semaphore(%arg16 : memref<!tpu.dma_semaphore, #tpu.memory_space<semaphore_mem>>) src(%dma_wait3A_213 : memref<104x128xf32, #tpu.memory_space<vmem>>) dst(%dma_wait3A_219 : memref<10000x128xf32, #tpu.memory_space<vmem_shared>>)
    %dma_wait3A_220 = arith.constant 2 : i32
    %dma_wait3A_221 = arith.constant 0 : i32
    %dma_wait3A_222 = arith.constant 0 : i32
    %dma_wait3A_223 = arith.constant 0 : i32
    %dma_wait3A_224 = tpu.memref_slice %arg6[%dma_wait3A_220, %dma_wait3A_222, %dma_wait3A_223] : memref<3x104x128xf32, #tpu.memory_space<vmem>> -> memref<1x104x128xf32, #tpu.memory_space<vmem>>
    %dma_wait3A_225 = tpu.memref_squeeze %dma_wait3A_224 : memref<1x104x128xf32, #tpu.memory_space<vmem>> -> memref<104x128xf32, #tpu.memory_space<vmem>>
    %dma_wait3A_226 = arith.constant 0 : i32
    %dma_wait3A_227 = tpu.memref_slice %arg8[%dma_wait3A_221, %dma_wait3A_226] : memref<6x104xi32, #tpu.memory_space<vmem>> -> memref<1x104xi32, #tpu.memory_space<vmem>>
    %dma_wait3A_228 = tpu.memref_squeeze %dma_wait3A_227 : memref<1x104xi32, #tpu.memory_space<vmem>> -> memref<104xi32, #tpu.memory_space<vmem>>
    %dma_wait3A_229 = arith.constant 0 : i32
    %dma_wait3A_230 = arith.constant 0 : i32
    %dma_wait3A_231 = tpu.memref_slice %arg11[%dma_wait3A_229, %dma_wait3A_230] : memref<10000x128xf32, #tpu.memory_space<vmem_shared>> -> memref<10000x128xf32, #tpu.memory_space<vmem_shared>>
    tpu.wait_indirect_dma semaphore(%arg17 : memref<!tpu.dma_semaphore, #tpu.memory_space<semaphore_mem>>) src(%dma_wait3A_225 : memref<104x128xf32, #tpu.memory_space<vmem>>) dst(%dma_wait3A_231 : memref<10000x128xf32, #tpu.memory_space<vmem_shared>>)
    %dma_start3A_232 = arith.constant 0 : i32
    %dma_start3A_233 = arith.constant 0 : i32
    %dma_start3A_234 = arith.constant 0 : i32
    %dma_start3A_235 = arith.constant 0 : i32
    %dma_start3A_236 = tpu.memref_slice %arg6[%dma_start3A_233, %dma_start3A_234, %dma_start3A_235] : memref<3x104x128xf32, #tpu.memory_space<vmem>> -> memref<1x16x128xf32, #tpu.memory_space<vmem>>
    %dma_start3A_237 = tpu.memref_squeeze %dma_start3A_236 : memref<1x16x128xf32, #tpu.memory_space<vmem>> -> memref<16x128xf32, #tpu.memory_space<vmem>>
    %dma_start3A_238 = arith.constant 0 : i32
    %dma_start3A_239 = tpu.memref_slice %arg10[%dma_start3A_232, %dma_start3A_238] : memref<1x16xi32, #tpu.memory_space<vmem>> -> memref<1x16xi32, #tpu.memory_space<vmem>>
    %dma_start3A_240 = tpu.memref_squeeze %dma_start3A_239 : memref<1x16xi32, #tpu.memory_space<vmem>> -> memref<16xi32, #tpu.memory_space<vmem>>
    %dma_start3A_241 = arith.constant 0 : i32
    %dma_start3A_242 = arith.constant 0 : i32
    %dma_start3A_243 = tpu.memref_slice %arg2[%dma_start3A_241, %dma_start3A_242] : memref<10000x128xf32, #tpu.memory_space<hbm>> -> memref<10000x128xf32, #tpu.memory_space<hbm>>
    tpu.enqueue_indirect_dma source(%dma_start3A_243 : memref<10000x128xf32, #tpu.memory_space<hbm>>) target(%dma_start3A_237 : memref<16x128xf32, #tpu.memory_space<vmem>>) offsets(%dma_start3A_240 : memref<16xi32, #tpu.memory_space<vmem>>) semaphore(%arg12 : memref<!tpu.dma_semaphore, #tpu.memory_space<semaphore_mem>>)
    %dma_wait3A_244 = arith.constant 0 : i32
    %dma_wait3A_245 = arith.constant 0 : i32
    %dma_wait3A_246 = arith.constant 0 : i32
    %dma_wait3A_247 = arith.constant 0 : i32
    %dma_wait3A_248 = tpu.memref_slice %arg6[%dma_wait3A_245, %dma_wait3A_246, %dma_wait3A_247] : memref<3x104x128xf32, #tpu.memory_space<vmem>> -> memref<1x16x128xf32, #tpu.memory_space<vmem>>
    %dma_wait3A_249 = tpu.memref_squeeze %dma_wait3A_248 : memref<1x16x128xf32, #tpu.memory_space<vmem>> -> memref<16x128xf32, #tpu.memory_space<vmem>>
    %dma_wait3A_250 = arith.constant 0 : i32
    %dma_wait3A_251 = tpu.memref_slice %arg10[%dma_wait3A_244, %dma_wait3A_250] : memref<1x16xi32, #tpu.memory_space<vmem>> -> memref<1x16xi32, #tpu.memory_space<vmem>>
    %dma_wait3A_252 = tpu.memref_squeeze %dma_wait3A_251 : memref<1x16xi32, #tpu.memory_space<vmem>> -> memref<16xi32, #tpu.memory_space<vmem>>
    %dma_wait3A_253 = arith.constant 0 : i32
    %dma_wait3A_254 = arith.constant 0 : i32
    %dma_wait3A_255 = tpu.memref_slice %arg2[%dma_wait3A_253, %dma_wait3A_254] : memref<10000x128xf32, #tpu.memory_space<hbm>> -> memref<10000x128xf32, #tpu.memory_space<hbm>>
    tpu.wait_indirect_dma semaphore(%arg12 : memref<!tpu.dma_semaphore, #tpu.memory_space<semaphore_mem>>) src(%dma_wait3A_255 : memref<10000x128xf32, #tpu.memory_space<hbm>>) dst(%dma_wait3A_249 : memref<16x128xf32, #tpu.memory_space<vmem>>)
    %run_scoped3A_256 = arith.constant 0 : i32
    %run_scoped3A_257 = arith.constant 0 : i32
    "tpu.region"() ({
      %run_scoped3A_264 = tpu.sem_alloc : memref<!tpu.dma_semaphore, #tpu.memory_space<semaphore_mem>>
      %dma_start3A_265 = arith.constant 0 : i32
      %dma_start3A_266 = arith.constant 0 : i32
      %dma_start3A_267 = tpu.memref_slice %arg6[%run_scoped3A_256, %dma_start3A_265, %dma_start3A_266] : memref<3x104x128xf32, #tpu.memory_space<vmem>> -> memref<1x16x128xf32, #tpu.memory_space<vmem>>
      %dma_start3A_268 = tpu.memref_squeeze %dma_start3A_267 : memref<1x16x128xf32, #tpu.memory_space<vmem>> -> memref<16x128xf32, #tpu.memory_space<vmem>>
      %dma_start3A_269 = arith.constant 0 : i32
      %dma_start3A_270 = tpu.memref_slice %arg9[%run_scoped3A_257, %dma_start3A_269] : memref<1x16xi32, #tpu.memory_space<vmem>> -> memref<1x16xi32, #tpu.memory_space<vmem>>
      %dma_start3A_271 = tpu.memref_squeeze %dma_start3A_270 : memref<1x16xi32, #tpu.memory_space<vmem>> -> memref<16xi32, #tpu.memory_space<vmem>>
      %dma_start3A_272 = arith.constant 0 : i32
      %dma_start3A_273 = arith.constant 0 : i32
      %dma_start3A_274 = tpu.memref_slice %arg11[%dma_start3A_272, %dma_start3A_273] : memref<10000x128xf32, #tpu.memory_space<vmem_shared>> -> memref<10000x128xf32, #tpu.memory_space<vmem_shared>>
      tpu.enqueue_indirect_dma source(%dma_start3A_268 : memref<16x128xf32, #tpu.memory_space<vmem>>) target(%dma_start3A_274 : memref<10000x128xf32, #tpu.memory_space<vmem_shared>>) offsets(%dma_start3A_271 : memref<16xi32, #tpu.memory_space<vmem>>) semaphore(%run_scoped3A_264 : memref<!tpu.dma_semaphore, #tpu.memory_space<semaphore_mem>>) {add = true}
      %dma_wait3A_275 = arith.constant 0 : i32
      %dma_wait3A_276 = arith.constant 0 : i32
      %dma_wait3A_277 = tpu.memref_slice %arg6[%run_scoped3A_256, %dma_wait3A_275, %dma_wait3A_276] : memref<3x104x128xf32, #tpu.memory_space<vmem>> -> memref<1x16x128xf32, #tpu.memory_space<vmem>>
      %dma_wait3A_278 = tpu.memref_squeeze %dma_wait3A_277 : memref<1x16x128xf32, #tpu.memory_space<vmem>> -> memref<16x128xf32, #tpu.memory_space<vmem>>
      %dma_wait3A_279 = arith.constant 0 : i32
      %dma_wait3A_280 = tpu.memref_slice %arg9[%run_scoped3A_257, %dma_wait3A_279] : memref<1x16xi32, #tpu.memory_space<vmem>> -> memref<1x16xi32, #tpu.memory_space<vmem>>
      %dma_wait3A_281 = tpu.memref_squeeze %dma_wait3A_280 : memref<1x16xi32, #tpu.memory_space<vmem>> -> memref<16xi32, #tpu.memory_space<vmem>>
      %dma_wait3A_282 = arith.constant 0 : i32
      %dma_wait3A_283 = arith.constant 0 : i32
      %dma_wait3A_284 = tpu.memref_slice %arg11[%dma_wait3A_282, %dma_wait3A_283] : memref<10000x128xf32, #tpu.memory_space<vmem_shared>> -> memref<10000x128xf32, #tpu.memory_space<vmem_shared>>
      tpu.wait_indirect_dma semaphore(%run_scoped3A_264 : memref<!tpu.dma_semaphore, #tpu.memory_space<semaphore_mem>>) src(%dma_wait3A_278 : memref<16x128xf32, #tpu.memory_space<vmem>>) dst(%dma_wait3A_284 : memref<10000x128xf32, #tpu.memory_space<vmem_shared>>)
      tpu.yield
    }) : () -> ()
    %barrier3A_258 = arith.constant 0 : index
    tpu.barrier barrier_id(%barrier3A_258)
    "tpu.region"() ({
      %run_scoped3A_264 = tpu.sem_alloc : memref<!tpu.dma_semaphore, #tpu.memory_space<semaphore_mem>>
      %dma_start3A_265 = arith.constant 0 : i32
      %dma_start3A_266 = tpu.memref_slice %arg5[%arg0, %mul3A_16, %dma_start3A_265] : memref<2x10000x128xf32, #tpu.memory_space<hbm>> -> memref<1x624x128xf32, #tpu.memory_space<hbm>>
      %dma_start3A_267 = tpu.memref_squeeze %dma_start3A_266 : memref<1x624x128xf32, #tpu.memory_space<hbm>> -> memref<624x128xf32, #tpu.memory_space<hbm>>
      %dma_start3A_268 = arith.constant 0 : i32
      %dma_start3A_269 = tpu.memref_slice %arg11[%mul3A_16, %dma_start3A_268] : memref<10000x128xf32, #tpu.memory_space<vmem_shared>> -> memref<624x128xf32, #tpu.memory_space<vmem_shared>>
      tpu.enqueue_dma source(%dma_start3A_269 : memref<624x128xf32, #tpu.memory_space<vmem_shared>>) target(%dma_start3A_267 : memref<624x128xf32, #tpu.memory_space<hbm>>) target_semaphore(%run_scoped3A_264 : memref<!tpu.dma_semaphore, #tpu.memory_space<semaphore_mem>>)
      %dma_wait3A_270 = arith.constant 0 : i32
      %dma_wait3A_271 = tpu.memref_slice %arg5[%arg0, %mul3A_16, %dma_wait3A_270] : memref<2x10000x128xf32, #tpu.memory_space<hbm>> -> memref<1x624x128xf32, #tpu.memory_space<hbm>>
      %dma_wait3A_272 = tpu.memref_squeeze %dma_wait3A_271 : memref<1x624x128xf32, #tpu.memory_space<hbm>> -> memref<624x128xf32, #tpu.memory_space<hbm>>
      %dma_wait3A_273 = arith.constant 0 : i32
      %dma_wait3A_274 = tpu.memref_slice %arg11[%mul3A_16, %dma_wait3A_273] : memref<10000x128xf32, #tpu.memory_space<vmem_shared>> -> memref<624x128xf32, #tpu.memory_space<vmem_shared>>
      tpu.wait_dma2 semaphore(%run_scoped3A_264 : memref<!tpu.dma_semaphore, #tpu.memory_space<semaphore_mem>>) src(%dma_wait3A_274 : memref<624x128xf32, #tpu.memory_space<vmem_shared>>) dst(%dma_wait3A_272 : memref<624x128xf32, #tpu.memory_space<hbm>>)
      tpu.yield
    }) : () -> ()
    %eq3A_259 = arith.constant 15 : i32
    %eq3A_260 = arith.cmpi eq, %arg1, %eq3A_259 : i32
    %convert_element_type3A_261 = arith.extui %eq3A_260 : i1 to i32
    %cond3A_262 = arith.constant 0 : i32
    %cond3A_263 = arith.cmpi ne, %convert_element_type3A_261, %cond3A_262 : i32
    scf.if %cond3A_263 {
      "tpu.region"() ({
        %run_scoped3A_264 = tpu.sem_alloc : memref<!tpu.dma_semaphore, #tpu.memory_space<semaphore_mem>>
        %dma_start3A_265 = arith.constant 9984 : i32
        %dma_start3A_266 = arith.constant 0 : i32
        %dma_start3A_267 = tpu.memref_slice %arg5[%arg0, %dma_start3A_265, %dma_start3A_266] : memref<2x10000x128xf32, #tpu.memory_space<hbm>> -> memref<1x16x128xf32, #tpu.memory_space<hbm>>
        %dma_start3A_268 = tpu.memref_squeeze %dma_start3A_267 : memref<1x16x128xf32, #tpu.memory_space<hbm>> -> memref<16x128xf32, #tpu.memory_space<hbm>>
        %dma_start3A_269 = arith.constant 9984 : i32
        %dma_start3A_270 = arith.constant 0 : i32
        %dma_start3A_271 = tpu.memref_slice %arg11[%dma_start3A_269, %dma_start3A_270] : memref<10000x128xf32, #tpu.memory_space<vmem_shared>> -> memref<16x128xf32, #tpu.memory_space<vmem_shared>>
        tpu.enqueue_dma source(%dma_start3A_271 : memref<16x128xf32, #tpu.memory_space<vmem_shared>>) target(%dma_start3A_268 : memref<16x128xf32, #tpu.memory_space<hbm>>) target_semaphore(%run_scoped3A_264 : memref<!tpu.dma_semaphore, #tpu.memory_space<semaphore_mem>>)
        %dma_wait3A_272 = arith.constant 9984 : i32
        %dma_wait3A_273 = arith.constant 0 : i32
        %dma_wait3A_274 = tpu.memref_slice %arg5[%arg0, %dma_wait3A_272, %dma_wait3A_273] : memref<2x10000x128xf32, #tpu.memory_space<hbm>> -> memref<1x16x128xf32, #tpu.memory_space<hbm>>
        %dma_wait3A_275 = tpu.memref_squeeze %dma_wait3A_274 : memref<1x16x128xf32, #tpu.memory_space<hbm>> -> memref<16x128xf32, #tpu.memory_space<hbm>>
        %dma_wait3A_276 = arith.constant 9984 : i32
        %dma_wait3A_277 = arith.constant 0 : i32
        %dma_wait3A_278 = tpu.memref_slice %arg11[%dma_wait3A_276, %dma_wait3A_277] : memref<10000x128xf32, #tpu.memory_space<vmem_shared>> -> memref<16x128xf32, #tpu.memory_space<vmem_shared>>
        tpu.wait_dma2 semaphore(%run_scoped3A_264 : memref<!tpu.dma_semaphore, #tpu.memory_space<semaphore_mem>>) src(%dma_wait3A_278 : memref<16x128xf32, #tpu.memory_space<vmem_shared>>) dst(%dma_wait3A_275 : memref<16x128xf32, #tpu.memory_space<hbm>>)
        tpu.yield
      }) : () -> ()
    } else {
    }
    return
  }
}

#map = affine_map<(d0, d1) -> (0, 0)>
#map1 = affine_map<(d0, d1) -> (0)>
#map2 = affine_map<(d0, d1) -> (0, 0, 0)>
module attributes {stable_mosaic.version = 14 : i64} {
  func.func @body(%arg0: i32, %arg1: i32, %arg2: memref<10000x128xf32, #tpu.memory_space<hbm>>, %arg3: memref<320000xi32, #tpu.memory_space<hbm>>, %arg4: memref<320000xi32, #tpu.memory_space<hbm>>, %arg5: memref<2x10000x128xf32, #tpu.memory_space<hbm>>, %arg6: memref<3x104x128xf32, #tpu.memory_space<vmem>>, %arg7: memref<6x104xi32, #tpu.memory_space<vmem>>, %arg8: memref<6x104xi32, #tpu.memory_space<vmem>>, %arg9: memref<1x16xi32, #tpu.memory_space<vmem>>, %arg10: memref<1x16xi32, #tpu.memory_space<vmem>>, %arg11: memref<10000x128xf32, #tpu.memory_space<vmem_shared>>, %arg12: memref<!tpu.dma_semaphore, #tpu.memory_space<semaphore_mem>>, %arg13: memref<!tpu.dma_semaphore, #tpu.memory_space<semaphore_mem>>, %arg14: memref<!tpu.dma_semaphore, #tpu.memory_space<semaphore_mem>>, %arg15: memref<!tpu.dma_semaphore, #tpu.memory_space<semaphore_mem>>, %arg16: memref<!tpu.dma_semaphore, #tpu.memory_space<semaphore_mem>>, %arg17: memref<!tpu.dma_semaphore, #tpu.memory_space<semaphore_mem>>, %arg18: memref<!tpu.dma_semaphore, #tpu.memory_space<semaphore_mem>>, %arg19: memref<!tpu.dma_semaphore, #tpu.memory_space<semaphore_mem>>, %arg20: memref<!tpu.dma_semaphore, #tpu.memory_space<semaphore_mem>>, %arg21: memref<!tpu.dma_semaphore, #tpu.memory_space<semaphore_mem>>, %arg22: memref<!tpu.dma_semaphore, #tpu.memory_space<semaphore_mem>>, %arg23: memref<!tpu.dma_semaphore, #tpu.memory_space<semaphore_mem>>, %arg24: memref<!tpu.dma_semaphore, #tpu.memory_space<semaphore_mem>>, %arg25: memref<!tpu.dma_semaphore, #tpu.memory_space<semaphore_mem>>, %arg26: memref<!tpu.dma_semaphore, #tpu.memory_space<semaphore_mem>>, %arg27: memref<!tpu.dma_semaphore, #tpu.memory_space<semaphore_mem>>, %arg28: memref<!tpu.dma_semaphore, #tpu.memory_space<semaphore_mem>>, %arg29: memref<!tpu.dma_semaphore, #tpu.memory_space<semaphore_mem>>) attributes {dimension_semantics = [#tpu.dimension_semantics<core_parallel>, #tpu.dimension_semantics<subcore_parallel>], iteration_bounds = array<i64: 2, 16>, scalar_prefetch = 0 : i64, scratch_operands = 24 : i64, tpu.core_type = #tpu.core_type<sc_vector_subcore>, window_params = [{transform_indices = #map}, {transform_indices = #map1}, {transform_indices = #map1}, {transform_indices = #map2}]} {
    %mul3A = arith.constant 2 : i32
    %mul3A_0 = arith.muli %arg1, %mul3A : i32
    %add3A = arith.addi %mul3A_0, %arg0 : i32
    %mul3A_1 = arith.constant 10000 : i32
    %mul3A_2 = arith.muli %add3A, %mul3A_1 : i32
    %add3A_3 = arith.constant 9984 : i32
    %add3A_4 = arith.addi %mul3A_2, %add3A_3 : i32
    %run_scoped3A = arith.constant 0 : i32
    "tpu.region"() ({
      %run_scoped3A_264 = tpu.sem_alloc : memref<!tpu.dma_semaphore, #tpu.memory_space<semaphore_mem>>
      %dma_start3A_265 = arith.constant 0 : i32
      %dma_start3A_266 = tpu.memref_slice %arg9[%run_scoped3A, %dma_start3A_265] : memref<1x16xi32, #tpu.memory_space<vmem>> -> memref<1x16xi32, #tpu.memory_space<vmem>>
      %dma_start3A_267 = tpu.memref_squeeze %dma_start3A_266 : memref<1x16xi32, #tpu.memory_space<vmem>> -> memref<16xi32, #tpu.memory_space<vmem>>
      %dma_start3A_268 = tpu.memref_slice %arg4[%add3A_4] : memref<320000xi32, #tpu.memory_space<hbm>> -> memref<16xi32, #tpu.memory_space<hbm>>
      %dma_start3A_269 = arith.constant 0 : i32
      %dma_start3A_270 = tpu.memref_slice %arg9[%run_scoped3A, %dma_start3A_269] : memref<1x16xi32, #tpu.memory_space<vmem>> -> memref<1x16xi32, #tpu.memory_space<vmem>>
      %dma_start3A_271 = tpu.memref_squeeze %dma_start3A_270 : memref<1x16xi32, #tpu.memory_space<vmem>> -> memref<16xi32, #tpu.memory_space<vmem>>
      %dma_start3A_272 = tpu.memref_slice %arg4[%add3A_4] : memref<320000xi32, #tpu.memory_space<hbm>> -> memref<16xi32, #tpu.memory_space<hbm>>
      tpu.enqueue_dma source(%dma_start3A_272 : memref<16xi32, #tpu.memory_space<hbm>>) target(%dma_start3A_271 : memref<16xi32, #tpu.memory_space<vmem>>) target_semaphore(%run_scoped3A_264 : memref<!tpu.dma_semaphore, #tpu.memory_space<semaphore_mem>>)
      %dma_wait3A_273 = arith.constant 0 : i32
      %dma_wait3A_274 = tpu.memref_slice %arg9[%run_scoped3A, %dma_wait3A_273] : memref<1x16xi32, #tpu.memory_space<vmem>> -> memref<1x16xi32, #tpu.memory_space<vmem>>
      %dma_wait3A_275 = tpu.memref_squeeze %dma_wait3A_274 : memref<1x16xi32, #tpu.memory_space<vmem>> -> memref<16xi32, #tpu.memory_space<vmem>>
      %dma_wait3A_276 = tpu.memref_slice %arg4[%add3A_4] : memref<320000xi32, #tpu.memory_space<hbm>> -> memref<16xi32, #tpu.memory_space<hbm>>
      %dma_wait3A_277 = arith.constant 0 : i32
      %dma_wait3A_278 = tpu.memref_slice %arg9[%run_scoped3A, %dma_wait3A_277] : memref<1x16xi32, #tpu.memory_space<vmem>> -> memref<1x16xi32, #tpu.memory_space<vmem>>
      %dma_wait3A_279 = tpu.memref_squeeze %dma_wait3A_278 : memref<1x16xi32, #tpu.memory_space<vmem>> -> memref<16xi32, #tpu.memory_space<vmem>>
      %dma_wait3A_280 = tpu.memref_slice %arg4[%add3A_4] : memref<320000xi32, #tpu.memory_space<hbm>> -> memref<16xi32, #tpu.memory_space<hbm>>
      tpu.wait_dma2 semaphore(%run_scoped3A_264 : memref<!tpu.dma_semaphore, #tpu.memory_space<semaphore_mem>>) src(%dma_wait3A_280 : memref<16xi32, #tpu.memory_space<hbm>>) dst(%dma_wait3A_279 : memref<16xi32, #tpu.memory_space<vmem>>)
      tpu.yield
    }) : () -> ()
    %add3A_5 = arith.constant 9984 : i32
    %add3A_6 = arith.addi %mul3A_2, %add3A_5 : i32
    %run_scoped3A_7 = arith.constant 0 : i32
    "tpu.region"() ({
      %run_scoped3A_264 = tpu.sem_alloc : memref<!tpu.dma_semaphore, #tpu.memory_space<semaphore_mem>>
      %dma_start3A_265 = arith.constant 0 : i32
      %dma_start3A_266 = tpu.memref_slice %arg10[%run_scoped3A_7, %dma_start3A_265] : memref<1x16xi32, #tpu.memory_space<vmem>> -> memref<1x16xi32, #tpu.memory_space<vmem>>
      %dma_start3A_267 = tpu.memref_squeeze %dma_start3A_266 : memref<1x16xi32, #tpu.memory_space<vmem>> -> memref<16xi32, #tpu.memory_space<vmem>>
      %dma_start3A_268 = tpu.memref_slice %arg3[%add3A_6] : memref<320000xi32, #tpu.memory_space<hbm>> -> memref<16xi32, #tpu.memory_space<hbm>>
      %dma_start3A_269 = arith.constant 0 : i32
      %dma_start3A_270 = tpu.memref_slice %arg10[%run_scoped3A_7, %dma_start3A_269] : memref<1x16xi32, #tpu.memory_space<vmem>> -> memref<1x16xi32, #tpu.memory_space<vmem>>
      %dma_start3A_271 = tpu.memref_squeeze %dma_start3A_270 : memref<1x16xi32, #tpu.memory_space<vmem>> -> memref<16xi32, #tpu.memory_space<vmem>>
      %dma_start3A_272 = tpu.memref_slice %arg3[%add3A_6] : memref<320000xi32, #tpu.memory_space<hbm>> -> memref<16xi32, #tpu.memory_space<hbm>>
      tpu.enqueue_dma source(%dma_start3A_272 : memref<16xi32, #tpu.memory_space<hbm>>) target(%dma_start3A_271 : memref<16xi32, #tpu.memory_space<vmem>>) target_semaphore(%run_scoped3A_264 : memref<!tpu.dma_semaphore, #tpu.memory_space<semaphore_mem>>)
      %dma_wait3A_273 = arith.constant 0 : i32
      %dma_wait3A_274 = tpu.memref_slice %arg10[%run_scoped3A_7, %dma_wait3A_273] : memref<1x16xi32, #tpu.memory_space<vmem>> -> memref<1x16xi32, #tpu.memory_space<vmem>>
      %dma_wait3A_275 = tpu.memref_squeeze %dma_wait3A_274 : memref<1x16xi32, #tpu.memory_space<vmem>> -> memref<16xi32, #tpu.memory_space<vmem>>
      %dma_wait3A_276 = tpu.memref_slice %arg3[%add3A_6] : memref<320000xi32, #tpu.memory_space<hbm>> -> memref<16xi32, #tpu.memory_space<hbm>>
      %dma_wait3A_277 = arith.constant 0 : i32
      %dma_wait3A_278 = tpu.memref_slice %arg10[%run_scoped3A_7, %dma_wait3A_277] : memref<1x16xi32, #tpu.memory_space<vmem>> -> memref<1x16xi32, #tpu.memory_space<vmem>>
      %dma_wait3A_279 = tpu.memref_squeeze %dma_wait3A_278 : memref<1x16xi32, #tpu.memory_space<vmem>> -> memref<16xi32, #tpu.memory_space<vmem>>
      %dma_wait3A_280 = tpu.memref_slice %arg3[%add3A_6] : memref<320000xi32, #tpu.memory_space<hbm>> -> memref<16xi32, #tpu.memory_space<hbm>>
      tpu.wait_dma2 semaphore(%run_scoped3A_264 : memref<!tpu.dma_semaphore, #tpu.memory_space<semaphore_mem>>) src(%dma_wait3A_280 : memref<16xi32, #tpu.memory_space<hbm>>) dst(%dma_wait3A_279 : memref<16xi32, #tpu.memory_space<vmem>>)
      tpu.yield
    }) : () -> ()
    %broadcast_in_dim3A = arith.constant 0.000000e+00 : f32
    %broadcast_in_dim3A_8 = vector.broadcast %broadcast_in_dim3A : f32 to vector<16xf32>
    %scan3A = arith.constant 0 : i32
    %scan3A_9 = arith.constant 0 : i32
    %scan3A_10 = arith.constant 104 : i32
    %scan3A_11 = arith.addi %scan3A_9, %scan3A_10 : i32
    %scan3A_12 = arith.constant 1 : i32
    %scan3A_13 = scf.for %scan3A_264 = %scan3A_9 to %scan3A_11 step %scan3A_12 iter_args(%scan3A_265 = %scan3A) -> (i32)  : i32 {
      %swap3A = arith.constant 0 : i32
      %swap3A_266 = arith.index_cast %swap3A : i32 to index
      %swap3A_267 = arith.index_cast %scan3A_264 : i32 to index
      %swap3A_268 = arith.constant 0 : index
      %swap3A_269 = tpu.vector_load %arg6[%swap3A_266, %swap3A_267, %swap3A_268] {strides = array<i32>} : memref<3x104x128xf32, #tpu.memory_space<vmem>>, vector<16xf32>,
      tpu.vector_store %arg6[%swap3A_266, %swap3A_267, %swap3A_268], %broadcast_in_dim3A_8 {strides = array<i32>} : memref<3x104x128xf32, #tpu.memory_space<vmem>>, vector<16xf32>,
      %swap3A_270 = arith.constant 0 : i32
      %swap3A_271 = arith.index_cast %swap3A_270 : i32 to index
      %swap3A_272 = arith.index_cast %scan3A_264 : i32 to index
      %swap3A_273 = arith.constant 16 : index
      %swap3A_274 = tpu.vector_load %arg6[%swap3A_271, %swap3A_272, %swap3A_273] {strides = array<i32>} : memref<3x104x128xf32, #tpu.memory_space<vmem>>, vector<16xf32>,
      tpu.vector_store %arg6[%swap3A_271, %swap3A_272, %swap3A_273], %broadcast_in_dim3A_8 {strides = array<i32>} : memref<3x104x128xf32, #tpu.memory_space<vmem>>, vector<16xf32>,
      %swap3A_275 = arith.constant 0 : i32
      %swap3A_276 = arith.index_cast %swap3A_275 : i32 to index
      %swap3A_277 = arith.index_cast %scan3A_264 : i32 to index
      %swap3A_278 = arith.constant 32 : index
      %swap3A_279 = tpu.vector_load %arg6[%swap3A_276, %swap3A_277, %swap3A_278] {strides = array<i32>} : memref<3x104x128xf32, #tpu.memory_space<vmem>>, vector<16xf32>,
      tpu.vector_store %arg6[%swap3A_276, %swap3A_277, %swap3A_278], %broadcast_in_dim3A_8 {strides = array<i32>} : memref<3x104x128xf32, #tpu.memory_space<vmem>>, vector<16xf32>,
      %swap3A_280 = arith.constant 0 : i32
      %swap3A_281 = arith.index_cast %swap3A_280 : i32 to index
      %swap3A_282 = arith.index_cast %scan3A_264 : i32 to index
      %swap3A_283 = arith.constant 48 : index
      %swap3A_284 = tpu.vector_load %arg6[%swap3A_281, %swap3A_282, %swap3A_283] {strides = array<i32>} : memref<3x104x128xf32, #tpu.memory_space<vmem>>, vector<16xf32>,
      tpu.vector_store %arg6[%swap3A_281, %swap3A_282, %swap3A_283], %broadcast_in_dim3A_8 {strides = array<i32>} : memref<3x104x128xf32, #tpu.memory_space<vmem>>, vector<16xf32>,
      %swap3A_285 = arith.constant 0 : i32
      %swap3A_286 = arith.index_cast %swap3A_285 : i32 to index
      %swap3A_287 = arith.index_cast %scan3A_264 : i32 to index
      %swap3A_288 = arith.constant 64 : index
      %swap3A_289 = tpu.vector_load %arg6[%swap3A_286, %swap3A_287, %swap3A_288] {strides = array<i32>} : memref<3x104x128xf32, #tpu.memory_space<vmem>>, vector<16xf32>,
      tpu.vector_store %arg6[%swap3A_286, %swap3A_287, %swap3A_288], %broadcast_in_dim3A_8 {strides = array<i32>} : memref<3x104x128xf32, #tpu.memory_space<vmem>>, vector<16xf32>,
      %swap3A_290 = arith.constant 0 : i32
      %swap3A_291 = arith.index_cast %swap3A_290 : i32 to index
      %swap3A_292 = arith.index_cast %scan3A_264 : i32 to index
      %swap3A_293 = arith.constant 80 : index
      %swap3A_294 = tpu.vector_load %arg6[%swap3A_291, %swap3A_292, %swap3A_293] {strides = array<i32>} : memref<3x104x128xf32, #tpu.memory_space<vmem>>, vector<16xf32>,
      tpu.vector_store %arg6[%swap3A_291, %swap3A_292, %swap3A_293], %broadcast_in_dim3A_8 {strides = array<i32>} : memref<3x104x128xf32, #tpu.memory_space<vmem>>, vector<16xf32>,
      %swap3A_295 = arith.constant 0 : i32
      %swap3A_296 = arith.index_cast %swap3A_295 : i32 to index
      %swap3A_297 = arith.index_cast %scan3A_264 : i32 to index
      %swap3A_298 = arith.constant 96 : index
      %swap3A_299 = tpu.vector_load %arg6[%swap3A_296, %swap3A_297, %swap3A_298] {strides = array<i32>} : memref<3x104x128xf32, #tpu.memory_space<vmem>>, vector<16xf32>,
      tpu.vector_store %arg6[%swap3A_296, %swap3A_297, %swap3A_298], %broadcast_in_dim3A_8 {strides = array<i32>} : memref<3x104x128xf32, #tpu.memory_space<vmem>>, vector<16xf32>,
      %swap3A_300 = arith.constant 0 : i32
      %swap3A_301 = arith.index_cast %swap3A_300 : i32 to index
      %swap3A_302 = arith.index_cast %scan3A_264 : i32 to index
      %swap3A_303 = arith.constant 112 : index
      %swap3A_304 = tpu.vector_load %arg6[%swap3A_301, %swap3A_302, %swap3A_303] {strides = array<i32>} : memref<3x104x128xf32, #tpu.memory_space<vmem>>, vector<16xf32>,
      tpu.vector_store %arg6[%swap3A_301, %swap3A_302, %swap3A_303], %broadcast_in_dim3A_8 {strides = array<i32>} : memref<3x104x128xf32, #tpu.memory_space<vmem>>, vector<16xf32>,
      %scan3A_305 = arith.constant 0 : i32
      scf.yield %scan3A_305 : i32
    }
    %scan3A_14 = arith.constant 104 : i32
    %mul3A_15 = arith.constant 624 : i32
    %mul3A_16 = arith.muli %arg1, %mul3A_15 : i32
    %add3A_17 = arith.constant 0 : i32
    %add3A_18 = arith.addi %mul3A_16, %add3A_17 : i32
    %run_scoped3A_19 = arith.constant 0 : i32
    "tpu.region"() ({
      %run_scoped3A_264 = tpu.sem_alloc : memref<!tpu.dma_semaphore, #tpu.memory_space<semaphore_mem>>
      %dma_start3A_265 = arith.constant 0 : i32
      %dma_start3A_266 = arith.constant 0 : i32
      %dma_start3A_267 = tpu.memref_slice %arg6[%run_scoped3A_19, %dma_start3A_265, %dma_start3A_266] : memref<3x104x128xf32, #tpu.memory_space<vmem>> -> memref<1x104x128xf32, #tpu.memory_space<vmem>>
      %dma_start3A_268 = tpu.memref_squeeze %dma_start3A_267 : memref<1x104x128xf32, #tpu.memory_space<vmem>> -> memref<104x128xf32, #tpu.memory_space<vmem>>
      %dma_start3A_269 = arith.constant 0 : i32
      %dma_start3A_270 = tpu.memref_slice %arg11[%add3A_18, %dma_start3A_269] : memref<10000x128xf32, #tpu.memory_space<vmem_shared>> -> memref<104x128xf32, #tpu.memory_space<vmem_shared>>
      %dma_start3A_271 = arith.constant 0 : i32
      %dma_start3A_272 = tpu.memref_slice %arg11[%add3A_18, %dma_start3A_271] : memref<10000x128xf32, #tpu.memory_space<vmem_shared>> -> memref<104x128xf32, #tpu.memory_space<vmem_shared>>
      %dma_start3A_273 = arith.constant 0 : i32
      %dma_start3A_274 = arith.constant 0 : i32
      %dma_start3A_275 = tpu.memref_slice %arg6[%run_scoped3A_19, %dma_start3A_273, %dma_start3A_274] : memref<3x104x128xf32, #tpu.memory_space<vmem>> -> memref<1x104x128xf32, #tpu.memory_space<vmem>>
      %dma_start3A_276 = tpu.memref_squeeze %dma_start3A_275 : memref<1x104x128xf32, #tpu.memory_space<vmem>> -> memref<104x128xf32, #tpu.memory_space<vmem>>
      tpu.enqueue_dma source(%dma_start3A_276 : memref<104x128xf32, #tpu.memory_space<vmem>>) target(%dma_start3A_272 : memref<104x128xf32, #tpu.memory_space<vmem_shared>>) target_semaphore(%run_scoped3A_264 : memref<!tpu.dma_semaphore, #tpu.memory_space<semaphore_mem>>)
      %dma_wait3A_277 = arith.constant 0 : i32
      %dma_wait3A_278 = arith.constant 0 : i32
      %dma_wait3A_279 = tpu.memref_slice %arg6[%run_scoped3A_19, %dma_wait3A_277, %dma_wait3A_278] : memref<3x104x128xf32, #tpu.memory_space<vmem>> -> memref<1x104x128xf32, #tpu.memory_space<vmem>>
      %dma_wait3A_280 = tpu.memref_squeeze %dma_wait3A_279 : memref<1x104x128xf32, #tpu.memory_space<vmem>> -> memref<104x128xf32, #tpu.memory_space<vmem>>
      %dma_wait3A_281 = arith.constant 0 : i32
      %dma_wait3A_282 = tpu.memref_slice %arg11[%add3A_18, %dma_wait3A_281] : memref<10000x128xf32, #tpu.memory_space<vmem_shared>> -> memref<104x128xf32, #tpu.memory_space<vmem_shared>>
      %dma_wait3A_283 = arith.constant 0 : i32
      %dma_wait3A_284 = tpu.memref_slice %arg11[%add3A_18, %dma_wait3A_283] : memref<10000x128xf32, #tpu.memory_space<vmem_shared>> -> memref<104x128xf32, #tpu.memory_space<vmem_shared>>
      %dma_wait3A_285 = arith.constant 0 : i32
      %dma_wait3A_286 = arith.constant 0 : i32
      %dma_wait3A_287 = tpu.memref_slice %arg6[%run_scoped3A_19, %dma_wait3A_285, %dma_wait3A_286] : memref<3x104x128xf32, #tpu.memory_space<vmem>> -> memref<1x104x128xf32, #tpu.memory_space<vmem>>
      %dma_wait3A_288 = tpu.memref_squeeze %dma_wait3A_287 : memref<1x104x128xf32, #tpu.memory_space<vmem>> -> memref<104x128xf32, #tpu.memory_space<vmem>>
      tpu.wait_dma2 semaphore(%run_scoped3A_264 : memref<!tpu.dma_semaphore, #tpu.memory_space<semaphore_mem>>) src(%dma_wait3A_288 : memref<104x128xf32, #tpu.memory_space<vmem>>) dst(%dma_wait3A_284 : memref<104x128xf32, #tpu.memory_space<vmem_shared>>)
      tpu.yield
    }) : () -> ()
    %add3A_20 = arith.constant 104 : i32
    %add3A_21 = arith.addi %mul3A_16, %add3A_20 : i32
    %run_scoped3A_22 = arith.constant 0 : i32
    "tpu.region"() ({
      %run_scoped3A_264 = tpu.sem_alloc : memref<!tpu.dma_semaphore, #tpu.memory_space<semaphore_mem>>
      %dma_start3A_265 = arith.constant 0 : i32
      %dma_start3A_266 = arith.constant 0 : i32
      %dma_start3A_267 = tpu.memref_slice %arg6[%run_scoped3A_22, %dma_start3A_265, %dma_start3A_266] : memref<3x104x128xf32, #tpu.memory_space<vmem>> -> memref<1x104x128xf32, #tpu.memory_space<vmem>>
      %dma_start3A_268 = tpu.memref_squeeze %dma_start3A_267 : memref<1x104x128xf32, #tpu.memory_space<vmem>> -> memref<104x128xf32, #tpu.memory_space<vmem>>
      %dma_start3A_269 = arith.constant 0 : i32
      %dma_start3A_270 = tpu.memref_slice %arg11[%add3A_21, %dma_start3A_269] : memref<10000x128xf32, #tpu.memory_space<vmem_shared>> -> memref<104x128xf32, #tpu.memory_space<vmem_shared>>
      %dma_start3A_271 = arith.constant 0 : i32
      %dma_start3A_272 = tpu.memref_slice %arg11[%add3A_21, %dma_start3A_271] : memref<10000x128xf32, #tpu.memory_space<vmem_shared>> -> memref<104x128xf32, #tpu.memory_space<vmem_shared>>
      %dma_start3A_273 = arith.constant 0 : i32
      %dma_start3A_274 = arith.constant 0 : i32
      %dma_start3A_275 = tpu.memref_slice %arg6[%run_scoped3A_22, %dma_start3A_273, %dma_start3A_274] : memref<3x104x128xf32, #tpu.memory_space<vmem>> -> memref<1x104x128xf32, #tpu.memory_space<vmem>>
      %dma_start3A_276 = tpu.memref_squeeze %dma_start3A_275 : memref<1x104x128xf32, #tpu.memory_space<vmem>> -> memref<104x128xf32, #tpu.memory_space<vmem>>
      tpu.enqueue_dma source(%dma_start3A_276 : memref<104x128xf32, #tpu.memory_space<vmem>>) target(%dma_start3A_272 : memref<104x128xf32, #tpu.memory_space<vmem_shared>>) target_semaphore(%run_scoped3A_264 : memref<!tpu.dma_semaphore, #tpu.memory_space<semaphore_mem>>)
      %dma_wait3A_277 = arith.constant 0 : i32
      %dma_wait3A_278 = arith.constant 0 : i32
      %dma_wait3A_279 = tpu.memref_slice %arg6[%run_scoped3A_22, %dma_wait3A_277, %dma_wait3A_278] : memref<3x104x128xf32, #tpu.memory_space<vmem>> -> memref<1x104x128xf32, #tpu.memory_space<vmem>>
      %dma_wait3A_280 = tpu.memref_squeeze %dma_wait3A_279 : memref<1x104x128xf32, #tpu.memory_space<vmem>> -> memref<104x128xf32, #tpu.memory_space<vmem>>
      %dma_wait3A_281 = arith.constant 0 : i32
      %dma_wait3A_282 = tpu.memref_slice %arg11[%add3A_21, %dma_wait3A_281] : memref<10000x128xf32, #tpu.memory_space<vmem_shared>> -> memref<104x128xf32, #tpu.memory_space<vmem_shared>>
      %dma_wait3A_283 = arith.constant 0 : i32
      %dma_wait3A_284 = tpu.memref_slice %arg11[%add3A_21, %dma_wait3A_283] : memref<10000x128xf32, #tpu.memory_space<vmem_shared>> -> memref<104x128xf32, #tpu.memory_space<vmem_shared>>
      %dma_wait3A_285 = arith.constant 0 : i32
      %dma_wait3A_286 = arith.constant 0 : i32
      %dma_wait3A_287 = tpu.memref_slice %arg6[%run_scoped3A_22, %dma_wait3A_285, %dma_wait3A_286] : memref<3x104x128xf32, #tpu.memory_space<vmem>> -> memref<1x104x128xf32, #tpu.memory_space<vmem>>
      %dma_wait3A_288 = tpu.memref_squeeze %dma_wait3A_287 : memref<1x104x128xf32, #tpu.memory_space<vmem>> -> memref<104x128xf32, #tpu.memory_space<vmem>>
      tpu.wait_dma2 semaphore(%run_scoped3A_264 : memref<!tpu.dma_semaphore, #tpu.memory_space<semaphore_mem>>) src(%dma_wait3A_288 : memref<104x128xf32, #tpu.memory_space<vmem>>) dst(%dma_wait3A_284 : memref<104x128xf32, #tpu.memory_space<vmem_shared>>)
      tpu.yield
    }) : () -> ()
    %add3A_23 = arith.constant 208 : i32
    %add3A_24 = arith.addi %mul3A_16, %add3A_23 : i32
    %run_scoped3A_25 = arith.constant 0 : i32
    "tpu.region"() ({
      %run_scoped3A_264 = tpu.sem_alloc : memref<!tpu.dma_semaphore, #tpu.memory_space<semaphore_mem>>
      %dma_start3A_265 = arith.constant 0 : i32
      %dma_start3A_266 = arith.constant 0 : i32
      %dma_start3A_267 = tpu.memref_slice %arg6[%run_scoped3A_25, %dma_start3A_265, %dma_start3A_266] : memref<3x104x128xf32, #tpu.memory_space<vmem>> -> memref<1x104x128xf32, #tpu.memory_space<vmem>>
      %dma_start3A_268 = tpu.memref_squeeze %dma_start3A_267 : memref<1x104x128xf32, #tpu.memory_space<vmem>> -> memref<104x128xf32, #tpu.memory_space<vmem>>
      %dma_start3A_269 = arith.constant 0 : i32
      %dma_start3A_270 = tpu.memref_slice %arg11[%add3A_24, %dma_start3A_269] : memref<10000x128xf32, #tpu.memory_space<vmem_shared>> -> memref<104x128xf32, #tpu.memory_space<vmem_shared>>
      %dma_start3A_271 = arith.constant 0 : i32
      %dma_start3A_272 = tpu.memref_slice %arg11[%add3A_24, %dma_start3A_271] : memref<10000x128xf32, #tpu.memory_space<vmem_shared>> -> memref<104x128xf32, #tpu.memory_space<vmem_shared>>
      %dma_start3A_273 = arith.constant 0 : i32
      %dma_start3A_274 = arith.constant 0 : i32
      %dma_start3A_275 = tpu.memref_slice %arg6[%run_scoped3A_25, %dma_start3A_273, %dma_start3A_274] : memref<3x104x128xf32, #tpu.memory_space<vmem>> -> memref<1x104x128xf32, #tpu.memory_space<vmem>>
      %dma_start3A_276 = tpu.memref_squeeze %dma_start3A_275 : memref<1x104x128xf32, #tpu.memory_space<vmem>> -> memref<104x128xf32, #tpu.memory_space<vmem>>
      tpu.enqueue_dma source(%dma_start3A_276 : memref<104x128xf32, #tpu.memory_space<vmem>>) target(%dma_start3A_272 : memref<104x128xf32, #tpu.memory_space<vmem_shared>>) target_semaphore(%run_scoped3A_264 : memref<!tpu.dma_semaphore, #tpu.memory_space<semaphore_mem>>)
      %dma_wait3A_277 = arith.constant 0 : i32
      %dma_wait3A_278 = arith.constant 0 : i32
      %dma_wait3A_279 = tpu.memref_slice %arg6[%run_scoped3A_25, %dma_wait3A_277, %dma_wait3A_278] : memref<3x104x128xf32, #tpu.memory_space<vmem>> -> memref<1x104x128xf32, #tpu.memory_space<vmem>>
      %dma_wait3A_280 = tpu.memref_squeeze %dma_wait3A_279 : memref<1x104x128xf32, #tpu.memory_space<vmem>> -> memref<104x128xf32, #tpu.memory_space<vmem>>
      %dma_wait3A_281 = arith.constant 0 : i32
      %dma_wait3A_282 = tpu.memref_slice %arg11[%add3A_24, %dma_wait3A_281] : memref<10000x128xf32, #tpu.memory_space<vmem_shared>> -> memref<104x128xf32, #tpu.memory_space<vmem_shared>>
      %dma_wait3A_283 = arith.constant 0 : i32
      %dma_wait3A_284 = tpu.memref_slice %arg11[%add3A_24, %dma_wait3A_283] : memref<10000x128xf32, #tpu.memory_space<vmem_shared>> -> memref<104x128xf32, #tpu.memory_space<vmem_shared>>
      %dma_wait3A_285 = arith.constant 0 : i32
      %dma_wait3A_286 = arith.constant 0 : i32
      %dma_wait3A_287 = tpu.memref_slice %arg6[%run_scoped3A_25, %dma_wait3A_285, %dma_wait3A_286] : memref<3x104x128xf32, #tpu.memory_space<vmem>> -> memref<1x104x128xf32, #tpu.memory_space<vmem>>
      %dma_wait3A_288 = tpu.memref_squeeze %dma_wait3A_287 : memref<1x104x128xf32, #tpu.memory_space<vmem>> -> memref<104x128xf32, #tpu.memory_space<vmem>>
      tpu.wait_dma2 semaphore(%run_scoped3A_264 : memref<!tpu.dma_semaphore, #tpu.memory_space<semaphore_mem>>) src(%dma_wait3A_288 : memref<104x128xf32, #tpu.memory_space<vmem>>) dst(%dma_wait3A_284 : memref<104x128xf32, #tpu.memory_space<vmem_shared>>)
      tpu.yield
    }) : () -> ()
    %add3A_26 = arith.constant 312 : i32
    %add3A_27 = arith.addi %mul3A_16, %add3A_26 : i32
    %run_scoped3A_28 = arith.constant 0 : i32
    "tpu.region"() ({
      %run_scoped3A_264 = tpu.sem_alloc : memref<!tpu.dma_semaphore, #tpu.memory_space<semaphore_mem>>
      %dma_start3A_265 = arith.constant 0 : i32
      %dma_start3A_266 = arith.constant 0 : i32
      %dma_start3A_267 = tpu.memref_slice %arg6[%run_scoped3A_28, %dma_start3A_265, %dma_start3A_266] : memref<3x104x128xf32, #tpu.memory_space<vmem>> -> memref<1x104x128xf32, #tpu.memory_space<vmem>>
      %dma_start3A_268 = tpu.memref_squeeze %dma_start3A_267 : memref<1x104x128xf32, #tpu.memory_space<vmem>> -> memref<104x128xf32, #tpu.memory_space<vmem>>
      %dma_start3A_269 = arith.constant 0 : i32
      %dma_start3A_270 = tpu.memref_slice %arg11[%add3A_27, %dma_start3A_269] : memref<10000x128xf32, #tpu.memory_space<vmem_shared>> -> memref<104x128xf32, #tpu.memory_space<vmem_shared>>
      %dma_start3A_271 = arith.constant 0 : i32
      %dma_start3A_272 = tpu.memref_slice %arg11[%add3A_27, %dma_start3A_271] : memref<10000x128xf32, #tpu.memory_space<vmem_shared>> -> memref<104x128xf32, #tpu.memory_space<vmem_shared>>
      %dma_start3A_273 = arith.constant 0 : i32
      %dma_start3A_274 = arith.constant 0 : i32
      %dma_start3A_275 = tpu.memref_slice %arg6[%run_scoped3A_28, %dma_start3A_273, %dma_start3A_274] : memref<3x104x128xf32, #tpu.memory_space<vmem>> -> memref<1x104x128xf32, #tpu.memory_space<vmem>>
      %dma_start3A_276 = tpu.memref_squeeze %dma_start3A_275 : memref<1x104x128xf32, #tpu.memory_space<vmem>> -> memref<104x128xf32, #tpu.memory_space<vmem>>
      tpu.enqueue_dma source(%dma_start3A_276 : memref<104x128xf32, #tpu.memory_space<vmem>>) target(%dma_start3A_272 : memref<104x128xf32, #tpu.memory_space<vmem_shared>>) target_semaphore(%run_scoped3A_264 : memref<!tpu.dma_semaphore, #tpu.memory_space<semaphore_mem>>)
      %dma_wait3A_277 = arith.constant 0 : i32
      %dma_wait3A_278 = arith.constant 0 : i32
      %dma_wait3A_279 = tpu.memref_slice %arg6[%run_scoped3A_28, %dma_wait3A_277, %dma_wait3A_278] : memref<3x104x128xf32, #tpu.memory_space<vmem>> -> memref<1x104x128xf32, #tpu.memory_space<vmem>>
      %dma_wait3A_280 = tpu.memref_squeeze %dma_wait3A_279 : memref<1x104x128xf32, #tpu.memory_space<vmem>> -> memref<104x128xf32, #tpu.memory_space<vmem>>
      %dma_wait3A_281 = arith.constant 0 : i32
      %dma_wait3A_282 = tpu.memref_slice %arg11[%add3A_27, %dma_wait3A_281] : memref<10000x128xf32, #tpu.memory_space<vmem_shared>> -> memref<104x128xf32, #tpu.memory_space<vmem_shared>>
      %dma_wait3A_283 = arith.constant 0 : i32
      %dma_wait3A_284 = tpu.memref_slice %arg11[%add3A_27, %dma_wait3A_283] : memref<10000x128xf32, #tpu.memory_space<vmem_shared>> -> memref<104x128xf32, #tpu.memory_space<vmem_shared>>
      %dma_wait3A_285 = arith.constant 0 : i32
      %dma_wait3A_286 = arith.constant 0 : i32
      %dma_wait3A_287 = tpu.memref_slice %arg6[%run_scoped3A_28, %dma_wait3A_285, %dma_wait3A_286] : memref<3x104x128xf32, #tpu.memory_space<vmem>> -> memref<1x104x128xf32, #tpu.memory_space<vmem>>
      %dma_wait3A_288 = tpu.memref_squeeze %dma_wait3A_287 : memref<1x104x128xf32, #tpu.memory_space<vmem>> -> memref<104x128xf32, #tpu.memory_space<vmem>>
      tpu.wait_dma2 semaphore(%run_scoped3A_264 : memref<!tpu.dma_semaphore, #tpu.memory_space<semaphore_mem>>) src(%dma_wait3A_288 : memref<104x128xf32, #tpu.memory_space<vmem>>) dst(%dma_wait3A_284 : memref<104x128xf32, #tpu.memory_space<vmem_shared>>)
      tpu.yield
    }) : () -> ()
    %add3A_29 = arith.constant 416 : i32
    %add3A_30 = arith.addi %mul3A_16, %add3A_29 : i32
    %run_scoped3A_31 = arith.constant 0 : i32
    "tpu.region"() ({
      %run_scoped3A_264 = tpu.sem_alloc : memref<!tpu.dma_semaphore, #tpu.memory_space<semaphore_mem>>
      %dma_start3A_265 = arith.constant 0 : i32
      %dma_start3A_266 = arith.constant 0 : i32
      %dma_start3A_267 = tpu.memref_slice %arg6[%run_scoped3A_31, %dma_start3A_265, %dma_start3A_266] : memref<3x104x128xf32, #tpu.memory_space<vmem>> -> memref<1x104x128xf32, #tpu.memory_space<vmem>>
      %dma_start3A_268 = tpu.memref_squeeze %dma_start3A_267 : memref<1x104x128xf32, #tpu.memory_space<vmem>> -> memref<104x128xf32, #tpu.memory_space<vmem>>
      %dma_start3A_269 = arith.constant 0 : i32
      %dma_start3A_270 = tpu.memref_slice %arg11[%add3A_30, %dma_start3A_269] : memref<10000x128xf32, #tpu.memory_space<vmem_shared>> -> memref<104x128xf32, #tpu.memory_space<vmem_shared>>
      %dma_start3A_271 = arith.constant 0 : i32
      %dma_start3A_272 = tpu.memref_slice %arg11[%add3A_30, %dma_start3A_271] : memref<10000x128xf32, #tpu.memory_space<vmem_shared>> -> memref<104x128xf32, #tpu.memory_space<vmem_shared>>
      %dma_start3A_273 = arith.constant 0 : i32
      %dma_start3A_274 = arith.constant 0 : i32
      %dma_start3A_275 = tpu.memref_slice %arg6[%run_scoped3A_31, %dma_start3A_273, %dma_start3A_274] : memref<3x104x128xf32, #tpu.memory_space<vmem>> -> memref<1x104x128xf32, #tpu.memory_space<vmem>>
      %dma_start3A_276 = tpu.memref_squeeze %dma_start3A_275 : memref<1x104x128xf32, #tpu.memory_space<vmem>> -> memref<104x128xf32, #tpu.memory_space<vmem>>
      tpu.enqueue_dma source(%dma_start3A_276 : memref<104x128xf32, #tpu.memory_space<vmem>>) target(%dma_start3A_272 : memref<104x128xf32, #tpu.memory_space<vmem_shared>>) target_semaphore(%run_scoped3A_264 : memref<!tpu.dma_semaphore, #tpu.memory_space<semaphore_mem>>)
      %dma_wait3A_277 = arith.constant 0 : i32
      %dma_wait3A_278 = arith.constant 0 : i32
      %dma_wait3A_279 = tpu.memref_slice %arg6[%run_scoped3A_31, %dma_wait3A_277, %dma_wait3A_278] : memref<3x104x128xf32, #tpu.memory_space<vmem>> -> memref<1x104x128xf32, #tpu.memory_space<vmem>>
      %dma_wait3A_280 = tpu.memref_squeeze %dma_wait3A_279 : memref<1x104x128xf32, #tpu.memory_space<vmem>> -> memref<104x128xf32, #tpu.memory_space<vmem>>
      %dma_wait3A_281 = arith.constant 0 : i32
      %dma_wait3A_282 = tpu.memref_slice %arg11[%add3A_30, %dma_wait3A_281] : memref<10000x128xf32, #tpu.memory_space<vmem_shared>> -> memref<104x128xf32, #tpu.memory_space<vmem_shared>>
      %dma_wait3A_283 = arith.constant 0 : i32
      %dma_wait3A_284 = tpu.memref_slice %arg11[%add3A_30, %dma_wait3A_283] : memref<10000x128xf32, #tpu.memory_space<vmem_shared>> -> memref<104x128xf32, #tpu.memory_space<vmem_shared>>
      %dma_wait3A_285 = arith.constant 0 : i32
      %dma_wait3A_286 = arith.constant 0 : i32
      %dma_wait3A_287 = tpu.memref_slice %arg6[%run_scoped3A_31, %dma_wait3A_285, %dma_wait3A_286] : memref<3x104x128xf32, #tpu.memory_space<vmem>> -> memref<1x104x128xf32, #tpu.memory_space<vmem>>
      %dma_wait3A_288 = tpu.memref_squeeze %dma_wait3A_287 : memref<1x104x128xf32, #tpu.memory_space<vmem>> -> memref<104x128xf32, #tpu.memory_space<vmem>>
      tpu.wait_dma2 semaphore(%run_scoped3A_264 : memref<!tpu.dma_semaphore, #tpu.memory_space<semaphore_mem>>) src(%dma_wait3A_288 : memref<104x128xf32, #tpu.memory_space<vmem>>) dst(%dma_wait3A_284 : memref<104x128xf32, #tpu.memory_space<vmem_shared>>)
      tpu.yield
    }) : () -> ()
    %add3A_32 = arith.constant 520 : i32
    %add3A_33 = arith.addi %mul3A_16, %add3A_32 : i32
    %run_scoped3A_34 = arith.constant 0 : i32
    "tpu.region"() ({
      %run_scoped3A_264 = tpu.sem_alloc : memref<!tpu.dma_semaphore, #tpu.memory_space<semaphore_mem>>
      %dma_start3A_265 = arith.constant 0 : i32
      %dma_start3A_266 = arith.constant 0 : i32
      %dma_start3A_267 = tpu.memref_slice %arg6[%run_scoped3A_34, %dma_start3A_265, %dma_start3A_266] : memref<3x104x128xf32, #tpu.memory_space<vmem>> -> memref<1x104x128xf32, #tpu.memory_space<vmem>>
      %dma_start3A_268 = tpu.memref_squeeze %dma_start3A_267 : memref<1x104x128xf32, #tpu.memory_space<vmem>> -> memref<104x128xf32, #tpu.memory_space<vmem>>
      %dma_start3A_269 = arith.constant 0 : i32
      %dma_start3A_270 = tpu.memref_slice %arg11[%add3A_33, %dma_start3A_269] : memref<10000x128xf32, #tpu.memory_space<vmem_shared>> -> memref<104x128xf32, #tpu.memory_space<vmem_shared>>
      %dma_start3A_271 = arith.constant 0 : i32
      %dma_start3A_272 = tpu.memref_slice %arg11[%add3A_33, %dma_start3A_271] : memref<10000x128xf32, #tpu.memory_space<vmem_shared>> -> memref<104x128xf32, #tpu.memory_space<vmem_shared>>
      %dma_start3A_273 = arith.constant 0 : i32
      %dma_start3A_274 = arith.constant 0 : i32
      %dma_start3A_275 = tpu.memref_slice %arg6[%run_scoped3A_34, %dma_start3A_273, %dma_start3A_274] : memref<3x104x128xf32, #tpu.memory_space<vmem>> -> memref<1x104x128xf32, #tpu.memory_space<vmem>>
      %dma_start3A_276 = tpu.memref_squeeze %dma_start3A_275 : memref<1x104x128xf32, #tpu.memory_space<vmem>> -> memref<104x128xf32, #tpu.memory_space<vmem>>
      tpu.enqueue_dma source(%dma_start3A_276 : memref<104x128xf32, #tpu.memory_space<vmem>>) target(%dma_start3A_272 : memref<104x128xf32, #tpu.memory_space<vmem_shared>>) target_semaphore(%run_scoped3A_264 : memref<!tpu.dma_semaphore, #tpu.memory_space<semaphore_mem>>)
      %dma_wait3A_277 = arith.constant 0 : i32
      %dma_wait3A_278 = arith.constant 0 : i32
      %dma_wait3A_279 = tpu.memref_slice %arg6[%run_scoped3A_34, %dma_wait3A_277, %dma_wait3A_278] : memref<3x104x128xf32, #tpu.memory_space<vmem>> -> memref<1x104x128xf32, #tpu.memory_space<vmem>>
      %dma_wait3A_280 = tpu.memref_squeeze %dma_wait3A_279 : memref<1x104x128xf32, #tpu.memory_space<vmem>> -> memref<104x128xf32, #tpu.memory_space<vmem>>
      %dma_wait3A_281 = arith.constant 0 : i32
      %dma_wait3A_282 = tpu.memref_slice %arg11[%add3A_33, %dma_wait3A_281] : memref<10000x128xf32, #tpu.memory_space<vmem_shared>> -> memref<104x128xf32, #tpu.memory_space<vmem_shared>>
      %dma_wait3A_283 = arith.constant 0 : i32
      %dma_wait3A_284 = tpu.memref_slice %arg11[%add3A_33, %dma_wait3A_283] : memref<10000x128xf32, #tpu.memory_space<vmem_shared>> -> memref<104x128xf32, #tpu.memory_space<vmem_shared>>
      %dma_wait3A_285 = arith.constant 0 : i32
      %dma_wait3A_286 = arith.constant 0 : i32
      %dma_wait3A_287 = tpu.memref_slice %arg6[%run_scoped3A_34, %dma_wait3A_285, %dma_wait3A_286] : memref<3x104x128xf32, #tpu.memory_space<vmem>> -> memref<1x104x128xf32, #tpu.memory_space<vmem>>
      %dma_wait3A_288 = tpu.memref_squeeze %dma_wait3A_287 : memref<1x104x128xf32, #tpu.memory_space<vmem>> -> memref<104x128xf32, #tpu.memory_space<vmem>>
      tpu.wait_dma2 semaphore(%run_scoped3A_264 : memref<!tpu.dma_semaphore, #tpu.memory_space<semaphore_mem>>) src(%dma_wait3A_288 : memref<104x128xf32, #tpu.memory_space<vmem>>) dst(%dma_wait3A_284 : memref<104x128xf32, #tpu.memory_space<vmem_shared>>)
      tpu.yield
    }) : () -> ()
    %eq3A = arith.constant 15 : i32
    %eq3A_35 = arith.cmpi eq, %arg1, %eq3A : i32
    %convert_element_type3A = arith.extui %eq3A_35 : i1 to i32
    %cond3A = arith.constant 0 : i32
    %cond3A_36 = arith.cmpi ne, %convert_element_type3A, %cond3A : i32
    scf.if %cond3A_36 {
      %run_scoped3A_264 = arith.constant 0 : i32
      "tpu.region"() ({
        %run_scoped3A_265 = tpu.sem_alloc : memref<!tpu.dma_semaphore, #tpu.memory_space<semaphore_mem>>
        %dma_start3A_266 = arith.constant 0 : i32
        %dma_start3A_267 = arith.constant 0 : i32
        %dma_start3A_268 = tpu.memref_slice %arg6[%run_scoped3A_264, %dma_start3A_266, %dma_start3A_267] : memref<3x104x128xf32, #tpu.memory_space<vmem>> -> memref<1x16x128xf32, #tpu.memory_space<vmem>>
        %dma_start3A_269 = tpu.memref_squeeze %dma_start3A_268 : memref<1x16x128xf32, #tpu.memory_space<vmem>> -> memref<16x128xf32, #tpu.memory_space<vmem>>
        %dma_start3A_270 = arith.constant 9984 : i32
        %dma_start3A_271 = arith.constant 0 : i32
        %dma_start3A_272 = tpu.memref_slice %arg11[%dma_start3A_270, %dma_start3A_271] : memref<10000x128xf32, #tpu.memory_space<vmem_shared>> -> memref<16x128xf32, #tpu.memory_space<vmem_shared>>
        %dma_start3A_273 = arith.constant 9984 : i32
        %dma_start3A_274 = arith.constant 0 : i32
        %dma_start3A_275 = tpu.memref_slice %arg11[%dma_start3A_273, %dma_start3A_274] : memref<10000x128xf32, #tpu.memory_space<vmem_shared>> -> memref<16x128xf32, #tpu.memory_space<vmem_shared>>
        %dma_start3A_276 = arith.constant 0 : i32
        %dma_start3A_277 = arith.constant 0 : i32
        %dma_start3A_278 = tpu.memref_slice %arg6[%run_scoped3A_264, %dma_start3A_276, %dma_start3A_277] : memref<3x104x128xf32, #tpu.memory_space<vmem>> -> memref<1x16x128xf32, #tpu.memory_space<vmem>>
        %dma_start3A_279 = tpu.memref_squeeze %dma_start3A_278 : memref<1x16x128xf32, #tpu.memory_space<vmem>> -> memref<16x128xf32, #tpu.memory_space<vmem>>
        tpu.enqueue_dma source(%dma_start3A_279 : memref<16x128xf32, #tpu.memory_space<vmem>>) target(%dma_start3A_275 : memref<16x128xf32, #tpu.memory_space<vmem_shared>>) target_semaphore(%run_scoped3A_265 : memref<!tpu.dma_semaphore, #tpu.memory_space<semaphore_mem>>)
        %dma_wait3A_280 = arith.constant 0 : i32
        %dma_wait3A_281 = arith.constant 0 : i32
        %dma_wait3A_282 = tpu.memref_slice %arg6[%run_scoped3A_264, %dma_wait3A_280, %dma_wait3A_281] : memref<3x104x128xf32, #tpu.memory_space<vmem>> -> memref<1x16x128xf32, #tpu.memory_space<vmem>>
        %dma_wait3A_283 = tpu.memref_squeeze %dma_wait3A_282 : memref<1x16x128xf32, #tpu.memory_space<vmem>> -> memref<16x128xf32, #tpu.memory_space<vmem>>
        %dma_wait3A_284 = arith.constant 9984 : i32
        %dma_wait3A_285 = arith.constant 0 : i32
        %dma_wait3A_286 = tpu.memref_slice %arg11[%dma_wait3A_284, %dma_wait3A_285] : memref<10000x128xf32, #tpu.memory_space<vmem_shared>> -> memref<16x128xf32, #tpu.memory_space<vmem_shared>>
        %dma_wait3A_287 = arith.constant 9984 : i32
        %dma_wait3A_288 = arith.constant 0 : i32
        %dma_wait3A_289 = tpu.memref_slice %arg11[%dma_wait3A_287, %dma_wait3A_288] : memref<10000x128xf32, #tpu.memory_space<vmem_shared>> -> memref<16x128xf32, #tpu.memory_space<vmem_shared>>
        %dma_wait3A_290 = arith.constant 0 : i32
        %dma_wait3A_291 = arith.constant 0 : i32
        %dma_wait3A_292 = tpu.memref_slice %arg6[%run_scoped3A_264, %dma_wait3A_290, %dma_wait3A_291] : memref<3x104x128xf32, #tpu.memory_space<vmem>> -> memref<1x16x128xf32, #tpu.memory_space<vmem>>
        %dma_wait3A_293 = tpu.memref_squeeze %dma_wait3A_292 : memref<1x16x128xf32, #tpu.memory_space<vmem>> -> memref<16x128xf32, #tpu.memory_space<vmem>>
        tpu.wait_dma2 semaphore(%run_scoped3A_265 : memref<!tpu.dma_semaphore, #tpu.memory_space<semaphore_mem>>) src(%dma_wait3A_293 : memref<16x128xf32, #tpu.memory_space<vmem>>) dst(%dma_wait3A_289 : memref<16x128xf32, #tpu.memory_space<vmem_shared>>)
        tpu.yield
      }) : () -> ()
    } else {
    }
    %barrier3A = arith.constant 0 : index
    tpu.barrier barrier_id(%barrier3A)
    %add3A_37 = arith.constant 0 : i32
    %add3A_38 = arith.addi %mul3A_2, %add3A_37 : i32
    %dma_start3A = arith.constant 0 : i32
    %dma_start3A_39 = arith.constant 0 : i32
    %dma_start3A_40 = tpu.memref_slice %arg7[%dma_start3A, %dma_start3A_39] : memref<6x104xi32, #tpu.memory_space<vmem>> -> memref<1x104xi32, #tpu.memory_space<vmem>>
    %dma_start3A_41 = tpu.memref_squeeze %dma_start3A_40 : memref<1x104xi32, #tpu.memory_space<vmem>> -> memref<104xi32, #tpu.memory_space<vmem>>
    %dma_start3A_42 = tpu.memref_slice %arg3[%add3A_38] : memref<320000xi32, #tpu.memory_space<hbm>> -> memref<104xi32, #tpu.memory_space<hbm>>
    %dma_start3A_43 = arith.constant 0 : i32
    %dma_start3A_44 = tpu.memref_slice %arg7[%dma_start3A, %dma_start3A_43] : memref<6x104xi32, #tpu.memory_space<vmem>> -> memref<1x104xi32, #tpu.memory_space<vmem>>
    %dma_start3A_45 = tpu.memref_squeeze %dma_start3A_44 : memref<1x104xi32, #tpu.memory_space<vmem>> -> memref<104xi32, #tpu.memory_space<vmem>>
    %dma_start3A_46 = tpu.memref_slice %arg3[%add3A_38] : memref<320000xi32, #tpu.memory_space<hbm>> -> memref<104xi32, #tpu.memory_space<hbm>>
    tpu.enqueue_dma source(%dma_start3A_46 : memref<104xi32, #tpu.memory_space<hbm>>) target(%dma_start3A_45 : memref<104xi32, #tpu.memory_space<vmem>>) target_semaphore(%arg18 : memref<!tpu.dma_semaphore, #tpu.memory_space<semaphore_mem>>)
    %add3A_47 = arith.constant 104 : i32
    %add3A_48 = arith.addi %mul3A_2, %add3A_47 : i32
    %dma_start3A_49 = arith.constant 1 : i32
    %dma_start3A_50 = arith.constant 0 : i32
    %dma_start3A_51 = tpu.memref_slice %arg7[%dma_start3A_49, %dma_start3A_50] : memref<6x104xi32, #tpu.memory_space<vmem>> -> memref<1x104xi32, #tpu.memory_space<vmem>>
    %dma_start3A_52 = tpu.memref_squeeze %dma_start3A_51 : memref<1x104xi32, #tpu.memory_space<vmem>> -> memref<104xi32, #tpu.memory_space<vmem>>
    %dma_start3A_53 = tpu.memref_slice %arg3[%add3A_48] : memref<320000xi32, #tpu.memory_space<hbm>> -> memref<104xi32, #tpu.memory_space<hbm>>
    %dma_start3A_54 = arith.constant 0 : i32
    %dma_start3A_55 = tpu.memref_slice %arg7[%dma_start3A_49, %dma_start3A_54] : memref<6x104xi32, #tpu.memory_space<vmem>> -> memref<1x104xi32, #tpu.memory_space<vmem>>
    %dma_start3A_56 = tpu.memref_squeeze %dma_start3A_55 : memref<1x104xi32, #tpu.memory_space<vmem>> -> memref<104xi32, #tpu.memory_space<vmem>>
    %dma_start3A_57 = tpu.memref_slice %arg3[%add3A_48] : memref<320000xi32, #tpu.memory_space<hbm>> -> memref<104xi32, #tpu.memory_space<hbm>>
    tpu.enqueue_dma source(%dma_start3A_57 : memref<104xi32, #tpu.memory_space<hbm>>) target(%dma_start3A_56 : memref<104xi32, #tpu.memory_space<vmem>>) target_semaphore(%arg19 : memref<!tpu.dma_semaphore, #tpu.memory_space<semaphore_mem>>)
    %add3A_58 = arith.constant 208 : i32
    %add3A_59 = arith.addi %mul3A_2, %add3A_58 : i32
    %dma_start3A_60 = arith.constant 2 : i32
    %dma_start3A_61 = arith.constant 0 : i32
    %dma_start3A_62 = tpu.memref_slice %arg7[%dma_start3A_60, %dma_start3A_61] : memref<6x104xi32, #tpu.memory_space<vmem>> -> memref<1x104xi32, #tpu.memory_space<vmem>>
    %dma_start3A_63 = tpu.memref_squeeze %dma_start3A_62 : memref<1x104xi32, #tpu.memory_space<vmem>> -> memref<104xi32, #tpu.memory_space<vmem>>
    %dma_start3A_64 = tpu.memref_slice %arg3[%add3A_59] : memref<320000xi32, #tpu.memory_space<hbm>> -> memref<104xi32, #tpu.memory_space<hbm>>
    %dma_start3A_65 = arith.constant 0 : i32
    %dma_start3A_66 = tpu.memref_slice %arg7[%dma_start3A_60, %dma_start3A_65] : memref<6x104xi32, #tpu.memory_space<vmem>> -> memref<1x104xi32, #tpu.memory_space<vmem>>
    %dma_start3A_67 = tpu.memref_squeeze %dma_start3A_66 : memref<1x104xi32, #tpu.memory_space<vmem>> -> memref<104xi32, #tpu.memory_space<vmem>>
    %dma_start3A_68 = tpu.memref_slice %arg3[%add3A_59] : memref<320000xi32, #tpu.memory_space<hbm>> -> memref<104xi32, #tpu.memory_space<hbm>>
    tpu.enqueue_dma source(%dma_start3A_68 : memref<104xi32, #tpu.memory_space<hbm>>) target(%dma_start3A_67 : memref<104xi32, #tpu.memory_space<vmem>>) target_semaphore(%arg20 : memref<!tpu.dma_semaphore, #tpu.memory_space<semaphore_mem>>)
    %add3A_69 = arith.constant 312 : i32
    %add3A_70 = arith.addi %mul3A_2, %add3A_69 : i32
    %dma_start3A_71 = arith.constant 3 : i32
    %dma_start3A_72 = arith.constant 0 : i32
    %dma_start3A_73 = tpu.memref_slice %arg7[%dma_start3A_71, %dma_start3A_72] : memref<6x104xi32, #tpu.memory_space<vmem>> -> memref<1x104xi32, #tpu.memory_space<vmem>>
    %dma_start3A_74 = tpu.memref_squeeze %dma_start3A_73 : memref<1x104xi32, #tpu.memory_space<vmem>> -> memref<104xi32, #tpu.memory_space<vmem>>
    %dma_start3A_75 = tpu.memref_slice %arg3[%add3A_70] : memref<320000xi32, #tpu.memory_space<hbm>> -> memref<104xi32, #tpu.memory_space<hbm>>
    %dma_start3A_76 = arith.constant 0 : i32
    %dma_start3A_77 = tpu.memref_slice %arg7[%dma_start3A_71, %dma_start3A_76] : memref<6x104xi32, #tpu.memory_space<vmem>> -> memref<1x104xi32, #tpu.memory_space<vmem>>
    %dma_start3A_78 = tpu.memref_squeeze %dma_start3A_77 : memref<1x104xi32, #tpu.memory_space<vmem>> -> memref<104xi32, #tpu.memory_space<vmem>>
    %dma_start3A_79 = tpu.memref_slice %arg3[%add3A_70] : memref<320000xi32, #tpu.memory_space<hbm>> -> memref<104xi32, #tpu.memory_space<hbm>>
    tpu.enqueue_dma source(%dma_start3A_79 : memref<104xi32, #tpu.memory_space<hbm>>) target(%dma_start3A_78 : memref<104xi32, #tpu.memory_space<vmem>>) target_semaphore(%arg21 : memref<!tpu.dma_semaphore, #tpu.memory_space<semaphore_mem>>)
    %add3A_80 = arith.constant 416 : i32
    %add3A_81 = arith.addi %mul3A_2, %add3A_80 : i32
    %dma_start3A_82 = arith.constant 4 : i32
    %dma_start3A_83 = arith.constant 0 : i32
    %dma_start3A_84 = tpu.memref_slice %arg7[%dma_start3A_82, %dma_start3A_83] : memref<6x104xi32, #tpu.memory_space<vmem>> -> memref<1x104xi32, #tpu.memory_space<vmem>>
    %dma_start3A_85 = tpu.memref_squeeze %dma_start3A_84 : memref<1x104xi32, #tpu.memory_space<vmem>> -> memref<104xi32, #tpu.memory_space<vmem>>
    %dma_start3A_86 = tpu.memref_slice %arg3[%add3A_81] : memref<320000xi32, #tpu.memory_space<hbm>> -> memref<104xi32, #tpu.memory_space<hbm>>
    %dma_start3A_87 = arith.constant 0 : i32
    %dma_start3A_88 = tpu.memref_slice %arg7[%dma_start3A_82, %dma_start3A_87] : memref<6x104xi32, #tpu.memory_space<vmem>> -> memref<1x104xi32, #tpu.memory_space<vmem>>
    %dma_start3A_89 = tpu.memref_squeeze %dma_start3A_88 : memref<1x104xi32, #tpu.memory_space<vmem>> -> memref<104xi32, #tpu.memory_space<vmem>>
    %dma_start3A_90 = tpu.memref_slice %arg3[%add3A_81] : memref<320000xi32, #tpu.memory_space<hbm>> -> memref<104xi32, #tpu.memory_space<hbm>>
    tpu.enqueue_dma source(%dma_start3A_90 : memref<104xi32, #tpu.memory_space<hbm>>) target(%dma_start3A_89 : memref<104xi32, #tpu.memory_space<vmem>>) target_semaphore(%arg22 : memref<!tpu.dma_semaphore, #tpu.memory_space<semaphore_mem>>)
    %add3A_91 = arith.constant 0 : i32
    %add3A_92 = arith.addi %mul3A_2, %add3A_91 : i32
    %dma_start3A_93 = arith.constant 0 : i32
    %dma_start3A_94 = arith.constant 0 : i32
    %dma_start3A_95 = tpu.memref_slice %arg8[%dma_start3A_93, %dma_start3A_94] : memref<6x104xi32, #tpu.memory_space<vmem>> -> memref<1x104xi32, #tpu.memory_space<vmem>>
    %dma_start3A_96 = tpu.memref_squeeze %dma_start3A_95 : memref<1x104xi32, #tpu.memory_space<vmem>> -> memref<104xi32, #tpu.memory_space<vmem>>
    %dma_start3A_97 = tpu.memref_slice %arg4[%add3A_92] : memref<320000xi32, #tpu.memory_space<hbm>> -> memref<104xi32, #tpu.memory_space<hbm>>
    %dma_start3A_98 = arith.constant 0 : i32
    %dma_start3A_99 = tpu.memref_slice %arg8[%dma_start3A_93, %dma_start3A_98] : memref<6x104xi32, #tpu.memory_space<vmem>> -> memref<1x104xi32, #tpu.memory_space<vmem>>
    %dma_start3A_100 = tpu.memref_squeeze %dma_start3A_99 : memref<1x104xi32, #tpu.memory_space<vmem>> -> memref<104xi32, #tpu.memory_space<vmem>>
    %dma_start3A_101 = tpu.memref_slice %arg4[%add3A_92] : memref<320000xi32, #tpu.memory_space<hbm>> -> memref<104xi32, #tpu.memory_space<hbm>>
    tpu.enqueue_dma source(%dma_start3A_101 : memref<104xi32, #tpu.memory_space<hbm>>) target(%dma_start3A_100 : memref<104xi32, #tpu.memory_space<vmem>>) target_semaphore(%arg24 : memref<!tpu.dma_semaphore, #tpu.memory_space<semaphore_mem>>)
    %add3A_102 = arith.constant 104 : i32
    %add3A_103 = arith.addi %mul3A_2, %add3A_102 : i32
    %dma_start3A_104 = arith.constant 1 : i32
    %dma_start3A_105 = arith.constant 0 : i32
    %dma_start3A_106 = tpu.memref_slice %arg8[%dma_start3A_104, %dma_start3A_105] : memref<6x104xi32, #tpu.memory_space<vmem>> -> memref<1x104xi32, #tpu.memory_space<vmem>>
    %dma_start3A_107 = tpu.memref_squeeze %dma_start3A_106 : memref<1x104xi32, #tpu.memory_space<vmem>> -> memref<104xi32, #tpu.memory_space<vmem>>
    %dma_start3A_108 = tpu.memref_slice %arg4[%add3A_103] : memref<320000xi32, #tpu.memory_space<hbm>> -> memref<104xi32, #tpu.memory_space<hbm>>
    %dma_start3A_109 = arith.constant 0 : i32
    %dma_start3A_110 = tpu.memref_slice %arg8[%dma_start3A_104, %dma_start3A_109] : memref<6x104xi32, #tpu.memory_space<vmem>> -> memref<1x104xi32, #tpu.memory_space<vmem>>
    %dma_start3A_111 = tpu.memref_squeeze %dma_start3A_110 : memref<1x104xi32, #tpu.memory_space<vmem>> -> memref<104xi32, #tpu.memory_space<vmem>>
    %dma_start3A_112 = tpu.memref_slice %arg4[%add3A_103] : memref<320000xi32, #tpu.memory_space<hbm>> -> memref<104xi32, #tpu.memory_space<hbm>>
    tpu.enqueue_dma source(%dma_start3A_112 : memref<104xi32, #tpu.memory_space<hbm>>) target(%dma_start3A_111 : memref<104xi32, #tpu.memory_space<vmem>>) target_semaphore(%arg25 : memref<!tpu.dma_semaphore, #tpu.memory_space<semaphore_mem>>)
    %add3A_113 = arith.constant 208 : i32
    %add3A_114 = arith.addi %mul3A_2, %add3A_113 : i32
    %dma_start3A_115 = arith.constant 2 : i32
    %dma_start3A_116 = arith.constant 0 : i32
    %dma_start3A_117 = tpu.memref_slice %arg8[%dma_start3A_115, %dma_start3A_116] : memref<6x104xi32, #tpu.memory_space<vmem>> -> memref<1x104xi32, #tpu.memory_space<vmem>>
    %dma_start3A_118 = tpu.memref_squeeze %dma_start3A_117 : memref<1x104xi32, #tpu.memory_space<vmem>> -> memref<104xi32, #tpu.memory_space<vmem>>
    %dma_start3A_119 = tpu.memref_slice %arg4[%add3A_114] : memref<320000xi32, #tpu.memory_space<hbm>> -> memref<104xi32, #tpu.memory_space<hbm>>
    %dma_start3A_120 = arith.constant 0 : i32
    %dma_start3A_121 = tpu.memref_slice %arg8[%dma_start3A_115, %dma_start3A_120] : memref<6x104xi32, #tpu.memory_space<vmem>> -> memref<1x104xi32, #tpu.memory_space<vmem>>
    %dma_start3A_122 = tpu.memref_squeeze %dma_start3A_121 : memref<1x104xi32, #tpu.memory_space<vmem>> -> memref<104xi32, #tpu.memory_space<vmem>>
    %dma_start3A_123 = tpu.memref_slice %arg4[%add3A_114] : memref<320000xi32, #tpu.memory_space<hbm>> -> memref<104xi32, #tpu.memory_space<hbm>>
    tpu.enqueue_dma source(%dma_start3A_123 : memref<104xi32, #tpu.memory_space<hbm>>) target(%dma_start3A_122 : memref<104xi32, #tpu.memory_space<vmem>>) target_semaphore(%arg26 : memref<!tpu.dma_semaphore, #tpu.memory_space<semaphore_mem>>)
    %add3A_124 = arith.constant 312 : i32
    %add3A_125 = arith.addi %mul3A_2, %add3A_124 : i32
    %dma_start3A_126 = arith.constant 3 : i32
    %dma_start3A_127 = arith.constant 0 : i32
    %dma_start3A_128 = tpu.memref_slice %arg8[%dma_start3A_126, %dma_start3A_127] : memref<6x104xi32, #tpu.memory_space<vmem>> -> memref<1x104xi32, #tpu.memory_space<vmem>>
    %dma_start3A_129 = tpu.memref_squeeze %dma_start3A_128 : memref<1x104xi32, #tpu.memory_space<vmem>> -> memref<104xi32, #tpu.memory_space<vmem>>
    %dma_start3A_130 = tpu.memref_slice %arg4[%add3A_125] : memref<320000xi32, #tpu.memory_space<hbm>> -> memref<104xi32, #tpu.memory_space<hbm>>
    %dma_start3A_131 = arith.constant 0 : i32
    %dma_start3A_132 = tpu.memref_slice %arg8[%dma_start3A_126, %dma_start3A_131] : memref<6x104xi32, #tpu.memory_space<vmem>> -> memref<1x104xi32, #tpu.memory_space<vmem>>
    %dma_start3A_133 = tpu.memref_squeeze %dma_start3A_132 : memref<1x104xi32, #tpu.memory_space<vmem>> -> memref<104xi32, #tpu.memory_space<vmem>>
    %dma_start3A_134 = tpu.memref_slice %arg4[%add3A_125] : memref<320000xi32, #tpu.memory_space<hbm>> -> memref<104xi32, #tpu.memory_space<hbm>>
    tpu.enqueue_dma source(%dma_start3A_134 : memref<104xi32, #tpu.memory_space<hbm>>) target(%dma_start3A_133 : memref<104xi32, #tpu.memory_space<vmem>>) target_semaphore(%arg27 : memref<!tpu.dma_semaphore, #tpu.memory_space<semaphore_mem>>)
    %add3A_135 = arith.constant 416 : i32
    %add3A_136 = arith.addi %mul3A_2, %add3A_135 : i32
    %dma_start3A_137 = arith.constant 4 : i32
    %dma_start3A_138 = arith.constant 0 : i32
    %dma_start3A_139 = tpu.memref_slice %arg8[%dma_start3A_137, %dma_start3A_138] : memref<6x104xi32, #tpu.memory_space<vmem>> -> memref<1x104xi32, #tpu.memory_space<vmem>>
    %dma_start3A_140 = tpu.memref_squeeze %dma_start3A_139 : memref<1x104xi32, #tpu.memory_space<vmem>> -> memref<104xi32, #tpu.memory_space<vmem>>
    %dma_start3A_141 = tpu.memref_slice %arg4[%add3A_136] : memref<320000xi32, #tpu.memory_space<hbm>> -> memref<104xi32, #tpu.memory_space<hbm>>
    %dma_start3A_142 = arith.constant 0 : i32
    %dma_start3A_143 = tpu.memref_slice %arg8[%dma_start3A_137, %dma_start3A_142] : memref<6x104xi32, #tpu.memory_space<vmem>> -> memref<1x104xi32, #tpu.memory_space<vmem>>
    %dma_start3A_144 = tpu.memref_squeeze %dma_start3A_143 : memref<1x104xi32, #tpu.memory_space<vmem>> -> memref<104xi32, #tpu.memory_space<vmem>>
    %dma_start3A_145 = tpu.memref_slice %arg4[%add3A_136] : memref<320000xi32, #tpu.memory_space<hbm>> -> memref<104xi32, #tpu.memory_space<hbm>>
    tpu.enqueue_dma source(%dma_start3A_145 : memref<104xi32, #tpu.memory_space<hbm>>) target(%dma_start3A_144 : memref<104xi32, #tpu.memory_space<vmem>>) target_semaphore(%arg28 : memref<!tpu.dma_semaphore, #tpu.memory_space<semaphore_mem>>)
    %add3A_146 = arith.constant 520 : i32
    %add3A_147 = arith.addi %mul3A_2, %add3A_146 : i32
    %dma_start3A_148 = arith.constant 5 : i32
    %dma_start3A_149 = arith.constant 0 : i32
    %dma_start3A_150 = tpu.memref_slice %arg8[%dma_start3A_148, %dma_start3A_149] : memref<6x104xi32, #tpu.memory_space<vmem>> -> memref<1x104xi32, #tpu.memory_space<vmem>>
    %dma_start3A_151 = tpu.memref_squeeze %dma_start3A_150 : memref<1x104xi32, #tpu.memory_space<vmem>> -> memref<104xi32, #tpu.memory_space<vmem>>
    %dma_start3A_152 = tpu.memref_slice %arg4[%add3A_147] : memref<320000xi32, #tpu.memory_space<hbm>> -> memref<104xi32, #tpu.memory_space<hbm>>
    %dma_start3A_153 = arith.constant 0 : i32
    %dma_start3A_154 = tpu.memref_slice %arg8[%dma_start3A_148, %dma_start3A_153] : memref<6x104xi32, #tpu.memory_space<vmem>> -> memref<1x104xi32, #tpu.memory_space<vmem>>
    %dma_start3A_155 = tpu.memref_squeeze %dma_start3A_154 : memref<1x104xi32, #tpu.memory_space<vmem>> -> memref<104xi32, #tpu.memory_space<vmem>>
    %dma_start3A_156 = tpu.memref_slice %arg4[%add3A_147] : memref<320000xi32, #tpu.memory_space<hbm>> -> memref<104xi32, #tpu.memory_space<hbm>>
    tpu.enqueue_dma source(%dma_start3A_156 : memref<104xi32, #tpu.memory_space<hbm>>) target(%dma_start3A_155 : memref<104xi32, #tpu.memory_space<vmem>>) target_semaphore(%arg29 : memref<!tpu.dma_semaphore, #tpu.memory_space<semaphore_mem>>)
    %scan3A_157 = arith.constant 0 : i32
    %scan3A_158 = arith.constant 0 : i32
    %scan3A_159 = arith.constant 16 : i32
    %scan3A_160 = arith.addi %scan3A_158, %scan3A_159 : i32
    %scan3A_161 = arith.constant 1 : i32
    %scan3A_162 = scf.for %scan3A_264 = %scan3A_158 to %scan3A_160 step %scan3A_161 iter_args(%scan3A_265 = %scan3A_157) -> (i32)  : i32 {
      %mul3A_266 = arith.constant 6 : i32
      %mul3A_267 = arith.muli %scan3A_264, %mul3A_266 : i32
      %add3A_268 = arith.constant 0 : i32
      %add3A_269 = arith.addi %mul3A_267, %add3A_268 : i32
      %gt3A = arith.constant 0 : i32
      %gt3A_270 = arith.cmpi sgt, %scan3A_264, %gt3A : i32
      %convert_element_type3A_271 = arith.extui %gt3A_270 : i1 to i32
      %cond3A_272 = arith.constant 0 : i32
      %cond3A_273 = arith.cmpi ne, %convert_element_type3A_271, %cond3A_272 : i32
      scf.if %cond3A_273 {
        %dma_wait3A_710 = arith.constant 0 : i32
        %dma_wait3A_711 = arith.constant 0 : i32
        %dma_wait3A_712 = arith.constant 0 : i32
        %dma_wait3A_713 = arith.constant 0 : i32
        %dma_wait3A_714 = tpu.memref_slice %arg6[%dma_wait3A_710, %dma_wait3A_712, %dma_wait3A_713] : memref<3x104x128xf32, #tpu.memory_space<vmem>> -> memref<1x104x128xf32, #tpu.memory_space<vmem>>
        %dma_wait3A_715 = tpu.memref_squeeze %dma_wait3A_714 : memref<1x104x128xf32, #tpu.memory_space<vmem>> -> memref<104x128xf32, #tpu.memory_space<vmem>>
        %dma_wait3A_716 = arith.constant 0 : i32
        %dma_wait3A_717 = tpu.memref_slice %arg8[%dma_wait3A_711, %dma_wait3A_716] : memref<6x104xi32, #tpu.memory_space<vmem>> -> memref<1x104xi32, #tpu.memory_space<vmem>>
        %dma_wait3A_718 = tpu.memref_squeeze %dma_wait3A_717 : memref<1x104xi32, #tpu.memory_space<vmem>> -> memref<104xi32, #tpu.memory_space<vmem>>
        %dma_wait3A_719 = arith.constant 0 : i32
        %dma_wait3A_720 = arith.constant 0 : i32
        %dma_wait3A_721 = tpu.memref_slice %arg11[%dma_wait3A_719, %dma_wait3A_720] : memref<10000x128xf32, #tpu.memory_space<vmem_shared>> -> memref<10000x128xf32, #tpu.memory_space<vmem_shared>>
        tpu.wait_indirect_dma semaphore(%arg15 : memref<!tpu.dma_semaphore, #tpu.memory_space<semaphore_mem>>) src(%dma_wait3A_715 : memref<104x128xf32, #tpu.memory_space<vmem>>) dst(%dma_wait3A_721 : memref<10000x128xf32, #tpu.memory_space<vmem_shared>>)
        %add3A_722 = arith.constant 3 : i32
        %add3A_723 = arith.addi %add3A_269, %add3A_722 : i32
        %lt3A_724 = arith.constant 96 : i32
        %lt3A_725 = arith.cmpi slt, %add3A_723, %lt3A_724 : i32
        %convert_element_type3A_726 = arith.extui %lt3A_725 : i1 to i32
        %cond3A_727 = arith.constant 0 : i32
        %cond3A_728 = arith.cmpi ne, %convert_element_type3A_726, %cond3A_727 : i32
        scf.if %cond3A_728 {
          %add3A_729 = arith.constant 3 : i32
          %add3A_730 = arith.addi %add3A_269, %add3A_729 : i32
          %mul3A_731 = arith.constant 104 : i32
          %mul3A_732 = arith.muli %add3A_730, %mul3A_731 : i32
          %multiple_of3A = tpu.assume_multiple %mul3A_732, 8 : i32
          %add3A_733 = arith.addi %mul3A_2, %multiple_of3A : i32
          %dma_start3A_734 = arith.constant 3 : i32
          %dma_start3A_735 = arith.constant 0 : i32
          %dma_start3A_736 = tpu.memref_slice %arg8[%dma_start3A_734, %dma_start3A_735] : memref<6x104xi32, #tpu.memory_space<vmem>> -> memref<1x104xi32, #tpu.memory_space<vmem>>
          %dma_start3A_737 = tpu.memref_squeeze %dma_start3A_736 : memref<1x104xi32, #tpu.memory_space<vmem>> -> memref<104xi32, #tpu.memory_space<vmem>>
          %dma_start3A_738 = tpu.memref_slice %arg4[%add3A_733] : memref<320000xi32, #tpu.memory_space<hbm>> -> memref<104xi32, #tpu.memory_space<hbm>>
          %dma_start3A_739 = arith.constant 0 : i32
          %dma_start3A_740 = tpu.memref_slice %arg8[%dma_start3A_734, %dma_start3A_739] : memref<6x104xi32, #tpu.memory_space<vmem>> -> memref<1x104xi32, #tpu.memory_space<vmem>>
          %dma_start3A_741 = tpu.memref_squeeze %dma_start3A_740 : memref<1x104xi32, #tpu.memory_space<vmem>> -> memref<104xi32, #tpu.memory_space<vmem>>
          %dma_start3A_742 = tpu.memref_slice %arg4[%add3A_733] : memref<320000xi32, #tpu.memory_space<hbm>> -> memref<104xi32, #tpu.memory_space<hbm>>
          tpu.enqueue_dma source(%dma_start3A_742 : memref<104xi32, #tpu.memory_space<hbm>>) target(%dma_start3A_741 : memref<104xi32, #tpu.memory_space<vmem>>) target_semaphore(%arg27 : memref<!tpu.dma_semaphore, #tpu.memory_space<semaphore_mem>>)
        } else {
        }
      } else {
      }
      %dma_wait3A_274 = arith.constant 0 : i32
      %dma_wait3A_275 = arith.constant 0 : i32
      %dma_wait3A_276 = tpu.memref_slice %arg7[%dma_wait3A_274, %dma_wait3A_275] : memref<6x104xi32, #tpu.memory_space<vmem>> -> memref<1x104xi32, #tpu.memory_space<vmem>>
      %dma_wait3A_277 = tpu.memref_squeeze %dma_wait3A_276 : memref<1x104xi32, #tpu.memory_space<vmem>> -> memref<104xi32, #tpu.memory_space<vmem>>
      %dma_wait3A_278 = tpu.memref_slice %arg3[%mul3A_2] : memref<320000xi32, #tpu.memory_space<hbm>> -> memref<104xi32, #tpu.memory_space<hbm>>
      %dma_wait3A_279 = arith.constant 0 : i32
      %dma_wait3A_280 = tpu.memref_slice %arg7[%dma_wait3A_274, %dma_wait3A_279] : memref<6x104xi32, #tpu.memory_space<vmem>> -> memref<1x104xi32, #tpu.memory_space<vmem>>
      %dma_wait3A_281 = tpu.memref_squeeze %dma_wait3A_280 : memref<1x104xi32, #tpu.memory_space<vmem>> -> memref<104xi32, #tpu.memory_space<vmem>>
      %dma_wait3A_282 = tpu.memref_slice %arg3[%mul3A_2] : memref<320000xi32, #tpu.memory_space<hbm>> -> memref<104xi32, #tpu.memory_space<hbm>>
      tpu.wait_dma2 semaphore(%arg18 : memref<!tpu.dma_semaphore, #tpu.memory_space<semaphore_mem>>) src(%dma_wait3A_282 : memref<104xi32, #tpu.memory_space<hbm>>) dst(%dma_wait3A_281 : memref<104xi32, #tpu.memory_space<vmem>>)
      %dma_start3A_283 = arith.constant 0 : i32
      %dma_start3A_284 = arith.constant 0 : i32
      %dma_start3A_285 = arith.constant 0 : i32
      %dma_start3A_286 = arith.constant 0 : i32
      %dma_start3A_287 = tpu.memref_slice %arg6[%dma_start3A_284, %dma_start3A_285, %dma_start3A_286] : memref<3x104x128xf32, #tpu.memory_space<vmem>> -> memref<1x104x128xf32, #tpu.memory_space<vmem>>
      %dma_start3A_288 = tpu.memref_squeeze %dma_start3A_287 : memref<1x104x128xf32, #tpu.memory_space<vmem>> -> memref<104x128xf32, #tpu.memory_space<vmem>>
      %dma_start3A_289 = arith.constant 0 : i32
      %dma_start3A_290 = tpu.memref_slice %arg7[%dma_start3A_283, %dma_start3A_289] : memref<6x104xi32, #tpu.memory_space<vmem>> -> memref<1x104xi32, #tpu.memory_space<vmem>>
      %dma_start3A_291 = tpu.memref_squeeze %dma_start3A_290 : memref<1x104xi32, #tpu.memory_space<vmem>> -> memref<104xi32, #tpu.memory_space<vmem>>
      %dma_start3A_292 = arith.constant 0 : i32
      %dma_start3A_293 = arith.constant 0 : i32
      %dma_start3A_294 = tpu.memref_slice %arg2[%dma_start3A_292, %dma_start3A_293] : memref<10000x128xf32, #tpu.memory_space<hbm>> -> memref<10000x128xf32, #tpu.memory_space<hbm>>
      tpu.enqueue_indirect_dma source(%dma_start3A_294 : memref<10000x128xf32, #tpu.memory_space<hbm>>) target(%dma_start3A_288 : memref<104x128xf32, #tpu.memory_space<vmem>>) offsets(%dma_start3A_291 : memref<104xi32, #tpu.memory_space<vmem>>) semaphore(%arg12 : memref<!tpu.dma_semaphore, #tpu.memory_space<semaphore_mem>>)
      %gt3A_295 = arith.constant 0 : i32
      %gt3A_296 = arith.cmpi sgt, %scan3A_264, %gt3A_295 : i32
      %convert_element_type3A_297 = arith.extui %gt3A_296 : i1 to i32
      %cond3A_298 = arith.constant 0 : i32
      %cond3A_299 = arith.cmpi ne, %convert_element_type3A_297, %cond3A_298 : i32
      scf.if %cond3A_299 {
        %dma_wait3A_710 = arith.constant 0 : i32
        %dma_wait3A_711 = arith.constant 2 : i32
        %dma_wait3A_712 = arith.constant 0 : i32
        %dma_wait3A_713 = arith.constant 0 : i32
        %dma_wait3A_714 = tpu.memref_slice %arg6[%dma_wait3A_711, %dma_wait3A_712, %dma_wait3A_713] : memref<3x104x128xf32, #tpu.memory_space<vmem>> -> memref<1x104x128xf32, #tpu.memory_space<vmem>>
        %dma_wait3A_715 = tpu.memref_squeeze %dma_wait3A_714 : memref<1x104x128xf32, #tpu.memory_space<vmem>> -> memref<104x128xf32, #tpu.memory_space<vmem>>
        %dma_wait3A_716 = arith.constant 0 : i32
        %dma_wait3A_717 = tpu.memref_slice %arg7[%dma_wait3A_710, %dma_wait3A_716] : memref<6x104xi32, #tpu.memory_space<vmem>> -> memref<1x104xi32, #tpu.memory_space<vmem>>
        %dma_wait3A_718 = tpu.memref_squeeze %dma_wait3A_717 : memref<1x104xi32, #tpu.memory_space<vmem>> -> memref<104xi32, #tpu.memory_space<vmem>>
        %dma_wait3A_719 = arith.constant 0 : i32
        %dma_wait3A_720 = arith.constant 0 : i32
        %dma_wait3A_721 = tpu.memref_slice %arg2[%dma_wait3A_719, %dma_wait3A_720] : memref<10000x128xf32, #tpu.memory_space<hbm>> -> memref<10000x128xf32, #tpu.memory_space<hbm>>
        tpu.wait_indirect_dma semaphore(%arg14 : memref<!tpu.dma_semaphore, #tpu.memory_space<semaphore_mem>>) src(%dma_wait3A_721 : memref<10000x128xf32, #tpu.memory_space<hbm>>) dst(%dma_wait3A_715 : memref<104x128xf32, #tpu.memory_space<vmem>>)
        %dma_wait3A_722 = arith.constant 5 : i32
        %dma_wait3A_723 = arith.constant 0 : i32
        %dma_wait3A_724 = tpu.memref_slice %arg8[%dma_wait3A_722, %dma_wait3A_723] : memref<6x104xi32, #tpu.memory_space<vmem>> -> memref<1x104xi32, #tpu.memory_space<vmem>>
        %dma_wait3A_725 = tpu.memref_squeeze %dma_wait3A_724 : memref<1x104xi32, #tpu.memory_space<vmem>> -> memref<104xi32, #tpu.memory_space<vmem>>
        %dma_wait3A_726 = tpu.memref_slice %arg4[%mul3A_2] : memref<320000xi32, #tpu.memory_space<hbm>> -> memref<104xi32, #tpu.memory_space<hbm>>
        %dma_wait3A_727 = arith.constant 0 : i32
        %dma_wait3A_728 = tpu.memref_slice %arg8[%dma_wait3A_722, %dma_wait3A_727] : memref<6x104xi32, #tpu.memory_space<vmem>> -> memref<1x104xi32, #tpu.memory_space<vmem>>
        %dma_wait3A_729 = tpu.memref_squeeze %dma_wait3A_728 : memref<1x104xi32, #tpu.memory_space<vmem>> -> memref<104xi32, #tpu.memory_space<vmem>>
        %dma_wait3A_730 = tpu.memref_slice %arg4[%mul3A_2] : memref<320000xi32, #tpu.memory_space<hbm>> -> memref<104xi32, #tpu.memory_space<hbm>>
        tpu.wait_dma2 semaphore(%arg29 : memref<!tpu.dma_semaphore, #tpu.memory_space<semaphore_mem>>) src(%dma_wait3A_730 : memref<104xi32, #tpu.memory_space<hbm>>) dst(%dma_wait3A_729 : memref<104xi32, #tpu.memory_space<vmem>>)
        %dma_start3A_731 = arith.constant 2 : i32
        %dma_start3A_732 = arith.constant 5 : i32
        %dma_start3A_733 = arith.constant 0 : i32
        %dma_start3A_734 = arith.constant 0 : i32
        %dma_start3A_735 = tpu.memref_slice %arg6[%dma_start3A_731, %dma_start3A_733, %dma_start3A_734] : memref<3x104x128xf32, #tpu.memory_space<vmem>> -> memref<1x104x128xf32, #tpu.memory_space<vmem>>
        %dma_start3A_736 = tpu.memref_squeeze %dma_start3A_735 : memref<1x104x128xf32, #tpu.memory_space<vmem>> -> memref<104x128xf32, #tpu.memory_space<vmem>>
        %dma_start3A_737 = arith.constant 0 : i32
        %dma_start3A_738 = tpu.memref_slice %arg8[%dma_start3A_732, %dma_start3A_737] : memref<6x104xi32, #tpu.memory_space<vmem>> -> memref<1x104xi32, #tpu.memory_space<vmem>>
        %dma_start3A_739 = tpu.memref_squeeze %dma_start3A_738 : memref<1x104xi32, #tpu.memory_space<vmem>> -> memref<104xi32, #tpu.memory_space<vmem>>
        %dma_start3A_740 = arith.constant 0 : i32
        %dma_start3A_741 = arith.constant 0 : i32
        %dma_start3A_742 = tpu.memref_slice %arg11[%dma_start3A_740, %dma_start3A_741] : memref<10000x128xf32, #tpu.memory_space<vmem_shared>> -> memref<10000x128xf32, #tpu.memory_space<vmem_shared>>
        tpu.enqueue_indirect_dma source(%dma_start3A_736 : memref<104x128xf32, #tpu.memory_space<vmem>>) target(%dma_start3A_742 : memref<10000x128xf32, #tpu.memory_space<vmem_shared>>) offsets(%dma_start3A_739 : memref<104xi32, #tpu.memory_space<vmem>>) semaphore(%arg17 : memref<!tpu.dma_semaphore, #tpu.memory_space<semaphore_mem>>) {add = true}
      } else {
      }
      %add3A_300 = arith.constant 6 : i32
      %add3A_301 = arith.addi %add3A_269, %add3A_300 : i32
      %sub3A = arith.constant 1 : i32
      %sub3A_302 = arith.subi %add3A_301, %sub3A : i32
      %lt3A = arith.constant 96 : i32
      %lt3A_303 = arith.cmpi slt, %sub3A_302, %lt3A : i32
      %convert_element_type3A_304 = arith.extui %lt3A_303 : i1 to i32
      %cond3A_305 = arith.constant 0 : i32
      %cond3A_306 = arith.cmpi ne, %convert_element_type3A_304, %cond3A_305 : i32
      scf.if %cond3A_306 {
        %add3A_710 = arith.constant 6 : i32
        %add3A_711 = arith.addi %add3A_269, %add3A_710 : i32
        %sub3A_712 = arith.constant 1 : i32
        %sub3A_713 = arith.subi %add3A_711, %sub3A_712 : i32
        %mul3A_714 = arith.constant 104 : i32
        %mul3A_715 = arith.muli %sub3A_713, %mul3A_714 : i32
        %multiple_of3A = tpu.assume_multiple %mul3A_715, 8 : i32
        %add3A_716 = arith.addi %mul3A_2, %multiple_of3A : i32
        %dma_start3A_717 = arith.constant 5 : i32
        %dma_start3A_718 = arith.constant 0 : i32
        %dma_start3A_719 = tpu.memref_slice %arg7[%dma_start3A_717, %dma_start3A_718] : memref<6x104xi32, #tpu.memory_space<vmem>> -> memref<1x104xi32, #tpu.memory_space<vmem>>
        %dma_start3A_720 = tpu.memref_squeeze %dma_start3A_719 : memref<1x104xi32, #tpu.memory_space<vmem>> -> memref<104xi32, #tpu.memory_space<vmem>>
        %dma_start3A_721 = tpu.memref_slice %arg3[%add3A_716] : memref<320000xi32, #tpu.memory_space<hbm>> -> memref<104xi32, #tpu.memory_space<hbm>>
        %dma_start3A_722 = arith.constant 0 : i32
        %dma_start3A_723 = tpu.memref_slice %arg7[%dma_start3A_717, %dma_start3A_722] : memref<6x104xi32, #tpu.memory_space<vmem>> -> memref<1x104xi32, #tpu.memory_space<vmem>>
        %dma_start3A_724 = tpu.memref_squeeze %dma_start3A_723 : memref<1x104xi32, #tpu.memory_space<vmem>> -> memref<104xi32, #tpu.memory_space<vmem>>
        %dma_start3A_725 = tpu.memref_slice %arg3[%add3A_716] : memref<320000xi32, #tpu.memory_space<hbm>> -> memref<104xi32, #tpu.memory_space<hbm>>
        tpu.enqueue_dma source(%dma_start3A_725 : memref<104xi32, #tpu.memory_space<hbm>>) target(%dma_start3A_724 : memref<104xi32, #tpu.memory_space<vmem>>) target_semaphore(%arg23 : memref<!tpu.dma_semaphore, #tpu.memory_space<semaphore_mem>>)
      } else {
      }
      %mul3A_307 = arith.constant 6 : i32
      %mul3A_308 = arith.muli %scan3A_264, %mul3A_307 : i32
      %add3A_309 = arith.constant 1 : i32
      %add3A_310 = arith.addi %mul3A_308, %add3A_309 : i32
      %gt3A_311 = arith.constant 0 : i32
      %gt3A_312 = arith.cmpi sgt, %scan3A_264, %gt3A_311 : i32
      %convert_element_type3A_313 = arith.extui %gt3A_312 : i1 to i32
      %cond3A_314 = arith.constant 0 : i32
      %cond3A_315 = arith.cmpi ne, %convert_element_type3A_313, %cond3A_314 : i32
      scf.if %cond3A_315 {
        %dma_wait3A_710 = arith.constant 1 : i32
        %dma_wait3A_711 = arith.constant 0 : i32
        %dma_wait3A_712 = arith.constant 0 : i32
        %dma_wait3A_713 = arith.constant 0 : i32
        %dma_wait3A_714 = tpu.memref_slice %arg6[%dma_wait3A_710, %dma_wait3A_712, %dma_wait3A_713] : memref<3x104x128xf32, #tpu.memory_space<vmem>> -> memref<1x104x128xf32, #tpu.memory_space<vmem>>
        %dma_wait3A_715 = tpu.memref_squeeze %dma_wait3A_714 : memref<1x104x128xf32, #tpu.memory_space<vmem>> -> memref<104x128xf32, #tpu.memory_space<vmem>>
        %dma_wait3A_716 = arith.constant 0 : i32
        %dma_wait3A_717 = tpu.memref_slice %arg8[%dma_wait3A_711, %dma_wait3A_716] : memref<6x104xi32, #tpu.memory_space<vmem>> -> memref<1x104xi32, #tpu.memory_space<vmem>>
        %dma_wait3A_718 = tpu.memref_squeeze %dma_wait3A_717 : memref<1x104xi32, #tpu.memory_space<vmem>> -> memref<104xi32, #tpu.memory_space<vmem>>
        %dma_wait3A_719 = arith.constant 0 : i32
        %dma_wait3A_720 = arith.constant 0 : i32
        %dma_wait3A_721 = tpu.memref_slice %arg11[%dma_wait3A_719, %dma_wait3A_720] : memref<10000x128xf32, #tpu.memory_space<vmem_shared>> -> memref<10000x128xf32, #tpu.memory_space<vmem_shared>>
        tpu.wait_indirect_dma semaphore(%arg16 : memref<!tpu.dma_semaphore, #tpu.memory_space<semaphore_mem>>) src(%dma_wait3A_715 : memref<104x128xf32, #tpu.memory_space<vmem>>) dst(%dma_wait3A_721 : memref<10000x128xf32, #tpu.memory_space<vmem_shared>>)
        %add3A_722 = arith.constant 3 : i32
        %add3A_723 = arith.addi %add3A_310, %add3A_722 : i32
        %lt3A_724 = arith.constant 96 : i32
        %lt3A_725 = arith.cmpi slt, %add3A_723, %lt3A_724 : i32
        %convert_element_type3A_726 = arith.extui %lt3A_725 : i1 to i32
        %cond3A_727 = arith.constant 0 : i32
        %cond3A_728 = arith.cmpi ne, %convert_element_type3A_726, %cond3A_727 : i32
        scf.if %cond3A_728 {
          %add3A_729 = arith.constant 3 : i32
          %add3A_730 = arith.addi %add3A_310, %add3A_729 : i32
          %mul3A_731 = arith.constant 104 : i32
          %mul3A_732 = arith.muli %add3A_730, %mul3A_731 : i32
          %multiple_of3A = tpu.assume_multiple %mul3A_732, 8 : i32
          %add3A_733 = arith.addi %mul3A_2, %multiple_of3A : i32
          %dma_start3A_734 = arith.constant 4 : i32
          %dma_start3A_735 = arith.constant 0 : i32
          %dma_start3A_736 = tpu.memref_slice %arg8[%dma_start3A_734, %dma_start3A_735] : memref<6x104xi32, #tpu.memory_space<vmem>> -> memref<1x104xi32, #tpu.memory_space<vmem>>
          %dma_start3A_737 = tpu.memref_squeeze %dma_start3A_736 : memref<1x104xi32, #tpu.memory_space<vmem>> -> memref<104xi32, #tpu.memory_space<vmem>>
          %dma_start3A_738 = tpu.memref_slice %arg4[%add3A_733] : memref<320000xi32, #tpu.memory_space<hbm>> -> memref<104xi32, #tpu.memory_space<hbm>>
          %dma_start3A_739 = arith.constant 0 : i32
          %dma_start3A_740 = tpu.memref_slice %arg8[%dma_start3A_734, %dma_start3A_739] : memref<6x104xi32, #tpu.memory_space<vmem>> -> memref<1x104xi32, #tpu.memory_space<vmem>>
          %dma_start3A_741 = tpu.memref_squeeze %dma_start3A_740 : memref<1x104xi32, #tpu.memory_space<vmem>> -> memref<104xi32, #tpu.memory_space<vmem>>
          %dma_start3A_742 = tpu.memref_slice %arg4[%add3A_733] : memref<320000xi32, #tpu.memory_space<hbm>> -> memref<104xi32, #tpu.memory_space<hbm>>
          tpu.enqueue_dma source(%dma_start3A_742 : memref<104xi32, #tpu.memory_space<hbm>>) target(%dma_start3A_741 : memref<104xi32, #tpu.memory_space<vmem>>) target_semaphore(%arg28 : memref<!tpu.dma_semaphore, #tpu.memory_space<semaphore_mem>>)
        } else {
        }
      } else {
      }
      %dma_wait3A_316 = arith.constant 1 : i32
      %dma_wait3A_317 = arith.constant 0 : i32
      %dma_wait3A_318 = tpu.memref_slice %arg7[%dma_wait3A_316, %dma_wait3A_317] : memref<6x104xi32, #tpu.memory_space<vmem>> -> memref<1x104xi32, #tpu.memory_space<vmem>>
      %dma_wait3A_319 = tpu.memref_squeeze %dma_wait3A_318 : memref<1x104xi32, #tpu.memory_space<vmem>> -> memref<104xi32, #tpu.memory_space<vmem>>
      %dma_wait3A_320 = tpu.memref_slice %arg3[%mul3A_2] : memref<320000xi32, #tpu.memory_space<hbm>> -> memref<104xi32, #tpu.memory_space<hbm>>
      %dma_wait3A_321 = arith.constant 0 : i32
      %dma_wait3A_322 = tpu.memref_slice %arg7[%dma_wait3A_316, %dma_wait3A_321] : memref<6x104xi32, #tpu.memory_space<vmem>> -> memref<1x104xi32, #tpu.memory_space<vmem>>
      %dma_wait3A_323 = tpu.memref_squeeze %dma_wait3A_322 : memref<1x104xi32, #tpu.memory_space<vmem>> -> memref<104xi32, #tpu.memory_space<vmem>>
      %dma_wait3A_324 = tpu.memref_slice %arg3[%mul3A_2] : memref<320000xi32, #tpu.memory_space<hbm>> -> memref<104xi32, #tpu.memory_space<hbm>>
      tpu.wait_dma2 semaphore(%arg19 : memref<!tpu.dma_semaphore, #tpu.memory_space<semaphore_mem>>) src(%dma_wait3A_324 : memref<104xi32, #tpu.memory_space<hbm>>) dst(%dma_wait3A_323 : memref<104xi32, #tpu.memory_space<vmem>>)
      %dma_start3A_325 = arith.constant 1 : i32
      %dma_start3A_326 = arith.constant 1 : i32
      %dma_start3A_327 = arith.constant 0 : i32
      %dma_start3A_328 = arith.constant 0 : i32
      %dma_start3A_329 = tpu.memref_slice %arg6[%dma_start3A_326, %dma_start3A_327, %dma_start3A_328] : memref<3x104x128xf32, #tpu.memory_space<vmem>> -> memref<1x104x128xf32, #tpu.memory_space<vmem>>
      %dma_start3A_330 = tpu.memref_squeeze %dma_start3A_329 : memref<1x104x128xf32, #tpu.memory_space<vmem>> -> memref<104x128xf32, #tpu.memory_space<vmem>>
      %dma_start3A_331 = arith.constant 0 : i32
      %dma_start3A_332 = tpu.memref_slice %arg7[%dma_start3A_325, %dma_start3A_331] : memref<6x104xi32, #tpu.memory_space<vmem>> -> memref<1x104xi32, #tpu.memory_space<vmem>>
      %dma_start3A_333 = tpu.memref_squeeze %dma_start3A_332 : memref<1x104xi32, #tpu.memory_space<vmem>> -> memref<104xi32, #tpu.memory_space<vmem>>
      %dma_start3A_334 = arith.constant 0 : i32
      %dma_start3A_335 = arith.constant 0 : i32
      %dma_start3A_336 = tpu.memref_slice %arg2[%dma_start3A_334, %dma_start3A_335] : memref<10000x128xf32, #tpu.memory_space<hbm>> -> memref<10000x128xf32, #tpu.memory_space<hbm>>
      tpu.enqueue_indirect_dma source(%dma_start3A_336 : memref<10000x128xf32, #tpu.memory_space<hbm>>) target(%dma_start3A_330 : memref<104x128xf32, #tpu.memory_space<vmem>>) offsets(%dma_start3A_333 : memref<104xi32, #tpu.memory_space<vmem>>) semaphore(%arg13 : memref<!tpu.dma_semaphore, #tpu.memory_space<semaphore_mem>>)
      %dma_wait3A_337 = arith.constant 0 : i32
      %dma_wait3A_338 = arith.constant 0 : i32
      %dma_wait3A_339 = arith.constant 0 : i32
      %dma_wait3A_340 = arith.constant 0 : i32
      %dma_wait3A_341 = tpu.memref_slice %arg6[%dma_wait3A_338, %dma_wait3A_339, %dma_wait3A_340] : memref<3x104x128xf32, #tpu.memory_space<vmem>> -> memref<1x104x128xf32, #tpu.memory_space<vmem>>
      %dma_wait3A_342 = tpu.memref_squeeze %dma_wait3A_341 : memref<1x104x128xf32, #tpu.memory_space<vmem>> -> memref<104x128xf32, #tpu.memory_space<vmem>>
      %dma_wait3A_343 = arith.constant 0 : i32
      %dma_wait3A_344 = tpu.memref_slice %arg7[%dma_wait3A_337, %dma_wait3A_343] : memref<6x104xi32, #tpu.memory_space<vmem>> -> memref<1x104xi32, #tpu.memory_space<vmem>>
      %dma_wait3A_345 = tpu.memref_squeeze %dma_wait3A_344 : memref<1x104xi32, #tpu.memory_space<vmem>> -> memref<104xi32, #tpu.memory_space<vmem>>
      %dma_wait3A_346 = arith.constant 0 : i32
      %dma_wait3A_347 = arith.constant 0 : i32
      %dma_wait3A_348 = tpu.memref_slice %arg2[%dma_wait3A_346, %dma_wait3A_347] : memref<10000x128xf32, #tpu.memory_space<hbm>> -> memref<10000x128xf32, #tpu.memory_space<hbm>>
      tpu.wait_indirect_dma semaphore(%arg12 : memref<!tpu.dma_semaphore, #tpu.memory_space<semaphore_mem>>) src(%dma_wait3A_348 : memref<10000x128xf32, #tpu.memory_space<hbm>>) dst(%dma_wait3A_342 : memref<104x128xf32, #tpu.memory_space<vmem>>)
      %dma_wait3A_349 = arith.constant 0 : i32
      %dma_wait3A_350 = arith.constant 0 : i32
      %dma_wait3A_351 = tpu.memref_slice %arg8[%dma_wait3A_349, %dma_wait3A_350] : memref<6x104xi32, #tpu.memory_space<vmem>> -> memref<1x104xi32, #tpu.memory_space<vmem>>
      %dma_wait3A_352 = tpu.memref_squeeze %dma_wait3A_351 : memref<1x104xi32, #tpu.memory_space<vmem>> -> memref<104xi32, #tpu.memory_space<vmem>>
      %dma_wait3A_353 = tpu.memref_slice %arg4[%mul3A_2] : memref<320000xi32, #tpu.memory_space<hbm>> -> memref<104xi32, #tpu.memory_space<hbm>>
      %dma_wait3A_354 = arith.constant 0 : i32
      %dma_wait3A_355 = tpu.memref_slice %arg8[%dma_wait3A_349, %dma_wait3A_354] : memref<6x104xi32, #tpu.memory_space<vmem>> -> memref<1x104xi32, #tpu.memory_space<vmem>>
      %dma_wait3A_356 = tpu.memref_squeeze %dma_wait3A_355 : memref<1x104xi32, #tpu.memory_space<vmem>> -> memref<104xi32, #tpu.memory_space<vmem>>
      %dma_wait3A_357 = tpu.memref_slice %arg4[%mul3A_2] : memref<320000xi32, #tpu.memory_space<hbm>> -> memref<104xi32, #tpu.memory_space<hbm>>
      tpu.wait_dma2 semaphore(%arg24 : memref<!tpu.dma_semaphore, #tpu.memory_space<semaphore_mem>>) src(%dma_wait3A_357 : memref<104xi32, #tpu.memory_space<hbm>>) dst(%dma_wait3A_356 : memref<104xi32, #tpu.memory_space<vmem>>)
      %dma_start3A_358 = arith.constant 0 : i32
      %dma_start3A_359 = arith.constant 0 : i32
      %dma_start3A_360 = arith.constant 0 : i32
      %dma_start3A_361 = arith.constant 0 : i32
      %dma_start3A_362 = tpu.memref_slice %arg6[%dma_start3A_358, %dma_start3A_360, %dma_start3A_361] : memref<3x104x128xf32, #tpu.memory_space<vmem>> -> memref<1x104x128xf32, #tpu.memory_space<vmem>>
      %dma_start3A_363 = tpu.memref_squeeze %dma_start3A_362 : memref<1x104x128xf32, #tpu.memory_space<vmem>> -> memref<104x128xf32, #tpu.memory_space<vmem>>
      %dma_start3A_364 = arith.constant 0 : i32
      %dma_start3A_365 = tpu.memref_slice %arg8[%dma_start3A_359, %dma_start3A_364] : memref<6x104xi32, #tpu.memory_space<vmem>> -> memref<1x104xi32, #tpu.memory_space<vmem>>
      %dma_start3A_366 = tpu.memref_squeeze %dma_start3A_365 : memref<1x104xi32, #tpu.memory_space<vmem>> -> memref<104xi32, #tpu.memory_space<vmem>>
      %dma_start3A_367 = arith.constant 0 : i32
      %dma_start3A_368 = arith.constant 0 : i32
      %dma_start3A_369 = tpu.memref_slice %arg11[%dma_start3A_367, %dma_start3A_368] : memref<10000x128xf32, #tpu.memory_space<vmem_shared>> -> memref<10000x128xf32, #tpu.memory_space<vmem_shared>>
      tpu.enqueue_indirect_dma source(%dma_start3A_363 : memref<104x128xf32, #tpu.memory_space<vmem>>) target(%dma_start3A_369 : memref<10000x128xf32, #tpu.memory_space<vmem_shared>>) offsets(%dma_start3A_366 : memref<104xi32, #tpu.memory_space<vmem>>) semaphore(%arg15 : memref<!tpu.dma_semaphore, #tpu.memory_space<semaphore_mem>>) {add = true}
      %add3A_370 = arith.constant 6 : i32
      %add3A_371 = arith.addi %add3A_310, %add3A_370 : i32
      %sub3A_372 = arith.constant 1 : i32
      %sub3A_373 = arith.subi %add3A_371, %sub3A_372 : i32
      %lt3A_374 = arith.constant 96 : i32
      %lt3A_375 = arith.cmpi slt, %sub3A_373, %lt3A_374 : i32
      %convert_element_type3A_376 = arith.extui %lt3A_375 : i1 to i32
      %cond3A_377 = arith.constant 0 : i32
      %cond3A_378 = arith.cmpi ne, %convert_element_type3A_376, %cond3A_377 : i32
      scf.if %cond3A_378 {
        %add3A_710 = arith.constant 6 : i32
        %add3A_711 = arith.addi %add3A_310, %add3A_710 : i32
        %sub3A_712 = arith.constant 1 : i32
        %sub3A_713 = arith.subi %add3A_711, %sub3A_712 : i32
        %mul3A_714 = arith.constant 104 : i32
        %mul3A_715 = arith.muli %sub3A_713, %mul3A_714 : i32
        %multiple_of3A = tpu.assume_multiple %mul3A_715, 8 : i32
        %add3A_716 = arith.addi %mul3A_2, %multiple_of3A : i32
        %dma_start3A_717 = arith.constant 0 : i32
        %dma_start3A_718 = arith.constant 0 : i32
        %dma_start3A_719 = tpu.memref_slice %arg7[%dma_start3A_717, %dma_start3A_718] : memref<6x104xi32, #tpu.memory_space<vmem>> -> memref<1x104xi32, #tpu.memory_space<vmem>>
        %dma_start3A_720 = tpu.memref_squeeze %dma_start3A_719 : memref<1x104xi32, #tpu.memory_space<vmem>> -> memref<104xi32, #tpu.memory_space<vmem>>
        %dma_start3A_721 = tpu.memref_slice %arg3[%add3A_716] : memref<320000xi32, #tpu.memory_space<hbm>> -> memref<104xi32, #tpu.memory_space<hbm>>
        %dma_start3A_722 = arith.constant 0 : i32
        %dma_start3A_723 = tpu.memref_slice %arg7[%dma_start3A_717, %dma_start3A_722] : memref<6x104xi32, #tpu.memory_space<vmem>> -> memref<1x104xi32, #tpu.memory_space<vmem>>
        %dma_start3A_724 = tpu.memref_squeeze %dma_start3A_723 : memref<1x104xi32, #tpu.memory_space<vmem>> -> memref<104xi32, #tpu.memory_space<vmem>>
        %dma_start3A_725 = tpu.memref_slice %arg3[%add3A_716] : memref<320000xi32, #tpu.memory_space<hbm>> -> memref<104xi32, #tpu.memory_space<hbm>>
        tpu.enqueue_dma source(%dma_start3A_725 : memref<104xi32, #tpu.memory_space<hbm>>) target(%dma_start3A_724 : memref<104xi32, #tpu.memory_space<vmem>>) target_semaphore(%arg18 : memref<!tpu.dma_semaphore, #tpu.memory_space<semaphore_mem>>)
      } else {
      }
      %mul3A_379 = arith.constant 6 : i32
      %mul3A_380 = arith.muli %scan3A_264, %mul3A_379 : i32
      %add3A_381 = arith.constant 2 : i32
      %add3A_382 = arith.addi %mul3A_380, %add3A_381 : i32
      %gt3A_383 = arith.constant 0 : i32
      %gt3A_384 = arith.cmpi sgt, %scan3A_264, %gt3A_383 : i32
      %convert_element_type3A_385 = arith.extui %gt3A_384 : i1 to i32
      %cond3A_386 = arith.constant 0 : i32
      %cond3A_387 = arith.cmpi ne, %convert_element_type3A_385, %cond3A_386 : i32
      scf.if %cond3A_387 {
        %dma_wait3A_710 = arith.constant 2 : i32
        %dma_wait3A_711 = arith.constant 0 : i32
        %dma_wait3A_712 = arith.constant 0 : i32
        %dma_wait3A_713 = arith.constant 0 : i32
        %dma_wait3A_714 = tpu.memref_slice %arg6[%dma_wait3A_710, %dma_wait3A_712, %dma_wait3A_713] : memref<3x104x128xf32, #tpu.memory_space<vmem>> -> memref<1x104x128xf32, #tpu.memory_space<vmem>>
        %dma_wait3A_715 = tpu.memref_squeeze %dma_wait3A_714 : memref<1x104x128xf32, #tpu.memory_space<vmem>> -> memref<104x128xf32, #tpu.memory_space<vmem>>
        %dma_wait3A_716 = arith.constant 0 : i32
        %dma_wait3A_717 = tpu.memref_slice %arg8[%dma_wait3A_711, %dma_wait3A_716] : memref<6x104xi32, #tpu.memory_space<vmem>> -> memref<1x104xi32, #tpu.memory_space<vmem>>
        %dma_wait3A_718 = tpu.memref_squeeze %dma_wait3A_717 : memref<1x104xi32, #tpu.memory_space<vmem>> -> memref<104xi32, #tpu.memory_space<vmem>>
        %dma_wait3A_719 = arith.constant 0 : i32
        %dma_wait3A_720 = arith.constant 0 : i32
        %dma_wait3A_721 = tpu.memref_slice %arg11[%dma_wait3A_719, %dma_wait3A_720] : memref<10000x128xf32, #tpu.memory_space<vmem_shared>> -> memref<10000x128xf32, #tpu.memory_space<vmem_shared>>
        tpu.wait_indirect_dma semaphore(%arg17 : memref<!tpu.dma_semaphore, #tpu.memory_space<semaphore_mem>>) src(%dma_wait3A_715 : memref<104x128xf32, #tpu.memory_space<vmem>>) dst(%dma_wait3A_721 : memref<10000x128xf32, #tpu.memory_space<vmem_shared>>)
        %add3A_722 = arith.constant 3 : i32
        %add3A_723 = arith.addi %add3A_382, %add3A_722 : i32
        %lt3A_724 = arith.constant 96 : i32
        %lt3A_725 = arith.cmpi slt, %add3A_723, %lt3A_724 : i32
        %convert_element_type3A_726 = arith.extui %lt3A_725 : i1 to i32
        %cond3A_727 = arith.constant 0 : i32
        %cond3A_728 = arith.cmpi ne, %convert_element_type3A_726, %cond3A_727 : i32
        scf.if %cond3A_728 {
          %add3A_729 = arith.constant 3 : i32
          %add3A_730 = arith.addi %add3A_382, %add3A_729 : i32
          %mul3A_731 = arith.constant 104 : i32
          %mul3A_732 = arith.muli %add3A_730, %mul3A_731 : i32
          %multiple_of3A = tpu.assume_multiple %mul3A_732, 8 : i32
          %add3A_733 = arith.addi %mul3A_2, %multiple_of3A : i32
          %dma_start3A_734 = arith.constant 5 : i32
          %dma_start3A_735 = arith.constant 0 : i32
          %dma_start3A_736 = tpu.memref_slice %arg8[%dma_start3A_734, %dma_start3A_735] : memref<6x104xi32, #tpu.memory_space<vmem>> -> memref<1x104xi32, #tpu.memory_space<vmem>>
          %dma_start3A_737 = tpu.memref_squeeze %dma_start3A_736 : memref<1x104xi32, #tpu.memory_space<vmem>> -> memref<104xi32, #tpu.memory_space<vmem>>
          %dma_start3A_738 = tpu.memref_slice %arg4[%add3A_733] : memref<320000xi32, #tpu.memory_space<hbm>> -> memref<104xi32, #tpu.memory_space<hbm>>
          %dma_start3A_739 = arith.constant 0 : i32
          %dma_start3A_740 = tpu.memref_slice %arg8[%dma_start3A_734, %dma_start3A_739] : memref<6x104xi32, #tpu.memory_space<vmem>> -> memref<1x104xi32, #tpu.memory_space<vmem>>
          %dma_start3A_741 = tpu.memref_squeeze %dma_start3A_740 : memref<1x104xi32, #tpu.memory_space<vmem>> -> memref<104xi32, #tpu.memory_space<vmem>>
          %dma_start3A_742 = tpu.memref_slice %arg4[%add3A_733] : memref<320000xi32, #tpu.memory_space<hbm>> -> memref<104xi32, #tpu.memory_space<hbm>>
          tpu.enqueue_dma source(%dma_start3A_742 : memref<104xi32, #tpu.memory_space<hbm>>) target(%dma_start3A_741 : memref<104xi32, #tpu.memory_space<vmem>>) target_semaphore(%arg29 : memref<!tpu.dma_semaphore, #tpu.memory_space<semaphore_mem>>)
        } else {
        }
      } else {
      }
      %dma_wait3A_388 = arith.constant 2 : i32
      %dma_wait3A_389 = arith.constant 0 : i32
      %dma_wait3A_390 = tpu.memref_slice %arg7[%dma_wait3A_388, %dma_wait3A_389] : memref<6x104xi32, #tpu.memory_space<vmem>> -> memref<1x104xi32, #tpu.memory_space<vmem>>
      %dma_wait3A_391 = tpu.memref_squeeze %dma_wait3A_390 : memref<1x104xi32, #tpu.memory_space<vmem>> -> memref<104xi32, #tpu.memory_space<vmem>>
      %dma_wait3A_392 = tpu.memref_slice %arg3[%mul3A_2] : memref<320000xi32, #tpu.memory_space<hbm>> -> memref<104xi32, #tpu.memory_space<hbm>>
      %dma_wait3A_393 = arith.constant 0 : i32
      %dma_wait3A_394 = tpu.memref_slice %arg7[%dma_wait3A_388, %dma_wait3A_393] : memref<6x104xi32, #tpu.memory_space<vmem>> -> memref<1x104xi32, #tpu.memory_space<vmem>>
      %dma_wait3A_395 = tpu.memref_squeeze %dma_wait3A_394 : memref<1x104xi32, #tpu.memory_space<vmem>> -> memref<104xi32, #tpu.memory_space<vmem>>
      %dma_wait3A_396 = tpu.memref_slice %arg3[%mul3A_2] : memref<320000xi32, #tpu.memory_space<hbm>> -> memref<104xi32, #tpu.memory_space<hbm>>
      tpu.wait_dma2 semaphore(%arg20 : memref<!tpu.dma_semaphore, #tpu.memory_space<semaphore_mem>>) src(%dma_wait3A_396 : memref<104xi32, #tpu.memory_space<hbm>>) dst(%dma_wait3A_395 : memref<104xi32, #tpu.memory_space<vmem>>)
      %dma_start3A_397 = arith.constant 2 : i32
      %dma_start3A_398 = arith.constant 2 : i32
      %dma_start3A_399 = arith.constant 0 : i32
      %dma_start3A_400 = arith.constant 0 : i32
      %dma_start3A_401 = tpu.memref_slice %arg6[%dma_start3A_398, %dma_start3A_399, %dma_start3A_400] : memref<3x104x128xf32, #tpu.memory_space<vmem>> -> memref<1x104x128xf32, #tpu.memory_space<vmem>>
      %dma_start3A_402 = tpu.memref_squeeze %dma_start3A_401 : memref<1x104x128xf32, #tpu.memory_space<vmem>> -> memref<104x128xf32, #tpu.memory_space<vmem>>
      %dma_start3A_403 = arith.constant 0 : i32
      %dma_start3A_404 = tpu.memref_slice %arg7[%dma_start3A_397, %dma_start3A_403] : memref<6x104xi32, #tpu.memory_space<vmem>> -> memref<1x104xi32, #tpu.memory_space<vmem>>
      %dma_start3A_405 = tpu.memref_squeeze %dma_start3A_404 : memref<1x104xi32, #tpu.memory_space<vmem>> -> memref<104xi32, #tpu.memory_space<vmem>>
      %dma_start3A_406 = arith.constant 0 : i32
      %dma_start3A_407 = arith.constant 0 : i32
      %dma_start3A_408 = tpu.memref_slice %arg2[%dma_start3A_406, %dma_start3A_407] : memref<10000x128xf32, #tpu.memory_space<hbm>> -> memref<10000x128xf32, #tpu.memory_space<hbm>>
      tpu.enqueue_indirect_dma source(%dma_start3A_408 : memref<10000x128xf32, #tpu.memory_space<hbm>>) target(%dma_start3A_402 : memref<104x128xf32, #tpu.memory_space<vmem>>) offsets(%dma_start3A_405 : memref<104xi32, #tpu.memory_space<vmem>>) semaphore(%arg14 : memref<!tpu.dma_semaphore, #tpu.memory_space<semaphore_mem>>)
      %dma_wait3A_409 = arith.constant 0 : i32
      %dma_wait3A_410 = arith.constant 1 : i32
      %dma_wait3A_411 = arith.constant 0 : i32
      %dma_wait3A_412 = arith.constant 0 : i32
      %dma_wait3A_413 = tpu.memref_slice %arg6[%dma_wait3A_410, %dma_wait3A_411, %dma_wait3A_412] : memref<3x104x128xf32, #tpu.memory_space<vmem>> -> memref<1x104x128xf32, #tpu.memory_space<vmem>>
      %dma_wait3A_414 = tpu.memref_squeeze %dma_wait3A_413 : memref<1x104x128xf32, #tpu.memory_space<vmem>> -> memref<104x128xf32, #tpu.memory_space<vmem>>
      %dma_wait3A_415 = arith.constant 0 : i32
      %dma_wait3A_416 = tpu.memref_slice %arg7[%dma_wait3A_409, %dma_wait3A_415] : memref<6x104xi32, #tpu.memory_space<vmem>> -> memref<1x104xi32, #tpu.memory_space<vmem>>
      %dma_wait3A_417 = tpu.memref_squeeze %dma_wait3A_416 : memref<1x104xi32, #tpu.memory_space<vmem>> -> memref<104xi32, #tpu.memory_space<vmem>>
      %dma_wait3A_418 = arith.constant 0 : i32
      %dma_wait3A_419 = arith.constant 0 : i32
      %dma_wait3A_420 = tpu.memref_slice %arg2[%dma_wait3A_418, %dma_wait3A_419] : memref<10000x128xf32, #tpu.memory_space<hbm>> -> memref<10000x128xf32, #tpu.memory_space<hbm>>
      tpu.wait_indirect_dma semaphore(%arg13 : memref<!tpu.dma_semaphore, #tpu.memory_space<semaphore_mem>>) src(%dma_wait3A_420 : memref<10000x128xf32, #tpu.memory_space<hbm>>) dst(%dma_wait3A_414 : memref<104x128xf32, #tpu.memory_space<vmem>>)
      %dma_wait3A_421 = arith.constant 1 : i32
      %dma_wait3A_422 = arith.constant 0 : i32
      %dma_wait3A_423 = tpu.memref_slice %arg8[%dma_wait3A_421, %dma_wait3A_422] : memref<6x104xi32, #tpu.memory_space<vmem>> -> memref<1x104xi32, #tpu.memory_space<vmem>>
      %dma_wait3A_424 = tpu.memref_squeeze %dma_wait3A_423 : memref<1x104xi32, #tpu.memory_space<vmem>> -> memref<104xi32, #tpu.memory_space<vmem>>
      %dma_wait3A_425 = tpu.memref_slice %arg4[%mul3A_2] : memref<320000xi32, #tpu.memory_space<hbm>> -> memref<104xi32, #tpu.memory_space<hbm>>
      %dma_wait3A_426 = arith.constant 0 : i32
      %dma_wait3A_427 = tpu.memref_slice %arg8[%dma_wait3A_421, %dma_wait3A_426] : memref<6x104xi32, #tpu.memory_space<vmem>> -> memref<1x104xi32, #tpu.memory_space<vmem>>
      %dma_wait3A_428 = tpu.memref_squeeze %dma_wait3A_427 : memref<1x104xi32, #tpu.memory_space<vmem>> -> memref<104xi32, #tpu.memory_space<vmem>>
      %dma_wait3A_429 = tpu.memref_slice %arg4[%mul3A_2] : memref<320000xi32, #tpu.memory_space<hbm>> -> memref<104xi32, #tpu.memory_space<hbm>>
      tpu.wait_dma2 semaphore(%arg25 : memref<!tpu.dma_semaphore, #tpu.memory_space<semaphore_mem>>) src(%dma_wait3A_429 : memref<104xi32, #tpu.memory_space<hbm>>) dst(%dma_wait3A_428 : memref<104xi32, #tpu.memory_space<vmem>>)
      %dma_start3A_430 = arith.constant 1 : i32
      %dma_start3A_431 = arith.constant 1 : i32
      %dma_start3A_432 = arith.constant 0 : i32
      %dma_start3A_433 = arith.constant 0 : i32
      %dma_start3A_434 = tpu.memref_slice %arg6[%dma_start3A_430, %dma_start3A_432, %dma_start3A_433] : memref<3x104x128xf32, #tpu.memory_space<vmem>> -> memref<1x104x128xf32, #tpu.memory_space<vmem>>
      %dma_start3A_435 = tpu.memref_squeeze %dma_start3A_434 : memref<1x104x128xf32, #tpu.memory_space<vmem>> -> memref<104x128xf32, #tpu.memory_space<vmem>>
      %dma_start3A_436 = arith.constant 0 : i32
      %dma_start3A_437 = tpu.memref_slice %arg8[%dma_start3A_431, %dma_start3A_436] : memref<6x104xi32, #tpu.memory_space<vmem>> -> memref<1x104xi32, #tpu.memory_space<vmem>>
      %dma_start3A_438 = tpu.memref_squeeze %dma_start3A_437 : memref<1x104xi32, #tpu.memory_space<vmem>> -> memref<104xi32, #tpu.memory_space<vmem>>
      %dma_start3A_439 = arith.constant 0 : i32
      %dma_start3A_440 = arith.constant 0 : i32
      %dma_start3A_441 = tpu.memref_slice %arg11[%dma_start3A_439, %dma_start3A_440] : memref<10000x128xf32, #tpu.memory_space<vmem_shared>> -> memref<10000x128xf32, #tpu.memory_space<vmem_shared>>
      tpu.enqueue_indirect_dma source(%dma_start3A_435 : memref<104x128xf32, #tpu.memory_space<vmem>>) target(%dma_start3A_441 : memref<10000x128xf32, #tpu.memory_space<vmem_shared>>) offsets(%dma_start3A_438 : memref<104xi32, #tpu.memory_space<vmem>>) semaphore(%arg16 : memref<!tpu.dma_semaphore, #tpu.memory_space<semaphore_mem>>) {add = true}
      %add3A_442 = arith.constant 6 : i32
      %add3A_443 = arith.addi %add3A_382, %add3A_442 : i32
      %sub3A_444 = arith.constant 1 : i32
      %sub3A_445 = arith.subi %add3A_443, %sub3A_444 : i32
      %lt3A_446 = arith.constant 96 : i32
      %lt3A_447 = arith.cmpi slt, %sub3A_445, %lt3A_446 : i32
      %convert_element_type3A_448 = arith.extui %lt3A_447 : i1 to i32
      %cond3A_449 = arith.constant 0 : i32
      %cond3A_450 = arith.cmpi ne, %convert_element_type3A_448, %cond3A_449 : i32
      scf.if %cond3A_450 {
        %add3A_710 = arith.constant 6 : i32
        %add3A_711 = arith.addi %add3A_382, %add3A_710 : i32
        %sub3A_712 = arith.constant 1 : i32
        %sub3A_713 = arith.subi %add3A_711, %sub3A_712 : i32
        %mul3A_714 = arith.constant 104 : i32
        %mul3A_715 = arith.muli %sub3A_713, %mul3A_714 : i32
        %multiple_of3A = tpu.assume_multiple %mul3A_715, 8 : i32
        %add3A_716 = arith.addi %mul3A_2, %multiple_of3A : i32
        %dma_start3A_717 = arith.constant 1 : i32
        %dma_start3A_718 = arith.constant 0 : i32
        %dma_start3A_719 = tpu.memref_slice %arg7[%dma_start3A_717, %dma_start3A_718] : memref<6x104xi32, #tpu.memory_space<vmem>> -> memref<1x104xi32, #tpu.memory_space<vmem>>
        %dma_start3A_720 = tpu.memref_squeeze %dma_start3A_719 : memref<1x104xi32, #tpu.memory_space<vmem>> -> memref<104xi32, #tpu.memory_space<vmem>>
        %dma_start3A_721 = tpu.memref_slice %arg3[%add3A_716] : memref<320000xi32, #tpu.memory_space<hbm>> -> memref<104xi32, #tpu.memory_space<hbm>>
        %dma_start3A_722 = arith.constant 0 : i32
        %dma_start3A_723 = tpu.memref_slice %arg7[%dma_start3A_717, %dma_start3A_722] : memref<6x104xi32, #tpu.memory_space<vmem>> -> memref<1x104xi32, #tpu.memory_space<vmem>>
        %dma_start3A_724 = tpu.memref_squeeze %dma_start3A_723 : memref<1x104xi32, #tpu.memory_space<vmem>> -> memref<104xi32, #tpu.memory_space<vmem>>
        %dma_start3A_725 = tpu.memref_slice %arg3[%add3A_716] : memref<320000xi32, #tpu.memory_space<hbm>> -> memref<104xi32, #tpu.memory_space<hbm>>
        tpu.enqueue_dma source(%dma_start3A_725 : memref<104xi32, #tpu.memory_space<hbm>>) target(%dma_start3A_724 : memref<104xi32, #tpu.memory_space<vmem>>) target_semaphore(%arg19 : memref<!tpu.dma_semaphore, #tpu.memory_space<semaphore_mem>>)
      } else {
      }
      %mul3A_451 = arith.constant 6 : i32
      %mul3A_452 = arith.muli %scan3A_264, %mul3A_451 : i32
      %add3A_453 = arith.constant 3 : i32
      %add3A_454 = arith.addi %mul3A_452, %add3A_453 : i32
      %dma_wait3A_455 = arith.constant 0 : i32
      %dma_wait3A_456 = arith.constant 0 : i32
      %dma_wait3A_457 = arith.constant 0 : i32
      %dma_wait3A_458 = arith.constant 0 : i32
      %dma_wait3A_459 = tpu.memref_slice %arg6[%dma_wait3A_455, %dma_wait3A_457, %dma_wait3A_458] : memref<3x104x128xf32, #tpu.memory_space<vmem>> -> memref<1x104x128xf32, #tpu.memory_space<vmem>>
      %dma_wait3A_460 = tpu.memref_squeeze %dma_wait3A_459 : memref<1x104x128xf32, #tpu.memory_space<vmem>> -> memref<104x128xf32, #tpu.memory_space<vmem>>
      %dma_wait3A_461 = arith.constant 0 : i32
      %dma_wait3A_462 = tpu.memref_slice %arg8[%dma_wait3A_456, %dma_wait3A_461] : memref<6x104xi32, #tpu.memory_space<vmem>> -> memref<1x104xi32, #tpu.memory_space<vmem>>
      %dma_wait3A_463 = tpu.memref_squeeze %dma_wait3A_462 : memref<1x104xi32, #tpu.memory_space<vmem>> -> memref<104xi32, #tpu.memory_space<vmem>>
      %dma_wait3A_464 = arith.constant 0 : i32
      %dma_wait3A_465 = arith.constant 0 : i32
      %dma_wait3A_466 = tpu.memref_slice %arg11[%dma_wait3A_464, %dma_wait3A_465] : memref<10000x128xf32, #tpu.memory_space<vmem_shared>> -> memref<10000x128xf32, #tpu.memory_space<vmem_shared>>
      tpu.wait_indirect_dma semaphore(%arg15 : memref<!tpu.dma_semaphore, #tpu.memory_space<semaphore_mem>>) src(%dma_wait3A_460 : memref<104x128xf32, #tpu.memory_space<vmem>>) dst(%dma_wait3A_466 : memref<10000x128xf32, #tpu.memory_space<vmem_shared>>)
      %add3A_467 = arith.constant 3 : i32
      %add3A_468 = arith.addi %add3A_454, %add3A_467 : i32
      %lt3A_469 = arith.constant 96 : i32
      %lt3A_470 = arith.cmpi slt, %add3A_468, %lt3A_469 : i32
      %convert_element_type3A_471 = arith.extui %lt3A_470 : i1 to i32
      %cond3A_472 = arith.constant 0 : i32
      %cond3A_473 = arith.cmpi ne, %convert_element_type3A_471, %cond3A_472 : i32
      scf.if %cond3A_473 {
        %add3A_710 = arith.constant 3 : i32
        %add3A_711 = arith.addi %add3A_454, %add3A_710 : i32
        %mul3A_712 = arith.constant 104 : i32
        %mul3A_713 = arith.muli %add3A_711, %mul3A_712 : i32
        %multiple_of3A = tpu.assume_multiple %mul3A_713, 8 : i32
        %add3A_714 = arith.addi %mul3A_2, %multiple_of3A : i32
        %dma_start3A_715 = arith.constant 0 : i32
        %dma_start3A_716 = arith.constant 0 : i32
        %dma_start3A_717 = tpu.memref_slice %arg8[%dma_start3A_715, %dma_start3A_716] : memref<6x104xi32, #tpu.memory_space<vmem>> -> memref<1x104xi32, #tpu.memory_space<vmem>>
        %dma_start3A_718 = tpu.memref_squeeze %dma_start3A_717 : memref<1x104xi32, #tpu.memory_space<vmem>> -> memref<104xi32, #tpu.memory_space<vmem>>
        %dma_start3A_719 = tpu.memref_slice %arg4[%add3A_714] : memref<320000xi32, #tpu.memory_space<hbm>> -> memref<104xi32, #tpu.memory_space<hbm>>
        %dma_start3A_720 = arith.constant 0 : i32
        %dma_start3A_721 = tpu.memref_slice %arg8[%dma_start3A_715, %dma_start3A_720] : memref<6x104xi32, #tpu.memory_space<vmem>> -> memref<1x104xi32, #tpu.memory_space<vmem>>
        %dma_start3A_722 = tpu.memref_squeeze %dma_start3A_721 : memref<1x104xi32, #tpu.memory_space<vmem>> -> memref<104xi32, #tpu.memory_space<vmem>>
        %dma_start3A_723 = tpu.memref_slice %arg4[%add3A_714] : memref<320000xi32, #tpu.memory_space<hbm>> -> memref<104xi32, #tpu.memory_space<hbm>>
        tpu.enqueue_dma source(%dma_start3A_723 : memref<104xi32, #tpu.memory_space<hbm>>) target(%dma_start3A_722 : memref<104xi32, #tpu.memory_space<vmem>>) target_semaphore(%arg24 : memref<!tpu.dma_semaphore, #tpu.memory_space<semaphore_mem>>)
      } else {
      }
      %dma_wait3A_474 = arith.constant 3 : i32
      %dma_wait3A_475 = arith.constant 0 : i32
      %dma_wait3A_476 = tpu.memref_slice %arg7[%dma_wait3A_474, %dma_wait3A_475] : memref<6x104xi32, #tpu.memory_space<vmem>> -> memref<1x104xi32, #tpu.memory_space<vmem>>
      %dma_wait3A_477 = tpu.memref_squeeze %dma_wait3A_476 : memref<1x104xi32, #tpu.memory_space<vmem>> -> memref<104xi32, #tpu.memory_space<vmem>>
      %dma_wait3A_478 = tpu.memref_slice %arg3[%mul3A_2] : memref<320000xi32, #tpu.memory_space<hbm>> -> memref<104xi32, #tpu.memory_space<hbm>>
      %dma_wait3A_479 = arith.constant 0 : i32
      %dma_wait3A_480 = tpu.memref_slice %arg7[%dma_wait3A_474, %dma_wait3A_479] : memref<6x104xi32, #tpu.memory_space<vmem>> -> memref<1x104xi32, #tpu.memory_space<vmem>>
      %dma_wait3A_481 = tpu.memref_squeeze %dma_wait3A_480 : memref<1x104xi32, #tpu.memory_space<vmem>> -> memref<104xi32, #tpu.memory_space<vmem>>
      %dma_wait3A_482 = tpu.memref_slice %arg3[%mul3A_2] : memref<320000xi32, #tpu.memory_space<hbm>> -> memref<104xi32, #tpu.memory_space<hbm>>
      tpu.wait_dma2 semaphore(%arg21 : memref<!tpu.dma_semaphore, #tpu.memory_space<semaphore_mem>>) src(%dma_wait3A_482 : memref<104xi32, #tpu.memory_space<hbm>>) dst(%dma_wait3A_481 : memref<104xi32, #tpu.memory_space<vmem>>)
      %dma_start3A_483 = arith.constant 3 : i32
      %dma_start3A_484 = arith.constant 0 : i32
      %dma_start3A_485 = arith.constant 0 : i32
      %dma_start3A_486 = arith.constant 0 : i32
      %dma_start3A_487 = tpu.memref_slice %arg6[%dma_start3A_484, %dma_start3A_485, %dma_start3A_486] : memref<3x104x128xf32, #tpu.memory_space<vmem>> -> memref<1x104x128xf32, #tpu.memory_space<vmem>>
      %dma_start3A_488 = tpu.memref_squeeze %dma_start3A_487 : memref<1x104x128xf32, #tpu.memory_space<vmem>> -> memref<104x128xf32, #tpu.memory_space<vmem>>
      %dma_start3A_489 = arith.constant 0 : i32
      %dma_start3A_490 = tpu.memref_slice %arg7[%dma_start3A_483, %dma_start3A_489] : memref<6x104xi32, #tpu.memory_space<vmem>> -> memref<1x104xi32, #tpu.memory_space<vmem>>
      %dma_start3A_491 = tpu.memref_squeeze %dma_start3A_490 : memref<1x104xi32, #tpu.memory_space<vmem>> -> memref<104xi32, #tpu.memory_space<vmem>>
      %dma_start3A_492 = arith.constant 0 : i32
      %dma_start3A_493 = arith.constant 0 : i32
      %dma_start3A_494 = tpu.memref_slice %arg2[%dma_start3A_492, %dma_start3A_493] : memref<10000x128xf32, #tpu.memory_space<hbm>> -> memref<10000x128xf32, #tpu.memory_space<hbm>>
      tpu.enqueue_indirect_dma source(%dma_start3A_494 : memref<10000x128xf32, #tpu.memory_space<hbm>>) target(%dma_start3A_488 : memref<104x128xf32, #tpu.memory_space<vmem>>) offsets(%dma_start3A_491 : memref<104xi32, #tpu.memory_space<vmem>>) semaphore(%arg12 : memref<!tpu.dma_semaphore, #tpu.memory_space<semaphore_mem>>)
      %dma_wait3A_495 = arith.constant 0 : i32
      %dma_wait3A_496 = arith.constant 2 : i32
      %dma_wait3A_497 = arith.constant 0 : i32
      %dma_wait3A_498 = arith.constant 0 : i32
      %dma_wait3A_499 = tpu.memref_slice %arg6[%dma_wait3A_496, %dma_wait3A_497, %dma_wait3A_498] : memref<3x104x128xf32, #tpu.memory_space<vmem>> -> memref<1x104x128xf32, #tpu.memory_space<vmem>>
      %dma_wait3A_500 = tpu.memref_squeeze %dma_wait3A_499 : memref<1x104x128xf32, #tpu.memory_space<vmem>> -> memref<104x128xf32, #tpu.memory_space<vmem>>
      %dma_wait3A_501 = arith.constant 0 : i32
      %dma_wait3A_502 = tpu.memref_slice %arg7[%dma_wait3A_495, %dma_wait3A_501] : memref<6x104xi32, #tpu.memory_space<vmem>> -> memref<1x104xi32, #tpu.memory_space<vmem>>
      %dma_wait3A_503 = tpu.memref_squeeze %dma_wait3A_502 : memref<1x104xi32, #tpu.memory_space<vmem>> -> memref<104xi32, #tpu.memory_space<vmem>>
      %dma_wait3A_504 = arith.constant 0 : i32
      %dma_wait3A_505 = arith.constant 0 : i32
      %dma_wait3A_506 = tpu.memref_slice %arg2[%dma_wait3A_504, %dma_wait3A_505] : memref<10000x128xf32, #tpu.memory_space<hbm>> -> memref<10000x128xf32, #tpu.memory_space<hbm>>
      tpu.wait_indirect_dma semaphore(%arg14 : memref<!tpu.dma_semaphore, #tpu.memory_space<semaphore_mem>>) src(%dma_wait3A_506 : memref<10000x128xf32, #tpu.memory_space<hbm>>) dst(%dma_wait3A_500 : memref<104x128xf32, #tpu.memory_space<vmem>>)
      %dma_wait3A_507 = arith.constant 2 : i32
      %dma_wait3A_508 = arith.constant 0 : i32
      %dma_wait3A_509 = tpu.memref_slice %arg8[%dma_wait3A_507, %dma_wait3A_508] : memref<6x104xi32, #tpu.memory_space<vmem>> -> memref<1x104xi32, #tpu.memory_space<vmem>>
      %dma_wait3A_510 = tpu.memref_squeeze %dma_wait3A_509 : memref<1x104xi32, #tpu.memory_space<vmem>> -> memref<104xi32, #tpu.memory_space<vmem>>
      %dma_wait3A_511 = tpu.memref_slice %arg4[%mul3A_2] : memref<320000xi32, #tpu.memory_space<hbm>> -> memref<104xi32, #tpu.memory_space<hbm>>
      %dma_wait3A_512 = arith.constant 0 : i32
      %dma_wait3A_513 = tpu.memref_slice %arg8[%dma_wait3A_507, %dma_wait3A_512] : memref<6x104xi32, #tpu.memory_space<vmem>> -> memref<1x104xi32, #tpu.memory_space<vmem>>
      %dma_wait3A_514 = tpu.memref_squeeze %dma_wait3A_513 : memref<1x104xi32, #tpu.memory_space<vmem>> -> memref<104xi32, #tpu.memory_space<vmem>>
      %dma_wait3A_515 = tpu.memref_slice %arg4[%mul3A_2] : memref<320000xi32, #tpu.memory_space<hbm>> -> memref<104xi32, #tpu.memory_space<hbm>>
      tpu.wait_dma2 semaphore(%arg26 : memref<!tpu.dma_semaphore, #tpu.memory_space<semaphore_mem>>) src(%dma_wait3A_515 : memref<104xi32, #tpu.memory_space<hbm>>) dst(%dma_wait3A_514 : memref<104xi32, #tpu.memory_space<vmem>>)
      %dma_start3A_516 = arith.constant 2 : i32
      %dma_start3A_517 = arith.constant 2 : i32
      %dma_start3A_518 = arith.constant 0 : i32
      %dma_start3A_519 = arith.constant 0 : i32
      %dma_start3A_520 = tpu.memref_slice %arg6[%dma_start3A_516, %dma_start3A_518, %dma_start3A_519] : memref<3x104x128xf32, #tpu.memory_space<vmem>> -> memref<1x104x128xf32, #tpu.memory_space<vmem>>
      %dma_start3A_521 = tpu.memref_squeeze %dma_start3A_520 : memref<1x104x128xf32, #tpu.memory_space<vmem>> -> memref<104x128xf32, #tpu.memory_space<vmem>>
      %dma_start3A_522 = arith.constant 0 : i32
      %dma_start3A_523 = tpu.memref_slice %arg8[%dma_start3A_517, %dma_start3A_522] : memref<6x104xi32, #tpu.memory_space<vmem>> -> memref<1x104xi32, #tpu.memory_space<vmem>>
      %dma_start3A_524 = tpu.memref_squeeze %dma_start3A_523 : memref<1x104xi32, #tpu.memory_space<vmem>> -> memref<104xi32, #tpu.memory_space<vmem>>
      %dma_start3A_525 = arith.constant 0 : i32
      %dma_start3A_526 = arith.constant 0 : i32
      %dma_start3A_527 = tpu.memref_slice %arg11[%dma_start3A_525, %dma_start3A_526] : memref<10000x128xf32, #tpu.memory_space<vmem_shared>> -> memref<10000x128xf32, #tpu.memory_space<vmem_shared>>
      tpu.enqueue_indirect_dma source(%dma_start3A_521 : memref<104x128xf32, #tpu.memory_space<vmem>>) target(%dma_start3A_527 : memref<10000x128xf32, #tpu.memory_space<vmem_shared>>) offsets(%dma_start3A_524 : memref<104xi32, #tpu.memory_space<vmem>>) semaphore(%arg17 : memref<!tpu.dma_semaphore, #tpu.memory_space<semaphore_mem>>) {add = true}
      %add3A_528 = arith.constant 6 : i32
      %add3A_529 = arith.addi %add3A_454, %add3A_528 : i32
      %sub3A_530 = arith.constant 1 : i32
      %sub3A_531 = arith.subi %add3A_529, %sub3A_530 : i32
      %lt3A_532 = arith.constant 96 : i32
      %lt3A_533 = arith.cmpi slt, %sub3A_531, %lt3A_532 : i32
      %convert_element_type3A_534 = arith.extui %lt3A_533 : i1 to i32
      %cond3A_535 = arith.constant 0 : i32
      %cond3A_536 = arith.cmpi ne, %convert_element_type3A_534, %cond3A_535 : i32
      scf.if %cond3A_536 {
        %add3A_710 = arith.constant 6 : i32
        %add3A_711 = arith.addi %add3A_454, %add3A_710 : i32
        %sub3A_712 = arith.constant 1 : i32
        %sub3A_713 = arith.subi %add3A_711, %sub3A_712 : i32
        %mul3A_714 = arith.constant 104 : i32
        %mul3A_715 = arith.muli %sub3A_713, %mul3A_714 : i32
        %multiple_of3A = tpu.assume_multiple %mul3A_715, 8 : i32
        %add3A_716 = arith.addi %mul3A_2, %multiple_of3A : i32
        %dma_start3A_717 = arith.constant 2 : i32
        %dma_start3A_718 = arith.constant 0 : i32
        %dma_start3A_719 = tpu.memref_slice %arg7[%dma_start3A_717, %dma_start3A_718] : memref<6x104xi32, #tpu.memory_space<vmem>> -> memref<1x104xi32, #tpu.memory_space<vmem>>
        %dma_start3A_720 = tpu.memref_squeeze %dma_start3A_719 : memref<1x104xi32, #tpu.memory_space<vmem>> -> memref<104xi32, #tpu.memory_space<vmem>>
        %dma_start3A_721 = tpu.memref_slice %arg3[%add3A_716] : memref<320000xi32, #tpu.memory_space<hbm>> -> memref<104xi32, #tpu.memory_space<hbm>>
        %dma_start3A_722 = arith.constant 0 : i32
        %dma_start3A_723 = tpu.memref_slice %arg7[%dma_start3A_717, %dma_start3A_722] : memref<6x104xi32, #tpu.memory_space<vmem>> -> memref<1x104xi32, #tpu.memory_space<vmem>>
        %dma_start3A_724 = tpu.memref_squeeze %dma_start3A_723 : memref<1x104xi32, #tpu.memory_space<vmem>> -> memref<104xi32, #tpu.memory_space<vmem>>
        %dma_start3A_725 = tpu.memref_slice %arg3[%add3A_716] : memref<320000xi32, #tpu.memory_space<hbm>> -> memref<104xi32, #tpu.memory_space<hbm>>
        tpu.enqueue_dma source(%dma_start3A_725 : memref<104xi32, #tpu.memory_space<hbm>>) target(%dma_start3A_724 : memref<104xi32, #tpu.memory_space<vmem>>) target_semaphore(%arg20 : memref<!tpu.dma_semaphore, #tpu.memory_space<semaphore_mem>>)
      } else {
      }
      %mul3A_537 = arith.constant 6 : i32
      %mul3A_538 = arith.muli %scan3A_264, %mul3A_537 : i32
      %add3A_539 = arith.constant 4 : i32
      %add3A_540 = arith.addi %mul3A_538, %add3A_539 : i32
      %dma_wait3A_541 = arith.constant 1 : i32
      %dma_wait3A_542 = arith.constant 0 : i32
      %dma_wait3A_543 = arith.constant 0 : i32
      %dma_wait3A_544 = arith.constant 0 : i32
      %dma_wait3A_545 = tpu.memref_slice %arg6[%dma_wait3A_541, %dma_wait3A_543, %dma_wait3A_544] : memref<3x104x128xf32, #tpu.memory_space<vmem>> -> memref<1x104x128xf32, #tpu.memory_space<vmem>>
      %dma_wait3A_546 = tpu.memref_squeeze %dma_wait3A_545 : memref<1x104x128xf32, #tpu.memory_space<vmem>> -> memref<104x128xf32, #tpu.memory_space<vmem>>
      %dma_wait3A_547 = arith.constant 0 : i32
      %dma_wait3A_548 = tpu.memref_slice %arg8[%dma_wait3A_542, %dma_wait3A_547] : memref<6x104xi32, #tpu.memory_space<vmem>> -> memref<1x104xi32, #tpu.memory_space<vmem>>
      %dma_wait3A_549 = tpu.memref_squeeze %dma_wait3A_548 : memref<1x104xi32, #tpu.memory_space<vmem>> -> memref<104xi32, #tpu.memory_space<vmem>>
      %dma_wait3A_550 = arith.constant 0 : i32
      %dma_wait3A_551 = arith.constant 0 : i32
      %dma_wait3A_552 = tpu.memref_slice %arg11[%dma_wait3A_550, %dma_wait3A_551] : memref<10000x128xf32, #tpu.memory_space<vmem_shared>> -> memref<10000x128xf32, #tpu.memory_space<vmem_shared>>
      tpu.wait_indirect_dma semaphore(%arg16 : memref<!tpu.dma_semaphore, #tpu.memory_space<semaphore_mem>>) src(%dma_wait3A_546 : memref<104x128xf32, #tpu.memory_space<vmem>>) dst(%dma_wait3A_552 : memref<10000x128xf32, #tpu.memory_space<vmem_shared>>)
      %add3A_553 = arith.constant 3 : i32
      %add3A_554 = arith.addi %add3A_540, %add3A_553 : i32
      %lt3A_555 = arith.constant 96 : i32
      %lt3A_556 = arith.cmpi slt, %add3A_554, %lt3A_555 : i32
      %convert_element_type3A_557 = arith.extui %lt3A_556 : i1 to i32
      %cond3A_558 = arith.constant 0 : i32
      %cond3A_559 = arith.cmpi ne, %convert_element_type3A_557, %cond3A_558 : i32
      scf.if %cond3A_559 {
        %add3A_710 = arith.constant 3 : i32
        %add3A_711 = arith.addi %add3A_540, %add3A_710 : i32
        %mul3A_712 = arith.constant 104 : i32
        %mul3A_713 = arith.muli %add3A_711, %mul3A_712 : i32
        %multiple_of3A = tpu.assume_multiple %mul3A_713, 8 : i32
        %add3A_714 = arith.addi %mul3A_2, %multiple_of3A : i32
        %dma_start3A_715 = arith.constant 1 : i32
        %dma_start3A_716 = arith.constant 0 : i32
        %dma_start3A_717 = tpu.memref_slice %arg8[%dma_start3A_715, %dma_start3A_716] : memref<6x104xi32, #tpu.memory_space<vmem>> -> memref<1x104xi32, #tpu.memory_space<vmem>>
        %dma_start3A_718 = tpu.memref_squeeze %dma_start3A_717 : memref<1x104xi32, #tpu.memory_space<vmem>> -> memref<104xi32, #tpu.memory_space<vmem>>
        %dma_start3A_719 = tpu.memref_slice %arg4[%add3A_714] : memref<320000xi32, #tpu.memory_space<hbm>> -> memref<104xi32, #tpu.memory_space<hbm>>
        %dma_start3A_720 = arith.constant 0 : i32
        %dma_start3A_721 = tpu.memref_slice %arg8[%dma_start3A_715, %dma_start3A_720] : memref<6x104xi32, #tpu.memory_space<vmem>> -> memref<1x104xi32, #tpu.memory_space<vmem>>
        %dma_start3A_722 = tpu.memref_squeeze %dma_start3A_721 : memref<1x104xi32, #tpu.memory_space<vmem>> -> memref<104xi32, #tpu.memory_space<vmem>>
        %dma_start3A_723 = tpu.memref_slice %arg4[%add3A_714] : memref<320000xi32, #tpu.memory_space<hbm>> -> memref<104xi32, #tpu.memory_space<hbm>>
        tpu.enqueue_dma source(%dma_start3A_723 : memref<104xi32, #tpu.memory_space<hbm>>) target(%dma_start3A_722 : memref<104xi32, #tpu.memory_space<vmem>>) target_semaphore(%arg25 : memref<!tpu.dma_semaphore, #tpu.memory_space<semaphore_mem>>)
      } else {
      }
      %dma_wait3A_560 = arith.constant 4 : i32
      %dma_wait3A_561 = arith.constant 0 : i32
      %dma_wait3A_562 = tpu.memref_slice %arg7[%dma_wait3A_560, %dma_wait3A_561] : memref<6x104xi32, #tpu.memory_space<vmem>> -> memref<1x104xi32, #tpu.memory_space<vmem>>
      %dma_wait3A_563 = tpu.memref_squeeze %dma_wait3A_562 : memref<1x104xi32, #tpu.memory_space<vmem>> -> memref<104xi32, #tpu.memory_space<vmem>>
      %dma_wait3A_564 = tpu.memref_slice %arg3[%mul3A_2] : memref<320000xi32, #tpu.memory_space<hbm>> -> memref<104xi32, #tpu.memory_space<hbm>>
      %dma_wait3A_565 = arith.constant 0 : i32
      %dma_wait3A_566 = tpu.memref_slice %arg7[%dma_wait3A_560, %dma_wait3A_565] : memref<6x104xi32, #tpu.memory_space<vmem>> -> memref<1x104xi32, #tpu.memory_space<vmem>>
      %dma_wait3A_567 = tpu.memref_squeeze %dma_wait3A_566 : memref<1x104xi32, #tpu.memory_space<vmem>> -> memref<104xi32, #tpu.memory_space<vmem>>
      %dma_wait3A_568 = tpu.memref_slice %arg3[%mul3A_2] : memref<320000xi32, #tpu.memory_space<hbm>> -> memref<104xi32, #tpu.memory_space<hbm>>
      tpu.wait_dma2 semaphore(%arg22 : memref<!tpu.dma_semaphore, #tpu.memory_space<semaphore_mem>>) src(%dma_wait3A_568 : memref<104xi32, #tpu.memory_space<hbm>>) dst(%dma_wait3A_567 : memref<104xi32, #tpu.memory_space<vmem>>)
      %dma_start3A_569 = arith.constant 4 : i32
      %dma_start3A_570 = arith.constant 1 : i32
      %dma_start3A_571 = arith.constant 0 : i32
      %dma_start3A_572 = arith.constant 0 : i32
      %dma_start3A_573 = tpu.memref_slice %arg6[%dma_start3A_570, %dma_start3A_571, %dma_start3A_572] : memref<3x104x128xf32, #tpu.memory_space<vmem>> -> memref<1x104x128xf32, #tpu.memory_space<vmem>>
      %dma_start3A_574 = tpu.memref_squeeze %dma_start3A_573 : memref<1x104x128xf32, #tpu.memory_space<vmem>> -> memref<104x128xf32, #tpu.memory_space<vmem>>
      %dma_start3A_575 = arith.constant 0 : i32
      %dma_start3A_576 = tpu.memref_slice %arg7[%dma_start3A_569, %dma_start3A_575] : memref<6x104xi32, #tpu.memory_space<vmem>> -> memref<1x104xi32, #tpu.memory_space<vmem>>
      %dma_start3A_577 = tpu.memref_squeeze %dma_start3A_576 : memref<1x104xi32, #tpu.memory_space<vmem>> -> memref<104xi32, #tpu.memory_space<vmem>>
      %dma_start3A_578 = arith.constant 0 : i32
      %dma_start3A_579 = arith.constant 0 : i32
      %dma_start3A_580 = tpu.memref_slice %arg2[%dma_start3A_578, %dma_start3A_579] : memref<10000x128xf32, #tpu.memory_space<hbm>> -> memref<10000x128xf32, #tpu.memory_space<hbm>>
      tpu.enqueue_indirect_dma source(%dma_start3A_580 : memref<10000x128xf32, #tpu.memory_space<hbm>>) target(%dma_start3A_574 : memref<104x128xf32, #tpu.memory_space<vmem>>) offsets(%dma_start3A_577 : memref<104xi32, #tpu.memory_space<vmem>>) semaphore(%arg13 : memref<!tpu.dma_semaphore, #tpu.memory_space<semaphore_mem>>)
      %dma_wait3A_581 = arith.constant 0 : i32
      %dma_wait3A_582 = arith.constant 0 : i32
      %dma_wait3A_583 = arith.constant 0 : i32
      %dma_wait3A_584 = arith.constant 0 : i32
      %dma_wait3A_585 = tpu.memref_slice %arg6[%dma_wait3A_582, %dma_wait3A_583, %dma_wait3A_584] : memref<3x104x128xf32, #tpu.memory_space<vmem>> -> memref<1x104x128xf32, #tpu.memory_space<vmem>>
      %dma_wait3A_586 = tpu.memref_squeeze %dma_wait3A_585 : memref<1x104x128xf32, #tpu.memory_space<vmem>> -> memref<104x128xf32, #tpu.memory_space<vmem>>
      %dma_wait3A_587 = arith.constant 0 : i32
      %dma_wait3A_588 = tpu.memref_slice %arg7[%dma_wait3A_581, %dma_wait3A_587] : memref<6x104xi32, #tpu.memory_space<vmem>> -> memref<1x104xi32, #tpu.memory_space<vmem>>
      %dma_wait3A_589 = tpu.memref_squeeze %dma_wait3A_588 : memref<1x104xi32, #tpu.memory_space<vmem>> -> memref<104xi32, #tpu.memory_space<vmem>>
      %dma_wait3A_590 = arith.constant 0 : i32
      %dma_wait3A_591 = arith.constant 0 : i32
      %dma_wait3A_592 = tpu.memref_slice %arg2[%dma_wait3A_590, %dma_wait3A_591] : memref<10000x128xf32, #tpu.memory_space<hbm>> -> memref<10000x128xf32, #tpu.memory_space<hbm>>
      tpu.wait_indirect_dma semaphore(%arg12 : memref<!tpu.dma_semaphore, #tpu.memory_space<semaphore_mem>>) src(%dma_wait3A_592 : memref<10000x128xf32, #tpu.memory_space<hbm>>) dst(%dma_wait3A_586 : memref<104x128xf32, #tpu.memory_space<vmem>>)
      %dma_wait3A_593 = arith.constant 3 : i32
      %dma_wait3A_594 = arith.constant 0 : i32
      %dma_wait3A_595 = tpu.memref_slice %arg8[%dma_wait3A_593, %dma_wait3A_594] : memref<6x104xi32, #tpu.memory_space<vmem>> -> memref<1x104xi32, #tpu.memory_space<vmem>>
      %dma_wait3A_596 = tpu.memref_squeeze %dma_wait3A_595 : memref<1x104xi32, #tpu.memory_space<vmem>> -> memref<104xi32, #tpu.memory_space<vmem>>
      %dma_wait3A_597 = tpu.memref_slice %arg4[%mul3A_2] : memref<320000xi32, #tpu.memory_space<hbm>> -> memref<104xi32, #tpu.memory_space<hbm>>
      %dma_wait3A_598 = arith.constant 0 : i32
      %dma_wait3A_599 = tpu.memref_slice %arg8[%dma_wait3A_593, %dma_wait3A_598] : memref<6x104xi32, #tpu.memory_space<vmem>> -> memref<1x104xi32, #tpu.memory_space<vmem>>
      %dma_wait3A_600 = tpu.memref_squeeze %dma_wait3A_599 : memref<1x104xi32, #tpu.memory_space<vmem>> -> memref<104xi32, #tpu.memory_space<vmem>>
      %dma_wait3A_601 = tpu.memref_slice %arg4[%mul3A_2] : memref<320000xi32, #tpu.memory_space<hbm>> -> memref<104xi32, #tpu.memory_space<hbm>>
      tpu.wait_dma2 semaphore(%arg27 : memref<!tpu.dma_semaphore, #tpu.memory_space<semaphore_mem>>) src(%dma_wait3A_601 : memref<104xi32, #tpu.memory_space<hbm>>) dst(%dma_wait3A_600 : memref<104xi32, #tpu.memory_space<vmem>>)
      %dma_start3A_602 = arith.constant 0 : i32
      %dma_start3A_603 = arith.constant 3 : i32
      %dma_start3A_604 = arith.constant 0 : i32
      %dma_start3A_605 = arith.constant 0 : i32
      %dma_start3A_606 = tpu.memref_slice %arg6[%dma_start3A_602, %dma_start3A_604, %dma_start3A_605] : memref<3x104x128xf32, #tpu.memory_space<vmem>> -> memref<1x104x128xf32, #tpu.memory_space<vmem>>
      %dma_start3A_607 = tpu.memref_squeeze %dma_start3A_606 : memref<1x104x128xf32, #tpu.memory_space<vmem>> -> memref<104x128xf32, #tpu.memory_space<vmem>>
      %dma_start3A_608 = arith.constant 0 : i32
      %dma_start3A_609 = tpu.memref_slice %arg8[%dma_start3A_603, %dma_start3A_608] : memref<6x104xi32, #tpu.memory_space<vmem>> -> memref<1x104xi32, #tpu.memory_space<vmem>>
      %dma_start3A_610 = tpu.memref_squeeze %dma_start3A_609 : memref<1x104xi32, #tpu.memory_space<vmem>> -> memref<104xi32, #tpu.memory_space<vmem>>
      %dma_start3A_611 = arith.constant 0 : i32
      %dma_start3A_612 = arith.constant 0 : i32
      %dma_start3A_613 = tpu.memref_slice %arg11[%dma_start3A_611, %dma_start3A_612] : memref<10000x128xf32, #tpu.memory_space<vmem_shared>> -> memref<10000x128xf32, #tpu.memory_space<vmem_shared>>
      tpu.enqueue_indirect_dma source(%dma_start3A_607 : memref<104x128xf32, #tpu.memory_space<vmem>>) target(%dma_start3A_613 : memref<10000x128xf32, #tpu.memory_space<vmem_shared>>) offsets(%dma_start3A_610 : memref<104xi32, #tpu.memory_space<vmem>>) semaphore(%arg15 : memref<!tpu.dma_semaphore, #tpu.memory_space<semaphore_mem>>) {add = true}
      %add3A_614 = arith.constant 6 : i32
      %add3A_615 = arith.addi %add3A_540, %add3A_614 : i32
      %sub3A_616 = arith.constant 1 : i32
      %sub3A_617 = arith.subi %add3A_615, %sub3A_616 : i32
      %lt3A_618 = arith.constant 96 : i32
      %lt3A_619 = arith.cmpi slt, %sub3A_617, %lt3A_618 : i32
      %convert_element_type3A_620 = arith.extui %lt3A_619 : i1 to i32
      %cond3A_621 = arith.constant 0 : i32
      %cond3A_622 = arith.cmpi ne, %convert_element_type3A_620, %cond3A_621 : i32
      scf.if %cond3A_622 {
        %add3A_710 = arith.constant 6 : i32
        %add3A_711 = arith.addi %add3A_540, %add3A_710 : i32
        %sub3A_712 = arith.constant 1 : i32
        %sub3A_713 = arith.subi %add3A_711, %sub3A_712 : i32
        %mul3A_714 = arith.constant 104 : i32
        %mul3A_715 = arith.muli %sub3A_713, %mul3A_714 : i32
        %multiple_of3A = tpu.assume_multiple %mul3A_715, 8 : i32
        %add3A_716 = arith.addi %mul3A_2, %multiple_of3A : i32
        %dma_start3A_717 = arith.constant 3 : i32
        %dma_start3A_718 = arith.constant 0 : i32
        %dma_start3A_719 = tpu.memref_slice %arg7[%dma_start3A_717, %dma_start3A_718] : memref<6x104xi32, #tpu.memory_space<vmem>> -> memref<1x104xi32, #tpu.memory_space<vmem>>
        %dma_start3A_720 = tpu.memref_squeeze %dma_start3A_719 : memref<1x104xi32, #tpu.memory_space<vmem>> -> memref<104xi32, #tpu.memory_space<vmem>>
        %dma_start3A_721 = tpu.memref_slice %arg3[%add3A_716] : memref<320000xi32, #tpu.memory_space<hbm>> -> memref<104xi32, #tpu.memory_space<hbm>>
        %dma_start3A_722 = arith.constant 0 : i32
        %dma_start3A_723 = tpu.memref_slice %arg7[%dma_start3A_717, %dma_start3A_722] : memref<6x104xi32, #tpu.memory_space<vmem>> -> memref<1x104xi32, #tpu.memory_space<vmem>>
        %dma_start3A_724 = tpu.memref_squeeze %dma_start3A_723 : memref<1x104xi32, #tpu.memory_space<vmem>> -> memref<104xi32, #tpu.memory_space<vmem>>
        %dma_start3A_725 = tpu.memref_slice %arg3[%add3A_716] : memref<320000xi32, #tpu.memory_space<hbm>> -> memref<104xi32, #tpu.memory_space<hbm>>
        tpu.enqueue_dma source(%dma_start3A_725 : memref<104xi32, #tpu.memory_space<hbm>>) target(%dma_start3A_724 : memref<104xi32, #tpu.memory_space<vmem>>) target_semaphore(%arg21 : memref<!tpu.dma_semaphore, #tpu.memory_space<semaphore_mem>>)
      } else {
      }
      %mul3A_623 = arith.constant 6 : i32
      %mul3A_624 = arith.muli %scan3A_264, %mul3A_623 : i32
      %add3A_625 = arith.constant 5 : i32
      %add3A_626 = arith.addi %mul3A_624, %add3A_625 : i32
      %dma_wait3A_627 = arith.constant 2 : i32
      %dma_wait3A_628 = arith.constant 0 : i32
      %dma_wait3A_629 = arith.constant 0 : i32
      %dma_wait3A_630 = arith.constant 0 : i32
      %dma_wait3A_631 = tpu.memref_slice %arg6[%dma_wait3A_627, %dma_wait3A_629, %dma_wait3A_630] : memref<3x104x128xf32, #tpu.memory_space<vmem>> -> memref<1x104x128xf32, #tpu.memory_space<vmem>>
      %dma_wait3A_632 = tpu.memref_squeeze %dma_wait3A_631 : memref<1x104x128xf32, #tpu.memory_space<vmem>> -> memref<104x128xf32, #tpu.memory_space<vmem>>
      %dma_wait3A_633 = arith.constant 0 : i32
      %dma_wait3A_634 = tpu.memref_slice %arg8[%dma_wait3A_628, %dma_wait3A_633] : memref<6x104xi32, #tpu.memory_space<vmem>> -> memref<1x104xi32, #tpu.memory_space<vmem>>
      %dma_wait3A_635 = tpu.memref_squeeze %dma_wait3A_634 : memref<1x104xi32, #tpu.memory_space<vmem>> -> memref<104xi32, #tpu.memory_space<vmem>>
      %dma_wait3A_636 = arith.constant 0 : i32
      %dma_wait3A_637 = arith.constant 0 : i32
      %dma_wait3A_638 = tpu.memref_slice %arg11[%dma_wait3A_636, %dma_wait3A_637] : memref<10000x128xf32, #tpu.memory_space<vmem_shared>> -> memref<10000x128xf32, #tpu.memory_space<vmem_shared>>
      tpu.wait_indirect_dma semaphore(%arg17 : memref<!tpu.dma_semaphore, #tpu.memory_space<semaphore_mem>>) src(%dma_wait3A_632 : memref<104x128xf32, #tpu.memory_space<vmem>>) dst(%dma_wait3A_638 : memref<10000x128xf32, #tpu.memory_space<vmem_shared>>)
      %add3A_639 = arith.constant 3 : i32
      %add3A_640 = arith.addi %add3A_626, %add3A_639 : i32
      %lt3A_641 = arith.constant 96 : i32
      %lt3A_642 = arith.cmpi slt, %add3A_640, %lt3A_641 : i32
      %convert_element_type3A_643 = arith.extui %lt3A_642 : i1 to i32
      %cond3A_644 = arith.constant 0 : i32
      %cond3A_645 = arith.cmpi ne, %convert_element_type3A_643, %cond3A_644 : i32
      scf.if %cond3A_645 {
        %add3A_710 = arith.constant 3 : i32
        %add3A_711 = arith.addi %add3A_626, %add3A_710 : i32
        %mul3A_712 = arith.constant 104 : i32
        %mul3A_713 = arith.muli %add3A_711, %mul3A_712 : i32
        %multiple_of3A = tpu.assume_multiple %mul3A_713, 8 : i32
        %add3A_714 = arith.addi %mul3A_2, %multiple_of3A : i32
        %dma_start3A_715 = arith.constant 2 : i32
        %dma_start3A_716 = arith.constant 0 : i32
        %dma_start3A_717 = tpu.memref_slice %arg8[%dma_start3A_715, %dma_start3A_716] : memref<6x104xi32, #tpu.memory_space<vmem>> -> memref<1x104xi32, #tpu.memory_space<vmem>>
        %dma_start3A_718 = tpu.memref_squeeze %dma_start3A_717 : memref<1x104xi32, #tpu.memory_space<vmem>> -> memref<104xi32, #tpu.memory_space<vmem>>
        %dma_start3A_719 = tpu.memref_slice %arg4[%add3A_714] : memref<320000xi32, #tpu.memory_space<hbm>> -> memref<104xi32, #tpu.memory_space<hbm>>
        %dma_start3A_720 = arith.constant 0 : i32
        %dma_start3A_721 = tpu.memref_slice %arg8[%dma_start3A_715, %dma_start3A_720] : memref<6x104xi32, #tpu.memory_space<vmem>> -> memref<1x104xi32, #tpu.memory_space<vmem>>
        %dma_start3A_722 = tpu.memref_squeeze %dma_start3A_721 : memref<1x104xi32, #tpu.memory_space<vmem>> -> memref<104xi32, #tpu.memory_space<vmem>>
        %dma_start3A_723 = tpu.memref_slice %arg4[%add3A_714] : memref<320000xi32, #tpu.memory_space<hbm>> -> memref<104xi32, #tpu.memory_space<hbm>>
        tpu.enqueue_dma source(%dma_start3A_723 : memref<104xi32, #tpu.memory_space<hbm>>) target(%dma_start3A_722 : memref<104xi32, #tpu.memory_space<vmem>>) target_semaphore(%arg26 : memref<!tpu.dma_semaphore, #tpu.memory_space<semaphore_mem>>)
      } else {
      }
      %dma_wait3A_646 = arith.constant 5 : i32
      %dma_wait3A_647 = arith.constant 0 : i32
      %dma_wait3A_648 = tpu.memref_slice %arg7[%dma_wait3A_646, %dma_wait3A_647] : memref<6x104xi32, #tpu.memory_space<vmem>> -> memref<1x104xi32, #tpu.memory_space<vmem>>
      %dma_wait3A_649 = tpu.memref_squeeze %dma_wait3A_648 : memref<1x104xi32, #tpu.memory_space<vmem>> -> memref<104xi32, #tpu.memory_space<vmem>>
      %dma_wait3A_650 = tpu.memref_slice %arg3[%mul3A_2] : memref<320000xi32, #tpu.memory_space<hbm>> -> memref<104xi32, #tpu.memory_space<hbm>>
      %dma_wait3A_651 = arith.constant 0 : i32
      %dma_wait3A_652 = tpu.memref_slice %arg7[%dma_wait3A_646, %dma_wait3A_651] : memref<6x104xi32, #tpu.memory_space<vmem>> -> memref<1x104xi32, #tpu.memory_space<vmem>>
      %dma_wait3A_653 = tpu.memref_squeeze %dma_wait3A_652 : memref<1x104xi32, #tpu.memory_space<vmem>> -> memref<104xi32, #tpu.memory_space<vmem>>
      %dma_wait3A_654 = tpu.memref_slice %arg3[%mul3A_2] : memref<320000xi32, #tpu.memory_space<hbm>> -> memref<104xi32, #tpu.memory_space<hbm>>
      tpu.wait_dma2 semaphore(%arg23 : memref<!tpu.dma_semaphore, #tpu.memory_space<semaphore_mem>>) src(%dma_wait3A_654 : memref<104xi32, #tpu.memory_space<hbm>>) dst(%dma_wait3A_653 : memref<104xi32, #tpu.memory_space<vmem>>)
      %dma_start3A_655 = arith.constant 5 : i32
      %dma_start3A_656 = arith.constant 2 : i32
      %dma_start3A_657 = arith.constant 0 : i32
      %dma_start3A_658 = arith.constant 0 : i32
      %dma_start3A_659 = tpu.memref_slice %arg6[%dma_start3A_656, %dma_start3A_657, %dma_start3A_658] : memref<3x104x128xf32, #tpu.memory_space<vmem>> -> memref<1x104x128xf32, #tpu.memory_space<vmem>>
      %dma_start3A_660 = tpu.memref_squeeze %dma_start3A_659 : memref<1x104x128xf32, #tpu.memory_space<vmem>> -> memref<104x128xf32, #tpu.memory_space<vmem>>
      %dma_start3A_661 = arith.constant 0 : i32
      %dma_start3A_662 = tpu.memref_slice %arg7[%dma_start3A_655, %dma_start3A_661] : memref<6x104xi32, #tpu.memory_space<vmem>> -> memref<1x104xi32, #tpu.memory_space<vmem>>
      %dma_start3A_663 = tpu.memref_squeeze %dma_start3A_662 : memref<1x104xi32, #tpu.memory_space<vmem>> -> memref<104xi32, #tpu.memory_space<vmem>>
      %dma_start3A_664 = arith.constant 0 : i32
      %dma_start3A_665 = arith.constant 0 : i32
      %dma_start3A_666 = tpu.memref_slice %arg2[%dma_start3A_664, %dma_start3A_665] : memref<10000x128xf32, #tpu.memory_space<hbm>> -> memref<10000x128xf32, #tpu.memory_space<hbm>>
      tpu.enqueue_indirect_dma source(%dma_start3A_666 : memref<10000x128xf32, #tpu.memory_space<hbm>>) target(%dma_start3A_660 : memref<104x128xf32, #tpu.memory_space<vmem>>) offsets(%dma_start3A_663 : memref<104xi32, #tpu.memory_space<vmem>>) semaphore(%arg14 : memref<!tpu.dma_semaphore, #tpu.memory_space<semaphore_mem>>)
      %dma_wait3A_667 = arith.constant 0 : i32
      %dma_wait3A_668 = arith.constant 1 : i32
      %dma_wait3A_669 = arith.constant 0 : i32
      %dma_wait3A_670 = arith.constant 0 : i32
      %dma_wait3A_671 = tpu.memref_slice %arg6[%dma_wait3A_668, %dma_wait3A_669, %dma_wait3A_670] : memref<3x104x128xf32, #tpu.memory_space<vmem>> -> memref<1x104x128xf32, #tpu.memory_space<vmem>>
      %dma_wait3A_672 = tpu.memref_squeeze %dma_wait3A_671 : memref<1x104x128xf32, #tpu.memory_space<vmem>> -> memref<104x128xf32, #tpu.memory_space<vmem>>
      %dma_wait3A_673 = arith.constant 0 : i32
      %dma_wait3A_674 = tpu.memref_slice %arg7[%dma_wait3A_667, %dma_wait3A_673] : memref<6x104xi32, #tpu.memory_space<vmem>> -> memref<1x104xi32, #tpu.memory_space<vmem>>
      %dma_wait3A_675 = tpu.memref_squeeze %dma_wait3A_674 : memref<1x104xi32, #tpu.memory_space<vmem>> -> memref<104xi32, #tpu.memory_space<vmem>>
      %dma_wait3A_676 = arith.constant 0 : i32
      %dma_wait3A_677 = arith.constant 0 : i32
      %dma_wait3A_678 = tpu.memref_slice %arg2[%dma_wait3A_676, %dma_wait3A_677] : memref<10000x128xf32, #tpu.memory_space<hbm>> -> memref<10000x128xf32, #tpu.memory_space<hbm>>
      tpu.wait_indirect_dma semaphore(%arg13 : memref<!tpu.dma_semaphore, #tpu.memory_space<semaphore_mem>>) src(%dma_wait3A_678 : memref<10000x128xf32, #tpu.memory_space<hbm>>) dst(%dma_wait3A_672 : memref<104x128xf32, #tpu.memory_space<vmem>>)
      %dma_wait3A_679 = arith.constant 4 : i32
      %dma_wait3A_680 = arith.constant 0 : i32
      %dma_wait3A_681 = tpu.memref_slice %arg8[%dma_wait3A_679, %dma_wait3A_680] : memref<6x104xi32, #tpu.memory_space<vmem>> -> memref<1x104xi32, #tpu.memory_space<vmem>>
      %dma_wait3A_682 = tpu.memref_squeeze %dma_wait3A_681 : memref<1x104xi32, #tpu.memory_space<vmem>> -> memref<104xi32, #tpu.memory_space<vmem>>
      %dma_wait3A_683 = tpu.memref_slice %arg4[%mul3A_2] : memref<320000xi32, #tpu.memory_space<hbm>> -> memref<104xi32, #tpu.memory_space<hbm>>
      %dma_wait3A_684 = arith.constant 0 : i32
      %dma_wait3A_685 = tpu.memref_slice %arg8[%dma_wait3A_679, %dma_wait3A_684] : memref<6x104xi32, #tpu.memory_space<vmem>> -> memref<1x104xi32, #tpu.memory_space<vmem>>
      %dma_wait3A_686 = tpu.memref_squeeze %dma_wait3A_685 : memref<1x104xi32, #tpu.memory_space<vmem>> -> memref<104xi32, #tpu.memory_space<vmem>>
      %dma_wait3A_687 = tpu.memref_slice %arg4[%mul3A_2] : memref<320000xi32, #tpu.memory_space<hbm>> -> memref<104xi32, #tpu.memory_space<hbm>>
      tpu.wait_dma2 semaphore(%arg28 : memref<!tpu.dma_semaphore, #tpu.memory_space<semaphore_mem>>) src(%dma_wait3A_687 : memref<104xi32, #tpu.memory_space<hbm>>) dst(%dma_wait3A_686 : memref<104xi32, #tpu.memory_space<vmem>>)
      %dma_start3A_688 = arith.constant 1 : i32
      %dma_start3A_689 = arith.constant 4 : i32
      %dma_start3A_690 = arith.constant 0 : i32
      %dma_start3A_691 = arith.constant 0 : i32
      %dma_start3A_692 = tpu.memref_slice %arg6[%dma_start3A_688, %dma_start3A_690, %dma_start3A_691] : memref<3x104x128xf32, #tpu.memory_space<vmem>> -> memref<1x104x128xf32, #tpu.memory_space<vmem>>
      %dma_start3A_693 = tpu.memref_squeeze %dma_start3A_692 : memref<1x104x128xf32, #tpu.memory_space<vmem>> -> memref<104x128xf32, #tpu.memory_space<vmem>>
      %dma_start3A_694 = arith.constant 0 : i32
      %dma_start3A_695 = tpu.memref_slice %arg8[%dma_start3A_689, %dma_start3A_694] : memref<6x104xi32, #tpu.memory_space<vmem>> -> memref<1x104xi32, #tpu.memory_space<vmem>>
      %dma_start3A_696 = tpu.memref_squeeze %dma_start3A_695 : memref<1x104xi32, #tpu.memory_space<vmem>> -> memref<104xi32, #tpu.memory_space<vmem>>
      %dma_start3A_697 = arith.constant 0 : i32
      %dma_start3A_698 = arith.constant 0 : i32
      %dma_start3A_699 = tpu.memref_slice %arg11[%dma_start3A_697, %dma_start3A_698] : memref<10000x128xf32, #tpu.memory_space<vmem_shared>> -> memref<10000x128xf32, #tpu.memory_space<vmem_shared>>
      tpu.enqueue_indirect_dma source(%dma_start3A_693 : memref<104x128xf32, #tpu.memory_space<vmem>>) target(%dma_start3A_699 : memref<10000x128xf32, #tpu.memory_space<vmem_shared>>) offsets(%dma_start3A_696 : memref<104xi32, #tpu.memory_space<vmem>>) semaphore(%arg16 : memref<!tpu.dma_semaphore, #tpu.memory_space<semaphore_mem>>) {add = true}
      %add3A_700 = arith.constant 6 : i32
      %add3A_701 = arith.addi %add3A_626, %add3A_700 : i32
      %sub3A_702 = arith.constant 1 : i32
      %sub3A_703 = arith.subi %add3A_701, %sub3A_702 : i32
      %lt3A_704 = arith.constant 96 : i32
      %lt3A_705 = arith.cmpi slt, %sub3A_703, %lt3A_704 : i32
      %convert_element_type3A_706 = arith.extui %lt3A_705 : i1 to i32
      %cond3A_707 = arith.constant 0 : i32
      %cond3A_708 = arith.cmpi ne, %convert_element_type3A_706, %cond3A_707 : i32
      scf.if %cond3A_708 {
        %add3A_710 = arith.constant 6 : i32
        %add3A_711 = arith.addi %add3A_626, %add3A_710 : i32
        %sub3A_712 = arith.constant 1 : i32
        %sub3A_713 = arith.subi %add3A_711, %sub3A_712 : i32
        %mul3A_714 = arith.constant 104 : i32
        %mul3A_715 = arith.muli %sub3A_713, %mul3A_714 : i32
        %multiple_of3A = tpu.assume_multiple %mul3A_715, 8 : i32
        %add3A_716 = arith.addi %mul3A_2, %multiple_of3A : i32
        %dma_start3A_717 = arith.constant 4 : i32
        %dma_start3A_718 = arith.constant 0 : i32
        %dma_start3A_719 = tpu.memref_slice %arg7[%dma_start3A_717, %dma_start3A_718] : memref<6x104xi32, #tpu.memory_space<vmem>> -> memref<1x104xi32, #tpu.memory_space<vmem>>
        %dma_start3A_720 = tpu.memref_squeeze %dma_start3A_719 : memref<1x104xi32, #tpu.memory_space<vmem>> -> memref<104xi32, #tpu.memory_space<vmem>>
        %dma_start3A_721 = tpu.memref_slice %arg3[%add3A_716] : memref<320000xi32, #tpu.memory_space<hbm>> -> memref<104xi32, #tpu.memory_space<hbm>>
        %dma_start3A_722 = arith.constant 0 : i32
        %dma_start3A_723 = tpu.memref_slice %arg7[%dma_start3A_717, %dma_start3A_722] : memref<6x104xi32, #tpu.memory_space<vmem>> -> memref<1x104xi32, #tpu.memory_space<vmem>>
        %dma_start3A_724 = tpu.memref_squeeze %dma_start3A_723 : memref<1x104xi32, #tpu.memory_space<vmem>> -> memref<104xi32, #tpu.memory_space<vmem>>
        %dma_start3A_725 = tpu.memref_slice %arg3[%add3A_716] : memref<320000xi32, #tpu.memory_space<hbm>> -> memref<104xi32, #tpu.memory_space<hbm>>
        tpu.enqueue_dma source(%dma_start3A_725 : memref<104xi32, #tpu.memory_space<hbm>>) target(%dma_start3A_724 : memref<104xi32, #tpu.memory_space<vmem>>) target_semaphore(%arg22 : memref<!tpu.dma_semaphore, #tpu.memory_space<semaphore_mem>>)
      } else {
      }
      %scan3A_709 = arith.constant 0 : i32
      scf.yield %scan3A_709 : i32
    }
    %scan3A_163 = arith.constant 16 : i32
    %dma_wait3A = arith.constant 0 : i32
    %dma_wait3A_164 = arith.constant 2 : i32
    %dma_wait3A_165 = arith.constant 0 : i32
    %dma_wait3A_166 = arith.constant 0 : i32
    %dma_wait3A_167 = tpu.memref_slice %arg6[%dma_wait3A_164, %dma_wait3A_165, %dma_wait3A_166] : memref<3x104x128xf32, #tpu.memory_space<vmem>> -> memref<1x104x128xf32, #tpu.memory_space<vmem>>
    %dma_wait3A_168 = tpu.memref_squeeze %dma_wait3A_167 : memref<1x104x128xf32, #tpu.memory_space<vmem>> -> memref<104x128xf32, #tpu.memory_space<vmem>>
    %dma_wait3A_169 = arith.constant 0 : i32
    %dma_wait3A_170 = tpu.memref_slice %arg7[%dma_wait3A, %dma_wait3A_169] : memref<6x104xi32, #tpu.memory_space<vmem>> -> memref<1x104xi32, #tpu.memory_space<vmem>>
    %dma_wait3A_171 = tpu.memref_squeeze %dma_wait3A_170 : memref<1x104xi32, #tpu.memory_space<vmem>> -> memref<104xi32, #tpu.memory_space<vmem>>
    %dma_wait3A_172 = arith.constant 0 : i32
    %dma_wait3A_173 = arith.constant 0 : i32
    %dma_wait3A_174 = tpu.memref_slice %arg2[%dma_wait3A_172, %dma_wait3A_173] : memref<10000x128xf32, #tpu.memory_space<hbm>> -> memref<10000x128xf32, #tpu.memory_space<hbm>>
    tpu.wait_indirect_dma semaphore(%arg14 : memref<!tpu.dma_semaphore, #tpu.memory_space<semaphore_mem>>) src(%dma_wait3A_174 : memref<10000x128xf32, #tpu.memory_space<hbm>>) dst(%dma_wait3A_168 : memref<104x128xf32, #tpu.memory_space<vmem>>)
    %dma_wait3A_175 = arith.constant 5 : i32
    %dma_wait3A_176 = arith.constant 0 : i32
    %dma_wait3A_177 = tpu.memref_slice %arg8[%dma_wait3A_175, %dma_wait3A_176] : memref<6x104xi32, #tpu.memory_space<vmem>> -> memref<1x104xi32, #tpu.memory_space<vmem>>
    %dma_wait3A_178 = tpu.memref_squeeze %dma_wait3A_177 : memref<1x104xi32, #tpu.memory_space<vmem>> -> memref<104xi32, #tpu.memory_space<vmem>>
    %dma_wait3A_179 = tpu.memref_slice %arg4[%mul3A_2] : memref<320000xi32, #tpu.memory_space<hbm>> -> memref<104xi32, #tpu.memory_space<hbm>>
    %dma_wait3A_180 = arith.constant 0 : i32
    %dma_wait3A_181 = tpu.memref_slice %arg8[%dma_wait3A_175, %dma_wait3A_180] : memref<6x104xi32, #tpu.memory_space<vmem>> -> memref<1x104xi32, #tpu.memory_space<vmem>>
    %dma_wait3A_182 = tpu.memref_squeeze %dma_wait3A_181 : memref<1x104xi32, #tpu.memory_space<vmem>> -> memref<104xi32, #tpu.memory_space<vmem>>
    %dma_wait3A_183 = tpu.memref_slice %arg4[%mul3A_2] : memref<320000xi32, #tpu.memory_space<hbm>> -> memref<104xi32, #tpu.memory_space<hbm>>
    tpu.wait_dma2 semaphore(%arg29 : memref<!tpu.dma_semaphore, #tpu.memory_space<semaphore_mem>>) src(%dma_wait3A_183 : memref<104xi32, #tpu.memory_space<hbm>>) dst(%dma_wait3A_182 : memref<104xi32, #tpu.memory_space<vmem>>)
    %dma_start3A_184 = arith.constant 2 : i32
    %dma_start3A_185 = arith.constant 5 : i32
    %dma_start3A_186 = arith.constant 0 : i32
    %dma_start3A_187 = arith.constant 0 : i32
    %dma_start3A_188 = tpu.memref_slice %arg6[%dma_start3A_184, %dma_start3A_186, %dma_start3A_187] : memref<3x104x128xf32, #tpu.memory_space<vmem>> -> memref<1x104x128xf32, #tpu.memory_space<vmem>>
    %dma_start3A_189 = tpu.memref_squeeze %dma_start3A_188 : memref<1x104x128xf32, #tpu.memory_space<vmem>> -> memref<104x128xf32, #tpu.memory_space<vmem>>
    %dma_start3A_190 = arith.constant 0 : i32
    %dma_start3A_191 = tpu.memref_slice %arg8[%dma_start3A_185, %dma_start3A_190] : memref<6x104xi32, #tpu.memory_space<vmem>> -> memref<1x104xi32, #tpu.memory_space<vmem>>
    %dma_start3A_192 = tpu.memref_squeeze %dma_start3A_191 : memref<1x104xi32, #tpu.memory_space<vmem>> -> memref<104xi32, #tpu.memory_space<vmem>>
    %dma_start3A_193 = arith.constant 0 : i32
    %dma_start3A_194 = arith.constant 0 : i32
    %dma_start3A_195 = tpu.memref_slice %arg11[%dma_start3A_193, %dma_start3A_194] : memref<10000x128xf32, #tpu.memory_space<vmem_shared>> -> memref<10000x128xf32, #tpu.memory_space<vmem_shared>>
    tpu.enqueue_indirect_dma source(%dma_start3A_189 : memref<104x128xf32, #tpu.memory_space<vmem>>) target(%dma_start3A_195 : memref<10000x128xf32, #tpu.memory_space<vmem_shared>>) offsets(%dma_start3A_192 : memref<104xi32, #tpu.memory_space<vmem>>) semaphore(%arg17 : memref<!tpu.dma_semaphore, #tpu.memory_space<semaphore_mem>>) {add = true}
    %dma_wait3A_196 = arith.constant 0 : i32
    %dma_wait3A_197 = arith.constant 0 : i32
    %dma_wait3A_198 = arith.constant 0 : i32
    %dma_wait3A_199 = arith.constant 0 : i32
    %dma_wait3A_200 = tpu.memref_slice %arg6[%dma_wait3A_196, %dma_wait3A_198, %dma_wait3A_199] : memref<3x104x128xf32, #tpu.memory_space<vmem>> -> memref<1x104x128xf32, #tpu.memory_space<vmem>>
    %dma_wait3A_201 = tpu.memref_squeeze %dma_wait3A_200 : memref<1x104x128xf32, #tpu.memory_space<vmem>> -> memref<104x128xf32, #tpu.memory_space<vmem>>
    %dma_wait3A_202 = arith.constant 0 : i32
    %dma_wait3A_203 = tpu.memref_slice %arg8[%dma_wait3A_197, %dma_wait3A_202] : memref<6x104xi32, #tpu.memory_space<vmem>> -> memref<1x104xi32, #tpu.memory_space<vmem>>
    %dma_wait3A_204 = tpu.memref_squeeze %dma_wait3A_203 : memref<1x104xi32, #tpu.memory_space<vmem>> -> memref<104xi32, #tpu.memory_space<vmem>>
    %dma_wait3A_205 = arith.constant 0 : i32
    %dma_wait3A_206 = arith.constant 0 : i32
    %dma_wait3A_207 = tpu.memref_slice %arg11[%dma_wait3A_205, %dma_wait3A_206] : memref<10000x128xf32, #tpu.memory_space<vmem_shared>> -> memref<10000x128xf32, #tpu.memory_space<vmem_shared>>
    tpu.wait_indirect_dma semaphore(%arg15 : memref<!tpu.dma_semaphore, #tpu.memory_space<semaphore_mem>>) src(%dma_wait3A_201 : memref<104x128xf32, #tpu.memory_space<vmem>>) dst(%dma_wait3A_207 : memref<10000x128xf32, #tpu.memory_space<vmem_shared>>)
    %dma_wait3A_208 = arith.constant 1 : i32
    %dma_wait3A_209 = arith.constant 0 : i32
    %dma_wait3A_210 = arith.constant 0 : i32
    %dma_wait3A_211 = arith.constant 0 : i32
    %dma_wait3A_212 = tpu.memref_slice %arg6[%dma_wait3A_208, %dma_wait3A_210, %dma_wait3A_211] : memref<3x104x128xf32, #tpu.memory_space<vmem>> -> memref<1x104x128xf32, #tpu.memory_space<vmem>>
    %dma_wait3A_213 = tpu.memref_squeeze %dma_wait3A_212 : memref<1x104x128xf32, #tpu.memory_space<vmem>> -> memref<104x128xf32, #tpu.memory_space<vmem>>
    %dma_wait3A_214 = arith.constant 0 : i32
    %dma_wait3A_215 = tpu.memref_slice %arg8[%dma_wait3A_209, %dma_wait3A_214] : memref<6x104xi32, #tpu.memory_space<vmem>> -> memref<1x104xi32, #tpu.memory_space<vmem>>
    %dma_wait3A_216 = tpu.memref_squeeze %dma_wait3A_215 : memref<1x104xi32, #tpu.memory_space<vmem>> -> memref<104xi32, #tpu.memory_space<vmem>>
    %dma_wait3A_217 = arith.constant 0 : i32
    %dma_wait3A_218 = arith.constant 0 : i32
    %dma_wait3A_219 = tpu.memref_slice %arg11[%dma_wait3A_217, %dma_wait3A_218] : memref<10000x128xf32, #tpu.memory_space<vmem_shared>> -> memref<10000x128xf32, #tpu.memory_space<vmem_shared>>
    tpu.wait_indirect_dma semaphore(%arg16 : memref<!tpu.dma_semaphore, #tpu.memory_space<semaphore_mem>>) src(%dma_wait3A_213 : memref<104x128xf32, #tpu.memory_space<vmem>>) dst(%dma_wait3A_219 : memref<10000x128xf32, #tpu.memory_space<vmem_shared>>)
    %dma_wait3A_220 = arith.constant 2 : i32
    %dma_wait3A_221 = arith.constant 0 : i32
    %dma_wait3A_222 = arith.constant 0 : i32
    %dma_wait3A_223 = arith.constant 0 : i32
    %dma_wait3A_224 = tpu.memref_slice %arg6[%dma_wait3A_220, %dma_wait3A_222, %dma_wait3A_223] : memref<3x104x128xf32, #tpu.memory_space<vmem>> -> memref<1x104x128xf32, #tpu.memory_space<vmem>>
    %dma_wait3A_225 = tpu.memref_squeeze %dma_wait3A_224 : memref<1x104x128xf32, #tpu.memory_space<vmem>> -> memref<104x128xf32, #tpu.memory_space<vmem>>
    %dma_wait3A_226 = arith.constant 0 : i32
    %dma_wait3A_227 = tpu.memref_slice %arg8[%dma_wait3A_221, %dma_wait3A_226] : memref<6x104xi32, #tpu.memory_space<vmem>> -> memref<1x104xi32, #tpu.memory_space<vmem>>
    %dma_wait3A_228 = tpu.memref_squeeze %dma_wait3A_227 : memref<1x104xi32, #tpu.memory_space<vmem>> -> memref<104xi32, #tpu.memory_space<vmem>>
    %dma_wait3A_229 = arith.constant 0 : i32
    %dma_wait3A_230 = arith.constant 0 : i32
    %dma_wait3A_231 = tpu.memref_slice %arg11[%dma_wait3A_229, %dma_wait3A_230] : memref<10000x128xf32, #tpu.memory_space<vmem_shared>> -> memref<10000x128xf32, #tpu.memory_space<vmem_shared>>
    tpu.wait_indirect_dma semaphore(%arg17 : memref<!tpu.dma_semaphore, #tpu.memory_space<semaphore_mem>>) src(%dma_wait3A_225 : memref<104x128xf32, #tpu.memory_space<vmem>>) dst(%dma_wait3A_231 : memref<10000x128xf32, #tpu.memory_space<vmem_shared>>)
    %dma_start3A_232 = arith.constant 0 : i32
    %dma_start3A_233 = arith.constant 0 : i32
    %dma_start3A_234 = arith.constant 0 : i32
    %dma_start3A_235 = arith.constant 0 : i32
    %dma_start3A_236 = tpu.memref_slice %arg6[%dma_start3A_233, %dma_start3A_234, %dma_start3A_235] : memref<3x104x128xf32, #tpu.memory_space<vmem>> -> memref<1x16x128xf32, #tpu.memory_space<vmem>>
    %dma_start3A_237 = tpu.memref_squeeze %dma_start3A_236 : memref<1x16x128xf32, #tpu.memory_space<vmem>> -> memref<16x128xf32, #tpu.memory_space<vmem>>
    %dma_start3A_238 = arith.constant 0 : i32
    %dma_start3A_239 = tpu.memref_slice %arg10[%dma_start3A_232, %dma_start3A_238] : memref<1x16xi32, #tpu.memory_space<vmem>> -> memref<1x16xi32, #tpu.memory_space<vmem>>
    %dma_start3A_240 = tpu.memref_squeeze %dma_start3A_239 : memref<1x16xi32, #tpu.memory_space<vmem>> -> memref<16xi32, #tpu.memory_space<vmem>>
    %dma_start3A_241 = arith.constant 0 : i32
    %dma_start3A_242 = arith.constant 0 : i32
    %dma_start3A_243 = tpu.memref_slice %arg2[%dma_start3A_241, %dma_start3A_242] : memref<10000x128xf32, #tpu.memory_space<hbm>> -> memref<10000x128xf32, #tpu.memory_space<hbm>>
    tpu.enqueue_indirect_dma source(%dma_start3A_243 : memref<10000x128xf32, #tpu.memory_space<hbm>>) target(%dma_start3A_237 : memref<16x128xf32, #tpu.memory_space<vmem>>) offsets(%dma_start3A_240 : memref<16xi32, #tpu.memory_space<vmem>>) semaphore(%arg12 : memref<!tpu.dma_semaphore, #tpu.memory_space<semaphore_mem>>)
    %dma_wait3A_244 = arith.constant 0 : i32
    %dma_wait3A_245 = arith.constant 0 : i32
    %dma_wait3A_246 = arith.constant 0 : i32
    %dma_wait3A_247 = arith.constant 0 : i32
    %dma_wait3A_248 = tpu.memref_slice %arg6[%dma_wait3A_245, %dma_wait3A_246, %dma_wait3A_247] : memref<3x104x128xf32, #tpu.memory_space<vmem>> -> memref<1x16x128xf32, #tpu.memory_space<vmem>>
    %dma_wait3A_249 = tpu.memref_squeeze %dma_wait3A_248 : memref<1x16x128xf32, #tpu.memory_space<vmem>> -> memref<16x128xf32, #tpu.memory_space<vmem>>
    %dma_wait3A_250 = arith.constant 0 : i32
    %dma_wait3A_251 = tpu.memref_slice %arg10[%dma_wait3A_244, %dma_wait3A_250] : memref<1x16xi32, #tpu.memory_space<vmem>> -> memref<1x16xi32, #tpu.memory_space<vmem>>
    %dma_wait3A_252 = tpu.memref_squeeze %dma_wait3A_251 : memref<1x16xi32, #tpu.memory_space<vmem>> -> memref<16xi32, #tpu.memory_space<vmem>>
    %dma_wait3A_253 = arith.constant 0 : i32
    %dma_wait3A_254 = arith.constant 0 : i32
    %dma_wait3A_255 = tpu.memref_slice %arg2[%dma_wait3A_253, %dma_wait3A_254] : memref<10000x128xf32, #tpu.memory_space<hbm>> -> memref<10000x128xf32, #tpu.memory_space<hbm>>
    tpu.wait_indirect_dma semaphore(%arg12 : memref<!tpu.dma_semaphore, #tpu.memory_space<semaphore_mem>>) src(%dma_wait3A_255 : memref<10000x128xf32, #tpu.memory_space<hbm>>) dst(%dma_wait3A_249 : memref<16x128xf32, #tpu.memory_space<vmem>>)
    %run_scoped3A_256 = arith.constant 0 : i32
    %run_scoped3A_257 = arith.constant 0 : i32
    "tpu.region"() ({
      %run_scoped3A_264 = tpu.sem_alloc : memref<!tpu.dma_semaphore, #tpu.memory_space<semaphore_mem>>
      %dma_start3A_265 = arith.constant 0 : i32
      %dma_start3A_266 = arith.constant 0 : i32
      %dma_start3A_267 = tpu.memref_slice %arg6[%run_scoped3A_256, %dma_start3A_265, %dma_start3A_266] : memref<3x104x128xf32, #tpu.memory_space<vmem>> -> memref<1x16x128xf32, #tpu.memory_space<vmem>>
      %dma_start3A_268 = tpu.memref_squeeze %dma_start3A_267 : memref<1x16x128xf32, #tpu.memory_space<vmem>> -> memref<16x128xf32, #tpu.memory_space<vmem>>
      %dma_start3A_269 = arith.constant 0 : i32
      %dma_start3A_270 = tpu.memref_slice %arg9[%run_scoped3A_257, %dma_start3A_269] : memref<1x16xi32, #tpu.memory_space<vmem>> -> memref<1x16xi32, #tpu.memory_space<vmem>>
      %dma_start3A_271 = tpu.memref_squeeze %dma_start3A_270 : memref<1x16xi32, #tpu.memory_space<vmem>> -> memref<16xi32, #tpu.memory_space<vmem>>
      %dma_start3A_272 = arith.constant 0 : i32
      %dma_start3A_273 = arith.constant 0 : i32
      %dma_start3A_274 = tpu.memref_slice %arg11[%dma_start3A_272, %dma_start3A_273] : memref<10000x128xf32, #tpu.memory_space<vmem_shared>> -> memref<10000x128xf32, #tpu.memory_space<vmem_shared>>
      tpu.enqueue_indirect_dma source(%dma_start3A_268 : memref<16x128xf32, #tpu.memory_space<vmem>>) target(%dma_start3A_274 : memref<10000x128xf32, #tpu.memory_space<vmem_shared>>) offsets(%dma_start3A_271 : memref<16xi32, #tpu.memory_space<vmem>>) semaphore(%run_scoped3A_264 : memref<!tpu.dma_semaphore, #tpu.memory_space<semaphore_mem>>) {add = true}
      %dma_wait3A_275 = arith.constant 0 : i32
      %dma_wait3A_276 = arith.constant 0 : i32
      %dma_wait3A_277 = tpu.memref_slice %arg6[%run_scoped3A_256, %dma_wait3A_275, %dma_wait3A_276] : memref<3x104x128xf32, #tpu.memory_space<vmem>> -> memref<1x16x128xf32, #tpu.memory_space<vmem>>
      %dma_wait3A_278 = tpu.memref_squeeze %dma_wait3A_277 : memref<1x16x128xf32, #tpu.memory_space<vmem>> -> memref<16x128xf32, #tpu.memory_space<vmem>>
      %dma_wait3A_279 = arith.constant 0 : i32
      %dma_wait3A_280 = tpu.memref_slice %arg9[%run_scoped3A_257, %dma_wait3A_279] : memref<1x16xi32, #tpu.memory_space<vmem>> -> memref<1x16xi32, #tpu.memory_space<vmem>>
      %dma_wait3A_281 = tpu.memref_squeeze %dma_wait3A_280 : memref<1x16xi32, #tpu.memory_space<vmem>> -> memref<16xi32, #tpu.memory_space<vmem>>
      %dma_wait3A_282 = arith.constant 0 : i32
      %dma_wait3A_283 = arith.constant 0 : i32
      %dma_wait3A_284 = tpu.memref_slice %arg11[%dma_wait3A_282, %dma_wait3A_283] : memref<10000x128xf32, #tpu.memory_space<vmem_shared>> -> memref<10000x128xf32, #tpu.memory_space<vmem_shared>>
      tpu.wait_indirect_dma semaphore(%run_scoped3A_264 : memref<!tpu.dma_semaphore, #tpu.memory_space<semaphore_mem>>) src(%dma_wait3A_278 : memref<16x128xf32, #tpu.memory_space<vmem>>) dst(%dma_wait3A_284 : memref<10000x128xf32, #tpu.memory_space<vmem_shared>>)
      tpu.yield
    }) : () -> ()
    %barrier3A_258 = arith.constant 0 : index
    tpu.barrier barrier_id(%barrier3A_258)
    "tpu.region"() ({
      %run_scoped3A_264 = tpu.sem_alloc : memref<!tpu.dma_semaphore, #tpu.memory_space<semaphore_mem>>
      %dma_start3A_265 = arith.constant 0 : i32
      %dma_start3A_266 = tpu.memref_slice %arg5[%arg0, %mul3A_16, %dma_start3A_265] : memref<2x10000x128xf32, #tpu.memory_space<hbm>> -> memref<1x624x128xf32, #tpu.memory_space<hbm>>
      %dma_start3A_267 = tpu.memref_squeeze %dma_start3A_266 : memref<1x624x128xf32, #tpu.memory_space<hbm>> -> memref<624x128xf32, #tpu.memory_space<hbm>>
      %dma_start3A_268 = arith.constant 0 : i32
      %dma_start3A_269 = tpu.memref_slice %arg11[%mul3A_16, %dma_start3A_268] : memref<10000x128xf32, #tpu.memory_space<vmem_shared>> -> memref<624x128xf32, #tpu.memory_space<vmem_shared>>
      tpu.enqueue_dma source(%dma_start3A_269 : memref<624x128xf32, #tpu.memory_space<vmem_shared>>) target(%dma_start3A_267 : memref<624x128xf32, #tpu.memory_space<hbm>>) target_semaphore(%run_scoped3A_264 : memref<!tpu.dma_semaphore, #tpu.memory_space<semaphore_mem>>)
      %dma_wait3A_270 = arith.constant 0 : i32
      %dma_wait3A_271 = tpu.memref_slice %arg5[%arg0, %mul3A_16, %dma_wait3A_270] : memref<2x10000x128xf32, #tpu.memory_space<hbm>> -> memref<1x624x128xf32, #tpu.memory_space<hbm>>
      %dma_wait3A_272 = tpu.memref_squeeze %dma_wait3A_271 : memref<1x624x128xf32, #tpu.memory_space<hbm>> -> memref<624x128xf32, #tpu.memory_space<hbm>>
      %dma_wait3A_273 = arith.constant 0 : i32
      %dma_wait3A_274 = tpu.memref_slice %arg11[%mul3A_16, %dma_wait3A_273] : memref<10000x128xf32, #tpu.memory_space<vmem_shared>> -> memref<624x128xf32, #tpu.memory_space<vmem_shared>>
      tpu.wait_dma2 semaphore(%run_scoped3A_264 : memref<!tpu.dma_semaphore, #tpu.memory_space<semaphore_mem>>) src(%dma_wait3A_274 : memref<624x128xf32, #tpu.memory_space<vmem_shared>>) dst(%dma_wait3A_272 : memref<624x128xf32, #tpu.memory_space<hbm>>)
      tpu.yield
    }) : () -> ()
    %eq3A_259 = arith.constant 15 : i32
    %eq3A_260 = arith.cmpi eq, %arg1, %eq3A_259 : i32
    %convert_element_type3A_261 = arith.extui %eq3A_260 : i1 to i32
    %cond3A_262 = arith.constant 0 : i32
    %cond3A_263 = arith.cmpi ne, %convert_element_type3A_261, %cond3A_262 : i32
    scf.if %cond3A_263 {
      "tpu.region"() ({
        %run_scoped3A_264 = tpu.sem_alloc : memref<!tpu.dma_semaphore, #tpu.memory_space<semaphore_mem>>
        %dma_start3A_265 = arith.constant 9984 : i32
        %dma_start3A_266 = arith.constant 0 : i32
        %dma_start3A_267 = tpu.memref_slice %arg5[%arg0, %dma_start3A_265, %dma_start3A_266] : memref<2x10000x128xf32, #tpu.memory_space<hbm>> -> memref<1x16x128xf32, #tpu.memory_space<hbm>>
        %dma_start3A_268 = tpu.memref_squeeze %dma_start3A_267 : memref<1x16x128xf32, #tpu.memory_space<hbm>> -> memref<16x128xf32, #tpu.memory_space<hbm>>
        %dma_start3A_269 = arith.constant 9984 : i32
        %dma_start3A_270 = arith.constant 0 : i32
        %dma_start3A_271 = tpu.memref_slice %arg11[%dma_start3A_269, %dma_start3A_270] : memref<10000x128xf32, #tpu.memory_space<vmem_shared>> -> memref<16x128xf32, #tpu.memory_space<vmem_shared>>
        tpu.enqueue_dma source(%dma_start3A_271 : memref<16x128xf32, #tpu.memory_space<vmem_shared>>) target(%dma_start3A_268 : memref<16x128xf32, #tpu.memory_space<hbm>>) target_semaphore(%run_scoped3A_264 : memref<!tpu.dma_semaphore, #tpu.memory_space<semaphore_mem>>)
        %dma_wait3A_272 = arith.constant 9984 : i32
        %dma_wait3A_273 = arith.constant 0 : i32
        %dma_wait3A_274 = tpu.memref_slice %arg5[%arg0, %dma_wait3A_272, %dma_wait3A_273] : memref<2x10000x128xf32, #tpu.memory_space<hbm>> -> memref<1x16x128xf32, #tpu.memory_space<hbm>>
        %dma_wait3A_275 = tpu.memref_squeeze %dma_wait3A_274 : memref<1x16x128xf32, #tpu.memory_space<hbm>> -> memref<16x128xf32, #tpu.memory_space<hbm>>
        %dma_wait3A_276 = arith.constant 9984 : i32
        %dma_wait3A_277 = arith.constant 0 : i32
        %dma_wait3A_278 = tpu.memref_slice %arg11[%dma_wait3A_276, %dma_wait3A_277] : memref<10000x128xf32, #tpu.memory_space<vmem_shared>> -> memref<16x128xf32, #tpu.memory_space<vmem_shared>>
        tpu.wait_dma2 semaphore(%run_scoped3A_264 : memref<!tpu.dma_semaphore, #tpu.memory_space<semaphore_mem>>) src(%dma_wait3A_278 : memref<16x128xf32, #tpu.memory_space<vmem_shared>>) dst(%dma_wait3A_275 : memref<16x128xf32, #tpu.memory_space<hbm>>)
        tpu.yield
      }) : () -> ()
    } else {
    }
    return
  }
}

#map = affine_map<(d0, d1) -> (0)>
#map1 = affine_map<(d0, d1) -> (0, 0, 0)>
module attributes {stable_mosaic.version = 14 : i64} {
  func.func @body(%arg0: i32, %arg1: i32, %arg2: memref<320000xi32, #tpu.memory_space<hbm>>, %arg3: memref<32x1x10000xf32, #tpu.memory_space<hbm>>, %arg4: memref<10000xi32, #tpu.memory_space<vmem>>, %arg5: memref<10000xf32, #tpu.memory_space<vmem>>) attributes {dimension_semantics = [#tpu.dimension_semantics<core_parallel>, #tpu.dimension_semantics<subcore_parallel>], iteration_bounds = array<i64: 2, 16>, scalar_prefetch = 0 : i64, scratch_operands = 2 : i64, tpu.core_type = #tpu.core_type<sc_vector_subcore>, window_params = [{transform_indices = #map}, {transform_indices = #map1}]} {
    %mul3A = arith.constant 2 : i32
    %mul3A_0 = arith.muli %arg1, %mul3A : i32
    %add3A = arith.addi %mul3A_0, %arg0 : i32
    %mul3A_1 = arith.constant 10000 : i32
    %mul3A_2 = arith.muli %add3A, %mul3A_1 : i32
    "tpu.region"() ({
      %run_scoped3A_19 = tpu.sem_alloc : memref<!tpu.dma_semaphore, #tpu.memory_space<semaphore_mem>>
      %dma_start3A = tpu.memref_slice %arg2[%mul3A_2] : memref<320000xi32, #tpu.memory_space<hbm>> -> memref<10000xi32, #tpu.memory_space<hbm>>
      %dma_start3A_20 = tpu.memref_slice %arg2[%mul3A_2] : memref<320000xi32, #tpu.memory_space<hbm>> -> memref<10000xi32, #tpu.memory_space<hbm>>
      tpu.enqueue_dma source(%dma_start3A_20 : memref<10000xi32, #tpu.memory_space<hbm>>) target(%arg4 : memref<10000xi32, #tpu.memory_space<vmem>>) target_semaphore(%run_scoped3A_19 : memref<!tpu.dma_semaphore, #tpu.memory_space<semaphore_mem>>)
      %dma_wait3A = tpu.memref_slice %arg2[%mul3A_2] : memref<320000xi32, #tpu.memory_space<hbm>> -> memref<10000xi32, #tpu.memory_space<hbm>>
      %dma_wait3A_21 = tpu.memref_slice %arg2[%mul3A_2] : memref<320000xi32, #tpu.memory_space<hbm>> -> memref<10000xi32, #tpu.memory_space<hbm>>
      tpu.wait_dma2 semaphore(%run_scoped3A_19 : memref<!tpu.dma_semaphore, #tpu.memory_space<semaphore_mem>>) src(%dma_wait3A_21 : memref<10000xi32, #tpu.memory_space<hbm>>) dst(%arg4 : memref<10000xi32, #tpu.memory_space<vmem>>)
      tpu.yield
    }) : () -> ()
    %broadcast_in_dim3A = arith.constant 0.000000e+00 : f32
    %broadcast_in_dim3A_3 = vector.broadcast %broadcast_in_dim3A : f32 to vector<16xf32>
    %scan3A = arith.constant 0 : i32
    %scan3A_4 = arith.constant 0 : i32
    %scan3A_5 = arith.constant 625 : i32
    %scan3A_6 = arith.addi %scan3A_4, %scan3A_5 : i32
    %scan3A_7 = arith.constant 1 : i32
    %scan3A_8 = scf.for %scan3A_19 = %scan3A_4 to %scan3A_6 step %scan3A_7 iter_args(%scan3A_20 = %scan3A) -> (i32)  : i32 {
      %mul3A_21 = arith.constant 16 : i32
      %mul3A_22 = arith.muli %scan3A_19, %mul3A_21 : i32
      %multiple_of3A = tpu.assume_multiple %mul3A_22, 8 : i32
      %swap3A = arith.index_cast %multiple_of3A : i32 to index
      %swap3A_23 = tpu.vector_load %arg5[%swap3A] {strides = array<i32>} : memref<10000xf32, #tpu.memory_space<vmem>>, vector<16xf32>,
      tpu.vector_store %arg5[%swap3A], %broadcast_in_dim3A_3 {strides = array<i32>} : memref<10000xf32, #tpu.memory_space<vmem>>, vector<16xf32>,
      %scan3A_24 = arith.constant 0 : i32
      scf.yield %scan3A_24 : i32
    }
    %scan3A_9 = arith.constant 625 : i32
    %broadcast_in_dim3A_10 = arith.constant 1.000000e+00 : f32
    %broadcast_in_dim3A_11 = vector.broadcast %broadcast_in_dim3A_10 : f32 to vector<16xf32>
    %scan3A_12 = arith.constant 0 : i32
    %scan3A_13 = arith.constant 0 : i32
    %scan3A_14 = arith.constant 625 : i32
    %scan3A_15 = arith.addi %scan3A_13, %scan3A_14 : i32
    %scan3A_16 = arith.constant 1 : i32
    %scan3A_17 = scf.for %scan3A_19 = %scan3A_13 to %scan3A_15 step %scan3A_16 iter_args(%scan3A_20 = %scan3A_12) -> (i32)  : i32 {
      %mul3A_21 = arith.constant 16 : i32
      %mul3A_22 = arith.muli %scan3A_19, %mul3A_21 : i32
      %multiple_of3A = tpu.assume_multiple %mul3A_22, 8 : i32
      %get3A = arith.index_cast %multiple_of3A : i32 to index
      %get3A_23 = tpu.vector_load %arg4[%get3A] {strides = array<i32>} : memref<10000xi32, #tpu.memory_space<vmem>>, vector<16xi32>,
      tpu.vector_store_idx %arg5[%get3A_23], %broadcast_in_dim3A_11 {add = true} : memref<10000xf32, #tpu.memory_space<vmem>>[vector<16xi32>], vector<16xf32>,
      %scan3A_24 = arith.constant 0 : i32
      scf.yield %scan3A_24 : i32
    }
    %scan3A_18 = arith.constant 625 : i32
    %run_scoped3A = arith.constant 0 : i32
    "tpu.region"() ({
      %run_scoped3A_19 = tpu.sem_alloc : memref<!tpu.dma_semaphore, #tpu.memory_space<semaphore_mem>>
      %dma_start3A = arith.constant 0 : i32
      %dma_start3A_20 = tpu.memref_slice %arg3[%add3A, %run_scoped3A, %dma_start3A] : memref<32x1x10000xf32, #tpu.memory_space<hbm>> -> memref<1x1x10000xf32, #tpu.memory_space<hbm>>
      %dma_start3A_21 = tpu.memref_squeeze %dma_start3A_20 : memref<1x1x10000xf32, #tpu.memory_space<hbm>> -> memref<10000xf32, #tpu.memory_space<hbm>>
      %dma_start3A_22 = arith.constant 0 : i32
      %dma_start3A_23 = tpu.memref_slice %arg3[%add3A, %run_scoped3A, %dma_start3A_22] : memref<32x1x10000xf32, #tpu.memory_space<hbm>> -> memref<1x1x10000xf32, #tpu.memory_space<hbm>>
      %dma_start3A_24 = tpu.memref_squeeze %dma_start3A_23 : memref<1x1x10000xf32, #tpu.memory_space<hbm>> -> memref<10000xf32, #tpu.memory_space<hbm>>
      tpu.enqueue_dma source(%arg5 : memref<10000xf32, #tpu.memory_space<vmem>>) target(%dma_start3A_24 : memref<10000xf32, #tpu.memory_space<hbm>>) target_semaphore(%run_scoped3A_19 : memref<!tpu.dma_semaphore, #tpu.memory_space<semaphore_mem>>)
      %dma_wait3A = arith.constant 0 : i32
      %dma_wait3A_25 = tpu.memref_slice %arg3[%add3A, %run_scoped3A, %dma_wait3A] : memref<32x1x10000xf32, #tpu.memory_space<hbm>> -> memref<1x1x10000xf32, #tpu.memory_space<hbm>>
      %dma_wait3A_26 = tpu.memref_squeeze %dma_wait3A_25 : memref<1x1x10000xf32, #tpu.memory_space<hbm>> -> memref<10000xf32, #tpu.memory_space<hbm>>
      %dma_wait3A_27 = arith.constant 0 : i32
      %dma_wait3A_28 = tpu.memref_slice %arg3[%add3A, %run_scoped3A, %dma_wait3A_27] : memref<32x1x10000xf32, #tpu.memory_space<hbm>> -> memref<1x1x10000xf32, #tpu.memory_space<hbm>>
      %dma_wait3A_29 = tpu.memref_squeeze %dma_wait3A_28 : memref<1x1x10000xf32, #tpu.memory_space<hbm>> -> memref<10000xf32, #tpu.memory_space<hbm>>
      tpu.wait_dma2 semaphore(%run_scoped3A_19 : memref<!tpu.dma_semaphore, #tpu.memory_space<semaphore_mem>>) src(%arg5 : memref<10000xf32, #tpu.memory_space<vmem>>) dst(%dma_wait3A_29 : memref<10000xf32, #tpu.memory_space<hbm>>)
      tpu.yield
    }) : () -> ()
    return
  }
}

module attributes {stable_mosaic.version = 14 : i64} {
  func.func @_tc0_body(%arg0: memref<2x320000xi32, #tpu.memory_space<vmem>>, %arg1: memref<320000xi32, #tpu.memory_space<vmem>>, %arg2: memref<320000xi32, #tpu.memory_space<vmem>>) attributes {dimension_semantics = [], scalar_prefetch = 0 : i64, scratch_operands = 0 : i64, tpu.core_type = #tpu.core_type<tc>} {
    %get3A = arith.constant 0 : index
    %get3A_0 = arith.constant 0 : index
    %get3A_1 = vector.load %arg0[%get3A, %get3A_0] : memref<2x320000xi32, #tpu.memory_space<vmem>>, vector<1x320000xi32>
    %get3A_2 = vector.shape_cast %get3A_1 : vector<1x320000xi32> to vector<320000xi32>
    %swap3A = arith.constant 0 : index
    %swap3A_3 = vector.load %arg1[%swap3A] : memref<320000xi32, #tpu.memory_space<vmem>>, vector<320000xi32>
    tpu.vector_store %arg1[%swap3A], %get3A_2 {strides = array<i32>} : memref<320000xi32, #tpu.memory_space<vmem>>, vector<320000xi32>,
    %get3A_4 = arith.constant 1 : index
    %get3A_5 = arith.constant 0 : index
    %get3A_6 = vector.load %arg0[%get3A_4, %get3A_5] : memref<2x320000xi32, #tpu.memory_space<vmem>>, vector<1x320000xi32>
    %get3A_7 = vector.shape_cast %get3A_6 : vector<1x320000xi32> to vector<320000xi32>
    %swap3A_8 = arith.constant 0 : index
    %swap3A_9 = vector.load %arg2[%swap3A_8] : memref<320000xi32, #tpu.memory_space<vmem>>, vector<320000xi32>
    tpu.vector_store %arg2[%swap3A_8], %get3A_7 {strides = array<i32>} : memref<320000xi32, #tpu.memory_space<vmem>>, vector<320000xi32>,
    return
  }
}

module attributes {stable_mosaic.version = 14 : i64} {
  func.func @_tc1_body(%arg0: i32, %arg1: memref<2000x128xf32, #tpu.memory_space<vmem>>, %arg2: memref<128x128xf32, #tpu.memory_space<vmem>>, %arg3: memref<128x128xf32, #tpu.memory_space<vmem>>, %arg4: memref<1x128xf32, #tpu.memory_space<vmem>>, %arg5: memref<2000x128xf32, #tpu.memory_space<vmem>>, %arg6: memref<2000x128xf32, #tpu.memory_space<vmem>>) attributes {dimension_semantics = [#tpu.dimension_semantics<arbitrary>], iteration_bounds = array<i64: 5>, scalar_prefetch = 0 : i64, scratch_operands = 0 : i64, tpu.core_type = #tpu.core_type<tc>, window_params = [{transform_indices = @transform_0, window_bounds = array<i64: 2000, 128>}, {pipeline_mode = #tpu.pipeline_mode<synchronous>, transform_indices = @transform_1, window_bounds = array<i64: 128, 128>}, {pipeline_mode = #tpu.pipeline_mode<synchronous>, transform_indices = @transform_2, window_bounds = array<i64: 128, 128>}, {pipeline_mode = #tpu.pipeline_mode<synchronous>, transform_indices = @transform_3, window_bounds = array<i64: 1, 128>}, {transform_indices = @transform_4, window_bounds = array<i64: 2000, 128>}, {transform_indices = @transform_5, window_bounds = array<i64: 2000, 128>}]} {
    %get3A = arith.constant 0 : index
    %get3A_0 = arith.constant 0 : index
    %get3A_1 = vector.load %arg1[%get3A, %get3A_0] : memref<2000x128xf32, #tpu.memory_space<vmem>>, vector<2000x128xf32>
    %get3A_2 = arith.constant 0 : index
    %get3A_3 = arith.constant 0 : index
    %get3A_4 = vector.load %arg2[%get3A_2, %get3A_3] : memref<128x128xf32, #tpu.memory_space<vmem>>, vector<128x128xf32>
    %dot_general3A = arith.constant dense<0.000000e+00> : vector<2000x128xf32>
    %dot_general3A_5 = tpu.matmul %get3A_1, %get3A_4, %dot_general3A {dimension_numbers = #tpu.dot_dimension_numbers<[1], [0], [0], [1], [0, 0, 1, 1], [], []>, transpose_lhs_hint = false} : vector<2000x128xf32>, vector<128x128xf32>, vector<2000x128xf32> -> vector<2000x128xf32>
    %get3A_6 = arith.constant 0 : index
    %get3A_7 = arith.constant 0 : index
    %get3A_8 = vector.load %arg4[%get3A_6, %get3A_7] : memref<1x128xf32, #tpu.memory_space<vmem>>, vector<1x128xf32>
    %add3A = vector.broadcast %get3A_8 : vector<1x128xf32> to vector<2000x128xf32>
    %add3A_9 = arith.addf %dot_general3A_5, %add3A : vector<2000x128xf32>
    %swap3A = arith.constant 0 : index
    %swap3A_10 = arith.constant 0 : index
    %swap3A_11 = vector.load %arg5[%swap3A, %swap3A_10] : memref<2000x128xf32, #tpu.memory_space<vmem>>, vector<2000x128xf32>
    tpu.vector_store %arg5[%swap3A, %swap3A_10], %add3A_9 {strides = array<i32>} : memref<2000x128xf32, #tpu.memory_space<vmem>>, vector<2000x128xf32>,
    %get3A_12 = arith.constant 0 : index
    %get3A_13 = arith.constant 0 : index
    %get3A_14 = vector.load %arg3[%get3A_12, %get3A_13] : memref<128x128xf32, #tpu.memory_space<vmem>>, vector<128x128xf32>
    %dot_general3A_15 = arith.constant dense<0.000000e+00> : vector<2000x128xf32>
    %dot_general3A_16 = tpu.matmul %get3A_1, %get3A_14, %dot_general3A_15 {dimension_numbers = #tpu.dot_dimension_numbers<[1], [0], [0], [1], [0, 0, 1, 1], [], []>, transpose_lhs_hint = false} : vector<2000x128xf32>, vector<128x128xf32>, vector<2000x128xf32> -> vector<2000x128xf32>
    %swap3A_17 = arith.constant 0 : index
    %swap3A_18 = arith.constant 0 : index
    %swap3A_19 = vector.load %arg6[%swap3A_17, %swap3A_18] : memref<2000x128xf32, #tpu.memory_space<vmem>>, vector<2000x128xf32>
    tpu.vector_store %arg6[%swap3A_17, %swap3A_18], %dot_general3A_16 {strides = array<i32>} : memref<2000x128xf32, #tpu.memory_space<vmem>>, vector<2000x128xf32>,
    return
  }
  func.func @transform_0(%arg0: i32) -> (i32, i32) {
    %c0_i32 = arith.constant 0 : i32
    %c0_i32_0 = arith.constant 0 : i32
    return %arg0, %c0_i32 : i32, i32
  }
  func.func @transform_1(%arg0: i32) -> (i32, i32) {
    %c0_i32 = arith.constant 0 : i32
    %c0_i32_0 = arith.constant 0 : i32
    %c0_i32_1 = arith.constant 0 : i32
    return %c0_i32, %c0_i32_0 : i32, i32
  }
  func.func @transform_2(%arg0: i32) -> (i32, i32) {
    %c0_i32 = arith.constant 0 : i32
    %c0_i32_0 = arith.constant 0 : i32
    %c0_i32_1 = arith.constant 0 : i32
    return %c0_i32, %c0_i32_0 : i32, i32
  }
  func.func @transform_3(%arg0: i32) -> (i32, i32) {
    %c0_i32 = arith.constant 0 : i32
    %c0_i32_0 = arith.constant 0 : i32
    %c0_i32_1 = arith.constant 0 : i32
    return %c0_i32, %c0_i32_0 : i32, i32
  }
  func.func @transform_4(%arg0: i32) -> (i32, i32) {
    %c0_i32 = arith.constant 0 : i32
    %c0_i32_0 = arith.constant 0 : i32
    return %arg0, %c0_i32 : i32, i32
  }
  func.func @transform_5(%arg0: i32) -> (i32, i32) {
    %c0_i32 = arith.constant 0 : i32
    %c0_i32_0 = arith.constant 0 : i32
    return %arg0, %c0_i32 : i32, i32
  }
}

module attributes {stable_mosaic.version = 14 : i64} {
  func.func @_tc2_body(%arg0: i32, %arg1: memref<2000x128xf32, #tpu.memory_space<vmem>>, %arg2: memref<2x2000x128xf32, #tpu.memory_space<vmem>>, %arg3: memref<2000x32xf32, #tpu.memory_space<vmem>>, %arg4: memref<128x128xf32, #tpu.memory_space<vmem>>, %arg5: memref<128x128xf32, #tpu.memory_space<vmem>>, %arg6: memref<1x128xf32, #tpu.memory_space<vmem>>, %arg7: memref<2000x128xf32, #tpu.memory_space<vmem>>, %arg8: memref<2000x128xf32, #tpu.memory_space<vmem>>) attributes {dimension_semantics = [#tpu.dimension_semantics<arbitrary>], iteration_bounds = array<i64: 5>, scalar_prefetch = 0 : i64, scratch_operands = 0 : i64, tpu.core_type = #tpu.core_type<tc>, window_params = [{transform_indices = @transform_0, window_bounds = array<i64: 2000, 128>}, {transform_indices = @transform_1, window_bounds = array<i64: 2, 2000, 128>}, {transform_indices = @transform_2, window_bounds = array<i64: 2000, 32>}, {pipeline_mode = #tpu.pipeline_mode<synchronous>, transform_indices = @transform_3, window_bounds = array<i64: 128, 128>}, {pipeline_mode = #tpu.pipeline_mode<synchronous>, transform_indices = @transform_4, window_bounds = array<i64: 128, 128>}, {pipeline_mode = #tpu.pipeline_mode<synchronous>, transform_indices = @transform_5, window_bounds = array<i64: 1, 128>}, {transform_indices = @transform_6, window_bounds = array<i64: 2000, 128>}, {transform_indices = @transform_7, window_bounds = array<i64: 2000, 128>}]} {
    %get3A = arith.constant 0 : index
    %get3A_0 = arith.constant 0 : index
    %get3A_1 = arith.constant 0 : index
    %get3A_2 = vector.load %arg2[%get3A, %get3A_0, %get3A_1] : memref<2x2000x128xf32, #tpu.memory_space<vmem>>, vector<1x2000x128xf32>
    %get3A_3 = vector.shape_cast %get3A_2 : vector<1x2000x128xf32> to vector<2000x128xf32>
    %get3A_4 = arith.constant 1 : index
    %get3A_5 = arith.constant 0 : index
    %get3A_6 = arith.constant 0 : index
    %get3A_7 = vector.load %arg2[%get3A_4, %get3A_5, %get3A_6] : memref<2x2000x128xf32, #tpu.memory_space<vmem>>, vector<1x2000x128xf32>
    %get3A_8 = vector.shape_cast %get3A_7 : vector<1x2000x128xf32> to vector<2000x128xf32>
    %add3A = arith.addf %get3A_3, %get3A_8 : vector<2000x128xf32>
    %get3A_9 = arith.constant 0 : index
    %get3A_10 = arith.constant 0 : index
    %get3A_11 = vector.load %arg3[%get3A_9, %get3A_10] : memref<2000x32xf32, #tpu.memory_space<vmem>>, vector<2000x32xf32>
    %reduce_sum3A = arith.constant dense<0.000000e+00> : vector<2000xf32>
    %reduce_sum3A_12 = vector.multi_reduction <add>, %get3A_11, %reduce_sum3A [1] : vector<2000x32xf32> to vector<2000xf32>
    %broadcast_in_dim3A = vector.shape_cast %reduce_sum3A_12 : vector<2000xf32> to vector<2000x1xf32>
    %max3A = arith.constant 1.000000e+00 : f32
    %max3A_13 = vector.broadcast %max3A : f32 to vector<2000x1xf32>
    %max3A_14 = arith.maximumf %broadcast_in_dim3A, %max3A_13 : vector<2000x1xf32>
    %get3A_15 = arith.constant 0 : index
    %get3A_16 = arith.constant 0 : index
    %get3A_17 = vector.load %arg1[%get3A_15, %get3A_16] : memref<2000x128xf32, #tpu.memory_space<vmem>>, vector<2000x128xf32>
    %div3A = vector.broadcast %max3A_14 : vector<2000x1xf32> to vector<2000x128xf32>
    %div3A_18 = arith.divf %add3A, %div3A : vector<2000x128xf32>
    %add3A_19 = arith.addf %get3A_17, %div3A_18 : vector<2000x128xf32>
    %max3A_20 = arith.constant 0.000000e+00 : f32
    %max3A_21 = vector.broadcast %max3A_20 : f32 to vector<2000x128xf32>
    %max3A_22 = arith.maximumf %add3A_19, %max3A_21 : vector<2000x128xf32>
    %get3A_23 = arith.constant 0 : index
    %get3A_24 = arith.constant 0 : index
    %get3A_25 = vector.load %arg4[%get3A_23, %get3A_24] : memref<128x128xf32, #tpu.memory_space<vmem>>, vector<128x128xf32>
    %dot_general3A = arith.constant dense<0.000000e+00> : vector<2000x128xf32>
    %dot_general3A_26 = tpu.matmul %max3A_22, %get3A_25, %dot_general3A {dimension_numbers = #tpu.dot_dimension_numbers<[1], [0], [0], [1], [0, 0, 1, 1], [], []>, transpose_lhs_hint = false} : vector<2000x128xf32>, vector<128x128xf32>, vector<2000x128xf32> -> vector<2000x128xf32>
    %get3A_27 = arith.constant 0 : index
    %get3A_28 = arith.constant 0 : index
    %get3A_29 = vector.load %arg6[%get3A_27, %get3A_28] : memref<1x128xf32, #tpu.memory_space<vmem>>, vector<1x128xf32>
    %add3A_30 = vector.broadcast %get3A_29 : vector<1x128xf32> to vector<2000x128xf32>
    %add3A_31 = arith.addf %dot_general3A_26, %add3A_30 : vector<2000x128xf32>
    %swap3A = arith.constant 0 : index
    %swap3A_32 = arith.constant 0 : index
    %swap3A_33 = vector.load %arg7[%swap3A, %swap3A_32] : memref<2000x128xf32, #tpu.memory_space<vmem>>, vector<2000x128xf32>
    tpu.vector_store %arg7[%swap3A, %swap3A_32], %add3A_31 {strides = array<i32>} : memref<2000x128xf32, #tpu.memory_space<vmem>>, vector<2000x128xf32>,
    %get3A_34 = arith.constant 0 : index
    %get3A_35 = arith.constant 0 : index
    %get3A_36 = vector.load %arg5[%get3A_34, %get3A_35] : memref<128x128xf32, #tpu.memory_space<vmem>>, vector<128x128xf32>
    %dot_general3A_37 = arith.constant dense<0.000000e+00> : vector<2000x128xf32>
    %dot_general3A_38 = tpu.matmul %max3A_22, %get3A_36, %dot_general3A_37 {dimension_numbers = #tpu.dot_dimension_numbers<[1], [0], [0], [1], [0, 0, 1, 1], [], []>, transpose_lhs_hint = false} : vector<2000x128xf32>, vector<128x128xf32>, vector<2000x128xf32> -> vector<2000x128xf32>
    %swap3A_39 = arith.constant 0 : index
    %swap3A_40 = arith.constant 0 : index
    %swap3A_41 = vector.load %arg8[%swap3A_39, %swap3A_40] : memref<2000x128xf32, #tpu.memory_space<vmem>>, vector<2000x128xf32>
    tpu.vector_store %arg8[%swap3A_39, %swap3A_40], %dot_general3A_38 {strides = array<i32>} : memref<2000x128xf32, #tpu.memory_space<vmem>>, vector<2000x128xf32>,
    return
  }
  func.func @transform_0(%arg0: i32) -> (i32, i32) {
    %c0_i32 = arith.constant 0 : i32
    %c0_i32_0 = arith.constant 0 : i32
    return %arg0, %c0_i32 : i32, i32
  }
  func.func @transform_1(%arg0: i32) -> (i32, i32, i32) {
    %c0_i32 = arith.constant 0 : i32
    %c0_i32_0 = arith.constant 0 : i32
    %c0_i32_1 = arith.constant 0 : i32
    return %c0_i32, %arg0, %c0_i32_0 : i32, i32, i32
  }
  func.func @transform_2(%arg0: i32) -> (i32, i32) {
    %c0_i32 = arith.constant 0 : i32
    %c0_i32_0 = arith.constant 0 : i32
    return %arg0, %c0_i32 : i32, i32
  }
  func.func @transform_3(%arg0: i32) -> (i32, i32) {
    %c0_i32 = arith.constant 0 : i32
    %c0_i32_0 = arith.constant 0 : i32
    %c0_i32_1 = arith.constant 0 : i32
    return %c0_i32, %c0_i32_0 : i32, i32
  }
  func.func @transform_4(%arg0: i32) -> (i32, i32) {
    %c0_i32 = arith.constant 0 : i32
    %c0_i32_0 = arith.constant 0 : i32
    %c0_i32_1 = arith.constant 0 : i32
    return %c0_i32, %c0_i32_0 : i32, i32
  }
  func.func @transform_5(%arg0: i32) -> (i32, i32) {
    %c0_i32 = arith.constant 0 : i32
    %c0_i32_0 = arith.constant 0 : i32
    %c0_i32_1 = arith.constant 0 : i32
    return %c0_i32, %c0_i32_0 : i32, i32
  }
  func.func @transform_6(%arg0: i32) -> (i32, i32) {
    %c0_i32 = arith.constant 0 : i32
    %c0_i32_0 = arith.constant 0 : i32
    return %arg0, %c0_i32 : i32, i32
  }
  func.func @transform_7(%arg0: i32) -> (i32, i32) {
    %c0_i32 = arith.constant 0 : i32
    %c0_i32_0 = arith.constant 0 : i32
    return %arg0, %c0_i32 : i32, i32
  }
}

module attributes {stable_mosaic.version = 14 : i64} {
  func.func @_tc3_body(%arg0: i32, %arg1: memref<2000x128xf32, #tpu.memory_space<vmem>>, %arg2: memref<2x2000x128xf32, #tpu.memory_space<vmem>>, %arg3: memref<2000x32xf32, #tpu.memory_space<vmem>>, %arg4: memref<2000x128xf32, #tpu.memory_space<vmem>>) attributes {dimension_semantics = [#tpu.dimension_semantics<arbitrary>], iteration_bounds = array<i64: 5>, scalar_prefetch = 0 : i64, scratch_operands = 0 : i64, tpu.core_type = #tpu.core_type<tc>, window_params = [{transform_indices = @transform_0, window_bounds = array<i64: 2000, 128>}, {transform_indices = @transform_1, window_bounds = array<i64: 2, 2000, 128>}, {transform_indices = @transform_2, window_bounds = array<i64: 2000, 32>}, {transform_indices = @transform_3, window_bounds = array<i64: 2000, 128>}]} {
    %get3A = arith.constant 0 : index
    %get3A_0 = arith.constant 0 : index
    %get3A_1 = arith.constant 0 : index
    %get3A_2 = vector.load %arg2[%get3A, %get3A_0, %get3A_1] : memref<2x2000x128xf32, #tpu.memory_space<vmem>>, vector<1x2000x128xf32>
    %get3A_3 = vector.shape_cast %get3A_2 : vector<1x2000x128xf32> to vector<2000x128xf32>
    %get3A_4 = arith.constant 1 : index
    %get3A_5 = arith.constant 0 : index
    %get3A_6 = arith.constant 0 : index
    %get3A_7 = vector.load %arg2[%get3A_4, %get3A_5, %get3A_6] : memref<2x2000x128xf32, #tpu.memory_space<vmem>>, vector<1x2000x128xf32>
    %get3A_8 = vector.shape_cast %get3A_7 : vector<1x2000x128xf32> to vector<2000x128xf32>
    %add3A = arith.addf %get3A_3, %get3A_8 : vector<2000x128xf32>
    %get3A_9 = arith.constant 0 : index
    %get3A_10 = arith.constant 0 : index
    %get3A_11 = vector.load %arg3[%get3A_9, %get3A_10] : memref<2000x32xf32, #tpu.memory_space<vmem>>, vector<2000x32xf32>
    %reduce_sum3A = arith.constant dense<0.000000e+00> : vector<2000xf32>
    %reduce_sum3A_12 = vector.multi_reduction <add>, %get3A_11, %reduce_sum3A [1] : vector<2000x32xf32> to vector<2000xf32>
    %broadcast_in_dim3A = vector.shape_cast %reduce_sum3A_12 : vector<2000xf32> to vector<2000x1xf32>
    %max3A = arith.constant 1.000000e+00 : f32
    %max3A_13 = vector.broadcast %max3A : f32 to vector<2000x1xf32>
    %max3A_14 = arith.maximumf %broadcast_in_dim3A, %max3A_13 : vector<2000x1xf32>
    %get3A_15 = arith.constant 0 : index
    %get3A_16 = arith.constant 0 : index
    %get3A_17 = vector.load %arg1[%get3A_15, %get3A_16] : memref<2000x128xf32, #tpu.memory_space<vmem>>, vector<2000x128xf32>
    %div3A = vector.broadcast %max3A_14 : vector<2000x1xf32> to vector<2000x128xf32>
    %div3A_18 = arith.divf %add3A, %div3A : vector<2000x128xf32>
    %add3A_19 = arith.addf %get3A_17, %div3A_18 : vector<2000x128xf32>
    %max3A_20 = arith.constant 0.000000e+00 : f32
    %max3A_21 = vector.broadcast %max3A_20 : f32 to vector<2000x128xf32>
    %max3A_22 = arith.maximumf %add3A_19, %max3A_21 : vector<2000x128xf32>
    %swap3A = arith.constant 0 : index
    %swap3A_23 = arith.constant 0 : index
    %swap3A_24 = vector.load %arg4[%swap3A, %swap3A_23] : memref<2000x128xf32, #tpu.memory_space<vmem>>, vector<2000x128xf32>
    tpu.vector_store %arg4[%swap3A, %swap3A_23], %max3A_22 {strides = array<i32>} : memref<2000x128xf32, #tpu.memory_space<vmem>>, vector<2000x128xf32>,
    return
  }
  func.func @transform_0(%arg0: i32) -> (i32, i32) {
    %c0_i32 = arith.constant 0 : i32
    %c0_i32_0 = arith.constant 0 : i32
    return %arg0, %c0_i32 : i32, i32
  }
  func.func @transform_1(%arg0: i32) -> (i32, i32, i32) {
    %c0_i32 = arith.constant 0 : i32
    %c0_i32_0 = arith.constant 0 : i32
    %c0_i32_1 = arith.constant 0 : i32
    return %c0_i32, %arg0, %c0_i32_0 : i32, i32, i32
  }
  func.func @transform_2(%arg0: i32) -> (i32, i32) {
    %c0_i32 = arith.constant 0 : i32
    %c0_i32_0 = arith.constant 0 : i32
    return %arg0, %c0_i32 : i32, i32
  }
  func.func @transform_3(%arg0: i32) -> (i32, i32) {
    %c0_i32 = arith.constant 0 : i32
    %c0_i32_0 = arith.constant 0 : i32
    return %arg0, %c0_i32 : i32, i32
  }
}

</mosaic_0001>

<sc_bundles>
// kernel: kernel.12.cloned.1.call-start
scs
__scs_entry_jumppad:
0x0: {  	(pc) =	sbr.rel $0x88, $3  }
0x1: {  	(tag) =	ssettag $0x0;
	lr =	simm.s32 $0x1  }
0x2: {  	[smem:$0x3F9B] =	sst lr;
	_ =	strace $0xD0000000  }
0x3: {  	_ = 	snop  }
0x4: {  	_ = 	snop  }
0x5: {  	_ = 	snop  }
0x6: {  	_ = 	snop  }
0x7: {  	_ = 	snop  }
__scs_overlays_trampoline_lowered:
0x8: {  	[smem:$0x3FAA] =	sst s0  }
0x9: {  	[smem:$0x3FAB] =	sst s1  }
0xa: {  	[smem:$0x3FAC] =	sst s2  }
0xb: {  	[smem:$0x3FAD] =	sst s3  }
0xc: {  	[smem:$0x3FAE] =	sst s4  }
0xd: {  	[smem:$0x3FAF] =	sst s5  }
0xe: {  	[smem:$0x3FB0] =	sst s6  }
0xf: {  	[smem:$0x3FB1] =	sst s7  }
0x10: {  	[smem:$0x3FB2] =	sst s8  }
0x11: {  	[smem:$0x3FB3] =	sst s9;
	s0 =	simm.s32 @!p0 $0x0  }
0x12: {  	s1 =	sld [smem:$0x3F99];
	s0 =	simm.s32 @p0 $0x1  }
0x13: {  	[smem:$0x3FB4] =	sst s0;
	s0 =	simm.s32 @!p1 $0x0  }
0x14: {  	s2 =	sld [smem:$0x3F98];
	s0 =	simm.s32 @p1 $0x1  }
0x15: {  	[smem:$0x3FB5] =	sst s0;
	s0 =	simm.s32 @!p2 $0x0  }
0x16: {  	s3 =	sld [smem:$0x3FDB];
	s0 =	simm.s32 @p2 $0x1  }
0x17: {  	s4 =	simm.s32 $0x1BF5;
	[smem:$0x3FB7] =	sst s0  }
0x18: {  	s0 =	sld [smem:$0x3F9A];
	_ =	swait.ge [sflag:s4], $0x0  }
0x19: {  	s7 =	sld [smem:$0x3F9B]  }
0x1a: {  	s8 =	sadd.s32 $0xFFFFE003, lr  }
0x1b: {  	s9 =	sadd.s32 $0xFFFFFEF7, lr;
	s5 =	simm.s32 $0xFFFFFFFF;
	p2 =	slt.u32 s8, $0xFFFFF086  }
0x1c: {  	p1 =	slt.u32 s9, $0xF7A;
	s5 =	simm.s32 @!p2 $0x0  }
0x1d: {  	s5 =	simm.s32 @p1 $0x1;
	p0 =	seq.s32 s7, s2  }
0x1e: {  	s7 =	smul.u32 @!p0 $0xF7A, s2;
	p2 =	seq.s32 @!p0 s5, $0x0  }
0x1f: {  	s9 =	smul.u32 $0xF7A, s1;
	s8 =	simm.s32 @!p0 $0x1BF5;
	p2 =	por !p2, p0  }
0x20: {  	[sflag:s8] =	ssyncset.s32 @!p0 $0xFFFFF086;
	s6 =	sadd.s32 @!p0 s3, s7;
	s7 =	simm.s32 @!p0 $0x108  }
0x21: {  	s3 =	sadd.s32 s3, s9;
	s6 =	sadd.s32 @!p0 $0x88, s6;
	s7 =	simm.s32 @p2 $0x1082  }
0x22: {  	[simem:s7], [sflag:s8] =	dma.local @!p0 [hbm:s6], $0xF7A  }
0x23: {  	s9 =	sor.u32 $0xD0000000, s2;
	s6 =	simm.s32 $0x108;
	_ =	swait.ge @!p0 [sflag:s8], $0x0  }
0x24: {  	s3 =	sadd.s32 $0x88, s3;
	s6 =	simm.s32 @!p1 $0x1082;
	[sflag:s4] =	ssyncset.s32 $0xFFFFF086  }
0x25: {  	[simem:s6], [sflag:s4] =	dma.local [hbm:s3], $0xF7A  }
0x26: {  	[smem:$0x3F9B] =	sst s1;
	(tag) =	ssettag s2;
	_ =	strace s9  }
0x27: {  	s1 =	sld [smem:$0x3FAB]  }
0x28: {  	s2 =	sld [smem:$0x3FAC]  }
0x29: {  	s4 =	sld [smem:$0x3FAE]  }
0x2a: {  	p0 =	seq.s32 s5, $0x0;
	s5 =	sld [smem:$0x3FAF]  }
0x2b: {  	s6 =	sld [smem:$0x3FB0]  }
0x2c: {  	s7 =	sld [smem:$0x3FB1]  }
0x2d: {  	s3 =	simm.s32 $0x108;
	s8 =	sld [smem:$0x3FB2]  }
0x2e: {  	s3 =	simm.s32 @!p0 $0x1082;
	s9 =	sld [smem:$0x3FB3]  }
0x2f: {  	lr =	sadd.s32 s0, s3;
	s0 =	sld [smem:$0x3FAA]  }
0x30: {  	s3 =	sld [smem:$0x3FAD]  }
0x31: {  	[smem:$0x3FB6] =	sst s10  }
0x32: {  	s10 =	sld [smem:$0x3FB4];
	_ =	sdelay $0x3  }
0x33: {  	p0 =	seq.s32 s10, $0x1;
	s10 =	sld [smem:$0x3FB6];
	_ =	sdelay $0x3  }
0x34: {  	[smem:$0x3FB6] =	sst s10  }
0x35: {  	s10 =	sld [smem:$0x3FB5];
	_ =	sdelay $0x3  }
0x36: {  	p1 =	seq.s32 s10, $0x1;
	s10 =	sld [smem:$0x3FB6];
	_ =	sdelay $0x3  }
0x37: {  	[smem:$0x3FB6] =	sst s10  }
0x38: {  	s10 =	sld [smem:$0x3FB7]  }
0x39: {  	_ = 	snop;
	(pc) =	sbr.ind lr, $3  }
0x3a: {  	_ = 	snop  }
0x3b: {  	_ = 	snop  }
0x3c: {  	p2 =	seq.s32 s10, $0x1;
	s10 =	sld [smem:$0x3FB6]  }
0x3d: {  	_ =	shalt  }
0x3e: {  	_ =	shalt  }
0x3f: {  	_ =	shalt  }
0x40: {  	_ =	shalt  }
0x41: {  	_ =	shalt  }
0x42: {  	_ =	shalt  }
0x43: {  	_ =	shalt  }
0x44: {  	_ =	shalt  }
0x45: {  	_ =	shalt  }
0x46: {  	_ =	shalt  }
0x47: {  	_ =	shalt  }
0x48: {  	_ =	shalt  }
0x49: {  	_ =	shalt  }
0x4a: {  	_ =	shalt  }
0x4b: {  	_ =	shalt  }
0x4c: {  	_ =	shalt  }
0x4d: {  	_ =	shalt  }
0x4e: {  	_ =	shalt  }
0x4f: {  	_ =	shalt  }
0x50: {  	_ =	shalt  }
0x51: {  	_ =	shalt  }
0x52: {  	_ =	shalt  }
0x53: {  	_ =	shalt  }
0x54: {  	_ =	shalt  }
0x55: {  	_ =	shalt  }
0x56: {  	_ =	shalt  }
0x57: {  	_ =	shalt  }
0x58: {  	_ =	shalt  }
0x59: {  	_ =	shalt  }
0x5a: {  	_ =	shalt  }
0x5b: {  	_ =	shalt  }
0x5c: {  	_ =	shalt  }
0x5d: {  	_ =	shalt  }
0x5e: {  	_ =	shalt  }
0x5f: {  	_ =	shalt  }
0x60: {  	_ =	shalt  }
0x61: {  	_ =	shalt  }
0x62: {  	_ =	shalt  }
0x63: {  	_ =	shalt  }
0x64: {  	_ =	shalt  }
0x65: {  	_ =	shalt  }
0x66: {  	_ =	shalt  }
0x67: {  	_ =	shalt  }
0x68: {  	_ =	shalt  }
0x69: {  	_ =	shalt  }
0x6a: {  	_ =	shalt  }
0x6b: {  	_ =	shalt  }
0x6c: {  	_ =	shalt  }
0x6d: {  	_ =	shalt  }
0x6e: {  	_ =	shalt  }
0x6f: {  	_ =	shalt  }
0x70: {  	_ =	shalt  }
0x71: {  	_ =	shalt  }
0x72: {  	_ =	shalt  }
0x73: {  	_ =	shalt  }
0x74: {  	_ =	shalt  }
0x75: {  	_ =	shalt  }
0x76: {  	_ =	shalt  }
0x77: {  	_ =	shalt  }
0x78: {  	_ =	shalt  }
0x79: {  	_ =	shalt  }
0x7a: {  	_ =	shalt  }
0x7b: {  	_ =	shalt  }
0x7c: {  	_ =	shalt  }
0x7d: {  	_ =	shalt  }
0x7e: {  	_ =	shalt  }
0x7f: {  	_ =	shalt  }
0x80: {  	_ =	shalt  }
0x81: {  	_ =	shalt  }
0x82: {  	_ =	shalt  }
0x83: {  	_ =	shalt  }
0x84: {  	_ =	shalt  }
0x85: {  	_ =	shalt  }
0x86: {  	_ =	shalt  }
0x87: {  	_ =	shalt  }
.Lfunc_end0:
.L_simem_size_0:
called_computation.1_lowered:
.L_overlay_start_0:
0x88: {  	s2 =	sld [smem:$0x3FD9]  }
0x89: {  	s3 =	sld [smem:$0x3FFE];
	_ =	sdelay $0x1  }
0x8a: {  	s1 =	srdreg.scid  }
0x8b: {  	s0 =	sand.u32 $0x1, s1  }
0x8c: {  	s17 =	sshll.u32 s0, $0xA;
	s2 =	sadd.s32 s3, s2  }
0x8d: {  	s2 =	sadd.s32 s2, s17  }
0x8e: {  	[smem:$0x3FC2] =	sst s2  }
0x8f: {  	_ = 	snop  }
0x90: {  	s18 =	sld [smem:$0x3FD0];
	(tm) =	ssettm $0x1  }
0x91: {  	s19 =	sld [smem:$0x3FFB];
	_ =	sdelay $0x3  }
0x92: {  	_ =	strace s19  }
0x93: {  	s2 =	sld [smem:$0x3FFC];
	_ =	sdelay $0x3  }
0x94: {  	_ =	strace s2  }
0x95: {  	s2 =	sld [smem:$0x3FFD];
	_ =	sdelay $0x3  }
0x96: {  	_ =	strace s2  }
0x97: {  	_ =	strace $0x8FFFFFFF  }
0x98: {  	s20 =	sld [smem:$0x3FDB];
	_ =	sdelay $0x1  }
0x99: {  	s4 =	simm.s32 $_scs_section_size  }
0x9a: {  	s5 =	simm.s32 $_size__tile_overlayer_lowered;
	s6 =	simm.s32 $_tile_overlayer_lowered  }
0x9b: {  	s7 =	simm.s32 $0x1BFF;
	s21 =	sshll.u32 s6, $0x1;
	s4 =	sadd.s32 s4, s20  }
0x9c: {  	s22 =	simm.s32 $0x0;
	s5 =	sshll.u32 s5, $0x1;
	s6 =	sadd.s32 s21, s4  }
0x9d: {  	[timem:s22], [sflag:s7] =	dma.local [hbm:s6], s5  }
0x9e: {  	_ =	swait.ge [sflag:s7], s5  }
0x9f: {  	s5 =	ssub.s32 $0x0, s5;
	[sflag:s7] =	ssyncset.done $0x0  }
0xa0: {  	[sflag:s7] =	ssyncadd.s32 s5;
	_ =	sdelay $0x1  }
0xa1: {  	s23 =	simm.s32 $0x1B8B  }
0xa2: {  	_ =	swait.ge [sflag:s23], $0x1  }
0xa3: {  	[sflag:s23] =	ssyncset.done $0x0  }
0xa4: {  	[sflag:s23] =	ssyncadd.s32 $0xFFFFFFFF  }
0xa5: {  	s5 =	sld [smem:$0x0]  }
0xa6: {  	s6 =	sand.u32 $0xFFFFFFFE, s1  }
0xa7: {  	p0 =	sne.s32 s1, s6  }
0xa8: {  	s6 =	sshll.u32 @p0 s6, $0xE  }
0xa9: {  	s6 =	sadd.s32 @p0 $0x11B8D, s6;
	s7 =	sshll.u32 @p0 s5, $0x11  }
0xaa: {  	s6 =	sor.u32 @p0 s7, s6  }
0xab: {  	[sflag:s6] =	ssyncadd.remote.s32 @p0 $0x1;
	_ =	sdelay $0x1  }
0xac: {  	s6 =	simm.s32 @p0 $0x1B8D  }
0xad: {  	_ =	swait.eq @p0 [sflag:s6], $0x1  }
0xae: {  	[sflag:s6] =	ssyncadd.s32 @p0 $0xFFFFFFFF  }
0xaf: {  	s7 =	sshll.u32 @!p0 s1, $0xE  }
0xb0: {  	s7 =	sor.u32 @!p0 $0x4000, s7;
	s6 =	simm.s32 @!p0 $0x1B8D  }
0xb1: {  	s5 =	sshll.u32 @!p0 s5, $0x11;
	s7 =	sadd.s32 @!p0 $0x11B8D, s7;
	_ =	swait.eq @!p0 [sflag:s6], $0x1  }
0xb2: {  	s5 =	sor.u32 @!p0 s5, s7;
	[sflag:s6] =	ssyncadd.s32 @!p0 $0xFFFFFFFF  }
0xb3: {  	s25 =	simm.s32 $0x1B8E;
	s24 =	sld [smem:$0x3FFE];
	[sflag:s5] =	ssyncadd.remote.s32 @!p0 $0x1  }
0xb4: {  	s26 =	simm.s32 $execute0_lowered;
	[smem:$0x3FD2] =	sst s25  }
0xb5: {  	s6 =	sshll.u32 s26, $0x1;
	_ =	strace $0x80000049;
	[dreg:$0x1] =	wrdreg $0xFFFFFFFF  }
0xb6: {  	s28 =	simm.s32 $_size_execute0_lowered;
	s4 =	sadd.s32 s4, s6;
	[dreg:$0x0] =	wrdreg $0x0  }
0xb7: {  	s6 =	sshll.u32 s28, $0x1;
	[dreg:$0x2] =	wrdreg s4  }
0xb8: {  	[dreg:$0x3] =	wrdreg s6  }
0xb9: {  	[dreg:$0x4] =	wrdreg $0xC0  }
0xba: {  	_ =	task [dreg:s22], $0x5FFFF  }
0xbb: {  	[dreg:$0x1] =	wrdreg $0xFFFFFFFF  }
0xbc: {  	[dreg:$0x0] =	wrdreg $0x60  }
0xbd: {  	[dreg:$0x2] =	wrdreg s18  }
0xbe: {  	[dreg:$0x3] =	wrdreg s24  }
0xbf: {  	[dreg:$0x4] =	wrdreg $0xA5000  }
0xc0: {  	[dreg:$0x5] =	wrdreg $0xA  }
0xc1: {  	_ =	task.clear_ibuf [dreg:s22], $0x6FFFF;
	_ =	strace $0x90000049  }
0xc2: {  	s29 =	simm.s32 $0xA;
	_ =	strace $0x8000004B  }
0xc3: {  	_ =	swait.ge [sflag:s29], $0x1  }
0xc4: {  	[sflag:s29] =	ssyncadd.s32 $0xFFFFFFFF  }
0xc5: {  	_ =	strace $0x9000004B  }
0xc6: {  	_ =	sfence  }
0xc7: {  	s30 =	sld [smem:$0x0];
	_ =	sdelay $0x2  }
0xc8: {  	s31 =	sshll.u32 s1, $0xD;
	s1 =	sshrl.u32 s1, $0x2  }
0xc9: {  	s4 =	sand.u32 $0x4000, s31;
	s1 =	sadd.s32 s1, s30  }
0xca: {  	s0 =	sor.u32 s4, s0;
	s1 =	sshll.u32 s1, $0x11  }
0xcb: {  	s0 =	sor.u32 s1, s0  }
0xcc: {  	s0 =	sadd.s32 $0x8F2B, s0  }
0xcd: {  	[sflag:s0] =	ssyncadd.remote.s32 $0x1  }
0xce: {  	_ =	sfence.sel $0xFFFF  }
0xcf: {  	[dreg:$0x0] =	wrdreg $0xFFFFFFFF;
	(pc) =	sbr.abs _section_cstart, $3  }
0xd0: {  	[dreg:$0x1] =	wrdreg $0xFFFFFFFF  }
0xd1: {  	_ =	task.clear_ibuf [dreg:s22], $0x2FFFF;
	_ =	strace $0x9FFFFFFF  }
0xd2: {  	(tm) =	ssettm $0x7FFFFFFF  }
0xd3: {  	_ =	shalt  }
tec
execute0_lowered:
.L_overlay_start_1:
0x0: {  	(tag) =	ssettag $0x1  }
0x1: {  	s1 =	rddreg [dreg:$0x0]  }
0x2: {  	s0 =	rddreg [dreg:$0x1]  }
0x3: {  	s3 =	rddreg [dreg:$0x2];
	s2 =	srdreg.scid  }
0x4: {  	s15 =	stileid.u32;
	s4 =	simm.s32 $0x0;
	s29 =	simm.s32 $0xA400  }
0x5: {  	s31 =	simm.s32 $0x13;
	s28 =	simm.s32 $0x3;
	s2 =	sand.u32 $0x1, s2  }
0x6: {  	s5 =	sshll.u32 s15, $0x1;
	[smem:$0x7FF] =	sst s4;
	s11 =	smul.u32 $0x4E000, s15  }
0x7: {  	s6 =	sadd.s32 $0x3200, s0;
	s22 =	smul.u32 $0x13800, s15;
	p0 =	sne.s32 s15, $0xF  }
0x8: {  	s30 =	sadd.s32 $0x138000, s3;
	s5 =	sor.u32 s2, s5;
	s20 =	smul.u32 $0x138800, s2  }
0x9: {  	_ =	strace $0x8000004A;
	s8 =	ssub.s32 $0x2, s2;
	s2 =	smul.u32 $0x2710, s2  }
0xa: {  	[smem:$0x7FD] =	sst s30;
	s7 =	smul.u32 $0x2710, s5;
	s5 =	sadd.s32 $0xD000, s0  }
0xb: {  	s9 =	sshrl.u32 s8, $0x1;
	s0 =	sadd.s32 $0x20C00, s0;
	s18 =	sshrl.u32 s11, $0x2  }
0xc: {  	s8 =	ssub.s32 s8, s9;
	s23 =	sadd.s32 s18, s3;
	s11 =	sshrl.u32 s20, $0x3  }
0xd: {  	s10 =	sshrl.u32 s7, $0x3;
	s26 =	sadd.s32 $0x1A0, s7;
	[dreg:$0x6] =	wrdreg s23  }
0xe: {  	s17 =	sadd.s32 $0x4E0, s10;
	s21 =	sadd.s32 s5, s10;
	[dreg:$0xb] =	wrdreg s26  }
0xf: {  	s24 =	sadd.s32 $0x1A, s10;
	s10 =	sadd.s32 s6, s10;
	[dreg:$0x7] =	wrdreg s21  }
0x10: {  	s18 =	sshrl.u32 s26, $0x3;
	s26 =	sadd.s32 $0x3A8, s7;
	[dreg:$0xd] =	wrdreg s10  }
0x11: {  	s19 =	sadd.s32 $0x68, s7;
	s12 =	sadd.s32 s6, s17;
	[dreg:$0x15] =	wrdreg s26  }
0x12: {  	s14 =	sadd.s32 $0x138, s7;
	s9 =	sadd.s32 s5, s17;
	[dreg:$0x4] =	wrdreg s12  }
0x13: {  	s14 =	sshrl.u32 s14, $0x3;
	s16 =	sadd.s32 s5, s24;
	[dreg:$0x5] =	wrdreg s9  }
0x14: {  	s25 =	sadd.s32 s5, s14;
	s17 =	smul.u32 $0x4E20, s15;
	[dreg:$0x9] =	wrdreg s16  }
0x15: {  	s10 =	sadd.s32 $0x410, s7;
	s26 =	sadd.s32 $0x10400, s23;
	[dreg:$0xa] =	wrdreg s25  }
0x16: {  	s15 =	simm.s32 $0x1;
	s9 =	sshrl.u32 s19, $0x3;
	[dreg:$0x16] =	wrdreg s10  }
0x17: {  	s12 =	sadd.s32 s22, s20;
	s19 =	sadd.s32 s6, s24;
	[smem:$0x7FC] =	sst s26  }
0x18: {  	s20 =	sadd.s32 s6, s14;
	s22 =	sadd.s32 $0x208, s7;
	[dreg:$0xf] =	wrdreg s19  }
0x19: {  	s24 =	sadd.s32 s5, s18;
	s25 =	sadd.s32 s6, s18;
	[dreg:$0x10] =	wrdreg s20  }
0x1a: {  	s26 =	simm.s32 $0xA;
	s10 =	simm.s32 $0x10;
	[dreg:$0x12] =	wrdreg s24  }
0x1b: {  	s13 =	sadd.s32 s5, s9;
	s12 =	sshrl.u32 s12, $0x3;
	[dreg:$0x13] =	wrdreg s25  }
0x1c: {  	s9 =	sadd.s32 s6, s9;
	s21 =	sadd.s32 s2, s17;
	[dreg:$0x11] =	wrdreg s22  }
0x1d: {  	s2 =	sshrl.u32 s22, $0x3;
	s22 =	sadd.s32 $0x6800, s23;
	s24 =	sadd.s32 $0x9C00, s23  }
0x1e: {  	s25 =	sadd.s32 $0xD000, s23;
	[dreg:$0x8] =	wrdreg s13;
	s12 =	sadd.s32 s0, s12  }
0x1f: {  	s0 =	sadd.s32 s0, s11;
	[dreg:$0xe] =	wrdreg s9;
	s2 =	sadd.s32 s6, s2  }
0x20: {  	s11 =	smax.u32 s8, $0x1;
	s13 =	sadd.s32 $0x340, s21;
	[dreg:$0x1f] =	wrdreg s22  }
0x21: {  	s14 =	sadd.s32 $0x2D8, s21;
	s7 =	sadd.s32 $0x270, s21;
	[smem:$0x7FA] =	sst s24  }
0x22: {  	[smem:$0x7FB] =	sst s25;
	s9 =	simm.s32 $0x3400;
	s22 =	simm.s32 $0xE  }
0x23: {  	s8 =	simm.s32 $0xF;
	s25 =	simm.s32 $0x11;
	[dreg:$0xc] =	wrdreg s12  }
0x24: {  	s24 =	simm.s32 $0x0;
	[dreg:$0x14] =	wrdreg s2;
	s0 =	sadd.s32 $0x27000, s0  }
0x25: {  	[dreg:$0x18] =	wrdreg s11;
	s12 =	sadd.s32 $0x138, s21;
	s16 =	sshrl.u32 s13, $0x3  }
0x26: {  	s17 =	sshrl.u32 s14, $0x3;
	s21 =	sadd.s32 $0x3400, s23;
	s2 =	simm.s32 $0xA480  }
0x27: {  	s13 =	simm.s32 $0x68;
	s11 =	simm.s32 $0xD;
	s14 =	simm.s32 $0xC  }
0x28: {  	[dreg:$0x17] =	wrdreg s0;
	s0 =	sshrl.u32 s12, $0x3;
	s18 =	sadd.s32 s16, s6  }
0x29: {  	s19 =	sadd.s32 s17, s6;
	s20 =	sadd.s32 s17, s5;
	[dreg:$0x1e] =	wrdreg s21  }
.Ltmp0:
0x2a: {  	s12 =	simm.s32 $0x8;
	[dreg:$0x1a] =	wrdreg s18;
	(pc) =	sbr.rel .LBB2_1-.Ltmp0, $4  }
0x2b: {  	s17 =	simm.s32 $0x9;
	s21 =	simm.s32 $0x2;
	[dreg:$0x1c] =	wrdreg s19  }
0x2c: {  	s0 =	sadd.s32 s0, s6;
	[dreg:$0x1d] =	wrdreg s20;
	s18 =	simm.s32 $0x9E80  }
0x2d: {  	s19 =	simm.s32 $0x6800;
	[dreg:$0x19] =	wrdreg s0;
	s0 =	sadd.s32 s16, s5  }
0x2e: {  	v0 =	vimm.f32 $0.0e+00;
	s20 =	simm.s32 $0x6;
	s16 =	simm.s32 $0xB;
	[dreg:$0x1b] =	wrdreg s0  }
.LBB2_6:
0x2f: {  	_ =	swait.ge [sflag:s28], $0x3400  }
0x30: {  	[sflag:s28] =	ssyncset.done $0x0  }
0x31: {  	s0 =	simm.s32 $0x12;
	[sflag:s28] =	ssyncadd.s32 $0xFFFFCC00  }
0x32: {  	_ =	swait.ge [sflag:s0], $0x68  }
0x33: {  	[sflag:s0] =	ssyncset.done $0x0  }
0x34: {  	s23 =	simm.s32 $0xA280;
	s24 =	simm.s32 $0x4;
	[sflag:s0] =	ssyncadd.s32 $0xFFFFFF98  }
0x35: {  	[spmem:s3] =	stream.indirect.scatter.add.f32 [tilespmem:s19], [sflag:$0x6], $0x80, s23, s13, $0xb8;
	[tilespmem:$0x1DD80] =	vst v63  }
0x36: {  	_ =	swait.ge [sflag:s24], $0x3400  }
0x37: {  	[sflag:s24] =	ssyncset.done $0x0  }
0x38: {  	s2 =	simm.s32 $0x5;
	[sflag:s24] =	ssyncadd.s32 $0xFFFFCC00  }
0x39: {  	_ =	swait.ge [sflag:s2], $0x3400  }
0x3a: {  	[sflag:s2] =	ssyncset.done $0x0  }
0x3b: {  	[sflag:s2] =	ssyncadd.s32 $0xFFFFCC00  }
0x3c: {  	_ =	swait.ge [sflag:s20], $0x3400  }
0x3d: {  	[sflag:s20] =	ssyncset.done $0x0  }
0x3e: {  	s23 =	simm.s32 $0xA480;
	[sflag:s20] =	ssyncadd.s32 $0xFFFFCC00  }
0x3f: {  	[tilespmem:s4], [sflag:$0x1] =	stream.indirect.gather [hbm4b:s1+s10], $0x80, s23, s10, $0xb8;
	[tilespmem:$0x1DD80] =	vst v63  }
0x40: {  	_ =	swait.ge [sflag:s15], $0x800  }
0x41: {  	[sflag:s15] =	ssyncset.done $0x0  }
0x42: {  	s29 =	simm.s32 $0xA400;
	s31 =	simm.s32 $0x13;
	[sflag:s15] =	ssyncadd.s32 $0xFFFFF800  }
0x43: {  	[spmem:s3] =	stream.indirect.scatter.add.f32 [tilespmem:s4], [sflag:$0x13], $0x80, s29, s10, $0xb8;
	[tilespmem:$0x1DD80] =	vst v63  }
0x44: {  	_ =	swait.ge [sflag:s31], $0x800  }
0x45: {  	[sflag:s31] =	ssyncset.done $0x0  }
0x46: {  	[sflag:s31] =	ssyncadd.s32 $0xFFFFF800  }
0x47: {  	s24 =	stileid.u32;
	[bflag:$0x0] =	sbarrier.arrive $0xFFFF  }
0x48: {  	s0 =	sshll.u32 s24, $0x6;
	s23 =	rddreg [dreg:$0x6]  }
0x49: {  	s0 =	sor.u32 $0x1C13, s0;
	s24 =	rddreg [dreg:$0xc];
	s2 =	sshrl.u32 s23, $0x3  }
0x4a: {  	[hbm:s24], [sflag:s0] =	dma.local [spmem:s2], $0x2700  }
0x4b: {  	_ =	swait.ge [sflag:s31], $0x2700  }
0x4c: {  	s30 =	sld [smem:$0x7FD];
	_ =	sdelay $0x1  }
0x4d: {  	[sflag:s31] =	ssyncset.done $0x0  }
0x4e: {  	s24 =	rddreg [dreg:$0x17];
	[sflag:s31] =	ssyncadd.s32 $0xFFFFD900;
	s2 =	sshrl.u32 @!p0 s30, $0x3  }
0x4f: {  	[hbm:s24], [sflag:s0] =	dma.local @!p0 [spmem:s2], $0x100  }
0x50: {  	s0 =	simm.s32 @!p0 $0x13  }
0x51: {  	_ =	swait.ge @!p0 [sflag:s0], $0x100  }
0x52: {  	s2 =	sld [smem:$0x7F9];
	_ =	sdelay $0x2  }
0x53: {  	s24 =	sadd.s32 $0x1, s2;
	s2 =	rddreg [dreg:$0x18]  }
0x54: {  	p1 =	sne.s32 s24, s2  }
.Ltmp1:
0x55: {  	_ = 	snop;
	(pc) =	sbr.rel @!p1 .LBB2_7-.Ltmp1, $3  }
0x56: {  	_ =	sdelay $0x1  }
0x57: {  	[sflag:s0] =	ssyncset.done @!p0 $0x0  }
0x58: {  	[sflag:s0] =	ssyncadd.s32 @!p0 $0xFFFFFF00;
	s2 =	simm.s32 $0xA480  }
.LBB2_1:
0x59: {  	[smem:$0x7F9] =	sst s24  }
0x5a: {  	s0 =	rddreg [dreg:$0x4]  }
0x5b: {  	[tilespmem:s29], [sflag:$0x13] =	stream.linear.gather [hbm4b:s0+s4], $0x10, $0x38;
	[tilespmem:$0x1DD80] =	vst v63  }
0x5c: {  	_ =	swait.ge [sflag:s31], $0x10  }
0x5d: {  	[sflag:s31] =	ssyncset.done $0x0  }
0x5e: {  	s24 =	rddreg [dreg:$0x5];
	[sflag:s31] =	ssyncadd.s32 $0xFFFFFFF0  }
0x5f: {  	[tilespmem:s2], [sflag:$0x13] =	stream.linear.gather [hbm4b:s24+s4], $0x10, $0x38;
	[tilespmem:$0x1DD80] =	vst v63  }
0x60: {  	_ =	swait.ge [sflag:s31], $0x10  }
0x61: {  	[sflag:s31] =	ssyncset.done $0x0  }
0x62: {  	s29 =	simm.s32 $0x200;
	s24 =	simm.s32 $0x0;
	[sflag:s31] =	ssyncadd.s32 $0xFFFFFFF0  }
.LBB2_2:
0x63: {  	p1 =	sne.s32 s29, $0xCE00;
	[tilespmem:s24+$0x70] =	vst v0  }
0x64: {  	[tilespmem:s24+$0x0] =	vst v0  }
0x65: {  	[tilespmem:s24+$0x10] =	vst v0  }
.Ltmp2:
0x66: {  	[tilespmem:s24+$0x20] =	vst v0;
	(pc) =	sbr.rel @p1 .LBB2_2-.Ltmp2, $4  }
0x67: {  	[tilespmem:s24+$0x30] =	vst v0  }
0x68: {  	[tilespmem:s24+$0x40] =	vst v0  }
0x69: {  	[tilespmem:s24+$0x50] =	vst v0  }
0x6a: {  	[tilespmem:s24+$0x60] =	vst v0;
	s24 =	sshra.s32 s29, $0x2;
	s29 =	sadd.s32 $0x200, s29  }
0x6b: {  	[tilespmem:s24+$0x70] =	vst v0  }
0x6c: {  	[tilespmem:s24+$0x0] =	vst v0  }
0x6d: {  	[tilespmem:s24+$0x10] =	vst v0  }
0x6e: {  	[tilespmem:s24+$0x20] =	vst v0  }
0x6f: {  	[tilespmem:s24+$0x30] =	vst v0  }
0x70: {  	[tilespmem:s24+$0x40] =	vst v0  }
0x71: {  	[tilespmem:s24+$0x50] =	vst v0  }
0x72: {  	[tilespmem:s24+$0x60] =	vst v0  }
0x73: {  	[spmem:s23] =	stream.linear.scatter [tilespmem:s4], [sflag:$0x13], $0x3400, $0x38;
	[tilespmem:$0x1DD80] =	vst v63  }
0x74: {  	_ =	swait.ge [sflag:s31], $0x3400  }
0x75: {  	[sflag:s31] =	ssyncset.done $0x0  }
0x76: {  	s0 =	rddreg [dreg:$0x1e];
	[sflag:s31] =	ssyncadd.s32 $0xFFFFCC00  }
0x77: {  	[spmem:s0] =	stream.linear.scatter [tilespmem:s4], [sflag:$0x13], $0x3400, $0x38;
	[tilespmem:$0x1DD80] =	vst v63  }
0x78: {  	_ =	swait.ge [sflag:s31], $0x3400  }
0x79: {  	[sflag:s31] =	ssyncset.done $0x0  }
0x7a: {  	s24 =	rddreg [dreg:$0x1f];
	[sflag:s31] =	ssyncadd.s32 $0xFFFFCC00  }
0x7b: {  	[spmem:s24] =	stream.linear.scatter [tilespmem:s4], [sflag:$0x13], $0x3400, $0x38;
	[tilespmem:$0x1DD80] =	vst v63  }
0x7c: {  	_ =	swait.ge [sflag:s31], $0x3400  }
0x7d: {  	s2 =	sld [smem:$0x7FA]  }
0x7e: {  	[sflag:s31] =	ssyncset.done $0x0  }
0x7f: {  	[sflag:s31] =	ssyncadd.s32 $0xFFFFCC00  }
0x80: {  	[spmem:s2] =	stream.linear.scatter [tilespmem:s4], [sflag:$0x13], $0x3400, $0x38;
	[tilespmem:$0x1DD80] =	vst v63  }
0x81: {  	_ =	swait.ge [sflag:s31], $0x3400  }
0x82: {  	s23 =	sld [smem:$0x7FB]  }
0x83: {  	[sflag:s31] =	ssyncset.done $0x0  }
0x84: {  	[sflag:s31] =	ssyncadd.s32 $0xFFFFCC00  }
0x85: {  	[spmem:s23] =	stream.linear.scatter [tilespmem:s4], [sflag:$0x13], $0x3400, $0x38;
	[tilespmem:$0x1DD80] =	vst v63  }
0x86: {  	_ =	swait.ge [sflag:s31], $0x3400  }
0x87: {  	s24 =	sld [smem:$0x7FC]  }
0x88: {  	[sflag:s31] =	ssyncset.done $0x0  }
0x89: {  	[sflag:s31] =	ssyncadd.s32 $0xFFFFCC00  }
0x8a: {  	[spmem:s24] =	stream.linear.scatter [tilespmem:s4], [sflag:$0x13], $0x3400, $0x38;
	[tilespmem:$0x1DD80] =	vst v63  }
0x8b: {  	_ =	swait.ge [sflag:s31], $0x3400  }
0x8c: {  	[sflag:s31] =	ssyncset.done $0x0  }
0x8d: {  	s24 =	simm.s32 @!p0 $0x0;
	[sflag:s31] =	ssyncadd.s32 $0xFFFFCC00  }
0x8e: {  	[spmem:s30] =	stream.linear.scatter @!p0 [tilespmem:s24], [sflag:$0x13], $0x800, $0x38;
	[tilespmem:$0x1DD80] =	vst v63  }
0x8f: {  	s24 =	simm.s32 @!p0 $0x13  }
0x90: {  	_ =	swait.ge @!p0 [sflag:s24], $0x800  }
0x91: {  	[sflag:s24] =	ssyncset.done @!p0 $0x0  }
0x92: {  	[sflag:s24] =	ssyncadd.s32 @!p0 $0xFFFFF800  }
0x93: {  	[bflag:$0x0] =	sbarrier.arrive $0xFFFF  }
0x94: {  	s2 =	simm.s32 $0x9C00;
	s30 =	simm.s32 $0x0;
	s31 =	rddreg [dreg:$0x7]  }
0x95: {  	[tilespmem:s2], [sflag:$0x7] =	stream.linear.gather [hbm4b:s31+s30], $0x68, $0x38;
	[tilespmem:$0x1DD80] =	vst v63  }
0x96: {  	s23 =	simm.s32 $0x9C80;
	s2 =	rddreg [dreg:$0x8]  }
0x97: {  	[tilespmem:s23], [sflag:$0x8] =	stream.linear.gather [hbm4b:s2+s30], $0x68, $0x38;
	[tilespmem:$0x1DD80] =	vst v63  }
0x98: {  	s24 =	rddreg [dreg:$0x9];
	s31 =	simm.s32 $0x9D00  }
0x99: {  	[tilespmem:s31], [sflag:$0x9] =	stream.linear.gather [hbm4b:s24+s30], $0x68, $0x38;
	[tilespmem:$0x1DD80] =	vst v63  }
0x9a: {  	s2 =	rddreg [dreg:$0xa];
	s23 =	simm.s32 $0x9D80  }
0x9b: {  	[tilespmem:s23], [sflag:$0xA] =	stream.linear.gather [hbm4b:s2+s30], $0x68, $0x38;
	[tilespmem:$0x1DD80] =	vst v63  }
0x9c: {  	s24 =	rddreg [dreg:$0x12];
	s31 =	simm.s32 $0x9E00  }
0x9d: {  	[tilespmem:s31], [sflag:$0xB] =	stream.linear.gather [hbm4b:s24+s30], $0x68, $0x38;
	[tilespmem:$0x1DD80] =	vst v63  }
0x9e: {  	s2 =	rddreg [dreg:$0xd];
	s23 =	simm.s32 $0xA000  }
0x9f: {  	[tilespmem:s23], [sflag:$0xD] =	stream.linear.gather [hbm4b:s2+s30], $0x68, $0x38;
	[tilespmem:$0x1DD80] =	vst v63  }
0xa0: {  	s24 =	rddreg [dreg:$0xe];
	s31 =	simm.s32 $0xA080  }
0xa1: {  	[tilespmem:s31], [sflag:$0xE] =	stream.linear.gather [hbm4b:s24+s30], $0x68, $0x38;
	[tilespmem:$0x1DD80] =	vst v63  }
0xa2: {  	s2 =	rddreg [dreg:$0xf];
	s23 =	simm.s32 $0xA100  }
0xa3: {  	[tilespmem:s23], [sflag:$0xF] =	stream.linear.gather [hbm4b:s2+s30], $0x68, $0x38;
	[tilespmem:$0x1DD80] =	vst v63  }
0xa4: {  	s24 =	rddreg [dreg:$0x10];
	s31 =	simm.s32 $0xA180  }
0xa5: {  	[tilespmem:s31], [sflag:$0x10] =	stream.linear.gather [hbm4b:s24+s30], $0x68, $0x38;
	[tilespmem:$0x1DD80] =	vst v63  }
0xa6: {  	s2 =	rddreg [dreg:$0x13];
	s23 =	simm.s32 $0xA200  }
0xa7: {  	[tilespmem:s23], [sflag:$0x11] =	stream.linear.gather [hbm4b:s2+s30], $0x68, $0x38;
	[tilespmem:$0x1DD80] =	vst v63  }
0xa8: {  	s29 =	simm.s32 $0x0;
	s24 =	rddreg [dreg:$0x14];
	s31 =	simm.s32 $0xA280  }
0xa9: {  	[tilespmem:s31], [sflag:$0x12] =	stream.linear.gather [hbm4b:s24+s30], $0x68, $0x38;
	[tilespmem:$0x1DD80] =	vst v63  }
.LBB2_4:
0xaa: {  	p1 =	seq.s32 s29, $0x0  }
0xab: {  	s24 =	simm.s32 @p1 $0x7  }
0xac: {  	_ =	swait.ge @p1 [sflag:s24], $0x68  }
0xad: {  	s31 =	simm.s32 @p1 $0x9C00;
	[sflag:s24] =	ssyncset.done @p1 $0x0  }
0xae: {  	s0 =	simm.s32 @p1 $0x0;
	[sflag:s24] =	ssyncadd.s32 @p1 $0xFFFFFF98;
	s24 =	simm.s32 @p1 $0x68  }
0xaf: {  	[tilespmem:s0], [sflag:$0x1] =	stream.indirect.gather @p1 [hbm4b:s1+s24], $0x80, s31, s24, $0xb8;
	[tilespmem:$0x1DD80] =	vst v63  }
0xb0: {  	s0 =	simm.s32 @!p1 $0x4  }
0xb1: {  	_ =	swait.ge @!p1 [sflag:s0], $0x3400  }
0xb2: {  	[sflag:s0] =	ssyncset.done @!p1 $0x0  }
0xb3: {  	[sflag:s0] =	ssyncadd.s32 @!p1 $0xFFFFCC00;
	s0 =	rddreg [dreg:$0x19]  }
0xb4: {  	s2 =	simm.s32 @!p1 $0x0;
	s24 =	simm.s32 @!p1 $0xA180;
	s0 =	sadd.s32 @!p1 s29, s0  }
0xb5: {  	[tilespmem:s24], [sflag:$0x10] =	stream.linear.gather @!p1 [hbm4b:s0+s2], $0x68, $0x38;
	[tilespmem:$0x1DD80] =	vst v63  }
0xb6: {  	s0 =	simm.s32 @!p1 $0x7  }
0xb7: {  	_ =	swait.ge @!p1 [sflag:s0], $0x68  }
0xb8: {  	[sflag:s0] =	ssyncset.done @!p1 $0x0  }
0xb9: {  	s24 =	simm.s32 @!p1 $0x9C00;
	[sflag:s0] =	ssyncadd.s32 @!p1 $0xFFFFFF98;
	s0 =	simm.s32 @!p1 $0x68  }
0xba: {  	[tilespmem:s2], [sflag:$0x1] =	stream.indirect.gather @!p1 [hbm4b:s1+s0], $0x80, s24, s0, $0xb8;
	[tilespmem:$0x1DD80] =	vst v63  }
0xbb: {  	s24 =	simm.s32 @!p1 $0x3  }
0xbc: {  	_ =	swait.ge @!p1 [sflag:s24], $0x3400  }
0xbd: {  	[sflag:s24] =	ssyncset.done @!p1 $0x0  }
0xbe: {  	[sflag:s24] =	ssyncadd.s32 @!p1 $0xFFFFCC00;
	s24 =	simm.s32 @!p1 $0x12  }
0xbf: {  	_ =	swait.ge @!p1 [sflag:s24], $0x68  }
0xc0: {  	[sflag:s24] =	ssyncset.done @!p1 $0x0  }
0xc1: {  	s31 =	simm.s32 @!p1 $0x6800;
	[sflag:s24] =	ssyncadd.s32 @!p1 $0xFFFFFF98;
	s24 =	simm.s32 @!p1 $0xA280  }
0xc2: {  	[spmem:s3] =	stream.indirect.scatter.add.f32 @!p1 [tilespmem:s31], [sflag:$0x6], $0x80, s24, s0, $0xb8;
	[tilespmem:$0x1DD80] =	vst v63  }
0xc3: {  	s24 =	smov.u32 s30  }
0xc4: {  	s31 =	rddreg [dreg:$0x11];
	s24 =	simm.s32 @p1 $0x0  }
0xc5: {  	s0 =	sadd.s32 s24, s31  }
0xc6: {  	s31 =	sshrl.u32 s0, $0x3  }
0xc7: {  	s0 =	sadd.s32 s5, s31  }
0xc8: {  	[tilespmem:s18], [sflag:$0xC] =	stream.linear.gather [hbm4b:s0+s4], $0x68, $0x38;
	[tilespmem:$0x1DD80] =	vst v63  }
0xc9: {  	s0 =	simm.s32 @!p1 $0x5  }
0xca: {  	_ =	swait.ge @!p1 [sflag:s0], $0x3400  }
0xcb: {  	s23 =	rddreg [dreg:$0xb]  }
0xcc: {  	s23 =	sadd.s32 @!p1 s24, s23  }
0xcd: {  	[sflag:s0] =	ssyncset.done @!p1 $0x0;
	s23 =	sshrl.u32 @!p1 s23, $0x3  }
0xce: {  	[sflag:s0] =	ssyncadd.s32 @!p1 $0xFFFFCC00;
	s0 =	sadd.s32 @!p1 s6, s23;
	s23 =	simm.s32 @!p1 $0xA200  }
0xcf: {  	[tilespmem:s23], [sflag:$0x11] =	stream.linear.gather @!p1 [hbm4b:s0+s2], $0x68, $0x38;
	[tilespmem:$0x1DD80] =	vst v63  }
0xd0: {  	_ =	swait.ge [sflag:s12], $0x68  }
0xd1: {  	[sflag:s12] =	ssyncset.done $0x0  }
0xd2: {  	s23 =	simm.s32 $0x9C80;
	[sflag:s12] =	ssyncadd.s32 $0xFFFFFF98  }
0xd3: {  	[tilespmem:s9], [sflag:$0x2] =	stream.indirect.gather [hbm4b:s1+s13], $0x80, s23, s13, $0xb8;
	[tilespmem:$0x1DD80] =	vst v63  }
0xd4: {  	_ =	swait.ge [sflag:s15], $0x3400  }
0xd5: {  	[sflag:s15] =	ssyncset.done $0x0  }
0xd6: {  	[sflag:s15] =	ssyncadd.s32 $0xFFFFCC00  }
0xd7: {  	s2 =	simm.s32 $0xA000;
	p1 =	seq.s32 s29, $0x492;
	_ =	swait.ge [sflag:s11], $0x68  }
0xd8: {  	s0 =	sadd.s32 @!p1 s30, s7;
	p2 =	seq.s32 @!p1 s29, $0x0;
	[sflag:s11] =	ssyncset.done $0x0  }
0xd9: {  	s0 =	sshrl.u32 @!p1 s0, $0x3;
	p2 =	por p1, !p2;
	[sflag:s11] =	ssyncadd.s32 $0xFFFFFF98  }
0xda: {  	[spmem:s3] =	stream.indirect.scatter.add.f32 [tilespmem:s4], [sflag:$0x4], $0x80, s2, s13, $0xb8;
	[tilespmem:$0x1DD80] =	vst v63  }
0xdb: {  	s0 =	sadd.s32 @!p1 s5, s0;
	s23 =	simm.s32 @!p1 $0x9C00;
	s2 =	simm.s32 @!p1 $0x0  }
0xdc: {  	[tilespmem:s23], [sflag:$0x7] =	stream.linear.gather @!p1 [hbm4b:s0+s2], $0x68, $0x38;
	[tilespmem:$0x1DD80] =	vst v63  }
0xdd: {  	_ =	swait.ge @p2 [sflag:s20], $0x3400  }
0xde: {  	[sflag:s20] =	ssyncset.done @p2 $0x0  }
0xdf: {  	s0 =	sadd.s32 @p2 s6, s31;
	s2 =	simm.s32 @p2 $0xA280;
	[sflag:s20] =	ssyncadd.s32 @p2 $0xFFFFCC00  }
0xe0: {  	[tilespmem:s2], [sflag:$0x12] =	stream.linear.gather @p2 [hbm4b:s0+s4], $0x68, $0x38;
	[tilespmem:$0x1DD80] =	vst v63  }
0xe1: {  	_ =	swait.ge [sflag:s17], $0x68  }
0xe2: {  	[sflag:s17] =	ssyncset.done $0x0  }
0xe3: {  	s23 =	simm.s32 $0x9D00;
	[sflag:s17] =	ssyncadd.s32 $0xFFFFFF98  }
0xe4: {  	[tilespmem:s19], [sflag:$0x3] =	stream.indirect.gather [hbm4b:s1+s13], $0x80, s23, s13, $0xb8;
	[tilespmem:$0x1DD80] =	vst v63  }
0xe5: {  	_ =	swait.ge [sflag:s21], $0x3400  }
0xe6: {  	[sflag:s21] =	ssyncset.done $0x0  }
0xe7: {  	[sflag:s21] =	ssyncadd.s32 $0xFFFFCC00  }
0xe8: {  	_ =	swait.ge [sflag:s22], $0x68  }
0xe9: {  	s31 =	simm.s32 $0xA080;
	[sflag:s22] =	ssyncset.done $0x0  }
0xea: {  	p2 =	sne.s32 s29, $0x492;
	s0 =	rddreg [dreg:$0x1d];
	[sflag:s22] =	ssyncadd.s32 $0xFFFFFF98  }
0xeb: {  	[spmem:s3] =	stream.indirect.scatter.add.f32 [tilespmem:s9], [sflag:$0x5], $0x80, s31, s13, $0xb8;
	[tilespmem:$0x1DD80] =	vst v63  }
0xec: {  	s2 =	simm.s32 @p2 $0x9C80;
	s0 =	sadd.s32 @p2 s29, s0;
	s31 =	simm.s32 @p2 $0x0  }
0xed: {  	[tilespmem:s2], [sflag:$0x8] =	stream.linear.gather @p2 [hbm4b:s0+s31], $0x68, $0x38;
	[tilespmem:$0x1DD80] =	vst v63  }
0xee: {  	s0 =	simm.s32 @p2 $0x4  }
0xef: {  	s2 =	sadd.s32 @p2 s30, s7;
	_ =	swait.ge @p2 [sflag:s0], $0x3400  }
0xf0: {  	s2 =	sshrl.u32 @p2 s2, $0x3;
	[sflag:s0] =	ssyncset.done @p2 $0x0  }
0xf1: {  	[sflag:s0] =	ssyncadd.s32 @p2 $0xFFFFCC00;
	s0 =	sadd.s32 @p2 s6, s2;
	s2 =	simm.s32 @p2 $0xA000  }
0xf2: {  	[tilespmem:s2], [sflag:$0xD] =	stream.linear.gather @p2 [hbm4b:s0+s31], $0x68, $0x38;
	[tilespmem:$0x1DD80] =	vst v63  }
0xf3: {  	s0 =	simm.s32 @!p2 $0x4  }
0xf4: {  	_ =	swait.ge @!p2 [sflag:s0], $0x3400  }
0xf5: {  	[sflag:s0] =	ssyncset.done @!p2 $0x0  }
0xf6: {  	[sflag:s0] =	ssyncadd.s32 @!p2 $0xFFFFCC00  }
0xf7: {  	_ =	swait.ge [sflag:s26], $0x68  }
0xf8: {  	[sflag:s26] =	ssyncset.done $0x0  }
0xf9: {  	s2 =	simm.s32 $0x9D80;
	[sflag:s26] =	ssyncadd.s32 $0xFFFFFF98  }
0xfa: {  	[tilespmem:s4], [sflag:$0x1] =	stream.indirect.gather [hbm4b:s1+s13], $0x80, s2, s13, $0xb8;
	[tilespmem:$0x1DD80] =	vst v63  }
0xfb: {  	_ =	swait.ge [sflag:s28], $0x3400  }
0xfc: {  	[sflag:s28] =	ssyncset.done $0x0  }
0xfd: {  	[sflag:s28] =	ssyncadd.s32 $0xFFFFCC00  }
0xfe: {  	_ =	swait.ge [sflag:s8], $0x68  }
0xff: {  	[sflag:s8] =	ssyncset.done $0x0  }
0x100: {  	s23 =	simm.s32 $0xA100;
	s0 =	rddreg [dreg:$0x1b];
	[sflag:s8] =	ssyncadd.s32 $0xFFFFFF98  }
0x101: {  	[spmem:s3] =	stream.indirect.scatter.add.f32 [tilespmem:s19], [sflag:$0x6], $0x80, s23, s13, $0xb8;
	[tilespmem:$0x1DD80] =	vst v63  }
0x102: {  	s2 =	simm.s32 @p2 $0x9D00;
	s0 =	sadd.s32 @p2 s29, s0  }
0x103: {  	[tilespmem:s2], [sflag:$0x9] =	stream.linear.gather @p2 [hbm4b:s0+s31], $0x68, $0x38;
	[tilespmem:$0x1DD80] =	vst v63  }
0x104: {  	s0 =	simm.s32 @p2 $0x5  }
0x105: {  	_ =	swait.ge @p2 [sflag:s0], $0x3400  }
0x106: {  	[sflag:s0] =	ssyncset.done @p2 $0x0  }
0x107: {  	[sflag:s0] =	ssyncadd.s32 @p2 $0xFFFFCC00;
	s0 =	rddreg [dreg:$0x1c]  }
0x108: {  	s2 =	simm.s32 @p2 $0xA080;
	s0 =	sadd.s32 @p2 s29, s0  }
0x109: {  	[tilespmem:s2], [sflag:$0xE] =	stream.linear.gather @p2 [hbm4b:s0+s31], $0x68, $0x38;
	[tilespmem:$0x1DD80] =	vst v63  }
0x10a: {  	s0 =	simm.s32 @!p2 $0x5  }
0x10b: {  	_ =	swait.ge @!p2 [sflag:s0], $0x3400  }
0x10c: {  	[sflag:s0] =	ssyncset.done @!p2 $0x0  }
0x10d: {  	[sflag:s0] =	ssyncadd.s32 @!p2 $0xFFFFCC00  }
0x10e: {  	_ =	swait.ge [sflag:s16], $0x68  }
0x10f: {  	[sflag:s16] =	ssyncset.done $0x0  }
0x110: {  	s23 =	simm.s32 $0x9E00;
	[sflag:s16] =	ssyncadd.s32 $0xFFFFFF98  }
0x111: {  	[tilespmem:s9], [sflag:$0x2] =	stream.indirect.gather [hbm4b:s1+s13], $0x80, s23, s13, $0xb8;
	[tilespmem:$0x1DD80] =	vst v63  }
0x112: {  	_ =	swait.ge [sflag:s15], $0x3400  }
0x113: {  	[sflag:s15] =	ssyncset.done $0x0  }
0x114: {  	[sflag:s15] =	ssyncadd.s32 $0xFFFFCC00  }
0x115: {  	_ =	swait.ge [sflag:s10], $0x68  }
0x116: {  	[sflag:s10] =	ssyncset.done $0x0;
	s0 =	rddreg [dreg:$0x15]  }
0x117: {  	s2 =	simm.s32 $0xA180;
	[sflag:s10] =	ssyncadd.s32 $0xFFFFFF98;
	s0 =	sadd.s32 @p2 s24, s0  }
0x118: {  	[spmem:s3] =	stream.indirect.scatter.add.f32 [tilespmem:s4], [sflag:$0x4], $0x80, s2, s13, $0xb8;
	[tilespmem:$0x1DD80] =	vst v63  }
0x119: {  	s0 =	sshrl.u32 @p2 s0, $0x3  }
0x11a: {  	s2 =	simm.s32 @p2 $0x9D80;
	s0 =	sadd.s32 @p2 s5, s0  }
0x11b: {  	[tilespmem:s2], [sflag:$0xA] =	stream.linear.gather @p2 [hbm4b:s0+s31], $0x68, $0x38;
	[tilespmem:$0x1DD80] =	vst v63  }
0x11c: {  	s0 =	simm.s32 @p2 $0x6  }
0x11d: {  	_ =	swait.ge @p2 [sflag:s0], $0x3400  }
0x11e: {  	[sflag:s0] =	ssyncset.done @p2 $0x0  }
0x11f: {  	[sflag:s0] =	ssyncadd.s32 @p2 $0xFFFFCC00;
	s0 =	rddreg [dreg:$0x1a]  }
0x120: {  	s2 =	simm.s32 @p2 $0xA100;
	s0 =	sadd.s32 @p2 s29, s0  }
0x121: {  	[tilespmem:s2], [sflag:$0xF] =	stream.linear.gather @p2 [hbm4b:s0+s31], $0x68, $0x38;
	[tilespmem:$0x1DD80] =	vst v63  }
0x122: {  	s0 =	simm.s32 @!p2 $0x6  }
0x123: {  	_ =	swait.ge @!p2 [sflag:s0], $0x3400  }
0x124: {  	[sflag:s0] =	ssyncset.done @!p2 $0x0  }
0x125: {  	[sflag:s0] =	ssyncadd.s32 @!p2 $0xFFFFCC00  }
0x126: {  	_ =	swait.ge [sflag:s14], $0x68  }
0x127: {  	[sflag:s14] =	ssyncset.done $0x0  }
0x128: {  	[sflag:s14] =	ssyncadd.s32 $0xFFFFFF98  }
0x129: {  	[tilespmem:s19], [sflag:$0x3] =	stream.indirect.gather [hbm4b:s1+s13], $0x80, s18, s13, $0xb8;
	[tilespmem:$0x1DD80] =	vst v63  }
0x12a: {  	_ =	swait.ge [sflag:s21], $0x3400  }
0x12b: {  	[sflag:s21] =	ssyncset.done $0x0  }
.Ltmp3:
0x12c: {  	[sflag:s21] =	ssyncadd.s32 $0xFFFFCC00;
	(pc) =	sbr.rel @p1 .LBB2_6-.Ltmp3, $4  }
0x12d: {  	_ =	swait.ge [sflag:s25], $0x68  }
0x12e: {  	[sflag:s25] =	ssyncset.done $0x0  }
0x12f: {  	s31 =	simm.s32 $0xA200;
	[sflag:s25] =	ssyncadd.s32 $0xFFFFFF98  }
0x130: {  	[spmem:s3] =	stream.indirect.scatter.add.f32 [tilespmem:s9], [sflag:$0x5], $0x80, s31, s13, $0xb8;
	[tilespmem:$0x1DD80] =	vst v63  }
.Ltmp4:
0x131: {  	s0 =	rddreg [dreg:$0x16];
	(pc) =	sbr.rel .LBB2_4-.Ltmp4, $4  }
0x132: {  	s0 =	sadd.s32 s24, s0  }
0x133: {  	s0 =	sshrl.u32 s0, $0x3  }
0x134: {  	s30 =	sadd.s32 $0x270, s30;
	s29 =	sadd.s32 $0x4E, s29;
	s0 =	sadd.s32 s5, s0  }
0x135: {  	[tilespmem:s23], [sflag:$0xB] =	stream.linear.gather [hbm4b:s0+s4], $0x68, $0x38;
	[tilespmem:$0x1DD80] =	vst v63  }
.LBB2_7:
0x136: {  	_ =	sfence.sel $0x180000  }
0x137: {  	[bflag:$0x0] =	sbarrier.arrive $0xFFFF  }
0x138: {  	_ =	strace $0x9000004A  }
0x139: {  	s0 =	stileid.u32;
	[bflag:$0x2] =	sbarrier.arrive $0xFFFF  }
0x13a: {  	p0 =	sne.s32 s0, $0x0;
	s0 =	rddreg [dreg:$0x3]  }
0x13b: {  	s0 =	sadd.s32 @!p0 $0x100000, s0  }
0x13c: {  	[sflag:s0] =	ssyncadd.tile.s32 @!p0 $0x1;
	_ =	shalt  }
.Lfunc_end2:
_tile_overlayer_lowered:
.L_overlay_start_2:
0x13d: {  	(tag) =	ssettag $0x2  }
0x13e: {  	s0 =	rddreg [dreg:$0x0];
	s2 =	stileid.u32  }
0x13f: {  	s1 =	rddreg [dreg:$0x1];
	p0 =	sne.s32 s2, $0x0  }
0x140: {  	s3 =	rddreg [dreg:$0x2];
	[bflag:$0x3] =	sbarrier.arrive $0xFFFF;
	s2 =	simm.s32 @!p0 $0x1C13  }
0x141: {  	[timem:s3], [sflag:s2] =	dma.local @!p0 [hbm:s0], s1  }
0x142: {  	s0 =	simm.s32 @!p0 $0x13  }
0x143: {  	_ =	swait.ge @!p0 [sflag:s0], s1  }
0x144: {  	s1 =	ssub.s32 @!p0 $0x0, s1;
	[sflag:s0] =	ssyncset.done @!p0 $0x0  }
0x145: {  	[sflag:s0] =	ssyncadd.s32 @!p0 s1  }
0x146: {  	[bflag:$0x3] =	sbarrier.arrive $0xFFFF  }
0x147: {  	_ =	shalt  }

// kernel: kernel.15.cloned.1.call-start
scs
__scs_entry_jumppad:
0x0: {  	(pc) =	sbr.rel $0x88, $3  }
0x1: {  	(tag) =	ssettag $0x0;
	lr =	simm.s32 $0x1  }
0x2: {  	[smem:$0x3F9B] =	sst lr;
	_ =	strace $0xD0000000  }
0x3: {  	_ = 	snop  }
0x4: {  	_ = 	snop  }
0x5: {  	_ = 	snop  }
0x6: {  	_ = 	snop  }
0x7: {  	_ = 	snop  }
__scs_overlays_trampoline_lowered:
0x8: {  	[smem:$0x3FAA] =	sst s0  }
0x9: {  	[smem:$0x3FAB] =	sst s1  }
0xa: {  	[smem:$0x3FAC] =	sst s2  }
0xb: {  	[smem:$0x3FAD] =	sst s3  }
0xc: {  	[smem:$0x3FAE] =	sst s4  }
0xd: {  	[smem:$0x3FAF] =	sst s5  }
0xe: {  	[smem:$0x3FB0] =	sst s6  }
0xf: {  	[smem:$0x3FB1] =	sst s7  }
0x10: {  	[smem:$0x3FB2] =	sst s8  }
0x11: {  	[smem:$0x3FB3] =	sst s9;
	s0 =	simm.s32 @!p0 $0x0  }
0x12: {  	s1 =	sld [smem:$0x3F99];
	s0 =	simm.s32 @p0 $0x1  }
0x13: {  	[smem:$0x3FB4] =	sst s0;
	s0 =	simm.s32 @!p1 $0x0  }
0x14: {  	s2 =	sld [smem:$0x3F98];
	s0 =	simm.s32 @p1 $0x1  }
0x15: {  	[smem:$0x3FB5] =	sst s0;
	s0 =	simm.s32 @!p2 $0x0  }
0x16: {  	s3 =	sld [smem:$0x3FDB];
	s0 =	simm.s32 @p2 $0x1  }
0x17: {  	s4 =	simm.s32 $0x1BF5;
	[smem:$0x3FB7] =	sst s0  }
0x18: {  	s0 =	sld [smem:$0x3F9A];
	_ =	swait.ge [sflag:s4], $0x0  }
0x19: {  	s7 =	sld [smem:$0x3F9B]  }
0x1a: {  	s8 =	sadd.s32 $0xFFFFE003, lr  }
0x1b: {  	s9 =	sadd.s32 $0xFFFFFEF7, lr;
	s5 =	simm.s32 $0xFFFFFFFF;
	p2 =	slt.u32 s8, $0xFFFFF086  }
0x1c: {  	p1 =	slt.u32 s9, $0xF7A;
	s5 =	simm.s32 @!p2 $0x0  }
0x1d: {  	s5 =	simm.s32 @p1 $0x1;
	p0 =	seq.s32 s7, s2  }
0x1e: {  	s7 =	smul.u32 @!p0 $0xF7A, s2;
	p2 =	seq.s32 @!p0 s5, $0x0  }
0x1f: {  	s9 =	smul.u32 $0xF7A, s1;
	s8 =	simm.s32 @!p0 $0x1BF5;
	p2 =	por !p2, p0  }
0x20: {  	[sflag:s8] =	ssyncset.s32 @!p0 $0xFFFFF086;
	s6 =	sadd.s32 @!p0 s3, s7;
	s7 =	simm.s32 @!p0 $0x108  }
0x21: {  	s3 =	sadd.s32 s3, s9;
	s6 =	sadd.s32 @!p0 $0x88, s6;
	s7 =	simm.s32 @p2 $0x1082  }
0x22: {  	[simem:s7], [sflag:s8] =	dma.local @!p0 [hbm:s6], $0xF7A  }
0x23: {  	s9 =	sor.u32 $0xD0000000, s2;
	s6 =	simm.s32 $0x108;
	_ =	swait.ge @!p0 [sflag:s8], $0x0  }
0x24: {  	s3 =	sadd.s32 $0x88, s3;
	s6 =	simm.s32 @!p1 $0x1082;
	[sflag:s4] =	ssyncset.s32 $0xFFFFF086  }
0x25: {  	[simem:s6], [sflag:s4] =	dma.local [hbm:s3], $0xF7A  }
0x26: {  	[smem:$0x3F9B] =	sst s1;
	(tag) =	ssettag s2;
	_ =	strace s9  }
0x27: {  	s1 =	sld [smem:$0x3FAB]  }
0x28: {  	s2 =	sld [smem:$0x3FAC]  }
0x29: {  	s4 =	sld [smem:$0x3FAE]  }
0x2a: {  	p0 =	seq.s32 s5, $0x0;
	s5 =	sld [smem:$0x3FAF]  }
0x2b: {  	s6 =	sld [smem:$0x3FB0]  }
0x2c: {  	s7 =	sld [smem:$0x3FB1]  }
0x2d: {  	s3 =	simm.s32 $0x108;
	s8 =	sld [smem:$0x3FB2]  }
0x2e: {  	s3 =	simm.s32 @!p0 $0x1082;
	s9 =	sld [smem:$0x3FB3]  }
0x2f: {  	lr =	sadd.s32 s0, s3;
	s0 =	sld [smem:$0x3FAA]  }
0x30: {  	s3 =	sld [smem:$0x3FAD]  }
0x31: {  	[smem:$0x3FB6] =	sst s10  }
0x32: {  	s10 =	sld [smem:$0x3FB4];
	_ =	sdelay $0x3  }
0x33: {  	p0 =	seq.s32 s10, $0x1;
	s10 =	sld [smem:$0x3FB6];
	_ =	sdelay $0x3  }
0x34: {  	[smem:$0x3FB6] =	sst s10  }
0x35: {  	s10 =	sld [smem:$0x3FB5];
	_ =	sdelay $0x3  }
0x36: {  	p1 =	seq.s32 s10, $0x1;
	s10 =	sld [smem:$0x3FB6];
	_ =	sdelay $0x3  }
0x37: {  	[smem:$0x3FB6] =	sst s10  }
0x38: {  	s10 =	sld [smem:$0x3FB7]  }
0x39: {  	_ = 	snop;
	(pc) =	sbr.ind lr, $3  }
0x3a: {  	_ = 	snop  }
0x3b: {  	_ = 	snop  }
0x3c: {  	p2 =	seq.s32 s10, $0x1;
	s10 =	sld [smem:$0x3FB6]  }
0x3d: {  	_ =	shalt  }
0x3e: {  	_ =	shalt  }
0x3f: {  	_ =	shalt  }
0x40: {  	_ =	shalt  }
0x41: {  	_ =	shalt  }
0x42: {  	_ =	shalt  }
0x43: {  	_ =	shalt  }
0x44: {  	_ =	shalt  }
0x45: {  	_ =	shalt  }
0x46: {  	_ =	shalt  }
0x47: {  	_ =	shalt  }
0x48: {  	_ =	shalt  }
0x49: {  	_ =	shalt  }
0x4a: {  	_ =	shalt  }
0x4b: {  	_ =	shalt  }
0x4c: {  	_ =	shalt  }
0x4d: {  	_ =	shalt  }
0x4e: {  	_ =	shalt  }
0x4f: {  	_ =	shalt  }
0x50: {  	_ =	shalt  }
0x51: {  	_ =	shalt  }
0x52: {  	_ =	shalt  }
0x53: {  	_ =	shalt  }
0x54: {  	_ =	shalt  }
0x55: {  	_ =	shalt  }
0x56: {  	_ =	shalt  }
0x57: {  	_ =	shalt  }
0x58: {  	_ =	shalt  }
0x59: {  	_ =	shalt  }
0x5a: {  	_ =	shalt  }
0x5b: {  	_ =	shalt  }
0x5c: {  	_ =	shalt  }
0x5d: {  	_ =	shalt  }
0x5e: {  	_ =	shalt  }
0x5f: {  	_ =	shalt  }
0x60: {  	_ =	shalt  }
0x61: {  	_ =	shalt  }
0x62: {  	_ =	shalt  }
0x63: {  	_ =	shalt  }
0x64: {  	_ =	shalt  }
0x65: {  	_ =	shalt  }
0x66: {  	_ =	shalt  }
0x67: {  	_ =	shalt  }
0x68: {  	_ =	shalt  }
0x69: {  	_ =	shalt  }
0x6a: {  	_ =	shalt  }
0x6b: {  	_ =	shalt  }
0x6c: {  	_ =	shalt  }
0x6d: {  	_ =	shalt  }
0x6e: {  	_ =	shalt  }
0x6f: {  	_ =	shalt  }
0x70: {  	_ =	shalt  }
0x71: {  	_ =	shalt  }
0x72: {  	_ =	shalt  }
0x73: {  	_ =	shalt  }
0x74: {  	_ =	shalt  }
0x75: {  	_ =	shalt  }
0x76: {  	_ =	shalt  }
0x77: {  	_ =	shalt  }
0x78: {  	_ =	shalt  }
0x79: {  	_ =	shalt  }
0x7a: {  	_ =	shalt  }
0x7b: {  	_ =	shalt  }
0x7c: {  	_ =	shalt  }
0x7d: {  	_ =	shalt  }
0x7e: {  	_ =	shalt  }
0x7f: {  	_ =	shalt  }
0x80: {  	_ =	shalt  }
0x81: {  	_ =	shalt  }
0x82: {  	_ =	shalt  }
0x83: {  	_ =	shalt  }
0x84: {  	_ =	shalt  }
0x85: {  	_ =	shalt  }
0x86: {  	_ =	shalt  }
0x87: {  	_ =	shalt  }
.Lfunc_end0:
.L_simem_size_0:
called_computation.2_lowered:
.L_overlay_start_0:
0x88: {  	s2 =	sld [smem:$0x3FD9]  }
0x89: {  	s3 =	sld [smem:$0x3FFE];
	_ =	sdelay $0x1  }
0x8a: {  	s1 =	srdreg.scid  }
0x8b: {  	s0 =	sand.u32 $0x1, s1  }
0x8c: {  	s17 =	sshll.u32 s0, $0xA;
	s2 =	sadd.s32 s3, s2  }
0x8d: {  	s2 =	sadd.s32 s2, s17  }
0x8e: {  	[smem:$0x3FC2] =	sst s2  }
0x8f: {  	_ = 	snop  }
0x90: {  	s2 =	sld [smem:$0x3FD0];
	(tm) =	ssettm $0x1  }
0x91: {  	s18 =	sld [smem:$0x3FFB];
	_ =	sdelay $0x3  }
0x92: {  	_ =	strace s18  }
0x93: {  	s3 =	sld [smem:$0x3FFC];
	_ =	sdelay $0x3  }
0x94: {  	_ =	strace s3  }
0x95: {  	s3 =	sld [smem:$0x3FFD];
	_ =	sdelay $0x3  }
0x96: {  	_ =	strace s3  }
0x97: {  	_ =	strace $0x8FFFFFFF  }
0x98: {  	s19 =	sld [smem:$0x3FDB];
	_ =	sdelay $0x1  }
0x99: {  	s4 =	simm.s32 $_scs_section_size  }
0x9a: {  	s5 =	simm.s32 $_size__tile_overlayer_lowered;
	s6 =	simm.s32 $_tile_overlayer_lowered  }
0x9b: {  	s22 =	simm.s32 $0x1BFF;
	s21 =	sshll.u32 s6, $0x1;
	s3 =	sadd.s32 s4, s19  }
0x9c: {  	s7 =	simm.s32 $0x0;
	s20 =	sshll.u32 s5, $0x1;
	s5 =	sadd.s32 s21, s3  }
0x9d: {  	[timem:s7], [sflag:s22] =	dma.local [hbm:s5], s20  }
0x9e: {  	_ =	swait.ge [sflag:s22], s20  }
0x9f: {  	s4 =	ssub.s32 $0x0, s20;
	[sflag:s22] =	ssyncset.done $0x0  }
0xa0: {  	[sflag:s22] =	ssyncadd.s32 s4;
	_ =	sdelay $0x1  }
0xa1: {  	s23 =	simm.s32 $0x1B8B  }
0xa2: {  	_ =	swait.ge [sflag:s23], $0x1  }
0xa3: {  	[sflag:s23] =	ssyncset.done $0x0  }
0xa4: {  	s25 =	simm.s32 $0x1B8E;
	s24 =	sld [smem:$0x3FFE];
	[sflag:s23] =	ssyncadd.s32 $0xFFFFFFFF  }
0xa5: {  	s26 =	simm.s32 $execute0_lowered;
	[smem:$0x3FD2] =	sst s25  }
0xa6: {  	s5 =	sshll.u32 s26, $0x1;
	_ =	strace $0x8000004C;
	[dreg:$0x1] =	wrdreg $0xFFFFFFFF  }
0xa7: {  	s28 =	simm.s32 $_size_execute0_lowered;
	s3 =	sadd.s32 s3, s5;
	[dreg:$0x0] =	wrdreg $0x0  }
0xa8: {  	s5 =	sshll.u32 s28, $0x1;
	[dreg:$0x2] =	wrdreg s3  }
0xa9: {  	[dreg:$0x3] =	wrdreg s5  }
0xaa: {  	[dreg:$0x4] =	wrdreg $0xC0  }
0xab: {  	_ =	task [dreg:s7], $0x5FFFF  }
0xac: {  	[dreg:$0x1] =	wrdreg $0xFFFFFFFF  }
0xad: {  	[dreg:$0x0] =	wrdreg $0x60  }
0xae: {  	[dreg:$0x2] =	wrdreg s2  }
0xaf: {  	[dreg:$0x3] =	wrdreg s24  }
0xb0: {  	[dreg:$0x4] =	wrdreg $0xA5000  }
0xb1: {  	[dreg:$0x5] =	wrdreg $0x9  }
0xb2: {  	_ =	task.clear_ibuf [dreg:s7], $0x6FFFF;
	_ =	strace $0x9000004C  }
0xb3: {  	s29 =	simm.s32 $0x9;
	_ =	strace $0x8000004E  }
0xb4: {  	_ =	swait.ge [sflag:s29], $0x1  }
0xb5: {  	[sflag:s29] =	ssyncadd.s32 $0xFFFFFFFF  }
0xb6: {  	_ =	strace $0x9000004E  }
0xb7: {  	_ =	sfence  }
0xb8: {  	s30 =	sld [smem:$0x0];
	_ =	sdelay $0x2  }
0xb9: {  	s31 =	sshll.u32 s1, $0xD;
	s1 =	sshrl.u32 s1, $0x2  }
0xba: {  	s3 =	sand.u32 $0x4000, s31;
	s1 =	sadd.s32 s1, s30  }
0xbb: {  	s0 =	sor.u32 s3, s0;
	s1 =	sshll.u32 s1, $0x11  }
0xbc: {  	s0 =	sor.u32 s1, s0  }
0xbd: {  	s0 =	sadd.s32 $0x8F2B, s0  }
0xbe: {  	[sflag:s0] =	ssyncadd.remote.s32 $0x1  }
0xbf: {  	_ =	sfence.sel $0xFFFF  }
0xc0: {  	[dreg:$0x0] =	wrdreg $0xFFFFFFFF;
	(pc) =	sbr.abs _section_cstart, $3  }
0xc1: {  	[dreg:$0x1] =	wrdreg $0xFFFFFFFF  }
0xc2: {  	_ =	task.clear_ibuf [dreg:s7], $0x2FFFF;
	_ =	strace $0x9FFFFFFF  }
0xc3: {  	(tm) =	ssettm $0x7FFFFFFF  }
tec
execute0_lowered:
.L_overlay_start_1:
0x0: {  	(tag) =	ssettag $0x1  }
0x1: {  	s1 =	rddreg [dreg:$0x0]  }
0x2: {  	s0 =	rddreg [dreg:$0x1]  }
0x3: {  	s3 =	rddreg [dreg:$0x2];
	s2 =	srdreg.scid  }
0x4: {  	s15 =	stileid.u32;
	s4 =	simm.s32 $0x0;
	s29 =	simm.s32 $0xA400  }
0x5: {  	s31 =	simm.s32 $0x13;
	s28 =	simm.s32 $0x3;
	s2 =	sand.u32 $0x1, s2  }
0x6: {  	s5 =	sshll.u32 s15, $0x1;
	[smem:$0x7FF] =	sst s4;
	s11 =	smul.u32 $0x4E000, s15  }
0x7: {  	s6 =	sadd.s32 $0x3200, s0;
	s22 =	smul.u32 $0x13800, s15;
	p0 =	sne.s32 s15, $0xF  }
0x8: {  	s30 =	sadd.s32 $0x138000, s3;
	s5 =	sor.u32 s2, s5;
	s20 =	smul.u32 $0x138800, s2  }
0x9: {  	_ =	strace $0x8000004D;
	s8 =	ssub.s32 $0x2, s2;
	s2 =	smul.u32 $0x2710, s2  }
0xa: {  	[smem:$0x7FD] =	sst s30;
	s7 =	smul.u32 $0x2710, s5;
	s5 =	sadd.s32 $0xD000, s0  }
0xb: {  	s9 =	sshrl.u32 s8, $0x1;
	s0 =	sadd.s32 $0x16E00, s0;
	s18 =	sshrl.u32 s11, $0x2  }
0xc: {  	s8 =	ssub.s32 s8, s9;
	s23 =	sadd.s32 s18, s3;
	s11 =	sshrl.u32 s20, $0x3  }
0xd: {  	s10 =	sshrl.u32 s7, $0x3;
	s26 =	sadd.s32 $0x1A0, s7;
	[dreg:$0x6] =	wrdreg s23  }
0xe: {  	s17 =	sadd.s32 $0x4E0, s10;
	s21 =	sadd.s32 s5, s10;
	[dreg:$0xb] =	wrdreg s26  }
0xf: {  	s24 =	sadd.s32 $0x1A, s10;
	s10 =	sadd.s32 s6, s10;
	[dreg:$0x7] =	wrdreg s21  }
0x10: {  	s18 =	sshrl.u32 s26, $0x3;
	s26 =	sadd.s32 $0x3A8, s7;
	[dreg:$0xd] =	wrdreg s10  }
0x11: {  	s19 =	sadd.s32 $0x68, s7;
	s12 =	sadd.s32 s6, s17;
	[dreg:$0x15] =	wrdreg s26  }
0x12: {  	s14 =	sadd.s32 $0x138, s7;
	s9 =	sadd.s32 s5, s17;
	[dreg:$0x4] =	wrdreg s12  }
0x13: {  	s14 =	sshrl.u32 s14, $0x3;
	s16 =	sadd.s32 s5, s24;
	[dreg:$0x5] =	wrdreg s9  }
0x14: {  	s25 =	sadd.s32 s5, s14;
	s17 =	smul.u32 $0x4E20, s15;
	[dreg:$0x9] =	wrdreg s16  }
0x15: {  	s10 =	sadd.s32 $0x410, s7;
	s26 =	sadd.s32 $0x10400, s23;
	[dreg:$0xa] =	wrdreg s25  }
0x16: {  	s15 =	simm.s32 $0x1;
	s9 =	sshrl.u32 s19, $0x3;
	[dreg:$0x16] =	wrdreg s10  }
0x17: {  	s12 =	sadd.s32 s22, s20;
	s19 =	sadd.s32 s6, s24;
	[smem:$0x7FC] =	sst s26  }
0x18: {  	s20 =	sadd.s32 s6, s14;
	s22 =	sadd.s32 $0x208, s7;
	[dreg:$0xf] =	wrdreg s19  }
0x19: {  	s24 =	sadd.s32 s5, s18;
	s25 =	sadd.s32 s6, s18;
	[dreg:$0x10] =	wrdreg s20  }
0x1a: {  	s26 =	simm.s32 $0xA;
	s10 =	simm.s32 $0x10;
	[dreg:$0x12] =	wrdreg s24  }
0x1b: {  	s13 =	sadd.s32 s5, s9;
	s12 =	sshrl.u32 s12, $0x3;
	[dreg:$0x13] =	wrdreg s25  }
0x1c: {  	s9 =	sadd.s32 s6, s9;
	s21 =	sadd.s32 s2, s17;
	[dreg:$0x11] =	wrdreg s22  }
0x1d: {  	s2 =	sshrl.u32 s22, $0x3;
	s22 =	sadd.s32 $0x6800, s23;
	s24 =	sadd.s32 $0x9C00, s23  }
0x1e: {  	s25 =	sadd.s32 $0xD000, s23;
	[dreg:$0x8] =	wrdreg s13;
	s12 =	sadd.s32 s0, s12  }
0x1f: {  	s0 =	sadd.s32 s0, s11;
	[dreg:$0xe] =	wrdreg s9;
	s2 =	sadd.s32 s6, s2  }
0x20: {  	s11 =	smax.u32 s8, $0x1;
	s13 =	sadd.s32 $0x340, s21;
	[dreg:$0x1f] =	wrdreg s22  }
0x21: {  	s14 =	sadd.s32 $0x2D8, s21;
	s7 =	sadd.s32 $0x270, s21;
	[smem:$0x7FA] =	sst s24  }
0x22: {  	[smem:$0x7FB] =	sst s25;
	s9 =	simm.s32 $0x3400;
	s22 =	simm.s32 $0xE  }
0x23: {  	s8 =	simm.s32 $0xF;
	s25 =	simm.s32 $0x11;
	[dreg:$0xc] =	wrdreg s12  }
0x24: {  	s24 =	simm.s32 $0x0;
	[dreg:$0x14] =	wrdreg s2;
	s0 =	sadd.s32 $0x27000, s0  }
0x25: {  	[dreg:$0x18] =	wrdreg s11;
	s12 =	sadd.s32 $0x138, s21;
	s16 =	sshrl.u32 s13, $0x3  }
0x26: {  	s17 =	sshrl.u32 s14, $0x3;
	s21 =	sadd.s32 $0x3400, s23;
	s2 =	simm.s32 $0xA480  }
0x27: {  	s13 =	simm.s32 $0x68;
	s11 =	simm.s32 $0xD;
	s14 =	simm.s32 $0xC  }
0x28: {  	[dreg:$0x17] =	wrdreg s0;
	s0 =	sshrl.u32 s12, $0x3;
	s18 =	sadd.s32 s16, s6  }
0x29: {  	s19 =	sadd.s32 s17, s6;
	s20 =	sadd.s32 s17, s5;
	[dreg:$0x1e] =	wrdreg s21  }
.Ltmp0:
0x2a: {  	s12 =	simm.s32 $0x8;
	[dreg:$0x1a] =	wrdreg s18;
	(pc) =	sbr.rel .LBB2_1-.Ltmp0, $4  }
0x2b: {  	s17 =	simm.s32 $0x9;
	s21 =	simm.s32 $0x2;
	[dreg:$0x1c] =	wrdreg s19  }
0x2c: {  	s0 =	sadd.s32 s0, s6;
	[dreg:$0x1d] =	wrdreg s20;
	s18 =	simm.s32 $0x9E80  }
0x2d: {  	s19 =	simm.s32 $0x6800;
	[dreg:$0x19] =	wrdreg s0;
	s0 =	sadd.s32 s16, s5  }
0x2e: {  	v0 =	vimm.f32 $0.0e+00;
	s20 =	simm.s32 $0x6;
	s16 =	simm.s32 $0xB;
	[dreg:$0x1b] =	wrdreg s0  }
.LBB2_6:
0x2f: {  	_ =	swait.ge [sflag:s28], $0x3400  }
0x30: {  	[sflag:s28] =	ssyncset.done $0x0  }
0x31: {  	s0 =	simm.s32 $0x12;
	[sflag:s28] =	ssyncadd.s32 $0xFFFFCC00  }
0x32: {  	_ =	swait.ge [sflag:s0], $0x68  }
0x33: {  	[sflag:s0] =	ssyncset.done $0x0  }
0x34: {  	s23 =	simm.s32 $0xA280;
	s24 =	simm.s32 $0x4;
	[sflag:s0] =	ssyncadd.s32 $0xFFFFFF98  }
0x35: {  	[spmem:s3] =	stream.indirect.scatter.add.f32 [tilespmem:s19], [sflag:$0x6], $0x80, s23, s13, $0xb8;
	[tilespmem:$0x1DD80] =	vst v63  }
0x36: {  	_ =	swait.ge [sflag:s24], $0x3400  }
0x37: {  	[sflag:s24] =	ssyncset.done $0x0  }
0x38: {  	s2 =	simm.s32 $0x5;
	[sflag:s24] =	ssyncadd.s32 $0xFFFFCC00  }
0x39: {  	_ =	swait.ge [sflag:s2], $0x3400  }
0x3a: {  	[sflag:s2] =	ssyncset.done $0x0  }
0x3b: {  	[sflag:s2] =	ssyncadd.s32 $0xFFFFCC00  }
0x3c: {  	_ =	swait.ge [sflag:s20], $0x3400  }
0x3d: {  	[sflag:s20] =	ssyncset.done $0x0  }
0x3e: {  	s23 =	simm.s32 $0xA480;
	[sflag:s20] =	ssyncadd.s32 $0xFFFFCC00  }
0x3f: {  	[tilespmem:s4], [sflag:$0x1] =	stream.indirect.gather [hbm4b:s1+s10], $0x80, s23, s10, $0xb8;
	[tilespmem:$0x1DD80] =	vst v63  }
0x40: {  	_ =	swait.ge [sflag:s15], $0x800  }
0x41: {  	[sflag:s15] =	ssyncset.done $0x0  }
0x42: {  	s29 =	simm.s32 $0xA400;
	s31 =	simm.s32 $0x13;
	[sflag:s15] =	ssyncadd.s32 $0xFFFFF800  }
0x43: {  	[spmem:s3] =	stream.indirect.scatter.add.f32 [tilespmem:s4], [sflag:$0x13], $0x80, s29, s10, $0xb8;
	[tilespmem:$0x1DD80] =	vst v63  }
0x44: {  	_ =	swait.ge [sflag:s31], $0x800  }
0x45: {  	[sflag:s31] =	ssyncset.done $0x0  }
0x46: {  	[sflag:s31] =	ssyncadd.s32 $0xFFFFF800  }
0x47: {  	s24 =	stileid.u32;
	[bflag:$0x0] =	sbarrier.arrive $0xFFFF  }
0x48: {  	s0 =	sshll.u32 s24, $0x6;
	s23 =	rddreg [dreg:$0x6]  }
0x49: {  	s0 =	sor.u32 $0x1C13, s0;
	s24 =	rddreg [dreg:$0xc];
	s2 =	sshrl.u32 s23, $0x3  }
0x4a: {  	[hbm:s24], [sflag:s0] =	dma.local [spmem:s2], $0x2700  }
0x4b: {  	_ =	swait.ge [sflag:s31], $0x2700  }
0x4c: {  	s30 =	sld [smem:$0x7FD];
	_ =	sdelay $0x1  }
0x4d: {  	[sflag:s31] =	ssyncset.done $0x0  }
0x4e: {  	s24 =	rddreg [dreg:$0x17];
	[sflag:s31] =	ssyncadd.s32 $0xFFFFD900;
	s2 =	sshrl.u32 @!p0 s30, $0x3  }
0x4f: {  	[hbm:s24], [sflag:s0] =	dma.local @!p0 [spmem:s2], $0x100  }
0x50: {  	s0 =	simm.s32 @!p0 $0x13  }
0x51: {  	_ =	swait.ge @!p0 [sflag:s0], $0x100  }
0x52: {  	s2 =	sld [smem:$0x7F9];
	_ =	sdelay $0x2  }
0x53: {  	s24 =	sadd.s32 $0x1, s2;
	s2 =	rddreg [dreg:$0x18]  }
0x54: {  	p1 =	sne.s32 s24, s2  }
.Ltmp1:
0x55: {  	_ = 	snop;
	(pc) =	sbr.rel @!p1 .LBB2_7-.Ltmp1, $3  }
0x56: {  	_ =	sdelay $0x1  }
0x57: {  	[sflag:s0] =	ssyncset.done @!p0 $0x0  }
0x58: {  	[sflag:s0] =	ssyncadd.s32 @!p0 $0xFFFFFF00;
	s2 =	simm.s32 $0xA480  }
.LBB2_1:
0x59: {  	[smem:$0x7F9] =	sst s24  }
0x5a: {  	s0 =	rddreg [dreg:$0x4]  }
0x5b: {  	[tilespmem:s29], [sflag:$0x13] =	stream.linear.gather [hbm4b:s0+s4], $0x10, $0x38;
	[tilespmem:$0x1DD80] =	vst v63  }
0x5c: {  	_ =	swait.ge [sflag:s31], $0x10  }
0x5d: {  	[sflag:s31] =	ssyncset.done $0x0  }
0x5e: {  	s24 =	rddreg [dreg:$0x5];
	[sflag:s31] =	ssyncadd.s32 $0xFFFFFFF0  }
0x5f: {  	[tilespmem:s2], [sflag:$0x13] =	stream.linear.gather [hbm4b:s24+s4], $0x10, $0x38;
	[tilespmem:$0x1DD80] =	vst v63  }
0x60: {  	_ =	swait.ge [sflag:s31], $0x10  }
0x61: {  	[sflag:s31] =	ssyncset.done $0x0  }
0x62: {  	s29 =	simm.s32 $0x200;
	s24 =	simm.s32 $0x0;
	[sflag:s31] =	ssyncadd.s32 $0xFFFFFFF0  }
.LBB2_2:
0x63: {  	p1 =	sne.s32 s29, $0xCE00;
	[tilespmem:s24+$0x70] =	vst v0  }
0x64: {  	[tilespmem:s24+$0x0] =	vst v0  }
0x65: {  	[tilespmem:s24+$0x10] =	vst v0  }
.Ltmp2:
0x66: {  	[tilespmem:s24+$0x20] =	vst v0;
	(pc) =	sbr.rel @p1 .LBB2_2-.Ltmp2, $4  }
0x67: {  	[tilespmem:s24+$0x30] =	vst v0  }
0x68: {  	[tilespmem:s24+$0x40] =	vst v0  }
0x69: {  	[tilespmem:s24+$0x50] =	vst v0  }
0x6a: {  	[tilespmem:s24+$0x60] =	vst v0;
	s24 =	sshra.s32 s29, $0x2;
	s29 =	sadd.s32 $0x200, s29  }
0x6b: {  	[tilespmem:s24+$0x70] =	vst v0  }
0x6c: {  	[tilespmem:s24+$0x0] =	vst v0  }
0x6d: {  	[tilespmem:s24+$0x10] =	vst v0  }
0x6e: {  	[tilespmem:s24+$0x20] =	vst v0  }
0x6f: {  	[tilespmem:s24+$0x30] =	vst v0  }
0x70: {  	[tilespmem:s24+$0x40] =	vst v0  }
0x71: {  	[tilespmem:s24+$0x50] =	vst v0  }
0x72: {  	[tilespmem:s24+$0x60] =	vst v0  }
0x73: {  	[spmem:s23] =	stream.linear.scatter [tilespmem:s4], [sflag:$0x13], $0x3400, $0x38;
	[tilespmem:$0x1DD80] =	vst v63  }
0x74: {  	_ =	swait.ge [sflag:s31], $0x3400  }
0x75: {  	[sflag:s31] =	ssyncset.done $0x0  }
0x76: {  	s0 =	rddreg [dreg:$0x1e];
	[sflag:s31] =	ssyncadd.s32 $0xFFFFCC00  }
0x77: {  	[spmem:s0] =	stream.linear.scatter [tilespmem:s4], [sflag:$0x13], $0x3400, $0x38;
	[tilespmem:$0x1DD80] =	vst v63  }
0x78: {  	_ =	swait.ge [sflag:s31], $0x3400  }
0x79: {  	[sflag:s31] =	ssyncset.done $0x0  }
0x7a: {  	s24 =	rddreg [dreg:$0x1f];
	[sflag:s31] =	ssyncadd.s32 $0xFFFFCC00  }
0x7b: {  	[spmem:s24] =	stream.linear.scatter [tilespmem:s4], [sflag:$0x13], $0x3400, $0x38;
	[tilespmem:$0x1DD80] =	vst v63  }
0x7c: {  	_ =	swait.ge [sflag:s31], $0x3400  }
0x7d: {  	s2 =	sld [smem:$0x7FA]  }
0x7e: {  	[sflag:s31] =	ssyncset.done $0x0  }
0x7f: {  	[sflag:s31] =	ssyncadd.s32 $0xFFFFCC00  }
0x80: {  	[spmem:s2] =	stream.linear.scatter [tilespmem:s4], [sflag:$0x13], $0x3400, $0x38;
	[tilespmem:$0x1DD80] =	vst v63  }
0x81: {  	_ =	swait.ge [sflag:s31], $0x3400  }
0x82: {  	s23 =	sld [smem:$0x7FB]  }
0x83: {  	[sflag:s31] =	ssyncset.done $0x0  }
0x84: {  	[sflag:s31] =	ssyncadd.s32 $0xFFFFCC00  }
0x85: {  	[spmem:s23] =	stream.linear.scatter [tilespmem:s4], [sflag:$0x13], $0x3400, $0x38;
	[tilespmem:$0x1DD80] =	vst v63  }
0x86: {  	_ =	swait.ge [sflag:s31], $0x3400  }
0x87: {  	s24 =	sld [smem:$0x7FC]  }
0x88: {  	[sflag:s31] =	ssyncset.done $0x0  }
0x89: {  	[sflag:s31] =	ssyncadd.s32 $0xFFFFCC00  }
0x8a: {  	[spmem:s24] =	stream.linear.scatter [tilespmem:s4], [sflag:$0x13], $0x3400, $0x38;
	[tilespmem:$0x1DD80] =	vst v63  }
0x8b: {  	_ =	swait.ge [sflag:s31], $0x3400  }
0x8c: {  	[sflag:s31] =	ssyncset.done $0x0  }
0x8d: {  	s24 =	simm.s32 @!p0 $0x0;
	[sflag:s31] =	ssyncadd.s32 $0xFFFFCC00  }
0x8e: {  	[spmem:s30] =	stream.linear.scatter @!p0 [tilespmem:s24], [sflag:$0x13], $0x800, $0x38;
	[tilespmem:$0x1DD80] =	vst v63  }
0x8f: {  	s24 =	simm.s32 @!p0 $0x13  }
0x90: {  	_ =	swait.ge @!p0 [sflag:s24], $0x800  }
0x91: {  	[sflag:s24] =	ssyncset.done @!p0 $0x0  }
0x92: {  	[sflag:s24] =	ssyncadd.s32 @!p0 $0xFFFFF800  }
0x93: {  	[bflag:$0x0] =	sbarrier.arrive $0xFFFF  }
0x94: {  	s2 =	simm.s32 $0x9C00;
	s30 =	simm.s32 $0x0;
	s31 =	rddreg [dreg:$0x7]  }
0x95: {  	[tilespmem:s2], [sflag:$0x7] =	stream.linear.gather [hbm4b:s31+s30], $0x68, $0x38;
	[tilespmem:$0x1DD80] =	vst v63  }
0x96: {  	s23 =	simm.s32 $0x9C80;
	s2 =	rddreg [dreg:$0x8]  }
0x97: {  	[tilespmem:s23], [sflag:$0x8] =	stream.linear.gather [hbm4b:s2+s30], $0x68, $0x38;
	[tilespmem:$0x1DD80] =	vst v63  }
0x98: {  	s24 =	rddreg [dreg:$0x9];
	s31 =	simm.s32 $0x9D00  }
0x99: {  	[tilespmem:s31], [sflag:$0x9] =	stream.linear.gather [hbm4b:s24+s30], $0x68, $0x38;
	[tilespmem:$0x1DD80] =	vst v63  }
0x9a: {  	s2 =	rddreg [dreg:$0xa];
	s23 =	simm.s32 $0x9D80  }
0x9b: {  	[tilespmem:s23], [sflag:$0xA] =	stream.linear.gather [hbm4b:s2+s30], $0x68, $0x38;
	[tilespmem:$0x1DD80] =	vst v63  }
0x9c: {  	s24 =	rddreg [dreg:$0x12];
	s31 =	simm.s32 $0x9E00  }
0x9d: {  	[tilespmem:s31], [sflag:$0xB] =	stream.linear.gather [hbm4b:s24+s30], $0x68, $0x38;
	[tilespmem:$0x1DD80] =	vst v63  }
0x9e: {  	s2 =	rddreg [dreg:$0xd];
	s23 =	simm.s32 $0xA000  }
0x9f: {  	[tilespmem:s23], [sflag:$0xD] =	stream.linear.gather [hbm4b:s2+s30], $0x68, $0x38;
	[tilespmem:$0x1DD80] =	vst v63  }
0xa0: {  	s24 =	rddreg [dreg:$0xe];
	s31 =	simm.s32 $0xA080  }
0xa1: {  	[tilespmem:s31], [sflag:$0xE] =	stream.linear.gather [hbm4b:s24+s30], $0x68, $0x38;
	[tilespmem:$0x1DD80] =	vst v63  }
0xa2: {  	s2 =	rddreg [dreg:$0xf];
	s23 =	simm.s32 $0xA100  }
0xa3: {  	[tilespmem:s23], [sflag:$0xF] =	stream.linear.gather [hbm4b:s2+s30], $0x68, $0x38;
	[tilespmem:$0x1DD80] =	vst v63  }
0xa4: {  	s24 =	rddreg [dreg:$0x10];
	s31 =	simm.s32 $0xA180  }
0xa5: {  	[tilespmem:s31], [sflag:$0x10] =	stream.linear.gather [hbm4b:s24+s30], $0x68, $0x38;
	[tilespmem:$0x1DD80] =	vst v63  }
0xa6: {  	s2 =	rddreg [dreg:$0x13];
	s23 =	simm.s32 $0xA200  }
0xa7: {  	[tilespmem:s23], [sflag:$0x11] =	stream.linear.gather [hbm4b:s2+s30], $0x68, $0x38;
	[tilespmem:$0x1DD80] =	vst v63  }
0xa8: {  	s29 =	simm.s32 $0x0;
	s24 =	rddreg [dreg:$0x14];
	s31 =	simm.s32 $0xA280  }
0xa9: {  	[tilespmem:s31], [sflag:$0x12] =	stream.linear.gather [hbm4b:s24+s30], $0x68, $0x38;
	[tilespmem:$0x1DD80] =	vst v63  }
.LBB2_4:
0xaa: {  	p1 =	seq.s32 s29, $0x0  }
0xab: {  	s24 =	simm.s32 @p1 $0x7  }
0xac: {  	_ =	swait.ge @p1 [sflag:s24], $0x68  }
0xad: {  	s31 =	simm.s32 @p1 $0x9C00;
	[sflag:s24] =	ssyncset.done @p1 $0x0  }
0xae: {  	s0 =	simm.s32 @p1 $0x0;
	[sflag:s24] =	ssyncadd.s32 @p1 $0xFFFFFF98;
	s24 =	simm.s32 @p1 $0x68  }
0xaf: {  	[tilespmem:s0], [sflag:$0x1] =	stream.indirect.gather @p1 [hbm4b:s1+s24], $0x80, s31, s24, $0xb8;
	[tilespmem:$0x1DD80] =	vst v63  }
0xb0: {  	s0 =	simm.s32 @!p1 $0x4  }
0xb1: {  	_ =	swait.ge @!p1 [sflag:s0], $0x3400  }
0xb2: {  	[sflag:s0] =	ssyncset.done @!p1 $0x0  }
0xb3: {  	[sflag:s0] =	ssyncadd.s32 @!p1 $0xFFFFCC00;
	s0 =	rddreg [dreg:$0x19]  }
0xb4: {  	s2 =	simm.s32 @!p1 $0x0;
	s24 =	simm.s32 @!p1 $0xA180;
	s0 =	sadd.s32 @!p1 s29, s0  }
0xb5: {  	[tilespmem:s24], [sflag:$0x10] =	stream.linear.gather @!p1 [hbm4b:s0+s2], $0x68, $0x38;
	[tilespmem:$0x1DD80] =	vst v63  }
0xb6: {  	s0 =	simm.s32 @!p1 $0x7  }
0xb7: {  	_ =	swait.ge @!p1 [sflag:s0], $0x68  }
0xb8: {  	[sflag:s0] =	ssyncset.done @!p1 $0x0  }
0xb9: {  	s24 =	simm.s32 @!p1 $0x9C00;
	[sflag:s0] =	ssyncadd.s32 @!p1 $0xFFFFFF98;
	s0 =	simm.s32 @!p1 $0x68  }
0xba: {  	[tilespmem:s2], [sflag:$0x1] =	stream.indirect.gather @!p1 [hbm4b:s1+s0], $0x80, s24, s0, $0xb8;
	[tilespmem:$0x1DD80] =	vst v63  }
0xbb: {  	s24 =	simm.s32 @!p1 $0x3  }
0xbc: {  	_ =	swait.ge @!p1 [sflag:s24], $0x3400  }
0xbd: {  	[sflag:s24] =	ssyncset.done @!p1 $0x0  }
0xbe: {  	[sflag:s24] =	ssyncadd.s32 @!p1 $0xFFFFCC00;
	s24 =	simm.s32 @!p1 $0x12  }
0xbf: {  	_ =	swait.ge @!p1 [sflag:s24], $0x68  }
0xc0: {  	[sflag:s24] =	ssyncset.done @!p1 $0x0  }
0xc1: {  	s31 =	simm.s32 @!p1 $0x6800;
	[sflag:s24] =	ssyncadd.s32 @!p1 $0xFFFFFF98;
	s24 =	simm.s32 @!p1 $0xA280  }
0xc2: {  	[spmem:s3] =	stream.indirect.scatter.add.f32 @!p1 [tilespmem:s31], [sflag:$0x6], $0x80, s24, s0, $0xb8;
	[tilespmem:$0x1DD80] =	vst v63  }
0xc3: {  	s24 =	smov.u32 s30  }
0xc4: {  	s31 =	rddreg [dreg:$0x11];
	s24 =	simm.s32 @p1 $0x0  }
0xc5: {  	s0 =	sadd.s32 s24, s31  }
0xc6: {  	s31 =	sshrl.u32 s0, $0x3  }
0xc7: {  	s0 =	sadd.s32 s5, s31  }
0xc8: {  	[tilespmem:s18], [sflag:$0xC] =	stream.linear.gather [hbm4b:s0+s4], $0x68, $0x38;
	[tilespmem:$0x1DD80] =	vst v63  }
0xc9: {  	s0 =	simm.s32 @!p1 $0x5  }
0xca: {  	_ =	swait.ge @!p1 [sflag:s0], $0x3400  }
0xcb: {  	s23 =	rddreg [dreg:$0xb]  }
0xcc: {  	s23 =	sadd.s32 @!p1 s24, s23  }
0xcd: {  	[sflag:s0] =	ssyncset.done @!p1 $0x0;
	s23 =	sshrl.u32 @!p1 s23, $0x3  }
0xce: {  	[sflag:s0] =	ssyncadd.s32 @!p1 $0xFFFFCC00;
	s0 =	sadd.s32 @!p1 s6, s23;
	s23 =	simm.s32 @!p1 $0xA200  }
0xcf: {  	[tilespmem:s23], [sflag:$0x11] =	stream.linear.gather @!p1 [hbm4b:s0+s2], $0x68, $0x38;
	[tilespmem:$0x1DD80] =	vst v63  }
0xd0: {  	_ =	swait.ge [sflag:s12], $0x68  }
0xd1: {  	[sflag:s12] =	ssyncset.done $0x0  }
0xd2: {  	s23 =	simm.s32 $0x9C80;
	[sflag:s12] =	ssyncadd.s32 $0xFFFFFF98  }
0xd3: {  	[tilespmem:s9], [sflag:$0x2] =	stream.indirect.gather [hbm4b:s1+s13], $0x80, s23, s13, $0xb8;
	[tilespmem:$0x1DD80] =	vst v63  }
0xd4: {  	_ =	swait.ge [sflag:s15], $0x3400  }
0xd5: {  	[sflag:s15] =	ssyncset.done $0x0  }
0xd6: {  	[sflag:s15] =	ssyncadd.s32 $0xFFFFCC00  }
0xd7: {  	s2 =	simm.s32 $0xA000;
	p1 =	seq.s32 s29, $0x492;
	_ =	swait.ge [sflag:s11], $0x68  }
0xd8: {  	s0 =	sadd.s32 @!p1 s30, s7;
	p2 =	seq.s32 @!p1 s29, $0x0;
	[sflag:s11] =	ssyncset.done $0x0  }
0xd9: {  	s0 =	sshrl.u32 @!p1 s0, $0x3;
	p2 =	por p1, !p2;
	[sflag:s11] =	ssyncadd.s32 $0xFFFFFF98  }
0xda: {  	[spmem:s3] =	stream.indirect.scatter.add.f32 [tilespmem:s4], [sflag:$0x4], $0x80, s2, s13, $0xb8;
	[tilespmem:$0x1DD80] =	vst v63  }
0xdb: {  	s0 =	sadd.s32 @!p1 s5, s0;
	s23 =	simm.s32 @!p1 $0x9C00;
	s2 =	simm.s32 @!p1 $0x0  }
0xdc: {  	[tilespmem:s23], [sflag:$0x7] =	stream.linear.gather @!p1 [hbm4b:s0+s2], $0x68, $0x38;
	[tilespmem:$0x1DD80] =	vst v63  }
0xdd: {  	_ =	swait.ge @p2 [sflag:s20], $0x3400  }
0xde: {  	[sflag:s20] =	ssyncset.done @p2 $0x0  }
0xdf: {  	s0 =	sadd.s32 @p2 s6, s31;
	s2 =	simm.s32 @p2 $0xA280;
	[sflag:s20] =	ssyncadd.s32 @p2 $0xFFFFCC00  }
0xe0: {  	[tilespmem:s2], [sflag:$0x12] =	stream.linear.gather @p2 [hbm4b:s0+s4], $0x68, $0x38;
	[tilespmem:$0x1DD80] =	vst v63  }
0xe1: {  	_ =	swait.ge [sflag:s17], $0x68  }
0xe2: {  	[sflag:s17] =	ssyncset.done $0x0  }
0xe3: {  	s23 =	simm.s32 $0x9D00;
	[sflag:s17] =	ssyncadd.s32 $0xFFFFFF98  }
0xe4: {  	[tilespmem:s19], [sflag:$0x3] =	stream.indirect.gather [hbm4b:s1+s13], $0x80, s23, s13, $0xb8;
	[tilespmem:$0x1DD80] =	vst v63  }
0xe5: {  	_ =	swait.ge [sflag:s21], $0x3400  }
0xe6: {  	[sflag:s21] =	ssyncset.done $0x0  }
0xe7: {  	[sflag:s21] =	ssyncadd.s32 $0xFFFFCC00  }
0xe8: {  	_ =	swait.ge [sflag:s22], $0x68  }
0xe9: {  	s31 =	simm.s32 $0xA080;
	[sflag:s22] =	ssyncset.done $0x0  }
0xea: {  	p2 =	sne.s32 s29, $0x492;
	s0 =	rddreg [dreg:$0x1d];
	[sflag:s22] =	ssyncadd.s32 $0xFFFFFF98  }
0xeb: {  	[spmem:s3] =	stream.indirect.scatter.add.f32 [tilespmem:s9], [sflag:$0x5], $0x80, s31, s13, $0xb8;
	[tilespmem:$0x1DD80] =	vst v63  }
0xec: {  	s2 =	simm.s32 @p2 $0x9C80;
	s0 =	sadd.s32 @p2 s29, s0;
	s31 =	simm.s32 @p2 $0x0  }
0xed: {  	[tilespmem:s2], [sflag:$0x8] =	stream.linear.gather @p2 [hbm4b:s0+s31], $0x68, $0x38;
	[tilespmem:$0x1DD80] =	vst v63  }
0xee: {  	s0 =	simm.s32 @p2 $0x4  }
0xef: {  	s2 =	sadd.s32 @p2 s30, s7;
	_ =	swait.ge @p2 [sflag:s0], $0x3400  }
0xf0: {  	s2 =	sshrl.u32 @p2 s2, $0x3;
	[sflag:s0] =	ssyncset.done @p2 $0x0  }
0xf1: {  	[sflag:s0] =	ssyncadd.s32 @p2 $0xFFFFCC00;
	s0 =	sadd.s32 @p2 s6, s2;
	s2 =	simm.s32 @p2 $0xA000  }
0xf2: {  	[tilespmem:s2], [sflag:$0xD] =	stream.linear.gather @p2 [hbm4b:s0+s31], $0x68, $0x38;
	[tilespmem:$0x1DD80] =	vst v63  }
0xf3: {  	s0 =	simm.s32 @!p2 $0x4  }
0xf4: {  	_ =	swait.ge @!p2 [sflag:s0], $0x3400  }
0xf5: {  	[sflag:s0] =	ssyncset.done @!p2 $0x0  }
0xf6: {  	[sflag:s0] =	ssyncadd.s32 @!p2 $0xFFFFCC00  }
0xf7: {  	_ =	swait.ge [sflag:s26], $0x68  }
0xf8: {  	[sflag:s26] =	ssyncset.done $0x0  }
0xf9: {  	s2 =	simm.s32 $0x9D80;
	[sflag:s26] =	ssyncadd.s32 $0xFFFFFF98  }
0xfa: {  	[tilespmem:s4], [sflag:$0x1] =	stream.indirect.gather [hbm4b:s1+s13], $0x80, s2, s13, $0xb8;
	[tilespmem:$0x1DD80] =	vst v63  }
0xfb: {  	_ =	swait.ge [sflag:s28], $0x3400  }
0xfc: {  	[sflag:s28] =	ssyncset.done $0x0  }
0xfd: {  	[sflag:s28] =	ssyncadd.s32 $0xFFFFCC00  }
0xfe: {  	_ =	swait.ge [sflag:s8], $0x68  }
0xff: {  	[sflag:s8] =	ssyncset.done $0x0  }
0x100: {  	s23 =	simm.s32 $0xA100;
	s0 =	rddreg [dreg:$0x1b];
	[sflag:s8] =	ssyncadd.s32 $0xFFFFFF98  }
0x101: {  	[spmem:s3] =	stream.indirect.scatter.add.f32 [tilespmem:s19], [sflag:$0x6], $0x80, s23, s13, $0xb8;
	[tilespmem:$0x1DD80] =	vst v63  }
0x102: {  	s2 =	simm.s32 @p2 $0x9D00;
	s0 =	sadd.s32 @p2 s29, s0  }
0x103: {  	[tilespmem:s2], [sflag:$0x9] =	stream.linear.gather @p2 [hbm4b:s0+s31], $0x68, $0x38;
	[tilespmem:$0x1DD80] =	vst v63  }
0x104: {  	s0 =	simm.s32 @p2 $0x5  }
0x105: {  	_ =	swait.ge @p2 [sflag:s0], $0x3400  }
0x106: {  	[sflag:s0] =	ssyncset.done @p2 $0x0  }
0x107: {  	[sflag:s0] =	ssyncadd.s32 @p2 $0xFFFFCC00;
	s0 =	rddreg [dreg:$0x1c]  }
0x108: {  	s2 =	simm.s32 @p2 $0xA080;
	s0 =	sadd.s32 @p2 s29, s0  }
0x109: {  	[tilespmem:s2], [sflag:$0xE] =	stream.linear.gather @p2 [hbm4b:s0+s31], $0x68, $0x38;
	[tilespmem:$0x1DD80] =	vst v63  }
0x10a: {  	s0 =	simm.s32 @!p2 $0x5  }
0x10b: {  	_ =	swait.ge @!p2 [sflag:s0], $0x3400  }
0x10c: {  	[sflag:s0] =	ssyncset.done @!p2 $0x0  }
0x10d: {  	[sflag:s0] =	ssyncadd.s32 @!p2 $0xFFFFCC00  }
0x10e: {  	_ =	swait.ge [sflag:s16], $0x68  }
0x10f: {  	[sflag:s16] =	ssyncset.done $0x0  }
0x110: {  	s23 =	simm.s32 $0x9E00;
	[sflag:s16] =	ssyncadd.s32 $0xFFFFFF98  }
0x111: {  	[tilespmem:s9], [sflag:$0x2] =	stream.indirect.gather [hbm4b:s1+s13], $0x80, s23, s13, $0xb8;
	[tilespmem:$0x1DD80] =	vst v63  }
0x112: {  	_ =	swait.ge [sflag:s15], $0x3400  }
0x113: {  	[sflag:s15] =	ssyncset.done $0x0  }
0x114: {  	[sflag:s15] =	ssyncadd.s32 $0xFFFFCC00  }
0x115: {  	_ =	swait.ge [sflag:s10], $0x68  }
0x116: {  	[sflag:s10] =	ssyncset.done $0x0;
	s0 =	rddreg [dreg:$0x15]  }
0x117: {  	s2 =	simm.s32 $0xA180;
	[sflag:s10] =	ssyncadd.s32 $0xFFFFFF98;
	s0 =	sadd.s32 @p2 s24, s0  }
0x118: {  	[spmem:s3] =	stream.indirect.scatter.add.f32 [tilespmem:s4], [sflag:$0x4], $0x80, s2, s13, $0xb8;
	[tilespmem:$0x1DD80] =	vst v63  }
0x119: {  	s0 =	sshrl.u32 @p2 s0, $0x3  }
0x11a: {  	s2 =	simm.s32 @p2 $0x9D80;
	s0 =	sadd.s32 @p2 s5, s0  }
0x11b: {  	[tilespmem:s2], [sflag:$0xA] =	stream.linear.gather @p2 [hbm4b:s0+s31], $0x68, $0x38;
	[tilespmem:$0x1DD80] =	vst v63  }
0x11c: {  	s0 =	simm.s32 @p2 $0x6  }
0x11d: {  	_ =	swait.ge @p2 [sflag:s0], $0x3400  }
0x11e: {  	[sflag:s0] =	ssyncset.done @p2 $0x0  }
0x11f: {  	[sflag:s0] =	ssyncadd.s32 @p2 $0xFFFFCC00;
	s0 =	rddreg [dreg:$0x1a]  }
0x120: {  	s2 =	simm.s32 @p2 $0xA100;
	s0 =	sadd.s32 @p2 s29, s0  }
0x121: {  	[tilespmem:s2], [sflag:$0xF] =	stream.linear.gather @p2 [hbm4b:s0+s31], $0x68, $0x38;
	[tilespmem:$0x1DD80] =	vst v63  }
0x122: {  	s0 =	simm.s32 @!p2 $0x6  }
0x123: {  	_ =	swait.ge @!p2 [sflag:s0], $0x3400  }
0x124: {  	[sflag:s0] =	ssyncset.done @!p2 $0x0  }
0x125: {  	[sflag:s0] =	ssyncadd.s32 @!p2 $0xFFFFCC00  }
0x126: {  	_ =	swait.ge [sflag:s14], $0x68  }
0x127: {  	[sflag:s14] =	ssyncset.done $0x0  }
0x128: {  	[sflag:s14] =	ssyncadd.s32 $0xFFFFFF98  }
0x129: {  	[tilespmem:s19], [sflag:$0x3] =	stream.indirect.gather [hbm4b:s1+s13], $0x80, s18, s13, $0xb8;
	[tilespmem:$0x1DD80] =	vst v63  }
0x12a: {  	_ =	swait.ge [sflag:s21], $0x3400  }
0x12b: {  	[sflag:s21] =	ssyncset.done $0x0  }
.Ltmp3:
0x12c: {  	[sflag:s21] =	ssyncadd.s32 $0xFFFFCC00;
	(pc) =	sbr.rel @p1 .LBB2_6-.Ltmp3, $4  }
0x12d: {  	_ =	swait.ge [sflag:s25], $0x68  }
0x12e: {  	[sflag:s25] =	ssyncset.done $0x0  }
0x12f: {  	s31 =	simm.s32 $0xA200;
	[sflag:s25] =	ssyncadd.s32 $0xFFFFFF98  }
0x130: {  	[spmem:s3] =	stream.indirect.scatter.add.f32 [tilespmem:s9], [sflag:$0x5], $0x80, s31, s13, $0xb8;
	[tilespmem:$0x1DD80] =	vst v63  }
.Ltmp4:
0x131: {  	s0 =	rddreg [dreg:$0x16];
	(pc) =	sbr.rel .LBB2_4-.Ltmp4, $4  }
0x132: {  	s0 =	sadd.s32 s24, s0  }
0x133: {  	s0 =	sshrl.u32 s0, $0x3  }
0x134: {  	s30 =	sadd.s32 $0x270, s30;
	s29 =	sadd.s32 $0x4E, s29;
	s0 =	sadd.s32 s5, s0  }
0x135: {  	[tilespmem:s23], [sflag:$0xB] =	stream.linear.gather [hbm4b:s0+s4], $0x68, $0x38;
	[tilespmem:$0x1DD80] =	vst v63  }
.LBB2_7:
0x136: {  	_ =	sfence.sel $0x180000  }
0x137: {  	[bflag:$0x0] =	sbarrier.arrive $0xFFFF  }
0x138: {  	_ =	strace $0x9000004D  }
0x139: {  	s0 =	stileid.u32;
	[bflag:$0x2] =	sbarrier.arrive $0xFFFF  }
0x13a: {  	p0 =	sne.s32 s0, $0x0;
	s0 =	rddreg [dreg:$0x3]  }
0x13b: {  	s0 =	sadd.s32 @!p0 $0x100000, s0  }
0x13c: {  	[sflag:s0] =	ssyncadd.tile.s32 @!p0 $0x1;
	_ =	shalt  }
.Lfunc_end2:
_tile_overlayer_lowered:
.L_overlay_start_2:
0x13d: {  	(tag) =	ssettag $0x2  }
0x13e: {  	s0 =	rddreg [dreg:$0x0];
	s2 =	stileid.u32  }
0x13f: {  	s1 =	rddreg [dreg:$0x1];
	p0 =	sne.s32 s2, $0x0  }
0x140: {  	s3 =	rddreg [dreg:$0x2];
	[bflag:$0x3] =	sbarrier.arrive $0xFFFF;
	s2 =	simm.s32 @!p0 $0x1C13  }
0x141: {  	[timem:s3], [sflag:s2] =	dma.local @!p0 [hbm:s0], s1  }
0x142: {  	s0 =	simm.s32 @!p0 $0x13  }
0x143: {  	_ =	swait.ge @!p0 [sflag:s0], s1  }
0x144: {  	s1 =	ssub.s32 @!p0 $0x0, s1;
	[sflag:s0] =	ssyncset.done @!p0 $0x0  }
0x145: {  	[sflag:s0] =	ssyncadd.s32 @!p0 s1  }
0x146: {  	[bflag:$0x3] =	sbarrier.arrive $0xFFFF  }
0x147: {  	_ =	shalt  }

// kernel: kernel.9.cloned.1.call-start
scs
__scs_entry_jumppad:
0x0: {  	(pc) =	sbr.rel $0x88, $3  }
0x1: {  	(tag) =	ssettag $0x0;
	lr =	simm.s32 $0x1  }
0x2: {  	[smem:$0x3F9B] =	sst lr;
	_ =	strace $0xD0000000  }
0x3: {  	_ = 	snop  }
0x4: {  	_ = 	snop  }
0x5: {  	_ = 	snop  }
0x6: {  	_ = 	snop  }
0x7: {  	_ = 	snop  }
__scs_overlays_trampoline_lowered:
0x8: {  	[smem:$0x3FAA] =	sst s0  }
0x9: {  	[smem:$0x3FAB] =	sst s1  }
0xa: {  	[smem:$0x3FAC] =	sst s2  }
0xb: {  	[smem:$0x3FAD] =	sst s3  }
0xc: {  	[smem:$0x3FAE] =	sst s4  }
0xd: {  	[smem:$0x3FAF] =	sst s5  }
0xe: {  	[smem:$0x3FB0] =	sst s6  }
0xf: {  	[smem:$0x3FB1] =	sst s7  }
0x10: {  	[smem:$0x3FB2] =	sst s8  }
0x11: {  	[smem:$0x3FB3] =	sst s9;
	s0 =	simm.s32 @!p0 $0x0  }
0x12: {  	s1 =	sld [smem:$0x3F99];
	s0 =	simm.s32 @p0 $0x1  }
0x13: {  	[smem:$0x3FB4] =	sst s0;
	s0 =	simm.s32 @!p1 $0x0  }
0x14: {  	s2 =	sld [smem:$0x3F98];
	s0 =	simm.s32 @p1 $0x1  }
0x15: {  	[smem:$0x3FB5] =	sst s0;
	s0 =	simm.s32 @!p2 $0x0  }
0x16: {  	s3 =	sld [smem:$0x3FDB];
	s0 =	simm.s32 @p2 $0x1  }
0x17: {  	s4 =	simm.s32 $0x1BF5;
	[smem:$0x3FB7] =	sst s0  }
0x18: {  	s0 =	sld [smem:$0x3F9A];
	_ =	swait.ge [sflag:s4], $0x0  }
0x19: {  	s7 =	sld [smem:$0x3F9B]  }
0x1a: {  	s8 =	sadd.s32 $0xFFFFE003, lr  }
0x1b: {  	s9 =	sadd.s32 $0xFFFFFEF7, lr;
	s5 =	simm.s32 $0xFFFFFFFF;
	p2 =	slt.u32 s8, $0xFFFFF086  }
0x1c: {  	p1 =	slt.u32 s9, $0xF7A;
	s5 =	simm.s32 @!p2 $0x0  }
0x1d: {  	s5 =	simm.s32 @p1 $0x1;
	p0 =	seq.s32 s7, s2  }
0x1e: {  	s7 =	smul.u32 @!p0 $0xF7A, s2;
	p2 =	seq.s32 @!p0 s5, $0x0  }
0x1f: {  	s9 =	smul.u32 $0xF7A, s1;
	s8 =	simm.s32 @!p0 $0x1BF5;
	p2 =	por !p2, p0  }
0x20: {  	[sflag:s8] =	ssyncset.s32 @!p0 $0xFFFFF086;
	s6 =	sadd.s32 @!p0 s3, s7;
	s7 =	simm.s32 @!p0 $0x108  }
0x21: {  	s3 =	sadd.s32 s3, s9;
	s6 =	sadd.s32 @!p0 $0x88, s6;
	s7 =	simm.s32 @p2 $0x1082  }
0x22: {  	[simem:s7], [sflag:s8] =	dma.local @!p0 [hbm:s6], $0xF7A  }
0x23: {  	s9 =	sor.u32 $0xD0000000, s2;
	s6 =	simm.s32 $0x108;
	_ =	swait.ge @!p0 [sflag:s8], $0x0  }
0x24: {  	s3 =	sadd.s32 $0x88, s3;
	s6 =	simm.s32 @!p1 $0x1082;
	[sflag:s4] =	ssyncset.s32 $0xFFFFF086  }
0x25: {  	[simem:s6], [sflag:s4] =	dma.local [hbm:s3], $0xF7A  }
0x26: {  	[smem:$0x3F9B] =	sst s1;
	(tag) =	ssettag s2;
	_ =	strace s9  }
0x27: {  	s1 =	sld [smem:$0x3FAB]  }
0x28: {  	s2 =	sld [smem:$0x3FAC]  }
0x29: {  	s4 =	sld [smem:$0x3FAE]  }
0x2a: {  	p0 =	seq.s32 s5, $0x0;
	s5 =	sld [smem:$0x3FAF]  }
0x2b: {  	s6 =	sld [smem:$0x3FB0]  }
0x2c: {  	s7 =	sld [smem:$0x3FB1]  }
0x2d: {  	s3 =	simm.s32 $0x108;
	s8 =	sld [smem:$0x3FB2]  }
0x2e: {  	s3 =	simm.s32 @!p0 $0x1082;
	s9 =	sld [smem:$0x3FB3]  }
0x2f: {  	lr =	sadd.s32 s0, s3;
	s0 =	sld [smem:$0x3FAA]  }
0x30: {  	s3 =	sld [smem:$0x3FAD]  }
0x31: {  	[smem:$0x3FB6] =	sst s10  }
0x32: {  	s10 =	sld [smem:$0x3FB4];
	_ =	sdelay $0x3  }
0x33: {  	p0 =	seq.s32 s10, $0x1;
	s10 =	sld [smem:$0x3FB6];
	_ =	sdelay $0x3  }
0x34: {  	[smem:$0x3FB6] =	sst s10  }
0x35: {  	s10 =	sld [smem:$0x3FB5];
	_ =	sdelay $0x3  }
0x36: {  	p1 =	seq.s32 s10, $0x1;
	s10 =	sld [smem:$0x3FB6];
	_ =	sdelay $0x3  }
0x37: {  	[smem:$0x3FB6] =	sst s10  }
0x38: {  	s10 =	sld [smem:$0x3FB7]  }
0x39: {  	_ = 	snop;
	(pc) =	sbr.ind lr, $3  }
0x3a: {  	_ = 	snop  }
0x3b: {  	_ = 	snop  }
0x3c: {  	p2 =	seq.s32 s10, $0x1;
	s10 =	sld [smem:$0x3FB6]  }
0x3d: {  	_ =	shalt  }
0x3e: {  	_ =	shalt  }
0x3f: {  	_ =	shalt  }
0x40: {  	_ =	shalt  }
0x41: {  	_ =	shalt  }
0x42: {  	_ =	shalt  }
0x43: {  	_ =	shalt  }
0x44: {  	_ =	shalt  }
0x45: {  	_ =	shalt  }
0x46: {  	_ =	shalt  }
0x47: {  	_ =	shalt  }
0x48: {  	_ =	shalt  }
0x49: {  	_ =	shalt  }
0x4a: {  	_ =	shalt  }
0x4b: {  	_ =	shalt  }
0x4c: {  	_ =	shalt  }
0x4d: {  	_ =	shalt  }
0x4e: {  	_ =	shalt  }
0x4f: {  	_ =	shalt  }
0x50: {  	_ =	shalt  }
0x51: {  	_ =	shalt  }
0x52: {  	_ =	shalt  }
0x53: {  	_ =	shalt  }
0x54: {  	_ =	shalt  }
0x55: {  	_ =	shalt  }
0x56: {  	_ =	shalt  }
0x57: {  	_ =	shalt  }
0x58: {  	_ =	shalt  }
0x59: {  	_ =	shalt  }
0x5a: {  	_ =	shalt  }
0x5b: {  	_ =	shalt  }
0x5c: {  	_ =	shalt  }
0x5d: {  	_ =	shalt  }
0x5e: {  	_ =	shalt  }
0x5f: {  	_ =	shalt  }
0x60: {  	_ =	shalt  }
0x61: {  	_ =	shalt  }
0x62: {  	_ =	shalt  }
0x63: {  	_ =	shalt  }
0x64: {  	_ =	shalt  }
0x65: {  	_ =	shalt  }
0x66: {  	_ =	shalt  }
0x67: {  	_ =	shalt  }
0x68: {  	_ =	shalt  }
0x69: {  	_ =	shalt  }
0x6a: {  	_ =	shalt  }
0x6b: {  	_ =	shalt  }
0x6c: {  	_ =	shalt  }
0x6d: {  	_ =	shalt  }
0x6e: {  	_ =	shalt  }
0x6f: {  	_ =	shalt  }
0x70: {  	_ =	shalt  }
0x71: {  	_ =	shalt  }
0x72: {  	_ =	shalt  }
0x73: {  	_ =	shalt  }
0x74: {  	_ =	shalt  }
0x75: {  	_ =	shalt  }
0x76: {  	_ =	shalt  }
0x77: {  	_ =	shalt  }
0x78: {  	_ =	shalt  }
0x79: {  	_ =	shalt  }
0x7a: {  	_ =	shalt  }
0x7b: {  	_ =	shalt  }
0x7c: {  	_ =	shalt  }
0x7d: {  	_ =	shalt  }
0x7e: {  	_ =	shalt  }
0x7f: {  	_ =	shalt  }
0x80: {  	_ =	shalt  }
0x81: {  	_ =	shalt  }
0x82: {  	_ =	shalt  }
0x83: {  	_ =	shalt  }
0x84: {  	_ =	shalt  }
0x85: {  	_ =	shalt  }
0x86: {  	_ =	shalt  }
0x87: {  	_ =	shalt  }
.Lfunc_end0:
.L_simem_size_0:
called_computation_lowered:
.L_overlay_start_0:
0x88: {  	s2 =	sld [smem:$0x3FD9]  }
0x89: {  	s3 =	sld [smem:$0x3FFE];
	_ =	sdelay $0x1  }
0x8a: {  	s1 =	srdreg.scid  }
0x8b: {  	s0 =	sand.u32 $0x1, s1  }
0x8c: {  	s16 =	sshll.u32 s0, $0xA;
	s2 =	sadd.s32 s3, s2  }
0x8d: {  	s2 =	sadd.s32 s2, s16  }
0x8e: {  	[smem:$0x3FC2] =	sst s2  }
0x8f: {  	_ = 	snop  }
0x90: {  	(tm) =	ssettm $0x1  }
0x91: {  	s17 =	sld [smem:$0x3FFB];
	_ =	sdelay $0x3  }
0x92: {  	_ =	strace s17  }
0x93: {  	s2 =	sld [smem:$0x3FFC];
	_ =	sdelay $0x3  }
0x94: {  	_ =	strace s2  }
0x95: {  	s2 =	sld [smem:$0x3FFD];
	_ =	sdelay $0x3  }
0x96: {  	_ =	strace s2  }
0x97: {  	_ =	strace $0x8FFFFFFF  }
0x98: {  	s18 =	sld [smem:$0x3FDB];
	_ =	sdelay $0x1  }
0x99: {  	s19 =	simm.s32 $_scs_section_size  }
0x9a: {  	s4 =	simm.s32 $_size__tile_overlayer_lowered;
	s5 =	simm.s32 $_tile_overlayer_lowered  }
0x9b: {  	s22 =	simm.s32 $0x1BFF;
	s21 =	sshll.u32 s5, $0x1;
	s2 =	sadd.s32 s19, s18  }
0x9c: {  	s6 =	simm.s32 $0x0;
	s20 =	sshll.u32 s4, $0x1;
	s4 =	sadd.s32 s21, s2  }
0x9d: {  	[timem:s6], [sflag:s22] =	dma.local [hbm:s4], s20  }
0x9e: {  	_ =	swait.ge [sflag:s22], s20  }
0x9f: {  	s3 =	ssub.s32 $0x0, s20;
	[sflag:s22] =	ssyncset.done $0x0  }
0xa0: {  	[sflag:s22] =	ssyncadd.s32 s3;
	_ =	sdelay $0x1  }
0xa1: {  	s23 =	simm.s32 $0x1B8B  }
0xa2: {  	_ =	swait.ge [sflag:s23], $0x1  }
0xa3: {  	[sflag:s23] =	ssyncset.done $0x0  }
0xa4: {  	s25 =	simm.s32 $0x1B8E;
	s24 =	sld [smem:$0x3FFE];
	[sflag:s23] =	ssyncadd.s32 $0xFFFFFFFF  }
0xa5: {  	s26 =	simm.s32 $execute0_lowered;
	[smem:$0x3FD2] =	sst s25  }
0xa6: {  	s4 =	sshll.u32 s26, $0x1;
	_ =	strace $0x80000046;
	[dreg:$0x1] =	wrdreg $0xFFFFFFFF  }
0xa7: {  	s28 =	simm.s32 $_size_execute0_lowered;
	s2 =	sadd.s32 s2, s4;
	[dreg:$0x0] =	wrdreg $0x0  }
0xa8: {  	s4 =	sshll.u32 s28, $0x1;
	[dreg:$0x2] =	wrdreg s2  }
0xa9: {  	[dreg:$0x3] =	wrdreg s4  }
0xaa: {  	[dreg:$0x4] =	wrdreg $0xC0  }
0xab: {  	_ =	task [dreg:s6], $0x5FFFF  }
0xac: {  	[dreg:$0x1] =	wrdreg $0xFFFFFFFF  }
0xad: {  	[dreg:$0x0] =	wrdreg $0x60  }
0xae: {  	[dreg:$0x2] =	wrdreg s24  }
0xaf: {  	[dreg:$0x3] =	wrdreg $0x9  }
0xb0: {  	_ =	task.clear_ibuf [dreg:s6], $0x4FFFF;
	_ =	strace $0x90000046  }
0xb1: {  	s29 =	simm.s32 $0x9;
	_ =	strace $0x80000048  }
0xb2: {  	_ =	swait.ge [sflag:s29], $0x1  }
0xb3: {  	[sflag:s29] =	ssyncadd.s32 $0xFFFFFFFF  }
0xb4: {  	_ =	strace $0x90000048  }
0xb5: {  	_ =	sfence  }
0xb6: {  	s30 =	sld [smem:$0x0];
	_ =	sdelay $0x2  }
0xb7: {  	s31 =	sshll.u32 s1, $0xD;
	s1 =	sshrl.u32 s1, $0x2  }
0xb8: {  	s3 =	sand.u32 $0x4000, s31;
	s1 =	sadd.s32 s1, s30  }
0xb9: {  	s0 =	sor.u32 s3, s0;
	s1 =	sshll.u32 s1, $0x11  }
0xba: {  	s0 =	sor.u32 s1, s0  }
0xbb: {  	s0 =	sadd.s32 $0x8F2B, s0  }
0xbc: {  	[sflag:s0] =	ssyncadd.remote.s32 $0x1  }
0xbd: {  	_ =	sfence.sel $0xFFFF  }
0xbe: {  	[dreg:$0x0] =	wrdreg $0xFFFFFFFF;
	(pc) =	sbr.abs _section_cstart, $3  }
0xbf: {  	[dreg:$0x1] =	wrdreg $0xFFFFFFFF  }
0xc0: {  	_ =	task.clear_ibuf [dreg:s6], $0x2FFFF;
	_ =	strace $0x9FFFFFFF  }
0xc1: {  	(tm) =	ssettm $0x7FFFFFFF  }
tec
execute0_lowered:
.L_overlay_start_1:
0x0: {  	(tag) =	ssettag $0x1  }
0x1: {  	s1 =	srdreg.scid;
	s0 =	stileid.u32  }
0x2: {  	s4 =	rddreg [dreg:$0x0];
	s3 =	sand.u32 $0x1, s1;
	s30 =	sshll.u32 s0, $0x1  }
0x3: {  	s2 =	simm.s32 $0x0;
	s8 =	simm.s32 $0x0;
	s5 =	sor.u32 s3, s30  }
0x4: {  	s1 =	rddreg [dreg:$0x1];
	s3 =	ssub.s32 $0x2, s3;
	s6 =	smul.u32 $0x4E2, s5  }
0x5: {  	[smem:$0x7FF] =	sst s2;
	s5 =	smul.u32 $0x4F0, s5;
	s7 =	sshrl.u32 s3, $0x1  }
0x6: {  	_ =	strace $0x80000047;
	s31 =	ssub.s32 s3, s7;
	s7 =	simm.s32 $0x2780  }
0x7: {  	s6 =	sadd.s32 s6, s4;
	s4 =	sadd.s32 s5, s4;
	s5 =	smax.u32 s31, $0x1  }
0x8: {  	v0 =	vimm.f32 $0.0e+00;
	v1 =	vimm.f32 $1.000000000e+00;
	s3 =	sadd.s32 $0x3200, s6;
	s4 =	sadd.s32 $0x16E00, s4;
	s6 =	simm.s32 $0x1  }
.LBB2_1:
0x9: {  	[tilespmem:s2], [sflag:$0x1] =	stream.linear.gather [hbm4b:s3+s2], $0x2710, $0x38;
	[tilespmem:$0x4F00] =	vst v63  }
0xa: {  	_ =	swait.ge [sflag:s6], $0x2710  }
0xb: {  	[sflag:s6] =	ssyncset.done $0x0  }
0xc: {  	s9 =	simm.s32 $0x0;
	[sflag:s6] =	ssyncadd.s32 $0xFFFFD8F0  }
.LBB2_2:
0xd: {  	p0 =	sne.s32 s9, $0x9C00  }
.Ltmp0:
0xe: {  	_ = 	snop;
	(pc) =	sbr.rel @p0 .LBB2_2-.Ltmp0, $3  }
0xf: {  	_ =	sdelay $0x1  }
0x10: {  	s10 =	sshra.s32 s9, $0x2  }
0x11: {  	s9 =	sadd.s32 $0x40, s9;
	[tilespmem:s10+$0x2780] =	vst v0  }
0x12: {  	s10 =	simm.s32 $0x0;
	s9 =	simm.s32 $0x40  }
.LBB2_4:
0x13: {  	p0 =	sne.s32 s9, $0x9C00;
	v2 =	vld [tilespmem:s10+$0x0];
	_ =	sdelay $0x3  }
.Ltmp1:
0x14: {  	(pc) =	sbr.rel @p0 .LBB2_4-.Ltmp1, $2  }
0x15: {  	_ =	sdelay $0x2  }
0x16: {  	s10 =	sshra.s32 s9, $0x2;
	s9 =	sadd.s32 $0x40, s9;
	[tilespmem:v2+s7+$0x0] =	vst.idx.add.f32.msk $0xffff, v1  }
0x17: {  	v2 =	vld [tilespmem:s10+$0x0];
	_ =	sdelay $0x5  }
0x18: {  	s8 =	sadd.s32 $0x1, s8  }
0x19: {  	p0 =	sne.s32 s8, s5  }
.Ltmp2:
0x1a: {  	[tilespmem:v2+s7+$0x0] =	vst.idx.add.f32.msk $0xffff, v1;
	(pc) =	sbr.rel @p0 .LBB2_1-.Ltmp2, $4  }
0x1b: {  	[hbm4b:s4+s2] =	stream.linear.scatter [tilespmem:s7], [sflag:$0x1], $0x2780, $0x38;
	[tilespmem:$0x4F00] =	vst v63  }
0x1c: {  	_ =	swait.ge [sflag:s6], $0x2780  }
0x1d: {  	[sflag:s6] =	ssyncset.done $0x0  }
0x1e: {  	[sflag:s6] =	ssyncadd.s32 $0xFFFFD880  }
0x1f: {  	_ =	sfence.sel $0x180000  }
0x20: {  	[bflag:$0x0] =	sbarrier.arrive $0xFFFF  }
0x21: {  	p0 =	sne.s32 s0, $0x0;
	_ =	strace $0x90000047  }
0x22: {  	s0 =	sadd.s32 @!p0 $0x100000, s1;
	[bflag:$0x2] =	sbarrier.arrive $0xFFFF  }
0x23: {  	[sflag:s0] =	ssyncadd.tile.s32 @!p0 $0x1;
	_ =	shalt  }
.Lfunc_end2:
_tile_overlayer_lowered:
.L_overlay_start_2:
0x24: {  	(tag) =	ssettag $0x2  }
0x25: {  	s0 =	rddreg [dreg:$0x0];
	s2 =	stileid.u32  }
0x26: {  	s1 =	rddreg [dreg:$0x1];
	p0 =	sne.s32 s2, $0x0  }
0x27: {  	s3 =	rddreg [dreg:$0x2];
	[bflag:$0x3] =	sbarrier.arrive $0xFFFF;
	s2 =	simm.s32 @!p0 $0x1C01  }
0x28: {  	[timem:s3], [sflag:s2] =	dma.local @!p0 [hbm:s0], s1  }
0x29: {  	s0 =	simm.s32 @!p0 $0x1  }
0x2a: {  	_ =	swait.ge @!p0 [sflag:s0], s1  }
0x2b: {  	s1 =	ssub.s32 @!p0 $0x0, s1;
	[sflag:s0] =	ssyncset.done @!p0 $0x0  }
0x2c: {  	[sflag:s0] =	ssyncadd.s32 @!p0 s1  }
0x2d: {  	[bflag:$0x3] =	sbarrier.arrive $0xFFFF  }
0x2e: {  	_ =	shalt  }

</sc_bundles>
